<compile_context>
chip_gen: v7x
topology: tpu7x:2x2x1
jax: 0.10.2.dev20260603
libtpu: 0.0.44.dev20260713+nightly
codegen_flags: <defaults>
</compile_context>

<pallas_src>
import functools

import jax
import jax.numpy as jnp
from jax import lax
from jax.experimental import pallas as pl
from jax.experimental.pallas import tpu as pltpu
from jax.experimental.pallas import tpu_sc as plsc

N = 10000
E = 320000
D = 128
DH = D // 2
DEPTH = 3

NC = 2
NS = 16
NW = NC * NS
CH = 128
NBUF = 5

EPW = E // NW
NCHK_DEG = 80
EPW_PAD = NCHK_DEG * CH

EPT = E // NS
NCHK = 160
EPT_PAD = NCHK * CH

NOUT = 10240
RPT = NOUT // NS

_mesh = plsc.VectorSubcoreMesh(
    core_axis_name="c", subcore_axis_name="s", num_cores=NC, num_subcores=NS)


@functools.partial(
    pl.kernel,
    out_type=jax.ShapeDtypeStruct((NC, NOUT, 16), jnp.float32),
    mesh=_mesh,
    scratch_types=[
        pltpu.VMEM((NCHK_DEG, CH), jnp.int32),
        pltpu.VMEM((CH, 16), jnp.float32),
        pltpu.VMEM_SHARED((NOUT, 16), jnp.float32),
    ],
    compiler_params=pltpu.CompilerParams(has_side_effects=True),
)
def _degree_kernel(dst_ref, zeros_ref, ones_ref, out_ref, idx_d, rows, acc):
    c = lax.axis_index("c")
    s = lax.axis_index("s")
    wid = c * NS + s
    pltpu.sync_copy(dst_ref.at[wid], idx_d)
    pltpu.sync_copy(zeros_ref, rows)
    r0 = s * RPT
    for t in range(RPT // CH):
        pltpu.sync_copy(rows, acc.at[pl.ds(r0 + t * CH, CH)])
    plsc.subcore_barrier()
    pltpu.sync_copy(ones_ref, rows)

    def chunk(j, carry):
        pltpu.sync_copy(rows, acc.at[idx_d.at[j]], add=True)
        return carry

    lax.fori_loop(0, NCHK_DEG, chunk, 0)
    plsc.subcore_barrier()
    pltpu.sync_copy(acc.at[pl.ds(r0, RPT)], out_ref.at[c, pl.ds(r0, RPT)])


@functools.partial(
    pl.kernel,
    out_type=jax.ShapeDtypeStruct((NC, NOUT, DH), jnp.float32),
    mesh=_mesh,
    scratch_types=(
        [
            pltpu.VMEM((NCHK, CH), jnp.int32),
            pltpu.VMEM((NCHK, CH), jnp.int32),
        ]
        + [pltpu.VMEM((CH, DH), jnp.float32) for _ in range(NBUF)]
        + [pltpu.VMEM_SHARED((NOUT, DH), jnp.float32)]
        + [pltpu.SemaphoreType.DMA for _ in range(NBUF)]
    ),
    compiler_params=pltpu.CompilerParams(use_tc_tiling_on_sc=False,
                                         has_side_effects=True),
)
def _propagate_kernel(src_ref, dst_ref, y_ref, zeros_ref, out_ref, idx_s,
                      idx_d, *rest):
    rows = rest[:NBUF]
    acc = rest[NBUF]
    sem_g = rest[NBUF + 1:]
    c = lax.axis_index("c")
    s = lax.axis_index("s")
    yc = y_ref.at[c]
    pltpu.sync_copy(src_ref.at[s], idx_s)
    pltpu.sync_copy(dst_ref.at[s], idx_d)
    pltpu.sync_copy(zeros_ref, rows[0])
    r0 = s * RPT
    for t in range(RPT // CH):
        pltpu.sync_copy(rows[0], acc.at[pl.ds(r0 + t * CH, CH)])
    plsc.subcore_barrier()

    for b in range(NBUF):
        pltpu.async_copy(yc.at[idx_s.at[b]], rows[b], sem_g[b])

    def chunk(jj, carry):
        for b in range(NBUF):
            j = jj * NBUF + b
            pltpu.make_async_copy(yc.at[idx_s.at[j]], rows[b],
                                  sem_g[b]).wait()
            pltpu.sync_copy(rows[b], acc.at[idx_d.at[j]], add=True)

            @pl.when(j + NBUF < NCHK)
            def _():
                pltpu.async_copy(yc.at[idx_s.at[j + NBUF]], rows[b],
                                 sem_g[b])
        return carry

    lax.fori_loop(0, NCHK // NBUF, chunk, 0)
    plsc.subcore_barrier()
    pltpu.sync_copy(acc.at[pl.ds(r0, RPT)], out_ref.at[c, pl.ds(r0, RPT)])



BM = 1024

_split_spec = pl.BlockSpec((NC, BM, DH), lambda i: (0, i, 0))
_dense_spec = pl.BlockSpec((BM, D), lambda i: (i, 0))
_dis_spec = pl.BlockSpec((BM, 1), lambda i: (i, 0))
_w_spec = pl.BlockSpec((D, D), lambda i: (0, 0))
_b_spec = pl.BlockSpec((NC, 1, DH), lambda i: (0, 0, 0))

_split_shape = jax.ShapeDtypeStruct((NC, NOUT, DH), jnp.float32)
_dense_shape = jax.ShapeDtypeStruct((NOUT, D), jnp.float32)


def _store_split(ref, v):
    ref[0] = v[:, :DH]
    ref[1] = v[:, DH:]


def _tc_first_body(d0_ref, d1_ref, x_ref, w_ref, dis_ref, y_ref):
    dis = lax.rsqrt(d0_ref[...] + d1_ref[...] + 1.0)
    dis_ref[...] = dis
    y = dis * jnp.dot(x_ref[...], w_ref[...],
                      preferred_element_type=jnp.float32)
    _store_split(y_ref, y)


_tc_first = pl.pallas_call(
    _tc_first_body,
    grid=(NOUT // BM,),
    in_specs=[_dis_spec, _dis_spec, _dense_spec, _w_spec],
    out_specs=[_dis_spec, _split_spec],
    out_shape=[jax.ShapeDtypeStruct((NOUT, 1), jnp.float32), _split_shape],
)


def _tc_mid_body(residual, dis_ref, z_ref, y_ref, b_ref, h_ref, w_ref,
                 hout_ref, yout_ref):
    dis = dis_ref[...]
    halves = []
    for c in range(NC):
        t = dis * (z_ref[c] + y_ref[c]) + b_ref[c]
        hc = jnp.maximum(t, 0.0)
        if residual:
            hc = hc + h_ref[c]
        halves.append(hc)
        hout_ref[c] = hc
    u = (jnp.dot(halves[0], w_ref[0:DH, :],
                 preferred_element_type=jnp.float32) +
         jnp.dot(halves[1], w_ref[DH:D, :],
                 preferred_element_type=jnp.float32))
    _store_split(yout_ref, dis * u)


def _make_tc_mid(residual):
    return pl.pallas_call(
        functools.partial(_tc_mid_body, residual),
        grid=(NOUT // BM,),
        in_specs=[_dis_spec, _split_spec, _split_spec, _b_spec, _split_spec,
                  _w_spec],
        out_specs=[_split_spec, _split_spec],
        out_shape=[_split_shape, _split_shape],
    )


_tc_mid_nores = _make_tc_mid(False)
_tc_mid_res = _make_tc_mid(True)


def _tc_last_body(dis_ref, z_ref, y_ref, b_ref, out_ref):
    dis = dis_ref[...]
    for c in range(NC):
        out_ref[:, c * DH:(c + 1) * DH] = (dis * (z_ref[c] + y_ref[c])
                                           + b_ref[c])


_tc_last = pl.pallas_call(
    _tc_last_body,
    grid=(NOUT // BM,),
    in_specs=[_dis_spec, _split_spec, _split_spec, _b_spec],
    out_specs=_dense_spec,
    out_shape=_dense_shape,
)


def _pad_edges(v, n_split, n_chunk, fill):
    per = E // n_split
    v = v.reshape(n_split, per)
    return jnp.pad(v, ((0, 0), (0, n_chunk * CH - per)),
                   constant_values=fill).reshape(n_split, n_chunk, CH)


def kernel(x, edge_index, W1, b1, Wr, br, Wx, bx):
    src = edge_index[0].astype(jnp.int32)
    dst = edge_index[1].astype(jnp.int32)
    dst_deg = _pad_edges(dst, NW, NCHK_DEG, N)
    src_p = _pad_edges(src, NS, NCHK, 0)
    dst_p = _pad_edges(dst, NS, NCHK, N)
    xp = jnp.pad(x, ((0, NOUT - N), (0, 0)))

    zeros16 = jnp.zeros((CH, 16), jnp.float32)
    ones16 = jnp.ones((CH, 16), jnp.float32)
    zrows = jnp.zeros((CH, DH), jnp.float32)

    degp = _degree_kernel(dst_deg, zeros16, ones16)
    d0 = degp[0, :, 0:1]
    d1 = degp[1, :, 0:1]

    b1s = b1.reshape(NC, 1, DH)
    brs = br.reshape(NC, 1, DH)
    bxs = bx.reshape(NC, 1, DH)

    dis, y = _tc_first(d0, d1, xp, W1)

    z = _propagate_kernel(src_p, dst_p, y, zrows)
    h, y = _tc_mid_nores(dis, z, y, b1s, y, Wr)

    for k in range(DEPTH):
        z = _propagate_kernel(src_p, dst_p, y, zrows)
        w_next = Wr if k < DEPTH - 1 else Wx
        h, y = _tc_mid_res(dis, z, y, brs, h, w_next)

    z = _propagate_kernel(src_p, dst_p, y, zrows)
    out = _tc_last(dis, z, y, bxs)
    return out[:N]

# --- scband reference (transcript-rebuilt; emitter-appended) ---
"""Pipeline reference for scband-encoder-gae-74887049773203 (READ-ONLY COPY).

The authoritative reference and input builder live on the scoring server;
editing this copy changes nothing except your own understanding.
"""

import jax, jax.numpy as jnp
import numpy as np

N = 10000
E = 320000
D_IN = 128
H1 = 128
H2 = 128
DEPTH = 3


def setup_inputs(seed: int = 0) -> dict:
    key = jax.random.key(seed)
    ks = jax.random.split(key, 9)
    x = jax.random.normal(ks[0], (N, D_IN), dtype=jnp.float32)
    edge_index = jax.random.randint(ks[1], (2, E), 0, N).astype(jnp.int64)
    W1 = jax.random.normal(ks[2], (D_IN, H1), dtype=jnp.float32) * 0.05
    b1 = jnp.zeros((H1,), dtype=jnp.float32)
    Wr = jax.random.normal(ks[3], (H1, H1), dtype=jnp.float32) * 0.05
    br = jnp.zeros((H1,), dtype=jnp.float32)
    Wx = jax.random.normal(ks[4], (H1, H2), dtype=jnp.float32) * 0.05
    bx = jnp.zeros((H2,), dtype=jnp.float32)
    return {"x": x, "edge_index": edge_index, "W1": W1, "b1": b1,
            "Wr": Wr, "br": br, "Wx": Wx, "bx": bx}


def gcn_conv(x, src, dst, W, b):
    # PyG GCNConv: add self-loops, symmetric normalization, linear transform, scatter-add
    n = x.shape[0]
    loop = jnp.arange(n, dtype=src.dtype)
    s = jnp.concatenate([src, loop])
    d = jnp.concatenate([dst, loop])
    deg = jnp.zeros((n,), dtype=x.dtype).at[d].add(1.0)
    dis = jnp.where(deg > 0, jax.lax.rsqrt(jnp.maximum(deg, 1e-12)), 0.0)
    norm = dis[s] * dis[d]
    xw = x @ W
    msg = xw[s] * norm[:, None]
    out = jnp.zeros((n, W.shape[1]), dtype=x.dtype).at[d].add(msg)
    return out + b


def reference(x, edge_index, W1, b1, Wr, br, Wx, bx):
    src = edge_index[0]
    dst = edge_index[1]
    # conv1 + relu
    h = jax.nn.relu(gcn_conv(x, src, dst, W1, b1))
    # depth iterations of the SAME shared Residual layer (weights Wr, br), res='True'
    for _ in range(DEPTH):
        h = jax.nn.relu(gcn_conv(h, src, dst, Wr, br)) + h
    # final convx (no activation)
    return gcn_conv(h, src, dst, Wx, bx)

if __name__ == "__main__":
    import jax
    _d = setup_inputs()
    print(jax.jit(kernel)(*tuple(_d.values())))

</pallas_src>

<mosaic_0001>
#map = affine_map<(d0, d1) -> (0, 0, 0)>
#map1 = affine_map<(d0, d1) -> (0, 0)>
module attributes {stable_mosaic.version = 14 : i64} {
  func.func @_propagate_kernel(%arg0: i32, %arg1: i32, %arg2: memref<16x160x128xi32, #tpu.memory_space<hbm>>, %arg3: memref<16x160x128xi32, #tpu.memory_space<hbm>>, %arg4: memref<2x10240x64xf32, #tpu.memory_space<hbm>>, %arg5: memref<128x64xf32, #tpu.memory_space<hbm>>, %arg6: memref<2x10240x64xf32, #tpu.memory_space<hbm>>, %arg7: memref<160x128xi32, #tpu.memory_space<vmem>>, %arg8: memref<160x128xi32, #tpu.memory_space<vmem>>, %arg9: memref<128x64xf32, #tpu.memory_space<vmem>>, %arg10: memref<128x64xf32, #tpu.memory_space<vmem>>, %arg11: memref<128x64xf32, #tpu.memory_space<vmem>>, %arg12: memref<128x64xf32, #tpu.memory_space<vmem>>, %arg13: memref<128x64xf32, #tpu.memory_space<vmem>>, %arg14: memref<10240x64xf32, #tpu.memory_space<vmem_shared>>, %arg15: memref<!tpu.dma_semaphore, #tpu.memory_space<semaphore_mem>>, %arg16: memref<!tpu.dma_semaphore, #tpu.memory_space<semaphore_mem>>, %arg17: memref<!tpu.dma_semaphore, #tpu.memory_space<semaphore_mem>>, %arg18: memref<!tpu.dma_semaphore, #tpu.memory_space<semaphore_mem>>, %arg19: memref<!tpu.dma_semaphore, #tpu.memory_space<semaphore_mem>>) attributes {dimension_semantics = [#tpu.dimension_semantics<core_parallel>, #tpu.dimension_semantics<subcore_parallel>], iteration_bounds = array<i64: 2, 16>, scalar_prefetch = 0 : i64, scratch_operands = 13 : i64, tpu.core_type = #tpu.core_type<sc_vector_subcore>, window_params = [{transform_indices = #map}, {transform_indices = #map}, {transform_indices = #map}, {transform_indices = #map1}, {transform_indices = #map}]} {
    "tpu.region"() ({
      %run_scoped3A = tpu.sem_alloc : memref<!tpu.dma_semaphore, #tpu.memory_space<semaphore_mem>>
      %dma_start3A_70 = arith.constant 0 : i32
      %dma_start3A_71 = arith.constant 0 : i32
      %dma_start3A_72 = tpu.memref_slice %arg2[%arg1, %dma_start3A_70, %dma_start3A_71] : memref<16x160x128xi32, #tpu.memory_space<hbm>> -> memref<1x160x128xi32, #tpu.memory_space<hbm>>
      %dma_start3A_73 = tpu.memref_squeeze %dma_start3A_72 : memref<1x160x128xi32, #tpu.memory_space<hbm>> -> memref<160x128xi32, #tpu.memory_space<hbm>>
      %dma_start3A_74 = arith.constant 0 : i32
      %dma_start3A_75 = arith.constant 0 : i32
      %dma_start3A_76 = tpu.memref_slice %arg2[%arg1, %dma_start3A_74, %dma_start3A_75] : memref<16x160x128xi32, #tpu.memory_space<hbm>> -> memref<1x160x128xi32, #tpu.memory_space<hbm>>
      %dma_start3A_77 = tpu.memref_squeeze %dma_start3A_76 : memref<1x160x128xi32, #tpu.memory_space<hbm>> -> memref<160x128xi32, #tpu.memory_space<hbm>>
      tpu.enqueue_dma source(%dma_start3A_77 : memref<160x128xi32, #tpu.memory_space<hbm>>) target(%arg7 : memref<160x128xi32, #tpu.memory_space<vmem>>) target_semaphore(%run_scoped3A : memref<!tpu.dma_semaphore, #tpu.memory_space<semaphore_mem>>)
      %dma_wait3A = arith.constant 0 : i32
      %dma_wait3A_78 = arith.constant 0 : i32
      %dma_wait3A_79 = tpu.memref_slice %arg2[%arg1, %dma_wait3A, %dma_wait3A_78] : memref<16x160x128xi32, #tpu.memory_space<hbm>> -> memref<1x160x128xi32, #tpu.memory_space<hbm>>
      %dma_wait3A_80 = tpu.memref_squeeze %dma_wait3A_79 : memref<1x160x128xi32, #tpu.memory_space<hbm>> -> memref<160x128xi32, #tpu.memory_space<hbm>>
      %dma_wait3A_81 = arith.constant 0 : i32
      %dma_wait3A_82 = arith.constant 0 : i32
      %dma_wait3A_83 = tpu.memref_slice %arg2[%arg1, %dma_wait3A_81, %dma_wait3A_82] : memref<16x160x128xi32, #tpu.memory_space<hbm>> -> memref<1x160x128xi32, #tpu.memory_space<hbm>>
      %dma_wait3A_84 = tpu.memref_squeeze %dma_wait3A_83 : memref<1x160x128xi32, #tpu.memory_space<hbm>> -> memref<160x128xi32, #tpu.memory_space<hbm>>
      tpu.wait_dma2 semaphore(%run_scoped3A : memref<!tpu.dma_semaphore, #tpu.memory_space<semaphore_mem>>) src(%dma_wait3A_84 : memref<160x128xi32, #tpu.memory_space<hbm>>) dst(%arg7 : memref<160x128xi32, #tpu.memory_space<vmem>>)
      tpu.yield
    }) : () -> ()
    "tpu.region"() ({
      %run_scoped3A = tpu.sem_alloc : memref<!tpu.dma_semaphore, #tpu.memory_space<semaphore_mem>>
      %dma_start3A_70 = arith.constant 0 : i32
      %dma_start3A_71 = arith.constant 0 : i32
      %dma_start3A_72 = tpu.memref_slice %arg3[%arg1, %dma_start3A_70, %dma_start3A_71] : memref<16x160x128xi32, #tpu.memory_space<hbm>> -> memref<1x160x128xi32, #tpu.memory_space<hbm>>
      %dma_start3A_73 = tpu.memref_squeeze %dma_start3A_72 : memref<1x160x128xi32, #tpu.memory_space<hbm>> -> memref<160x128xi32, #tpu.memory_space<hbm>>
      %dma_start3A_74 = arith.constant 0 : i32
      %dma_start3A_75 = arith.constant 0 : i32
      %dma_start3A_76 = tpu.memref_slice %arg3[%arg1, %dma_start3A_74, %dma_start3A_75] : memref<16x160x128xi32, #tpu.memory_space<hbm>> -> memref<1x160x128xi32, #tpu.memory_space<hbm>>
      %dma_start3A_77 = tpu.memref_squeeze %dma_start3A_76 : memref<1x160x128xi32, #tpu.memory_space<hbm>> -> memref<160x128xi32, #tpu.memory_space<hbm>>
      tpu.enqueue_dma source(%dma_start3A_77 : memref<160x128xi32, #tpu.memory_space<hbm>>) target(%arg8 : memref<160x128xi32, #tpu.memory_space<vmem>>) target_semaphore(%run_scoped3A : memref<!tpu.dma_semaphore, #tpu.memory_space<semaphore_mem>>)
      %dma_wait3A = arith.constant 0 : i32
      %dma_wait3A_78 = arith.constant 0 : i32
      %dma_wait3A_79 = tpu.memref_slice %arg3[%arg1, %dma_wait3A, %dma_wait3A_78] : memref<16x160x128xi32, #tpu.memory_space<hbm>> -> memref<1x160x128xi32, #tpu.memory_space<hbm>>
      %dma_wait3A_80 = tpu.memref_squeeze %dma_wait3A_79 : memref<1x160x128xi32, #tpu.memory_space<hbm>> -> memref<160x128xi32, #tpu.memory_space<hbm>>
      %dma_wait3A_81 = arith.constant 0 : i32
      %dma_wait3A_82 = arith.constant 0 : i32
      %dma_wait3A_83 = tpu.memref_slice %arg3[%arg1, %dma_wait3A_81, %dma_wait3A_82] : memref<16x160x128xi32, #tpu.memory_space<hbm>> -> memref<1x160x128xi32, #tpu.memory_space<hbm>>
      %dma_wait3A_84 = tpu.memref_squeeze %dma_wait3A_83 : memref<1x160x128xi32, #tpu.memory_space<hbm>> -> memref<160x128xi32, #tpu.memory_space<hbm>>
      tpu.wait_dma2 semaphore(%run_scoped3A : memref<!tpu.dma_semaphore, #tpu.memory_space<semaphore_mem>>) src(%dma_wait3A_84 : memref<160x128xi32, #tpu.memory_space<hbm>>) dst(%arg8 : memref<160x128xi32, #tpu.memory_space<vmem>>)
      tpu.yield
    }) : () -> ()
    "tpu.region"() ({
      %run_scoped3A = tpu.sem_alloc : memref<!tpu.dma_semaphore, #tpu.memory_space<semaphore_mem>>
      tpu.enqueue_dma source(%arg5 : memref<128x64xf32, #tpu.memory_space<hbm>>) target(%arg9 : memref<128x64xf32, #tpu.memory_space<vmem>>) target_semaphore(%run_scoped3A : memref<!tpu.dma_semaphore, #tpu.memory_space<semaphore_mem>>)
      tpu.wait_dma2 semaphore(%run_scoped3A : memref<!tpu.dma_semaphore, #tpu.memory_space<semaphore_mem>>) src(%arg5 : memref<128x64xf32, #tpu.memory_space<hbm>>) dst(%arg9 : memref<128x64xf32, #tpu.memory_space<vmem>>)
      tpu.yield
    }) : () -> ()
    %mul3A = arith.constant 640 : i32
    %mul3A_0 = arith.muli %arg1, %mul3A : i32
    %add3A = arith.constant 0 : i32
    %add3A_1 = arith.addi %mul3A_0, %add3A : i32
    "tpu.region"() ({
      %run_scoped3A = tpu.sem_alloc : memref<!tpu.dma_semaphore, #tpu.memory_space<semaphore_mem>>
      %dma_start3A_70 = arith.constant 0 : i32
      %dma_start3A_71 = tpu.memref_slice %arg14[%add3A_1, %dma_start3A_70] : memref<10240x64xf32, #tpu.memory_space<vmem_shared>> -> memref<128x64xf32, #tpu.memory_space<vmem_shared>>
      %dma_start3A_72 = arith.constant 0 : i32
      %dma_start3A_73 = tpu.memref_slice %arg14[%add3A_1, %dma_start3A_72] : memref<10240x64xf32, #tpu.memory_space<vmem_shared>> -> memref<128x64xf32, #tpu.memory_space<vmem_shared>>
      tpu.enqueue_dma source(%arg9 : memref<128x64xf32, #tpu.memory_space<vmem>>) target(%dma_start3A_73 : memref<128x64xf32, #tpu.memory_space<vmem_shared>>) target_semaphore(%run_scoped3A : memref<!tpu.dma_semaphore, #tpu.memory_space<semaphore_mem>>)
      %dma_wait3A = arith.constant 0 : i32
      %dma_wait3A_74 = tpu.memref_slice %arg14[%add3A_1, %dma_wait3A] : memref<10240x64xf32, #tpu.memory_space<vmem_shared>> -> memref<128x64xf32, #tpu.memory_space<vmem_shared>>
      %dma_wait3A_75 = arith.constant 0 : i32
      %dma_wait3A_76 = tpu.memref_slice %arg14[%add3A_1, %dma_wait3A_75] : memref<10240x64xf32, #tpu.memory_space<vmem_shared>> -> memref<128x64xf32, #tpu.memory_space<vmem_shared>>
      tpu.wait_dma2 semaphore(%run_scoped3A : memref<!tpu.dma_semaphore, #tpu.memory_space<semaphore_mem>>) src(%arg9 : memref<128x64xf32, #tpu.memory_space<vmem>>) dst(%dma_wait3A_76 : memref<128x64xf32, #tpu.memory_space<vmem_shared>>)
      tpu.yield
    }) : () -> ()
    %add3A_2 = arith.constant 128 : i32
    %add3A_3 = arith.addi %mul3A_0, %add3A_2 : i32
    "tpu.region"() ({
      %run_scoped3A = tpu.sem_alloc : memref<!tpu.dma_semaphore, #tpu.memory_space<semaphore_mem>>
      %dma_start3A_70 = arith.constant 0 : i32
      %dma_start3A_71 = tpu.memref_slice %arg14[%add3A_3, %dma_start3A_70] : memref<10240x64xf32, #tpu.memory_space<vmem_shared>> -> memref<128x64xf32, #tpu.memory_space<vmem_shared>>
      %dma_start3A_72 = arith.constant 0 : i32
      %dma_start3A_73 = tpu.memref_slice %arg14[%add3A_3, %dma_start3A_72] : memref<10240x64xf32, #tpu.memory_space<vmem_shared>> -> memref<128x64xf32, #tpu.memory_space<vmem_shared>>
      tpu.enqueue_dma source(%arg9 : memref<128x64xf32, #tpu.memory_space<vmem>>) target(%dma_start3A_73 : memref<128x64xf32, #tpu.memory_space<vmem_shared>>) target_semaphore(%run_scoped3A : memref<!tpu.dma_semaphore, #tpu.memory_space<semaphore_mem>>)
      %dma_wait3A = arith.constant 0 : i32
      %dma_wait3A_74 = tpu.memref_slice %arg14[%add3A_3, %dma_wait3A] : memref<10240x64xf32, #tpu.memory_space<vmem_shared>> -> memref<128x64xf32, #tpu.memory_space<vmem_shared>>
      %dma_wait3A_75 = arith.constant 0 : i32
      %dma_wait3A_76 = tpu.memref_slice %arg14[%add3A_3, %dma_wait3A_75] : memref<10240x64xf32, #tpu.memory_space<vmem_shared>> -> memref<128x64xf32, #tpu.memory_space<vmem_shared>>
      tpu.wait_dma2 semaphore(%run_scoped3A : memref<!tpu.dma_semaphore, #tpu.memory_space<semaphore_mem>>) src(%arg9 : memref<128x64xf32, #tpu.memory_space<vmem>>) dst(%dma_wait3A_76 : memref<128x64xf32, #tpu.memory_space<vmem_shared>>)
      tpu.yield
    }) : () -> ()
    %add3A_4 = arith.constant 256 : i32
    %add3A_5 = arith.addi %mul3A_0, %add3A_4 : i32
    "tpu.region"() ({
      %run_scoped3A = tpu.sem_alloc : memref<!tpu.dma_semaphore, #tpu.memory_space<semaphore_mem>>
      %dma_start3A_70 = arith.constant 0 : i32
      %dma_start3A_71 = tpu.memref_slice %arg14[%add3A_5, %dma_start3A_70] : memref<10240x64xf32, #tpu.memory_space<vmem_shared>> -> memref<128x64xf32, #tpu.memory_space<vmem_shared>>
      %dma_start3A_72 = arith.constant 0 : i32
      %dma_start3A_73 = tpu.memref_slice %arg14[%add3A_5, %dma_start3A_72] : memref<10240x64xf32, #tpu.memory_space<vmem_shared>> -> memref<128x64xf32, #tpu.memory_space<vmem_shared>>
      tpu.enqueue_dma source(%arg9 : memref<128x64xf32, #tpu.memory_space<vmem>>) target(%dma_start3A_73 : memref<128x64xf32, #tpu.memory_space<vmem_shared>>) target_semaphore(%run_scoped3A : memref<!tpu.dma_semaphore, #tpu.memory_space<semaphore_mem>>)
      %dma_wait3A = arith.constant 0 : i32
      %dma_wait3A_74 = tpu.memref_slice %arg14[%add3A_5, %dma_wait3A] : memref<10240x64xf32, #tpu.memory_space<vmem_shared>> -> memref<128x64xf32, #tpu.memory_space<vmem_shared>>
      %dma_wait3A_75 = arith.constant 0 : i32
      %dma_wait3A_76 = tpu.memref_slice %arg14[%add3A_5, %dma_wait3A_75] : memref<10240x64xf32, #tpu.memory_space<vmem_shared>> -> memref<128x64xf32, #tpu.memory_space<vmem_shared>>
      tpu.wait_dma2 semaphore(%run_scoped3A : memref<!tpu.dma_semaphore, #tpu.memory_space<semaphore_mem>>) src(%arg9 : memref<128x64xf32, #tpu.memory_space<vmem>>) dst(%dma_wait3A_76 : memref<128x64xf32, #tpu.memory_space<vmem_shared>>)
      tpu.yield
    }) : () -> ()
    %add3A_6 = arith.constant 384 : i32
    %add3A_7 = arith.addi %mul3A_0, %add3A_6 : i32
    "tpu.region"() ({
      %run_scoped3A = tpu.sem_alloc : memref<!tpu.dma_semaphore, #tpu.memory_space<semaphore_mem>>
      %dma_start3A_70 = arith.constant 0 : i32
      %dma_start3A_71 = tpu.memref_slice %arg14[%add3A_7, %dma_start3A_70] : memref<10240x64xf32, #tpu.memory_space<vmem_shared>> -> memref<128x64xf32, #tpu.memory_space<vmem_shared>>
      %dma_start3A_72 = arith.constant 0 : i32
      %dma_start3A_73 = tpu.memref_slice %arg14[%add3A_7, %dma_start3A_72] : memref<10240x64xf32, #tpu.memory_space<vmem_shared>> -> memref<128x64xf32, #tpu.memory_space<vmem_shared>>
      tpu.enqueue_dma source(%arg9 : memref<128x64xf32, #tpu.memory_space<vmem>>) target(%dma_start3A_73 : memref<128x64xf32, #tpu.memory_space<vmem_shared>>) target_semaphore(%run_scoped3A : memref<!tpu.dma_semaphore, #tpu.memory_space<semaphore_mem>>)
      %dma_wait3A = arith.constant 0 : i32
      %dma_wait3A_74 = tpu.memref_slice %arg14[%add3A_7, %dma_wait3A] : memref<10240x64xf32, #tpu.memory_space<vmem_shared>> -> memref<128x64xf32, #tpu.memory_space<vmem_shared>>
      %dma_wait3A_75 = arith.constant 0 : i32
      %dma_wait3A_76 = tpu.memref_slice %arg14[%add3A_7, %dma_wait3A_75] : memref<10240x64xf32, #tpu.memory_space<vmem_shared>> -> memref<128x64xf32, #tpu.memory_space<vmem_shared>>
      tpu.wait_dma2 semaphore(%run_scoped3A : memref<!tpu.dma_semaphore, #tpu.memory_space<semaphore_mem>>) src(%arg9 : memref<128x64xf32, #tpu.memory_space<vmem>>) dst(%dma_wait3A_76 : memref<128x64xf32, #tpu.memory_space<vmem_shared>>)
      tpu.yield
    }) : () -> ()
    %add3A_8 = arith.constant 512 : i32
    %add3A_9 = arith.addi %mul3A_0, %add3A_8 : i32
    "tpu.region"() ({
      %run_scoped3A = tpu.sem_alloc : memref<!tpu.dma_semaphore, #tpu.memory_space<semaphore_mem>>
      %dma_start3A_70 = arith.constant 0 : i32
      %dma_start3A_71 = tpu.memref_slice %arg14[%add3A_9, %dma_start3A_70] : memref<10240x64xf32, #tpu.memory_space<vmem_shared>> -> memref<128x64xf32, #tpu.memory_space<vmem_shared>>
      %dma_start3A_72 = arith.constant 0 : i32
      %dma_start3A_73 = tpu.memref_slice %arg14[%add3A_9, %dma_start3A_72] : memref<10240x64xf32, #tpu.memory_space<vmem_shared>> -> memref<128x64xf32, #tpu.memory_space<vmem_shared>>
      tpu.enqueue_dma source(%arg9 : memref<128x64xf32, #tpu.memory_space<vmem>>) target(%dma_start3A_73 : memref<128x64xf32, #tpu.memory_space<vmem_shared>>) target_semaphore(%run_scoped3A : memref<!tpu.dma_semaphore, #tpu.memory_space<semaphore_mem>>)
      %dma_wait3A = arith.constant 0 : i32
      %dma_wait3A_74 = tpu.memref_slice %arg14[%add3A_9, %dma_wait3A] : memref<10240x64xf32, #tpu.memory_space<vmem_shared>> -> memref<128x64xf32, #tpu.memory_space<vmem_shared>>
      %dma_wait3A_75 = arith.constant 0 : i32
      %dma_wait3A_76 = tpu.memref_slice %arg14[%add3A_9, %dma_wait3A_75] : memref<10240x64xf32, #tpu.memory_space<vmem_shared>> -> memref<128x64xf32, #tpu.memory_space<vmem_shared>>
      tpu.wait_dma2 semaphore(%run_scoped3A : memref<!tpu.dma_semaphore, #tpu.memory_space<semaphore_mem>>) src(%arg9 : memref<128x64xf32, #tpu.memory_space<vmem>>) dst(%dma_wait3A_76 : memref<128x64xf32, #tpu.memory_space<vmem_shared>>)
      tpu.yield
    }) : () -> ()
    %barrier3A = arith.constant 0 : index
    tpu.barrier barrier_id(%barrier3A)
    %dma_start3A = arith.constant 0 : i32
    %dma_start3A_10 = arith.constant 0 : i32
    %dma_start3A_11 = tpu.memref_slice %arg7[%dma_start3A, %dma_start3A_10] : memref<160x128xi32, #tpu.memory_space<vmem>> -> memref<1x128xi32, #tpu.memory_space<vmem>>
    %dma_start3A_12 = tpu.memref_squeeze %dma_start3A_11 : memref<1x128xi32, #tpu.memory_space<vmem>> -> memref<128xi32, #tpu.memory_space<vmem>>
    %dma_start3A_13 = arith.constant 0 : i32
    %dma_start3A_14 = arith.constant 0 : i32
    %dma_start3A_15 = tpu.memref_slice %arg4[%arg0, %dma_start3A_13, %dma_start3A_14] : memref<2x10240x64xf32, #tpu.memory_space<hbm>> -> memref<1x10240x64xf32, #tpu.memory_space<hbm>>
    %dma_start3A_16 = tpu.memref_squeeze %dma_start3A_15 : memref<1x10240x64xf32, #tpu.memory_space<hbm>> -> memref<10240x64xf32, #tpu.memory_space<hbm>>
    %dma_start3A_17 = arith.constant 0 : i32
    %dma_start3A_18 = arith.constant 0 : i32
    %dma_start3A_19 = tpu.memref_slice %dma_start3A_16[%dma_start3A_17, %dma_start3A_18] : memref<10240x64xf32, #tpu.memory_space<hbm>> -> memref<10240x64xf32, #tpu.memory_space<hbm>>
    tpu.enqueue_indirect_dma source(%dma_start3A_19 : memref<10240x64xf32, #tpu.memory_space<hbm>>) target(%arg9 : memref<128x64xf32, #tpu.memory_space<vmem>>) offsets(%dma_start3A_12 : memref<128xi32, #tpu.memory_space<vmem>>) semaphore(%arg15 : memref<!tpu.dma_semaphore, #tpu.memory_space<semaphore_mem>>)
    %dma_start3A_20 = arith.constant 1 : i32
    %dma_start3A_21 = arith.constant 0 : i32
    %dma_start3A_22 = tpu.memref_slice %arg7[%dma_start3A_20, %dma_start3A_21] : memref<160x128xi32, #tpu.memory_space<vmem>> -> memref<1x128xi32, #tpu.memory_space<vmem>>
    %dma_start3A_23 = tpu.memref_squeeze %dma_start3A_22 : memref<1x128xi32, #tpu.memory_space<vmem>> -> memref<128xi32, #tpu.memory_space<vmem>>
    %dma_start3A_24 = arith.constant 0 : i32
    %dma_start3A_25 = arith.constant 0 : i32
    %dma_start3A_26 = tpu.memref_slice %arg4[%arg0, %dma_start3A_24, %dma_start3A_25] : memref<2x10240x64xf32, #tpu.memory_space<hbm>> -> memref<1x10240x64xf32, #tpu.memory_space<hbm>>
    %dma_start3A_27 = tpu.memref_squeeze %dma_start3A_26 : memref<1x10240x64xf32, #tpu.memory_space<hbm>> -> memref<10240x64xf32, #tpu.memory_space<hbm>>
    %dma_start3A_28 = arith.constant 0 : i32
    %dma_start3A_29 = arith.constant 0 : i32
    %dma_start3A_30 = tpu.memref_slice %dma_start3A_27[%dma_start3A_28, %dma_start3A_29] : memref<10240x64xf32, #tpu.memory_space<hbm>> -> memref<10240x64xf32, #tpu.memory_space<hbm>>
    tpu.enqueue_indirect_dma source(%dma_start3A_30 : memref<10240x64xf32, #tpu.memory_space<hbm>>) target(%arg10 : memref<128x64xf32, #tpu.memory_space<vmem>>) offsets(%dma_start3A_23 : memref<128xi32, #tpu.memory_space<vmem>>) semaphore(%arg16 : memref<!tpu.dma_semaphore, #tpu.memory_space<semaphore_mem>>)
    %dma_start3A_31 = arith.constant 2 : i32
    %dma_start3A_32 = arith.constant 0 : i32
    %dma_start3A_33 = tpu.memref_slice %arg7[%dma_start3A_31, %dma_start3A_32] : memref<160x128xi32, #tpu.memory_space<vmem>> -> memref<1x128xi32, #tpu.memory_space<vmem>>
    %dma_start3A_34 = tpu.memref_squeeze %dma_start3A_33 : memref<1x128xi32, #tpu.memory_space<vmem>> -> memref<128xi32, #tpu.memory_space<vmem>>
    %dma_start3A_35 = arith.constant 0 : i32
    %dma_start3A_36 = arith.constant 0 : i32
    %dma_start3A_37 = tpu.memref_slice %arg4[%arg0, %dma_start3A_35, %dma_start3A_36] : memref<2x10240x64xf32, #tpu.memory_space<hbm>> -> memref<1x10240x64xf32, #tpu.memory_space<hbm>>
    %dma_start3A_38 = tpu.memref_squeeze %dma_start3A_37 : memref<1x10240x64xf32, #tpu.memory_space<hbm>> -> memref<10240x64xf32, #tpu.memory_space<hbm>>
    %dma_start3A_39 = arith.constant 0 : i32
    %dma_start3A_40 = arith.constant 0 : i32
    %dma_start3A_41 = tpu.memref_slice %dma_start3A_38[%dma_start3A_39, %dma_start3A_40] : memref<10240x64xf32, #tpu.memory_space<hbm>> -> memref<10240x64xf32, #tpu.memory_space<hbm>>
    tpu.enqueue_indirect_dma source(%dma_start3A_41 : memref<10240x64xf32, #tpu.memory_space<hbm>>) target(%arg11 : memref<128x64xf32, #tpu.memory_space<vmem>>) offsets(%dma_start3A_34 : memref<128xi32, #tpu.memory_space<vmem>>) semaphore(%arg17 : memref<!tpu.dma_semaphore, #tpu.memory_space<semaphore_mem>>)
    %dma_start3A_42 = arith.constant 3 : i32
    %dma_start3A_43 = arith.constant 0 : i32
    %dma_start3A_44 = tpu.memref_slice %arg7[%dma_start3A_42, %dma_start3A_43] : memref<160x128xi32, #tpu.memory_space<vmem>> -> memref<1x128xi32, #tpu.memory_space<vmem>>
    %dma_start3A_45 = tpu.memref_squeeze %dma_start3A_44 : memref<1x128xi32, #tpu.memory_space<vmem>> -> memref<128xi32, #tpu.memory_space<vmem>>
    %dma_start3A_46 = arith.constant 0 : i32
    %dma_start3A_47 = arith.constant 0 : i32
    %dma_start3A_48 = tpu.memref_slice %arg4[%arg0, %dma_start3A_46, %dma_start3A_47] : memref<2x10240x64xf32, #tpu.memory_space<hbm>> -> memref<1x10240x64xf32, #tpu.memory_space<hbm>>
    %dma_start3A_49 = tpu.memref_squeeze %dma_start3A_48 : memref<1x10240x64xf32, #tpu.memory_space<hbm>> -> memref<10240x64xf32, #tpu.memory_space<hbm>>
    %dma_start3A_50 = arith.constant 0 : i32
    %dma_start3A_51 = arith.constant 0 : i32
    %dma_start3A_52 = tpu.memref_slice %dma_start3A_49[%dma_start3A_50, %dma_start3A_51] : memref<10240x64xf32, #tpu.memory_space<hbm>> -> memref<10240x64xf32, #tpu.memory_space<hbm>>
    tpu.enqueue_indirect_dma source(%dma_start3A_52 : memref<10240x64xf32, #tpu.memory_space<hbm>>) target(%arg12 : memref<128x64xf32, #tpu.memory_space<vmem>>) offsets(%dma_start3A_45 : memref<128xi32, #tpu.memory_space<vmem>>) semaphore(%arg18 : memref<!tpu.dma_semaphore, #tpu.memory_space<semaphore_mem>>)
    %dma_start3A_53 = arith.constant 4 : i32
    %dma_start3A_54 = arith.constant 0 : i32
    %dma_start3A_55 = tpu.memref_slice %arg7[%dma_start3A_53, %dma_start3A_54] : memref<160x128xi32, #tpu.memory_space<vmem>> -> memref<1x128xi32, #tpu.memory_space<vmem>>
    %dma_start3A_56 = tpu.memref_squeeze %dma_start3A_55 : memref<1x128xi32, #tpu.memory_space<vmem>> -> memref<128xi32, #tpu.memory_space<vmem>>
    %dma_start3A_57 = arith.constant 0 : i32
    %dma_start3A_58 = arith.constant 0 : i32
    %dma_start3A_59 = tpu.memref_slice %arg4[%arg0, %dma_start3A_57, %dma_start3A_58] : memref<2x10240x64xf32, #tpu.memory_space<hbm>> -> memref<1x10240x64xf32, #tpu.memory_space<hbm>>
    %dma_start3A_60 = tpu.memref_squeeze %dma_start3A_59 : memref<1x10240x64xf32, #tpu.memory_space<hbm>> -> memref<10240x64xf32, #tpu.memory_space<hbm>>
    %dma_start3A_61 = arith.constant 0 : i32
    %dma_start3A_62 = arith.constant 0 : i32
    %dma_start3A_63 = tpu.memref_slice %dma_start3A_60[%dma_start3A_61, %dma_start3A_62] : memref<10240x64xf32, #tpu.memory_space<hbm>> -> memref<10240x64xf32, #tpu.memory_space<hbm>>
    tpu.enqueue_indirect_dma source(%dma_start3A_63 : memref<10240x64xf32, #tpu.memory_space<hbm>>) target(%arg13 : memref<128x64xf32, #tpu.memory_space<vmem>>) offsets(%dma_start3A_56 : memref<128xi32, #tpu.memory_space<vmem>>) semaphore(%arg19 : memref<!tpu.dma_semaphore, #tpu.memory_space<semaphore_mem>>)
    %scan3A = arith.constant 0 : i32
    %scan3A_64 = arith.constant 0 : i32
    %scan3A_65 = arith.constant 32 : i32
    %scan3A_66 = arith.addi %scan3A_64, %scan3A_65 : i32
    %scan3A_67 = arith.constant 1 : i32
    scf.for %scan3A_70 = %scan3A_64 to %scan3A_66 step %scan3A_67  : i32 {
      %mul3A_71 = arith.constant 5 : i32
      %mul3A_72 = arith.muli %scan3A_70, %mul3A_71 : i32
      %add3A_73 = arith.constant 0 : i32
      %add3A_74 = arith.addi %mul3A_72, %add3A_73 : i32
      %dma_wait3A = arith.constant 0 : i32
      %dma_wait3A_75 = tpu.memref_slice %arg7[%add3A_74, %dma_wait3A] : memref<160x128xi32, #tpu.memory_space<vmem>> -> memref<1x128xi32, #tpu.memory_space<vmem>>
      %dma_wait3A_76 = tpu.memref_squeeze %dma_wait3A_75 : memref<1x128xi32, #tpu.memory_space<vmem>> -> memref<128xi32, #tpu.memory_space<vmem>>
      %dma_wait3A_77 = arith.constant 0 : i32
      %dma_wait3A_78 = arith.constant 0 : i32
      %dma_wait3A_79 = tpu.memref_slice %arg4[%arg0, %dma_wait3A_77, %dma_wait3A_78] : memref<2x10240x64xf32, #tpu.memory_space<hbm>> -> memref<1x10240x64xf32, #tpu.memory_space<hbm>>
      %dma_wait3A_80 = tpu.memref_squeeze %dma_wait3A_79 : memref<1x10240x64xf32, #tpu.memory_space<hbm>> -> memref<10240x64xf32, #tpu.memory_space<hbm>>
      %dma_wait3A_81 = arith.constant 0 : i32
      %dma_wait3A_82 = arith.constant 0 : i32
      %dma_wait3A_83 = tpu.memref_slice %dma_wait3A_80[%dma_wait3A_81, %dma_wait3A_82] : memref<10240x64xf32, #tpu.memory_space<hbm>> -> memref<10240x64xf32, #tpu.memory_space<hbm>>
      tpu.wait_indirect_dma semaphore(%arg15 : memref<!tpu.dma_semaphore, #tpu.memory_space<semaphore_mem>>) src(%dma_wait3A_83 : memref<10240x64xf32, #tpu.memory_space<hbm>>) dst(%arg9 : memref<128x64xf32, #tpu.memory_space<vmem>>)
      "tpu.region"() ({
        %run_scoped3A = tpu.sem_alloc : memref<!tpu.dma_semaphore, #tpu.memory_space<semaphore_mem>>
        %dma_start3A_172 = arith.constant 0 : i32
        %dma_start3A_173 = tpu.memref_slice %arg8[%add3A_74, %dma_start3A_172] : memref<160x128xi32, #tpu.memory_space<vmem>> -> memref<1x128xi32, #tpu.memory_space<vmem>>
        %dma_start3A_174 = tpu.memref_squeeze %dma_start3A_173 : memref<1x128xi32, #tpu.memory_space<vmem>> -> memref<128xi32, #tpu.memory_space<vmem>>
        %dma_start3A_175 = arith.constant 0 : i32
        %dma_start3A_176 = arith.constant 0 : i32
        %dma_start3A_177 = tpu.memref_slice %arg14[%dma_start3A_175, %dma_start3A_176] : memref<10240x64xf32, #tpu.memory_space<vmem_shared>> -> memref<10240x64xf32, #tpu.memory_space<vmem_shared>>
        tpu.enqueue_indirect_dma source(%arg9 : memref<128x64xf32, #tpu.memory_space<vmem>>) target(%dma_start3A_177 : memref<10240x64xf32, #tpu.memory_space<vmem_shared>>) offsets(%dma_start3A_174 : memref<128xi32, #tpu.memory_space<vmem>>) semaphore(%run_scoped3A : memref<!tpu.dma_semaphore, #tpu.memory_space<semaphore_mem>>) {add = true}
        %dma_wait3A_178 = arith.constant 0 : i32
        %dma_wait3A_179 = tpu.memref_slice %arg8[%add3A_74, %dma_wait3A_178] : memref<160x128xi32, #tpu.memory_space<vmem>> -> memref<1x128xi32, #tpu.memory_space<vmem>>
        %dma_wait3A_180 = tpu.memref_squeeze %dma_wait3A_179 : memref<1x128xi32, #tpu.memory_space<vmem>> -> memref<128xi32, #tpu.memory_space<vmem>>
        %dma_wait3A_181 = arith.constant 0 : i32
        %dma_wait3A_182 = arith.constant 0 : i32
        %dma_wait3A_183 = tpu.memref_slice %arg14[%dma_wait3A_181, %dma_wait3A_182] : memref<10240x64xf32, #tpu.memory_space<vmem_shared>> -> memref<10240x64xf32, #tpu.memory_space<vmem_shared>>
        tpu.wait_indirect_dma semaphore(%run_scoped3A : memref<!tpu.dma_semaphore, #tpu.memory_space<semaphore_mem>>) src(%arg9 : memref<128x64xf32, #tpu.memory_space<vmem>>) dst(%dma_wait3A_183 : memref<10240x64xf32, #tpu.memory_space<vmem_shared>>)
        tpu.yield
      }) : () -> ()
      %add3A_84 = arith.constant 5 : i32
      %add3A_85 = arith.addi %add3A_74, %add3A_84 : i32
      %lt3A = arith.constant 160 : i32
      %lt3A_86 = arith.cmpi slt, %add3A_85, %lt3A : i32
      %convert_element_type3A = arith.extui %lt3A_86 : i1 to i32
      %cond3A = arith.constant 0 : i32
      %cond3A_87 = arith.cmpi ne, %convert_element_type3A, %cond3A : i32
      scf.if %cond3A_87 {
        %add3A_172 = arith.constant 5 : i32
        %add3A_173 = arith.addi %add3A_74, %add3A_172 : i32
        %dma_start3A_174 = arith.constant 0 : i32
        %dma_start3A_175 = tpu.memref_slice %arg7[%add3A_173, %dma_start3A_174] : memref<160x128xi32, #tpu.memory_space<vmem>> -> memref<1x128xi32, #tpu.memory_space<vmem>>
        %dma_start3A_176 = tpu.memref_squeeze %dma_start3A_175 : memref<1x128xi32, #tpu.memory_space<vmem>> -> memref<128xi32, #tpu.memory_space<vmem>>
        %dma_start3A_177 = arith.constant 0 : i32
        %dma_start3A_178 = arith.constant 0 : i32
        %dma_start3A_179 = tpu.memref_slice %arg4[%arg0, %dma_start3A_177, %dma_start3A_178] : memref<2x10240x64xf32, #tpu.memory_space<hbm>> -> memref<1x10240x64xf32, #tpu.memory_space<hbm>>
        %dma_start3A_180 = tpu.memref_squeeze %dma_start3A_179 : memref<1x10240x64xf32, #tpu.memory_space<hbm>> -> memref<10240x64xf32, #tpu.memory_space<hbm>>
        %dma_start3A_181 = arith.constant 0 : i32
        %dma_start3A_182 = arith.constant 0 : i32
        %dma_start3A_183 = tpu.memref_slice %dma_start3A_180[%dma_start3A_181, %dma_start3A_182] : memref<10240x64xf32, #tpu.memory_space<hbm>> -> memref<10240x64xf32, #tpu.memory_space<hbm>>
        tpu.enqueue_indirect_dma source(%dma_start3A_183 : memref<10240x64xf32, #tpu.memory_space<hbm>>) target(%arg9 : memref<128x64xf32, #tpu.memory_space<vmem>>) offsets(%dma_start3A_176 : memref<128xi32, #tpu.memory_space<vmem>>) semaphore(%arg15 : memref<!tpu.dma_semaphore, #tpu.memory_space<semaphore_mem>>)
      } else {
      }
      %mul3A_88 = arith.constant 5 : i32
      %mul3A_89 = arith.muli %scan3A_70, %mul3A_88 : i32
      %add3A_90 = arith.constant 1 : i32
      %add3A_91 = arith.addi %mul3A_89, %add3A_90 : i32
      %dma_wait3A_92 = arith.constant 0 : i32
      %dma_wait3A_93 = tpu.memref_slice %arg7[%add3A_91, %dma_wait3A_92] : memref<160x128xi32, #tpu.memory_space<vmem>> -> memref<1x128xi32, #tpu.memory_space<vmem>>
      %dma_wait3A_94 = tpu.memref_squeeze %dma_wait3A_93 : memref<1x128xi32, #tpu.memory_space<vmem>> -> memref<128xi32, #tpu.memory_space<vmem>>
      %dma_wait3A_95 = arith.constant 0 : i32
      %dma_wait3A_96 = arith.constant 0 : i32
      %dma_wait3A_97 = tpu.memref_slice %arg4[%arg0, %dma_wait3A_95, %dma_wait3A_96] : memref<2x10240x64xf32, #tpu.memory_space<hbm>> -> memref<1x10240x64xf32, #tpu.memory_space<hbm>>
      %dma_wait3A_98 = tpu.memref_squeeze %dma_wait3A_97 : memref<1x10240x64xf32, #tpu.memory_space<hbm>> -> memref<10240x64xf32, #tpu.memory_space<hbm>>
      %dma_wait3A_99 = arith.constant 0 : i32
      %dma_wait3A_100 = arith.constant 0 : i32
      %dma_wait3A_101 = tpu.memref_slice %dma_wait3A_98[%dma_wait3A_99, %dma_wait3A_100] : memref<10240x64xf32, #tpu.memory_space<hbm>> -> memref<10240x64xf32, #tpu.memory_space<hbm>>
      tpu.wait_indirect_dma semaphore(%arg16 : memref<!tpu.dma_semaphore, #tpu.memory_space<semaphore_mem>>) src(%dma_wait3A_101 : memref<10240x64xf32, #tpu.memory_space<hbm>>) dst(%arg10 : memref<128x64xf32, #tpu.memory_space<vmem>>)
      "tpu.region"() ({
        %run_scoped3A = tpu.sem_alloc : memref<!tpu.dma_semaphore, #tpu.memory_space<semaphore_mem>>
        %dma_start3A_172 = arith.constant 0 : i32
        %dma_start3A_173 = tpu.memref_slice %arg8[%add3A_91, %dma_start3A_172] : memref<160x128xi32, #tpu.memory_space<vmem>> -> memref<1x128xi32, #tpu.memory_space<vmem>>
        %dma_start3A_174 = tpu.memref_squeeze %dma_start3A_173 : memref<1x128xi32, #tpu.memory_space<vmem>> -> memref<128xi32, #tpu.memory_space<vmem>>
        %dma_start3A_175 = arith.constant 0 : i32
        %dma_start3A_176 = arith.constant 0 : i32
        %dma_start3A_177 = tpu.memref_slice %arg14[%dma_start3A_175, %dma_start3A_176] : memref<10240x64xf32, #tpu.memory_space<vmem_shared>> -> memref<10240x64xf32, #tpu.memory_space<vmem_shared>>
        tpu.enqueue_indirect_dma source(%arg10 : memref<128x64xf32, #tpu.memory_space<vmem>>) target(%dma_start3A_177 : memref<10240x64xf32, #tpu.memory_space<vmem_shared>>) offsets(%dma_start3A_174 : memref<128xi32, #tpu.memory_space<vmem>>) semaphore(%run_scoped3A : memref<!tpu.dma_semaphore, #tpu.memory_space<semaphore_mem>>) {add = true}
        %dma_wait3A_178 = arith.constant 0 : i32
        %dma_wait3A_179 = tpu.memref_slice %arg8[%add3A_91, %dma_wait3A_178] : memref<160x128xi32, #tpu.memory_space<vmem>> -> memref<1x128xi32, #tpu.memory_space<vmem>>
        %dma_wait3A_180 = tpu.memref_squeeze %dma_wait3A_179 : memref<1x128xi32, #tpu.memory_space<vmem>> -> memref<128xi32, #tpu.memory_space<vmem>>
        %dma_wait3A_181 = arith.constant 0 : i32
        %dma_wait3A_182 = arith.constant 0 : i32
        %dma_wait3A_183 = tpu.memref_slice %arg14[%dma_wait3A_181, %dma_wait3A_182] : memref<10240x64xf32, #tpu.memory_space<vmem_shared>> -> memref<10240x64xf32, #tpu.memory_space<vmem_shared>>
        tpu.wait_indirect_dma semaphore(%run_scoped3A : memref<!tpu.dma_semaphore, #tpu.memory_space<semaphore_mem>>) src(%arg10 : memref<128x64xf32, #tpu.memory_space<vmem>>) dst(%dma_wait3A_183 : memref<10240x64xf32, #tpu.memory_space<vmem_shared>>)
        tpu.yield
      }) : () -> ()
      %add3A_102 = arith.constant 5 : i32
      %add3A_103 = arith.addi %add3A_91, %add3A_102 : i32
      %lt3A_104 = arith.constant 160 : i32
      %lt3A_105 = arith.cmpi slt, %add3A_103, %lt3A_104 : i32
      %convert_element_type3A_106 = arith.extui %lt3A_105 : i1 to i32
      %cond3A_107 = arith.constant 0 : i32
      %cond3A_108 = arith.cmpi ne, %convert_element_type3A_106, %cond3A_107 : i32
      scf.if %cond3A_108 {
        %add3A_172 = arith.constant 5 : i32
        %add3A_173 = arith.addi %add3A_91, %add3A_172 : i32
        %dma_start3A_174 = arith.constant 0 : i32
        %dma_start3A_175 = tpu.memref_slice %arg7[%add3A_173, %dma_start3A_174] : memref<160x128xi32, #tpu.memory_space<vmem>> -> memref<1x128xi32, #tpu.memory_space<vmem>>
        %dma_start3A_176 = tpu.memref_squeeze %dma_start3A_175 : memref<1x128xi32, #tpu.memory_space<vmem>> -> memref<128xi32, #tpu.memory_space<vmem>>
        %dma_start3A_177 = arith.constant 0 : i32
        %dma_start3A_178 = arith.constant 0 : i32
        %dma_start3A_179 = tpu.memref_slice %arg4[%arg0, %dma_start3A_177, %dma_start3A_178] : memref<2x10240x64xf32, #tpu.memory_space<hbm>> -> memref<1x10240x64xf32, #tpu.memory_space<hbm>>
        %dma_start3A_180 = tpu.memref_squeeze %dma_start3A_179 : memref<1x10240x64xf32, #tpu.memory_space<hbm>> -> memref<10240x64xf32, #tpu.memory_space<hbm>>
        %dma_start3A_181 = arith.constant 0 : i32
        %dma_start3A_182 = arith.constant 0 : i32
        %dma_start3A_183 = tpu.memref_slice %dma_start3A_180[%dma_start3A_181, %dma_start3A_182] : memref<10240x64xf32, #tpu.memory_space<hbm>> -> memref<10240x64xf32, #tpu.memory_space<hbm>>
        tpu.enqueue_indirect_dma source(%dma_start3A_183 : memref<10240x64xf32, #tpu.memory_space<hbm>>) target(%arg10 : memref<128x64xf32, #tpu.memory_space<vmem>>) offsets(%dma_start3A_176 : memref<128xi32, #tpu.memory_space<vmem>>) semaphore(%arg16 : memref<!tpu.dma_semaphore, #tpu.memory_space<semaphore_mem>>)
      } else {
      }
      %mul3A_109 = arith.constant 5 : i32
      %mul3A_110 = arith.muli %scan3A_70, %mul3A_109 : i32
      %add3A_111 = arith.constant 2 : i32
      %add3A_112 = arith.addi %mul3A_110, %add3A_111 : i32
      %dma_wait3A_113 = arith.constant 0 : i32
      %dma_wait3A_114 = tpu.memref_slice %arg7[%add3A_112, %dma_wait3A_113] : memref<160x128xi32, #tpu.memory_space<vmem>> -> memref<1x128xi32, #tpu.memory_space<vmem>>
      %dma_wait3A_115 = tpu.memref_squeeze %dma_wait3A_114 : memref<1x128xi32, #tpu.memory_space<vmem>> -> memref<128xi32, #tpu.memory_space<vmem>>
      %dma_wait3A_116 = arith.constant 0 : i32
      %dma_wait3A_117 = arith.constant 0 : i32
      %dma_wait3A_118 = tpu.memref_slice %arg4[%arg0, %dma_wait3A_116, %dma_wait3A_117] : memref<2x10240x64xf32, #tpu.memory_space<hbm>> -> memref<1x10240x64xf32, #tpu.memory_space<hbm>>
      %dma_wait3A_119 = tpu.memref_squeeze %dma_wait3A_118 : memref<1x10240x64xf32, #tpu.memory_space<hbm>> -> memref<10240x64xf32, #tpu.memory_space<hbm>>
      %dma_wait3A_120 = arith.constant 0 : i32
      %dma_wait3A_121 = arith.constant 0 : i32
      %dma_wait3A_122 = tpu.memref_slice %dma_wait3A_119[%dma_wait3A_120, %dma_wait3A_121] : memref<10240x64xf32, #tpu.memory_space<hbm>> -> memref<10240x64xf32, #tpu.memory_space<hbm>>
      tpu.wait_indirect_dma semaphore(%arg17 : memref<!tpu.dma_semaphore, #tpu.memory_space<semaphore_mem>>) src(%dma_wait3A_122 : memref<10240x64xf32, #tpu.memory_space<hbm>>) dst(%arg11 : memref<128x64xf32, #tpu.memory_space<vmem>>)
      "tpu.region"() ({
        %run_scoped3A = tpu.sem_alloc : memref<!tpu.dma_semaphore, #tpu.memory_space<semaphore_mem>>
        %dma_start3A_172 = arith.constant 0 : i32
        %dma_start3A_173 = tpu.memref_slice %arg8[%add3A_112, %dma_start3A_172] : memref<160x128xi32, #tpu.memory_space<vmem>> -> memref<1x128xi32, #tpu.memory_space<vmem>>
        %dma_start3A_174 = tpu.memref_squeeze %dma_start3A_173 : memref<1x128xi32, #tpu.memory_space<vmem>> -> memref<128xi32, #tpu.memory_space<vmem>>
        %dma_start3A_175 = arith.constant 0 : i32
        %dma_start3A_176 = arith.constant 0 : i32
        %dma_start3A_177 = tpu.memref_slice %arg14[%dma_start3A_175, %dma_start3A_176] : memref<10240x64xf32, #tpu.memory_space<vmem_shared>> -> memref<10240x64xf32, #tpu.memory_space<vmem_shared>>
        tpu.enqueue_indirect_dma source(%arg11 : memref<128x64xf32, #tpu.memory_space<vmem>>) target(%dma_start3A_177 : memref<10240x64xf32, #tpu.memory_space<vmem_shared>>) offsets(%dma_start3A_174 : memref<128xi32, #tpu.memory_space<vmem>>) semaphore(%run_scoped3A : memref<!tpu.dma_semaphore, #tpu.memory_space<semaphore_mem>>) {add = true}
        %dma_wait3A_178 = arith.constant 0 : i32
        %dma_wait3A_179 = tpu.memref_slice %arg8[%add3A_112, %dma_wait3A_178] : memref<160x128xi32, #tpu.memory_space<vmem>> -> memref<1x128xi32, #tpu.memory_space<vmem>>
        %dma_wait3A_180 = tpu.memref_squeeze %dma_wait3A_179 : memref<1x128xi32, #tpu.memory_space<vmem>> -> memref<128xi32, #tpu.memory_space<vmem>>
        %dma_wait3A_181 = arith.constant 0 : i32
        %dma_wait3A_182 = arith.constant 0 : i32
        %dma_wait3A_183 = tpu.memref_slice %arg14[%dma_wait3A_181, %dma_wait3A_182] : memref<10240x64xf32, #tpu.memory_space<vmem_shared>> -> memref<10240x64xf32, #tpu.memory_space<vmem_shared>>
        tpu.wait_indirect_dma semaphore(%run_scoped3A : memref<!tpu.dma_semaphore, #tpu.memory_space<semaphore_mem>>) src(%arg11 : memref<128x64xf32, #tpu.memory_space<vmem>>) dst(%dma_wait3A_183 : memref<10240x64xf32, #tpu.memory_space<vmem_shared>>)
        tpu.yield
      }) : () -> ()
      %add3A_123 = arith.constant 5 : i32
      %add3A_124 = arith.addi %add3A_112, %add3A_123 : i32
      %lt3A_125 = arith.constant 160 : i32
      %lt3A_126 = arith.cmpi slt, %add3A_124, %lt3A_125 : i32
      %convert_element_type3A_127 = arith.extui %lt3A_126 : i1 to i32
      %cond3A_128 = arith.constant 0 : i32
      %cond3A_129 = arith.cmpi ne, %convert_element_type3A_127, %cond3A_128 : i32
      scf.if %cond3A_129 {
        %add3A_172 = arith.constant 5 : i32
        %add3A_173 = arith.addi %add3A_112, %add3A_172 : i32
        %dma_start3A_174 = arith.constant 0 : i32
        %dma_start3A_175 = tpu.memref_slice %arg7[%add3A_173, %dma_start3A_174] : memref<160x128xi32, #tpu.memory_space<vmem>> -> memref<1x128xi32, #tpu.memory_space<vmem>>
        %dma_start3A_176 = tpu.memref_squeeze %dma_start3A_175 : memref<1x128xi32, #tpu.memory_space<vmem>> -> memref<128xi32, #tpu.memory_space<vmem>>
        %dma_start3A_177 = arith.constant 0 : i32
        %dma_start3A_178 = arith.constant 0 : i32
        %dma_start3A_179 = tpu.memref_slice %arg4[%arg0, %dma_start3A_177, %dma_start3A_178] : memref<2x10240x64xf32, #tpu.memory_space<hbm>> -> memref<1x10240x64xf32, #tpu.memory_space<hbm>>
        %dma_start3A_180 = tpu.memref_squeeze %dma_start3A_179 : memref<1x10240x64xf32, #tpu.memory_space<hbm>> -> memref<10240x64xf32, #tpu.memory_space<hbm>>
        %dma_start3A_181 = arith.constant 0 : i32
        %dma_start3A_182 = arith.constant 0 : i32
        %dma_start3A_183 = tpu.memref_slice %dma_start3A_180[%dma_start3A_181, %dma_start3A_182] : memref<10240x64xf32, #tpu.memory_space<hbm>> -> memref<10240x64xf32, #tpu.memory_space<hbm>>
        tpu.enqueue_indirect_dma source(%dma_start3A_183 : memref<10240x64xf32, #tpu.memory_space<hbm>>) target(%arg11 : memref<128x64xf32, #tpu.memory_space<vmem>>) offsets(%dma_start3A_176 : memref<128xi32, #tpu.memory_space<vmem>>) semaphore(%arg17 : memref<!tpu.dma_semaphore, #tpu.memory_space<semaphore_mem>>)
      } else {
      }
      %mul3A_130 = arith.constant 5 : i32
      %mul3A_131 = arith.muli %scan3A_70, %mul3A_130 : i32
      %add3A_132 = arith.constant 3 : i32
      %add3A_133 = arith.addi %mul3A_131, %add3A_132 : i32
      %dma_wait3A_134 = arith.constant 0 : i32
      %dma_wait3A_135 = tpu.memref_slice %arg7[%add3A_133, %dma_wait3A_134] : memref<160x128xi32, #tpu.memory_space<vmem>> -> memref<1x128xi32, #tpu.memory_space<vmem>>
      %dma_wait3A_136 = tpu.memref_squeeze %dma_wait3A_135 : memref<1x128xi32, #tpu.memory_space<vmem>> -> memref<128xi32, #tpu.memory_space<vmem>>
      %dma_wait3A_137 = arith.constant 0 : i32
      %dma_wait3A_138 = arith.constant 0 : i32
      %dma_wait3A_139 = tpu.memref_slice %arg4[%arg0, %dma_wait3A_137, %dma_wait3A_138] : memref<2x10240x64xf32, #tpu.memory_space<hbm>> -> memref<1x10240x64xf32, #tpu.memory_space<hbm>>
      %dma_wait3A_140 = tpu.memref_squeeze %dma_wait3A_139 : memref<1x10240x64xf32, #tpu.memory_space<hbm>> -> memref<10240x64xf32, #tpu.memory_space<hbm>>
      %dma_wait3A_141 = arith.constant 0 : i32
      %dma_wait3A_142 = arith.constant 0 : i32
      %dma_wait3A_143 = tpu.memref_slice %dma_wait3A_140[%dma_wait3A_141, %dma_wait3A_142] : memref<10240x64xf32, #tpu.memory_space<hbm>> -> memref<10240x64xf32, #tpu.memory_space<hbm>>
      tpu.wait_indirect_dma semaphore(%arg18 : memref<!tpu.dma_semaphore, #tpu.memory_space<semaphore_mem>>) src(%dma_wait3A_143 : memref<10240x64xf32, #tpu.memory_space<hbm>>) dst(%arg12 : memref<128x64xf32, #tpu.memory_space<vmem>>)
      "tpu.region"() ({
        %run_scoped3A = tpu.sem_alloc : memref<!tpu.dma_semaphore, #tpu.memory_space<semaphore_mem>>
        %dma_start3A_172 = arith.constant 0 : i32
        %dma_start3A_173 = tpu.memref_slice %arg8[%add3A_133, %dma_start3A_172] : memref<160x128xi32, #tpu.memory_space<vmem>> -> memref<1x128xi32, #tpu.memory_space<vmem>>
        %dma_start3A_174 = tpu.memref_squeeze %dma_start3A_173 : memref<1x128xi32, #tpu.memory_space<vmem>> -> memref<128xi32, #tpu.memory_space<vmem>>
        %dma_start3A_175 = arith.constant 0 : i32
        %dma_start3A_176 = arith.constant 0 : i32
        %dma_start3A_177 = tpu.memref_slice %arg14[%dma_start3A_175, %dma_start3A_176] : memref<10240x64xf32, #tpu.memory_space<vmem_shared>> -> memref<10240x64xf32, #tpu.memory_space<vmem_shared>>
        tpu.enqueue_indirect_dma source(%arg12 : memref<128x64xf32, #tpu.memory_space<vmem>>) target(%dma_start3A_177 : memref<10240x64xf32, #tpu.memory_space<vmem_shared>>) offsets(%dma_start3A_174 : memref<128xi32, #tpu.memory_space<vmem>>) semaphore(%run_scoped3A : memref<!tpu.dma_semaphore, #tpu.memory_space<semaphore_mem>>) {add = true}
        %dma_wait3A_178 = arith.constant 0 : i32
        %dma_wait3A_179 = tpu.memref_slice %arg8[%add3A_133, %dma_wait3A_178] : memref<160x128xi32, #tpu.memory_space<vmem>> -> memref<1x128xi32, #tpu.memory_space<vmem>>
        %dma_wait3A_180 = tpu.memref_squeeze %dma_wait3A_179 : memref<1x128xi32, #tpu.memory_space<vmem>> -> memref<128xi32, #tpu.memory_space<vmem>>
        %dma_wait3A_181 = arith.constant 0 : i32
        %dma_wait3A_182 = arith.constant 0 : i32
        %dma_wait3A_183 = tpu.memref_slice %arg14[%dma_wait3A_181, %dma_wait3A_182] : memref<10240x64xf32, #tpu.memory_space<vmem_shared>> -> memref<10240x64xf32, #tpu.memory_space<vmem_shared>>
        tpu.wait_indirect_dma semaphore(%run_scoped3A : memref<!tpu.dma_semaphore, #tpu.memory_space<semaphore_mem>>) src(%arg12 : memref<128x64xf32, #tpu.memory_space<vmem>>) dst(%dma_wait3A_183 : memref<10240x64xf32, #tpu.memory_space<vmem_shared>>)
        tpu.yield
      }) : () -> ()
      %add3A_144 = arith.constant 5 : i32
      %add3A_145 = arith.addi %add3A_133, %add3A_144 : i32
      %lt3A_146 = arith.constant 160 : i32
      %lt3A_147 = arith.cmpi slt, %add3A_145, %lt3A_146 : i32
      %convert_element_type3A_148 = arith.extui %lt3A_147 : i1 to i32
      %cond3A_149 = arith.constant 0 : i32
      %cond3A_150 = arith.cmpi ne, %convert_element_type3A_148, %cond3A_149 : i32
      scf.if %cond3A_150 {
        %add3A_172 = arith.constant 5 : i32
        %add3A_173 = arith.addi %add3A_133, %add3A_172 : i32
        %dma_start3A_174 = arith.constant 0 : i32
        %dma_start3A_175 = tpu.memref_slice %arg7[%add3A_173, %dma_start3A_174] : memref<160x128xi32, #tpu.memory_space<vmem>> -> memref<1x128xi32, #tpu.memory_space<vmem>>
        %dma_start3A_176 = tpu.memref_squeeze %dma_start3A_175 : memref<1x128xi32, #tpu.memory_space<vmem>> -> memref<128xi32, #tpu.memory_space<vmem>>
        %dma_start3A_177 = arith.constant 0 : i32
        %dma_start3A_178 = arith.constant 0 : i32
        %dma_start3A_179 = tpu.memref_slice %arg4[%arg0, %dma_start3A_177, %dma_start3A_178] : memref<2x10240x64xf32, #tpu.memory_space<hbm>> -> memref<1x10240x64xf32, #tpu.memory_space<hbm>>
        %dma_start3A_180 = tpu.memref_squeeze %dma_start3A_179 : memref<1x10240x64xf32, #tpu.memory_space<hbm>> -> memref<10240x64xf32, #tpu.memory_space<hbm>>
        %dma_start3A_181 = arith.constant 0 : i32
        %dma_start3A_182 = arith.constant 0 : i32
        %dma_start3A_183 = tpu.memref_slice %dma_start3A_180[%dma_start3A_181, %dma_start3A_182] : memref<10240x64xf32, #tpu.memory_space<hbm>> -> memref<10240x64xf32, #tpu.memory_space<hbm>>
        tpu.enqueue_indirect_dma source(%dma_start3A_183 : memref<10240x64xf32, #tpu.memory_space<hbm>>) target(%arg12 : memref<128x64xf32, #tpu.memory_space<vmem>>) offsets(%dma_start3A_176 : memref<128xi32, #tpu.memory_space<vmem>>) semaphore(%arg18 : memref<!tpu.dma_semaphore, #tpu.memory_space<semaphore_mem>>)
      } else {
      }
      %mul3A_151 = arith.constant 5 : i32
      %mul3A_152 = arith.muli %scan3A_70, %mul3A_151 : i32
      %add3A_153 = arith.constant 4 : i32
      %add3A_154 = arith.addi %mul3A_152, %add3A_153 : i32
      %dma_wait3A_155 = arith.constant 0 : i32
      %dma_wait3A_156 = tpu.memref_slice %arg7[%add3A_154, %dma_wait3A_155] : memref<160x128xi32, #tpu.memory_space<vmem>> -> memref<1x128xi32, #tpu.memory_space<vmem>>
      %dma_wait3A_157 = tpu.memref_squeeze %dma_wait3A_156 : memref<1x128xi32, #tpu.memory_space<vmem>> -> memref<128xi32, #tpu.memory_space<vmem>>
      %dma_wait3A_158 = arith.constant 0 : i32
      %dma_wait3A_159 = arith.constant 0 : i32
      %dma_wait3A_160 = tpu.memref_slice %arg4[%arg0, %dma_wait3A_158, %dma_wait3A_159] : memref<2x10240x64xf32, #tpu.memory_space<hbm>> -> memref<1x10240x64xf32, #tpu.memory_space<hbm>>
      %dma_wait3A_161 = tpu.memref_squeeze %dma_wait3A_160 : memref<1x10240x64xf32, #tpu.memory_space<hbm>> -> memref<10240x64xf32, #tpu.memory_space<hbm>>
      %dma_wait3A_162 = arith.constant 0 : i32
      %dma_wait3A_163 = arith.constant 0 : i32
      %dma_wait3A_164 = tpu.memref_slice %dma_wait3A_161[%dma_wait3A_162, %dma_wait3A_163] : memref<10240x64xf32, #tpu.memory_space<hbm>> -> memref<10240x64xf32, #tpu.memory_space<hbm>>
      tpu.wait_indirect_dma semaphore(%arg19 : memref<!tpu.dma_semaphore, #tpu.memory_space<semaphore_mem>>) src(%dma_wait3A_164 : memref<10240x64xf32, #tpu.memory_space<hbm>>) dst(%arg13 : memref<128x64xf32, #tpu.memory_space<vmem>>)
      "tpu.region"() ({
        %run_scoped3A = tpu.sem_alloc : memref<!tpu.dma_semaphore, #tpu.memory_space<semaphore_mem>>
        %dma_start3A_172 = arith.constant 0 : i32
        %dma_start3A_173 = tpu.memref_slice %arg8[%add3A_154, %dma_start3A_172] : memref<160x128xi32, #tpu.memory_space<vmem>> -> memref<1x128xi32, #tpu.memory_space<vmem>>
        %dma_start3A_174 = tpu.memref_squeeze %dma_start3A_173 : memref<1x128xi32, #tpu.memory_space<vmem>> -> memref<128xi32, #tpu.memory_space<vmem>>
        %dma_start3A_175 = arith.constant 0 : i32
        %dma_start3A_176 = arith.constant 0 : i32
        %dma_start3A_177 = tpu.memref_slice %arg14[%dma_start3A_175, %dma_start3A_176] : memref<10240x64xf32, #tpu.memory_space<vmem_shared>> -> memref<10240x64xf32, #tpu.memory_space<vmem_shared>>
        tpu.enqueue_indirect_dma source(%arg13 : memref<128x64xf32, #tpu.memory_space<vmem>>) target(%dma_start3A_177 : memref<10240x64xf32, #tpu.memory_space<vmem_shared>>) offsets(%dma_start3A_174 : memref<128xi32, #tpu.memory_space<vmem>>) semaphore(%run_scoped3A : memref<!tpu.dma_semaphore, #tpu.memory_space<semaphore_mem>>) {add = true}
        %dma_wait3A_178 = arith.constant 0 : i32
        %dma_wait3A_179 = tpu.memref_slice %arg8[%add3A_154, %dma_wait3A_178] : memref<160x128xi32, #tpu.memory_space<vmem>> -> memref<1x128xi32, #tpu.memory_space<vmem>>
        %dma_wait3A_180 = tpu.memref_squeeze %dma_wait3A_179 : memref<1x128xi32, #tpu.memory_space<vmem>> -> memref<128xi32, #tpu.memory_space<vmem>>
        %dma_wait3A_181 = arith.constant 0 : i32
        %dma_wait3A_182 = arith.constant 0 : i32
        %dma_wait3A_183 = tpu.memref_slice %arg14[%dma_wait3A_181, %dma_wait3A_182] : memref<10240x64xf32, #tpu.memory_space<vmem_shared>> -> memref<10240x64xf32, #tpu.memory_space<vmem_shared>>
        tpu.wait_indirect_dma semaphore(%run_scoped3A : memref<!tpu.dma_semaphore, #tpu.memory_space<semaphore_mem>>) src(%arg13 : memref<128x64xf32, #tpu.memory_space<vmem>>) dst(%dma_wait3A_183 : memref<10240x64xf32, #tpu.memory_space<vmem_shared>>)
        tpu.yield
      }) : () -> ()
      %add3A_165 = arith.constant 5 : i32
      %add3A_166 = arith.addi %add3A_154, %add3A_165 : i32
      %lt3A_167 = arith.constant 160 : i32
      %lt3A_168 = arith.cmpi slt, %add3A_166, %lt3A_167 : i32
      %convert_element_type3A_169 = arith.extui %lt3A_168 : i1 to i32
      %cond3A_170 = arith.constant 0 : i32
      %cond3A_171 = arith.cmpi ne, %convert_element_type3A_169, %cond3A_170 : i32
      scf.if %cond3A_171 {
        %add3A_172 = arith.constant 5 : i32
        %add3A_173 = arith.addi %add3A_154, %add3A_172 : i32
        %dma_start3A_174 = arith.constant 0 : i32
        %dma_start3A_175 = tpu.memref_slice %arg7[%add3A_173, %dma_start3A_174] : memref<160x128xi32, #tpu.memory_space<vmem>> -> memref<1x128xi32, #tpu.memory_space<vmem>>
        %dma_start3A_176 = tpu.memref_squeeze %dma_start3A_175 : memref<1x128xi32, #tpu.memory_space<vmem>> -> memref<128xi32, #tpu.memory_space<vmem>>
        %dma_start3A_177 = arith.constant 0 : i32
        %dma_start3A_178 = arith.constant 0 : i32
        %dma_start3A_179 = tpu.memref_slice %arg4[%arg0, %dma_start3A_177, %dma_start3A_178] : memref<2x10240x64xf32, #tpu.memory_space<hbm>> -> memref<1x10240x64xf32, #tpu.memory_space<hbm>>
        %dma_start3A_180 = tpu.memref_squeeze %dma_start3A_179 : memref<1x10240x64xf32, #tpu.memory_space<hbm>> -> memref<10240x64xf32, #tpu.memory_space<hbm>>
        %dma_start3A_181 = arith.constant 0 : i32
        %dma_start3A_182 = arith.constant 0 : i32
        %dma_start3A_183 = tpu.memref_slice %dma_start3A_180[%dma_start3A_181, %dma_start3A_182] : memref<10240x64xf32, #tpu.memory_space<hbm>> -> memref<10240x64xf32, #tpu.memory_space<hbm>>
        tpu.enqueue_indirect_dma source(%dma_start3A_183 : memref<10240x64xf32, #tpu.memory_space<hbm>>) target(%arg13 : memref<128x64xf32, #tpu.memory_space<vmem>>) offsets(%dma_start3A_176 : memref<128xi32, #tpu.memory_space<vmem>>) semaphore(%arg19 : memref<!tpu.dma_semaphore, #tpu.memory_space<semaphore_mem>>)
      } else {
      }
    }
    %scan3A_68 = arith.constant 32 : i32
    %barrier3A_69 = arith.constant 0 : index
    tpu.barrier barrier_id(%barrier3A_69)
    "tpu.region"() ({
      %run_scoped3A = tpu.sem_alloc : memref<!tpu.dma_semaphore, #tpu.memory_space<semaphore_mem>>
      %dma_start3A_70 = arith.constant 0 : i32
      %dma_start3A_71 = tpu.memref_slice %arg6[%arg0, %mul3A_0, %dma_start3A_70] : memref<2x10240x64xf32, #tpu.memory_space<hbm>> -> memref<1x640x64xf32, #tpu.memory_space<hbm>>
      %dma_start3A_72 = tpu.memref_squeeze %dma_start3A_71 : memref<1x640x64xf32, #tpu.memory_space<hbm>> -> memref<640x64xf32, #tpu.memory_space<hbm>>
      %dma_start3A_73 = arith.constant 0 : i32
      %dma_start3A_74 = tpu.memref_slice %arg14[%mul3A_0, %dma_start3A_73] : memref<10240x64xf32, #tpu.memory_space<vmem_shared>> -> memref<640x64xf32, #tpu.memory_space<vmem_shared>>
      tpu.enqueue_dma source(%dma_start3A_74 : memref<640x64xf32, #tpu.memory_space<vmem_shared>>) target(%dma_start3A_72 : memref<640x64xf32, #tpu.memory_space<hbm>>) target_semaphore(%run_scoped3A : memref<!tpu.dma_semaphore, #tpu.memory_space<semaphore_mem>>)
      %dma_wait3A = arith.constant 0 : i32
      %dma_wait3A_75 = tpu.memref_slice %arg6[%arg0, %mul3A_0, %dma_wait3A] : memref<2x10240x64xf32, #tpu.memory_space<hbm>> -> memref<1x640x64xf32, #tpu.memory_space<hbm>>
      %dma_wait3A_76 = tpu.memref_squeeze %dma_wait3A_75 : memref<1x640x64xf32, #tpu.memory_space<hbm>> -> memref<640x64xf32, #tpu.memory_space<hbm>>
      %dma_wait3A_77 = arith.constant 0 : i32
      %dma_wait3A_78 = tpu.memref_slice %arg14[%mul3A_0, %dma_wait3A_77] : memref<10240x64xf32, #tpu.memory_space<vmem_shared>> -> memref<640x64xf32, #tpu.memory_space<vmem_shared>>
      tpu.wait_dma2 semaphore(%run_scoped3A : memref<!tpu.dma_semaphore, #tpu.memory_space<semaphore_mem>>) src(%dma_wait3A_78 : memref<640x64xf32, #tpu.memory_space<vmem_shared>>) dst(%dma_wait3A_76 : memref<640x64xf32, #tpu.memory_space<hbm>>)
      tpu.yield
    }) : () -> ()
    return
  }
}

#map = affine_map<(d0, d1) -> (0, 0, 0)>
#map1 = affine_map<(d0, d1) -> (0, 0)>
module attributes {stable_mosaic.version = 14 : i64} {
  func.func @_degree_kernel(%arg0: i32, %arg1: i32, %arg2: memref<32x80x128xi32, #tpu.memory_space<hbm>>, %arg3: memref<128x16xf32, #tpu.memory_space<hbm>>, %arg4: memref<128x16xf32, #tpu.memory_space<hbm>>, %arg5: memref<2x10240x16xf32, #tpu.memory_space<hbm>>, %arg6: memref<80x128xi32, #tpu.memory_space<vmem>>, %arg7: memref<128x16xf32, #tpu.memory_space<vmem>>, %arg8: memref<10240x16xf32, #tpu.memory_space<vmem_shared>>) attributes {dimension_semantics = [#tpu.dimension_semantics<core_parallel>, #tpu.dimension_semantics<subcore_parallel>], iteration_bounds = array<i64: 2, 16>, scalar_prefetch = 0 : i64, scratch_operands = 3 : i64, tpu.core_type = #tpu.core_type<sc_vector_subcore>, window_params = [{transform_indices = #map}, {transform_indices = #map1}, {transform_indices = #map1}, {transform_indices = #map}]} {
    %mul3A = arith.constant 16 : i32
    %mul3A_0 = arith.muli %arg0, %mul3A : i32
    %add3A = arith.addi %mul3A_0, %arg1 : i32
    "tpu.region"() ({
      %run_scoped3A = tpu.sem_alloc : memref<!tpu.dma_semaphore, #tpu.memory_space<semaphore_mem>>
      %dma_start3A = arith.constant 0 : i32
      %dma_start3A_19 = arith.constant 0 : i32
      %dma_start3A_20 = tpu.memref_slice %arg2[%add3A, %dma_start3A, %dma_start3A_19] : memref<32x80x128xi32, #tpu.memory_space<hbm>> -> memref<1x80x128xi32, #tpu.memory_space<hbm>>
      %dma_start3A_21 = tpu.memref_squeeze %dma_start3A_20 : memref<1x80x128xi32, #tpu.memory_space<hbm>> -> memref<80x128xi32, #tpu.memory_space<hbm>>
      %dma_start3A_22 = arith.constant 0 : i32
      %dma_start3A_23 = arith.constant 0 : i32
      %dma_start3A_24 = tpu.memref_slice %arg2[%add3A, %dma_start3A_22, %dma_start3A_23] : memref<32x80x128xi32, #tpu.memory_space<hbm>> -> memref<1x80x128xi32, #tpu.memory_space<hbm>>
      %dma_start3A_25 = tpu.memref_squeeze %dma_start3A_24 : memref<1x80x128xi32, #tpu.memory_space<hbm>> -> memref<80x128xi32, #tpu.memory_space<hbm>>
      tpu.enqueue_dma source(%dma_start3A_25 : memref<80x128xi32, #tpu.memory_space<hbm>>) target(%arg6 : memref<80x128xi32, #tpu.memory_space<vmem>>) target_semaphore(%run_scoped3A : memref<!tpu.dma_semaphore, #tpu.memory_space<semaphore_mem>>)
      %dma_wait3A = arith.constant 0 : i32
      %dma_wait3A_26 = arith.constant 0 : i32
      %dma_wait3A_27 = tpu.memref_slice %arg2[%add3A, %dma_wait3A, %dma_wait3A_26] : memref<32x80x128xi32, #tpu.memory_space<hbm>> -> memref<1x80x128xi32, #tpu.memory_space<hbm>>
      %dma_wait3A_28 = tpu.memref_squeeze %dma_wait3A_27 : memref<1x80x128xi32, #tpu.memory_space<hbm>> -> memref<80x128xi32, #tpu.memory_space<hbm>>
      %dma_wait3A_29 = arith.constant 0 : i32
      %dma_wait3A_30 = arith.constant 0 : i32
      %dma_wait3A_31 = tpu.memref_slice %arg2[%add3A, %dma_wait3A_29, %dma_wait3A_30] : memref<32x80x128xi32, #tpu.memory_space<hbm>> -> memref<1x80x128xi32, #tpu.memory_space<hbm>>
      %dma_wait3A_32 = tpu.memref_squeeze %dma_wait3A_31 : memref<1x80x128xi32, #tpu.memory_space<hbm>> -> memref<80x128xi32, #tpu.memory_space<hbm>>
      tpu.wait_dma2 semaphore(%run_scoped3A : memref<!tpu.dma_semaphore, #tpu.memory_space<semaphore_mem>>) src(%dma_wait3A_32 : memref<80x128xi32, #tpu.memory_space<hbm>>) dst(%arg6 : memref<80x128xi32, #tpu.memory_space<vmem>>)
      tpu.yield
    }) : () -> ()
    "tpu.region"() ({
      %run_scoped3A = tpu.sem_alloc : memref<!tpu.dma_semaphore, #tpu.memory_space<semaphore_mem>>
      tpu.enqueue_dma source(%arg3 : memref<128x16xf32, #tpu.memory_space<hbm>>) target(%arg7 : memref<128x16xf32, #tpu.memory_space<vmem>>) target_semaphore(%run_scoped3A : memref<!tpu.dma_semaphore, #tpu.memory_space<semaphore_mem>>)
      tpu.wait_dma2 semaphore(%run_scoped3A : memref<!tpu.dma_semaphore, #tpu.memory_space<semaphore_mem>>) src(%arg3 : memref<128x16xf32, #tpu.memory_space<hbm>>) dst(%arg7 : memref<128x16xf32, #tpu.memory_space<vmem>>)
      tpu.yield
    }) : () -> ()
    %mul3A_1 = arith.constant 640 : i32
    %mul3A_2 = arith.muli %arg1, %mul3A_1 : i32
    %add3A_3 = arith.constant 0 : i32
    %add3A_4 = arith.addi %mul3A_2, %add3A_3 : i32
    "tpu.region"() ({
      %run_scoped3A = tpu.sem_alloc : memref<!tpu.dma_semaphore, #tpu.memory_space<semaphore_mem>>
      %dma_start3A = arith.constant 0 : i32
      %dma_start3A_19 = tpu.memref_slice %arg8[%add3A_4, %dma_start3A] : memref<10240x16xf32, #tpu.memory_space<vmem_shared>> -> memref<128x16xf32, #tpu.memory_space<vmem_shared>>
      %dma_start3A_20 = arith.constant 0 : i32
      %dma_start3A_21 = tpu.memref_slice %arg8[%add3A_4, %dma_start3A_20] : memref<10240x16xf32, #tpu.memory_space<vmem_shared>> -> memref<128x16xf32, #tpu.memory_space<vmem_shared>>
      tpu.enqueue_dma source(%arg7 : memref<128x16xf32, #tpu.memory_space<vmem>>) target(%dma_start3A_21 : memref<128x16xf32, #tpu.memory_space<vmem_shared>>) target_semaphore(%run_scoped3A : memref<!tpu.dma_semaphore, #tpu.memory_space<semaphore_mem>>)
      %dma_wait3A = arith.constant 0 : i32
      %dma_wait3A_22 = tpu.memref_slice %arg8[%add3A_4, %dma_wait3A] : memref<10240x16xf32, #tpu.memory_space<vmem_shared>> -> memref<128x16xf32, #tpu.memory_space<vmem_shared>>
      %dma_wait3A_23 = arith.constant 0 : i32
      %dma_wait3A_24 = tpu.memref_slice %arg8[%add3A_4, %dma_wait3A_23] : memref<10240x16xf32, #tpu.memory_space<vmem_shared>> -> memref<128x16xf32, #tpu.memory_space<vmem_shared>>
      tpu.wait_dma2 semaphore(%run_scoped3A : memref<!tpu.dma_semaphore, #tpu.memory_space<semaphore_mem>>) src(%arg7 : memref<128x16xf32, #tpu.memory_space<vmem>>) dst(%dma_wait3A_24 : memref<128x16xf32, #tpu.memory_space<vmem_shared>>)
      tpu.yield
    }) : () -> ()
    %add3A_5 = arith.constant 128 : i32
    %add3A_6 = arith.addi %mul3A_2, %add3A_5 : i32
    "tpu.region"() ({
      %run_scoped3A = tpu.sem_alloc : memref<!tpu.dma_semaphore, #tpu.memory_space<semaphore_mem>>
      %dma_start3A = arith.constant 0 : i32
      %dma_start3A_19 = tpu.memref_slice %arg8[%add3A_6, %dma_start3A] : memref<10240x16xf32, #tpu.memory_space<vmem_shared>> -> memref<128x16xf32, #tpu.memory_space<vmem_shared>>
      %dma_start3A_20 = arith.constant 0 : i32
      %dma_start3A_21 = tpu.memref_slice %arg8[%add3A_6, %dma_start3A_20] : memref<10240x16xf32, #tpu.memory_space<vmem_shared>> -> memref<128x16xf32, #tpu.memory_space<vmem_shared>>
      tpu.enqueue_dma source(%arg7 : memref<128x16xf32, #tpu.memory_space<vmem>>) target(%dma_start3A_21 : memref<128x16xf32, #tpu.memory_space<vmem_shared>>) target_semaphore(%run_scoped3A : memref<!tpu.dma_semaphore, #tpu.memory_space<semaphore_mem>>)
      %dma_wait3A = arith.constant 0 : i32
      %dma_wait3A_22 = tpu.memref_slice %arg8[%add3A_6, %dma_wait3A] : memref<10240x16xf32, #tpu.memory_space<vmem_shared>> -> memref<128x16xf32, #tpu.memory_space<vmem_shared>>
      %dma_wait3A_23 = arith.constant 0 : i32
      %dma_wait3A_24 = tpu.memref_slice %arg8[%add3A_6, %dma_wait3A_23] : memref<10240x16xf32, #tpu.memory_space<vmem_shared>> -> memref<128x16xf32, #tpu.memory_space<vmem_shared>>
      tpu.wait_dma2 semaphore(%run_scoped3A : memref<!tpu.dma_semaphore, #tpu.memory_space<semaphore_mem>>) src(%arg7 : memref<128x16xf32, #tpu.memory_space<vmem>>) dst(%dma_wait3A_24 : memref<128x16xf32, #tpu.memory_space<vmem_shared>>)
      tpu.yield
    }) : () -> ()
    %add3A_7 = arith.constant 256 : i32
    %add3A_8 = arith.addi %mul3A_2, %add3A_7 : i32
    "tpu.region"() ({
      %run_scoped3A = tpu.sem_alloc : memref<!tpu.dma_semaphore, #tpu.memory_space<semaphore_mem>>
      %dma_start3A = arith.constant 0 : i32
      %dma_start3A_19 = tpu.memref_slice %arg8[%add3A_8, %dma_start3A] : memref<10240x16xf32, #tpu.memory_space<vmem_shared>> -> memref<128x16xf32, #tpu.memory_space<vmem_shared>>
      %dma_start3A_20 = arith.constant 0 : i32
      %dma_start3A_21 = tpu.memref_slice %arg8[%add3A_8, %dma_start3A_20] : memref<10240x16xf32, #tpu.memory_space<vmem_shared>> -> memref<128x16xf32, #tpu.memory_space<vmem_shared>>
      tpu.enqueue_dma source(%arg7 : memref<128x16xf32, #tpu.memory_space<vmem>>) target(%dma_start3A_21 : memref<128x16xf32, #tpu.memory_space<vmem_shared>>) target_semaphore(%run_scoped3A : memref<!tpu.dma_semaphore, #tpu.memory_space<semaphore_mem>>)
      %dma_wait3A = arith.constant 0 : i32
      %dma_wait3A_22 = tpu.memref_slice %arg8[%add3A_8, %dma_wait3A] : memref<10240x16xf32, #tpu.memory_space<vmem_shared>> -> memref<128x16xf32, #tpu.memory_space<vmem_shared>>
      %dma_wait3A_23 = arith.constant 0 : i32
      %dma_wait3A_24 = tpu.memref_slice %arg8[%add3A_8, %dma_wait3A_23] : memref<10240x16xf32, #tpu.memory_space<vmem_shared>> -> memref<128x16xf32, #tpu.memory_space<vmem_shared>>
      tpu.wait_dma2 semaphore(%run_scoped3A : memref<!tpu.dma_semaphore, #tpu.memory_space<semaphore_mem>>) src(%arg7 : memref<128x16xf32, #tpu.memory_space<vmem>>) dst(%dma_wait3A_24 : memref<128x16xf32, #tpu.memory_space<vmem_shared>>)
      tpu.yield
    }) : () -> ()
    %add3A_9 = arith.constant 384 : i32
    %add3A_10 = arith.addi %mul3A_2, %add3A_9 : i32
    "tpu.region"() ({
      %run_scoped3A = tpu.sem_alloc : memref<!tpu.dma_semaphore, #tpu.memory_space<semaphore_mem>>
      %dma_start3A = arith.constant 0 : i32
      %dma_start3A_19 = tpu.memref_slice %arg8[%add3A_10, %dma_start3A] : memref<10240x16xf32, #tpu.memory_space<vmem_shared>> -> memref<128x16xf32, #tpu.memory_space<vmem_shared>>
      %dma_start3A_20 = arith.constant 0 : i32
      %dma_start3A_21 = tpu.memref_slice %arg8[%add3A_10, %dma_start3A_20] : memref<10240x16xf32, #tpu.memory_space<vmem_shared>> -> memref<128x16xf32, #tpu.memory_space<vmem_shared>>
      tpu.enqueue_dma source(%arg7 : memref<128x16xf32, #tpu.memory_space<vmem>>) target(%dma_start3A_21 : memref<128x16xf32, #tpu.memory_space<vmem_shared>>) target_semaphore(%run_scoped3A : memref<!tpu.dma_semaphore, #tpu.memory_space<semaphore_mem>>)
      %dma_wait3A = arith.constant 0 : i32
      %dma_wait3A_22 = tpu.memref_slice %arg8[%add3A_10, %dma_wait3A] : memref<10240x16xf32, #tpu.memory_space<vmem_shared>> -> memref<128x16xf32, #tpu.memory_space<vmem_shared>>
      %dma_wait3A_23 = arith.constant 0 : i32
      %dma_wait3A_24 = tpu.memref_slice %arg8[%add3A_10, %dma_wait3A_23] : memref<10240x16xf32, #tpu.memory_space<vmem_shared>> -> memref<128x16xf32, #tpu.memory_space<vmem_shared>>
      tpu.wait_dma2 semaphore(%run_scoped3A : memref<!tpu.dma_semaphore, #tpu.memory_space<semaphore_mem>>) src(%arg7 : memref<128x16xf32, #tpu.memory_space<vmem>>) dst(%dma_wait3A_24 : memref<128x16xf32, #tpu.memory_space<vmem_shared>>)
      tpu.yield
    }) : () -> ()
    %add3A_11 = arith.constant 512 : i32
    %add3A_12 = arith.addi %mul3A_2, %add3A_11 : i32
    "tpu.region"() ({
      %run_scoped3A = tpu.sem_alloc : memref<!tpu.dma_semaphore, #tpu.memory_space<semaphore_mem>>
      %dma_start3A = arith.constant 0 : i32
      %dma_start3A_19 = tpu.memref_slice %arg8[%add3A_12, %dma_start3A] : memref<10240x16xf32, #tpu.memory_space<vmem_shared>> -> memref<128x16xf32, #tpu.memory_space<vmem_shared>>
      %dma_start3A_20 = arith.constant 0 : i32
      %dma_start3A_21 = tpu.memref_slice %arg8[%add3A_12, %dma_start3A_20] : memref<10240x16xf32, #tpu.memory_space<vmem_shared>> -> memref<128x16xf32, #tpu.memory_space<vmem_shared>>
      tpu.enqueue_dma source(%arg7 : memref<128x16xf32, #tpu.memory_space<vmem>>) target(%dma_start3A_21 : memref<128x16xf32, #tpu.memory_space<vmem_shared>>) target_semaphore(%run_scoped3A : memref<!tpu.dma_semaphore, #tpu.memory_space<semaphore_mem>>)
      %dma_wait3A = arith.constant 0 : i32
      %dma_wait3A_22 = tpu.memref_slice %arg8[%add3A_12, %dma_wait3A] : memref<10240x16xf32, #tpu.memory_space<vmem_shared>> -> memref<128x16xf32, #tpu.memory_space<vmem_shared>>
      %dma_wait3A_23 = arith.constant 0 : i32
      %dma_wait3A_24 = tpu.memref_slice %arg8[%add3A_12, %dma_wait3A_23] : memref<10240x16xf32, #tpu.memory_space<vmem_shared>> -> memref<128x16xf32, #tpu.memory_space<vmem_shared>>
      tpu.wait_dma2 semaphore(%run_scoped3A : memref<!tpu.dma_semaphore, #tpu.memory_space<semaphore_mem>>) src(%arg7 : memref<128x16xf32, #tpu.memory_space<vmem>>) dst(%dma_wait3A_24 : memref<128x16xf32, #tpu.memory_space<vmem_shared>>)
      tpu.yield
    }) : () -> ()
    %barrier3A = arith.constant 0 : index
    tpu.barrier barrier_id(%barrier3A)
    "tpu.region"() ({
      %run_scoped3A = tpu.sem_alloc : memref<!tpu.dma_semaphore, #tpu.memory_space<semaphore_mem>>
      tpu.enqueue_dma source(%arg4 : memref<128x16xf32, #tpu.memory_space<hbm>>) target(%arg7 : memref<128x16xf32, #tpu.memory_space<vmem>>) target_semaphore(%run_scoped3A : memref<!tpu.dma_semaphore, #tpu.memory_space<semaphore_mem>>)
      tpu.wait_dma2 semaphore(%run_scoped3A : memref<!tpu.dma_semaphore, #tpu.memory_space<semaphore_mem>>) src(%arg4 : memref<128x16xf32, #tpu.memory_space<hbm>>) dst(%arg7 : memref<128x16xf32, #tpu.memory_space<vmem>>)
      tpu.yield
    }) : () -> ()
    %scan3A = arith.constant 0 : i32
    %scan3A_13 = arith.constant 0 : i32
    %scan3A_14 = arith.constant 80 : i32
    %scan3A_15 = arith.addi %scan3A_13, %scan3A_14 : i32
    %scan3A_16 = arith.constant 1 : i32
    scf.for %scan3A_19 = %scan3A_13 to %scan3A_15 step %scan3A_16  : i32 {
      "tpu.region"() ({
        %run_scoped3A = tpu.sem_alloc : memref<!tpu.dma_semaphore, #tpu.memory_space<semaphore_mem>>
        %dma_start3A = arith.constant 0 : i32
        %dma_start3A_20 = tpu.memref_slice %arg6[%scan3A_19, %dma_start3A] : memref<80x128xi32, #tpu.memory_space<vmem>> -> memref<1x128xi32, #tpu.memory_space<vmem>>
        %dma_start3A_21 = tpu.memref_squeeze %dma_start3A_20 : memref<1x128xi32, #tpu.memory_space<vmem>> -> memref<128xi32, #tpu.memory_space<vmem>>
        %dma_start3A_22 = arith.constant 0 : i32
        %dma_start3A_23 = arith.constant 0 : i32
        %dma_start3A_24 = tpu.memref_slice %arg8[%dma_start3A_22, %dma_start3A_23] : memref<10240x16xf32, #tpu.memory_space<vmem_shared>> -> memref<10240x16xf32, #tpu.memory_space<vmem_shared>>
        tpu.enqueue_indirect_dma source(%arg7 : memref<128x16xf32, #tpu.memory_space<vmem>>) target(%dma_start3A_24 : memref<10240x16xf32, #tpu.memory_space<vmem_shared>>) offsets(%dma_start3A_21 : memref<128xi32, #tpu.memory_space<vmem>>) semaphore(%run_scoped3A : memref<!tpu.dma_semaphore, #tpu.memory_space<semaphore_mem>>) {add = true}
        %dma_wait3A = arith.constant 0 : i32
        %dma_wait3A_25 = tpu.memref_slice %arg6[%scan3A_19, %dma_wait3A] : memref<80x128xi32, #tpu.memory_space<vmem>> -> memref<1x128xi32, #tpu.memory_space<vmem>>
        %dma_wait3A_26 = tpu.memref_squeeze %dma_wait3A_25 : memref<1x128xi32, #tpu.memory_space<vmem>> -> memref<128xi32, #tpu.memory_space<vmem>>
        %dma_wait3A_27 = arith.constant 0 : i32
        %dma_wait3A_28 = arith.constant 0 : i32
        %dma_wait3A_29 = tpu.memref_slice %arg8[%dma_wait3A_27, %dma_wait3A_28] : memref<10240x16xf32, #tpu.memory_space<vmem_shared>> -> memref<10240x16xf32, #tpu.memory_space<vmem_shared>>
        tpu.wait_indirect_dma semaphore(%run_scoped3A : memref<!tpu.dma_semaphore, #tpu.memory_space<semaphore_mem>>) src(%arg7 : memref<128x16xf32, #tpu.memory_space<vmem>>) dst(%dma_wait3A_29 : memref<10240x16xf32, #tpu.memory_space<vmem_shared>>)
        tpu.yield
      }) : () -> ()
    }
    %scan3A_17 = arith.constant 80 : i32
    %barrier3A_18 = arith.constant 0 : index
    tpu.barrier barrier_id(%barrier3A_18)
    "tpu.region"() ({
      %run_scoped3A = tpu.sem_alloc : memref<!tpu.dma_semaphore, #tpu.memory_space<semaphore_mem>>
      %dma_start3A = arith.constant 0 : i32
      %dma_start3A_19 = tpu.memref_slice %arg5[%arg0, %mul3A_2, %dma_start3A] : memref<2x10240x16xf32, #tpu.memory_space<hbm>> -> memref<1x640x16xf32, #tpu.memory_space<hbm>>
      %dma_start3A_20 = tpu.memref_squeeze %dma_start3A_19 : memref<1x640x16xf32, #tpu.memory_space<hbm>> -> memref<640x16xf32, #tpu.memory_space<hbm>>
      %dma_start3A_21 = arith.constant 0 : i32
      %dma_start3A_22 = tpu.memref_slice %arg8[%mul3A_2, %dma_start3A_21] : memref<10240x16xf32, #tpu.memory_space<vmem_shared>> -> memref<640x16xf32, #tpu.memory_space<vmem_shared>>
      tpu.enqueue_dma source(%dma_start3A_22 : memref<640x16xf32, #tpu.memory_space<vmem_shared>>) target(%dma_start3A_20 : memref<640x16xf32, #tpu.memory_space<hbm>>) target_semaphore(%run_scoped3A : memref<!tpu.dma_semaphore, #tpu.memory_space<semaphore_mem>>)
      %dma_wait3A = arith.constant 0 : i32
      %dma_wait3A_23 = tpu.memref_slice %arg5[%arg0, %mul3A_2, %dma_wait3A] : memref<2x10240x16xf32, #tpu.memory_space<hbm>> -> memref<1x640x16xf32, #tpu.memory_space<hbm>>
      %dma_wait3A_24 = tpu.memref_squeeze %dma_wait3A_23 : memref<1x640x16xf32, #tpu.memory_space<hbm>> -> memref<640x16xf32, #tpu.memory_space<hbm>>
      %dma_wait3A_25 = arith.constant 0 : i32
      %dma_wait3A_26 = tpu.memref_slice %arg8[%mul3A_2, %dma_wait3A_25] : memref<10240x16xf32, #tpu.memory_space<vmem_shared>> -> memref<640x16xf32, #tpu.memory_space<vmem_shared>>
      tpu.wait_dma2 semaphore(%run_scoped3A : memref<!tpu.dma_semaphore, #tpu.memory_space<semaphore_mem>>) src(%dma_wait3A_26 : memref<640x16xf32, #tpu.memory_space<vmem_shared>>) dst(%dma_wait3A_24 : memref<640x16xf32, #tpu.memory_space<hbm>>)
      tpu.yield
    }) : () -> ()
    return
  }
}

#map = affine_map<(d0, d1) -> (0, 0, 0)>
#map1 = affine_map<(d0, d1) -> (0, 0)>
module attributes {stable_mosaic.version = 14 : i64} {
  func.func @_propagate_kernel(%arg0: i32, %arg1: i32, %arg2: memref<16x160x128xi32, #tpu.memory_space<hbm>>, %arg3: memref<16x160x128xi32, #tpu.memory_space<hbm>>, %arg4: memref<2x10240x64xf32, #tpu.memory_space<hbm>>, %arg5: memref<128x64xf32, #tpu.memory_space<hbm>>, %arg6: memref<2x10240x64xf32, #tpu.memory_space<hbm>>, %arg7: memref<160x128xi32, #tpu.memory_space<vmem>>, %arg8: memref<160x128xi32, #tpu.memory_space<vmem>>, %arg9: memref<128x64xf32, #tpu.memory_space<vmem>>, %arg10: memref<128x64xf32, #tpu.memory_space<vmem>>, %arg11: memref<128x64xf32, #tpu.memory_space<vmem>>, %arg12: memref<128x64xf32, #tpu.memory_space<vmem>>, %arg13: memref<128x64xf32, #tpu.memory_space<vmem>>, %arg14: memref<10240x64xf32, #tpu.memory_space<vmem_shared>>, %arg15: memref<!tpu.dma_semaphore, #tpu.memory_space<semaphore_mem>>, %arg16: memref<!tpu.dma_semaphore, #tpu.memory_space<semaphore_mem>>, %arg17: memref<!tpu.dma_semaphore, #tpu.memory_space<semaphore_mem>>, %arg18: memref<!tpu.dma_semaphore, #tpu.memory_space<semaphore_mem>>, %arg19: memref<!tpu.dma_semaphore, #tpu.memory_space<semaphore_mem>>) attributes {dimension_semantics = [#tpu.dimension_semantics<core_parallel>, #tpu.dimension_semantics<subcore_parallel>], iteration_bounds = array<i64: 2, 16>, scalar_prefetch = 0 : i64, scratch_operands = 13 : i64, tpu.core_type = #tpu.core_type<sc_vector_subcore>, window_params = [{transform_indices = #map}, {transform_indices = #map}, {transform_indices = #map}, {transform_indices = #map1}, {transform_indices = #map}]} {
    "tpu.region"() ({
      %run_scoped3A = tpu.sem_alloc : memref<!tpu.dma_semaphore, #tpu.memory_space<semaphore_mem>>
      %dma_start3A_70 = arith.constant 0 : i32
      %dma_start3A_71 = arith.constant 0 : i32
      %dma_start3A_72 = tpu.memref_slice %arg2[%arg1, %dma_start3A_70, %dma_start3A_71] : memref<16x160x128xi32, #tpu.memory_space<hbm>> -> memref<1x160x128xi32, #tpu.memory_space<hbm>>
      %dma_start3A_73 = tpu.memref_squeeze %dma_start3A_72 : memref<1x160x128xi32, #tpu.memory_space<hbm>> -> memref<160x128xi32, #tpu.memory_space<hbm>>
      %dma_start3A_74 = arith.constant 0 : i32
      %dma_start3A_75 = arith.constant 0 : i32
      %dma_start3A_76 = tpu.memref_slice %arg2[%arg1, %dma_start3A_74, %dma_start3A_75] : memref<16x160x128xi32, #tpu.memory_space<hbm>> -> memref<1x160x128xi32, #tpu.memory_space<hbm>>
      %dma_start3A_77 = tpu.memref_squeeze %dma_start3A_76 : memref<1x160x128xi32, #tpu.memory_space<hbm>> -> memref<160x128xi32, #tpu.memory_space<hbm>>
      tpu.enqueue_dma source(%dma_start3A_77 : memref<160x128xi32, #tpu.memory_space<hbm>>) target(%arg7 : memref<160x128xi32, #tpu.memory_space<vmem>>) target_semaphore(%run_scoped3A : memref<!tpu.dma_semaphore, #tpu.memory_space<semaphore_mem>>)
      %dma_wait3A = arith.constant 0 : i32
      %dma_wait3A_78 = arith.constant 0 : i32
      %dma_wait3A_79 = tpu.memref_slice %arg2[%arg1, %dma_wait3A, %dma_wait3A_78] : memref<16x160x128xi32, #tpu.memory_space<hbm>> -> memref<1x160x128xi32, #tpu.memory_space<hbm>>
      %dma_wait3A_80 = tpu.memref_squeeze %dma_wait3A_79 : memref<1x160x128xi32, #tpu.memory_space<hbm>> -> memref<160x128xi32, #tpu.memory_space<hbm>>
      %dma_wait3A_81 = arith.constant 0 : i32
      %dma_wait3A_82 = arith.constant 0 : i32
      %dma_wait3A_83 = tpu.memref_slice %arg2[%arg1, %dma_wait3A_81, %dma_wait3A_82] : memref<16x160x128xi32, #tpu.memory_space<hbm>> -> memref<1x160x128xi32, #tpu.memory_space<hbm>>
      %dma_wait3A_84 = tpu.memref_squeeze %dma_wait3A_83 : memref<1x160x128xi32, #tpu.memory_space<hbm>> -> memref<160x128xi32, #tpu.memory_space<hbm>>
      tpu.wait_dma2 semaphore(%run_scoped3A : memref<!tpu.dma_semaphore, #tpu.memory_space<semaphore_mem>>) src(%dma_wait3A_84 : memref<160x128xi32, #tpu.memory_space<hbm>>) dst(%arg7 : memref<160x128xi32, #tpu.memory_space<vmem>>)
      tpu.yield
    }) : () -> ()
    "tpu.region"() ({
      %run_scoped3A = tpu.sem_alloc : memref<!tpu.dma_semaphore, #tpu.memory_space<semaphore_mem>>
      %dma_start3A_70 = arith.constant 0 : i32
      %dma_start3A_71 = arith.constant 0 : i32
      %dma_start3A_72 = tpu.memref_slice %arg3[%arg1, %dma_start3A_70, %dma_start3A_71] : memref<16x160x128xi32, #tpu.memory_space<hbm>> -> memref<1x160x128xi32, #tpu.memory_space<hbm>>
      %dma_start3A_73 = tpu.memref_squeeze %dma_start3A_72 : memref<1x160x128xi32, #tpu.memory_space<hbm>> -> memref<160x128xi32, #tpu.memory_space<hbm>>
      %dma_start3A_74 = arith.constant 0 : i32
      %dma_start3A_75 = arith.constant 0 : i32
      %dma_start3A_76 = tpu.memref_slice %arg3[%arg1, %dma_start3A_74, %dma_start3A_75] : memref<16x160x128xi32, #tpu.memory_space<hbm>> -> memref<1x160x128xi32, #tpu.memory_space<hbm>>
      %dma_start3A_77 = tpu.memref_squeeze %dma_start3A_76 : memref<1x160x128xi32, #tpu.memory_space<hbm>> -> memref<160x128xi32, #tpu.memory_space<hbm>>
      tpu.enqueue_dma source(%dma_start3A_77 : memref<160x128xi32, #tpu.memory_space<hbm>>) target(%arg8 : memref<160x128xi32, #tpu.memory_space<vmem>>) target_semaphore(%run_scoped3A : memref<!tpu.dma_semaphore, #tpu.memory_space<semaphore_mem>>)
      %dma_wait3A = arith.constant 0 : i32
      %dma_wait3A_78 = arith.constant 0 : i32
      %dma_wait3A_79 = tpu.memref_slice %arg3[%arg1, %dma_wait3A, %dma_wait3A_78] : memref<16x160x128xi32, #tpu.memory_space<hbm>> -> memref<1x160x128xi32, #tpu.memory_space<hbm>>
      %dma_wait3A_80 = tpu.memref_squeeze %dma_wait3A_79 : memref<1x160x128xi32, #tpu.memory_space<hbm>> -> memref<160x128xi32, #tpu.memory_space<hbm>>
      %dma_wait3A_81 = arith.constant 0 : i32
      %dma_wait3A_82 = arith.constant 0 : i32
      %dma_wait3A_83 = tpu.memref_slice %arg3[%arg1, %dma_wait3A_81, %dma_wait3A_82] : memref<16x160x128xi32, #tpu.memory_space<hbm>> -> memref<1x160x128xi32, #tpu.memory_space<hbm>>
      %dma_wait3A_84 = tpu.memref_squeeze %dma_wait3A_83 : memref<1x160x128xi32, #tpu.memory_space<hbm>> -> memref<160x128xi32, #tpu.memory_space<hbm>>
      tpu.wait_dma2 semaphore(%run_scoped3A : memref<!tpu.dma_semaphore, #tpu.memory_space<semaphore_mem>>) src(%dma_wait3A_84 : memref<160x128xi32, #tpu.memory_space<hbm>>) dst(%arg8 : memref<160x128xi32, #tpu.memory_space<vmem>>)
      tpu.yield
    }) : () -> ()
    "tpu.region"() ({
      %run_scoped3A = tpu.sem_alloc : memref<!tpu.dma_semaphore, #tpu.memory_space<semaphore_mem>>
      tpu.enqueue_dma source(%arg5 : memref<128x64xf32, #tpu.memory_space<hbm>>) target(%arg9 : memref<128x64xf32, #tpu.memory_space<vmem>>) target_semaphore(%run_scoped3A : memref<!tpu.dma_semaphore, #tpu.memory_space<semaphore_mem>>)
      tpu.wait_dma2 semaphore(%run_scoped3A : memref<!tpu.dma_semaphore, #tpu.memory_space<semaphore_mem>>) src(%arg5 : memref<128x64xf32, #tpu.memory_space<hbm>>) dst(%arg9 : memref<128x64xf32, #tpu.memory_space<vmem>>)
      tpu.yield
    }) : () -> ()
    %mul3A = arith.constant 640 : i32
    %mul3A_0 = arith.muli %arg1, %mul3A : i32
    %add3A = arith.constant 0 : i32
    %add3A_1 = arith.addi %mul3A_0, %add3A : i32
    "tpu.region"() ({
      %run_scoped3A = tpu.sem_alloc : memref<!tpu.dma_semaphore, #tpu.memory_space<semaphore_mem>>
      %dma_start3A_70 = arith.constant 0 : i32
      %dma_start3A_71 = tpu.memref_slice %arg14[%add3A_1, %dma_start3A_70] : memref<10240x64xf32, #tpu.memory_space<vmem_shared>> -> memref<128x64xf32, #tpu.memory_space<vmem_shared>>
      %dma_start3A_72 = arith.constant 0 : i32
      %dma_start3A_73 = tpu.memref_slice %arg14[%add3A_1, %dma_start3A_72] : memref<10240x64xf32, #tpu.memory_space<vmem_shared>> -> memref<128x64xf32, #tpu.memory_space<vmem_shared>>
      tpu.enqueue_dma source(%arg9 : memref<128x64xf32, #tpu.memory_space<vmem>>) target(%dma_start3A_73 : memref<128x64xf32, #tpu.memory_space<vmem_shared>>) target_semaphore(%run_scoped3A : memref<!tpu.dma_semaphore, #tpu.memory_space<semaphore_mem>>)
      %dma_wait3A = arith.constant 0 : i32
      %dma_wait3A_74 = tpu.memref_slice %arg14[%add3A_1, %dma_wait3A] : memref<10240x64xf32, #tpu.memory_space<vmem_shared>> -> memref<128x64xf32, #tpu.memory_space<vmem_shared>>
      %dma_wait3A_75 = arith.constant 0 : i32
      %dma_wait3A_76 = tpu.memref_slice %arg14[%add3A_1, %dma_wait3A_75] : memref<10240x64xf32, #tpu.memory_space<vmem_shared>> -> memref<128x64xf32, #tpu.memory_space<vmem_shared>>
      tpu.wait_dma2 semaphore(%run_scoped3A : memref<!tpu.dma_semaphore, #tpu.memory_space<semaphore_mem>>) src(%arg9 : memref<128x64xf32, #tpu.memory_space<vmem>>) dst(%dma_wait3A_76 : memref<128x64xf32, #tpu.memory_space<vmem_shared>>)
      tpu.yield
    }) : () -> ()
    %add3A_2 = arith.constant 128 : i32
    %add3A_3 = arith.addi %mul3A_0, %add3A_2 : i32
    "tpu.region"() ({
      %run_scoped3A = tpu.sem_alloc : memref<!tpu.dma_semaphore, #tpu.memory_space<semaphore_mem>>
      %dma_start3A_70 = arith.constant 0 : i32
      %dma_start3A_71 = tpu.memref_slice %arg14[%add3A_3, %dma_start3A_70] : memref<10240x64xf32, #tpu.memory_space<vmem_shared>> -> memref<128x64xf32, #tpu.memory_space<vmem_shared>>
      %dma_start3A_72 = arith.constant 0 : i32
      %dma_start3A_73 = tpu.memref_slice %arg14[%add3A_3, %dma_start3A_72] : memref<10240x64xf32, #tpu.memory_space<vmem_shared>> -> memref<128x64xf32, #tpu.memory_space<vmem_shared>>
      tpu.enqueue_dma source(%arg9 : memref<128x64xf32, #tpu.memory_space<vmem>>) target(%dma_start3A_73 : memref<128x64xf32, #tpu.memory_space<vmem_shared>>) target_semaphore(%run_scoped3A : memref<!tpu.dma_semaphore, #tpu.memory_space<semaphore_mem>>)
      %dma_wait3A = arith.constant 0 : i32
      %dma_wait3A_74 = tpu.memref_slice %arg14[%add3A_3, %dma_wait3A] : memref<10240x64xf32, #tpu.memory_space<vmem_shared>> -> memref<128x64xf32, #tpu.memory_space<vmem_shared>>
      %dma_wait3A_75 = arith.constant 0 : i32
      %dma_wait3A_76 = tpu.memref_slice %arg14[%add3A_3, %dma_wait3A_75] : memref<10240x64xf32, #tpu.memory_space<vmem_shared>> -> memref<128x64xf32, #tpu.memory_space<vmem_shared>>
      tpu.wait_dma2 semaphore(%run_scoped3A : memref<!tpu.dma_semaphore, #tpu.memory_space<semaphore_mem>>) src(%arg9 : memref<128x64xf32, #tpu.memory_space<vmem>>) dst(%dma_wait3A_76 : memref<128x64xf32, #tpu.memory_space<vmem_shared>>)
      tpu.yield
    }) : () -> ()
    %add3A_4 = arith.constant 256 : i32
    %add3A_5 = arith.addi %mul3A_0, %add3A_4 : i32
    "tpu.region"() ({
      %run_scoped3A = tpu.sem_alloc : memref<!tpu.dma_semaphore, #tpu.memory_space<semaphore_mem>>
      %dma_start3A_70 = arith.constant 0 : i32
      %dma_start3A_71 = tpu.memref_slice %arg14[%add3A_5, %dma_start3A_70] : memref<10240x64xf32, #tpu.memory_space<vmem_shared>> -> memref<128x64xf32, #tpu.memory_space<vmem_shared>>
      %dma_start3A_72 = arith.constant 0 : i32
      %dma_start3A_73 = tpu.memref_slice %arg14[%add3A_5, %dma_start3A_72] : memref<10240x64xf32, #tpu.memory_space<vmem_shared>> -> memref<128x64xf32, #tpu.memory_space<vmem_shared>>
      tpu.enqueue_dma source(%arg9 : memref<128x64xf32, #tpu.memory_space<vmem>>) target(%dma_start3A_73 : memref<128x64xf32, #tpu.memory_space<vmem_shared>>) target_semaphore(%run_scoped3A : memref<!tpu.dma_semaphore, #tpu.memory_space<semaphore_mem>>)
      %dma_wait3A = arith.constant 0 : i32
      %dma_wait3A_74 = tpu.memref_slice %arg14[%add3A_5, %dma_wait3A] : memref<10240x64xf32, #tpu.memory_space<vmem_shared>> -> memref<128x64xf32, #tpu.memory_space<vmem_shared>>
      %dma_wait3A_75 = arith.constant 0 : i32
      %dma_wait3A_76 = tpu.memref_slice %arg14[%add3A_5, %dma_wait3A_75] : memref<10240x64xf32, #tpu.memory_space<vmem_shared>> -> memref<128x64xf32, #tpu.memory_space<vmem_shared>>
      tpu.wait_dma2 semaphore(%run_scoped3A : memref<!tpu.dma_semaphore, #tpu.memory_space<semaphore_mem>>) src(%arg9 : memref<128x64xf32, #tpu.memory_space<vmem>>) dst(%dma_wait3A_76 : memref<128x64xf32, #tpu.memory_space<vmem_shared>>)
      tpu.yield
    }) : () -> ()
    %add3A_6 = arith.constant 384 : i32
    %add3A_7 = arith.addi %mul3A_0, %add3A_6 : i32
    "tpu.region"() ({
      %run_scoped3A = tpu.sem_alloc : memref<!tpu.dma_semaphore, #tpu.memory_space<semaphore_mem>>
      %dma_start3A_70 = arith.constant 0 : i32
      %dma_start3A_71 = tpu.memref_slice %arg14[%add3A_7, %dma_start3A_70] : memref<10240x64xf32, #tpu.memory_space<vmem_shared>> -> memref<128x64xf32, #tpu.memory_space<vmem_shared>>
      %dma_start3A_72 = arith.constant 0 : i32
      %dma_start3A_73 = tpu.memref_slice %arg14[%add3A_7, %dma_start3A_72] : memref<10240x64xf32, #tpu.memory_space<vmem_shared>> -> memref<128x64xf32, #tpu.memory_space<vmem_shared>>
      tpu.enqueue_dma source(%arg9 : memref<128x64xf32, #tpu.memory_space<vmem>>) target(%dma_start3A_73 : memref<128x64xf32, #tpu.memory_space<vmem_shared>>) target_semaphore(%run_scoped3A : memref<!tpu.dma_semaphore, #tpu.memory_space<semaphore_mem>>)
      %dma_wait3A = arith.constant 0 : i32
      %dma_wait3A_74 = tpu.memref_slice %arg14[%add3A_7, %dma_wait3A] : memref<10240x64xf32, #tpu.memory_space<vmem_shared>> -> memref<128x64xf32, #tpu.memory_space<vmem_shared>>
      %dma_wait3A_75 = arith.constant 0 : i32
      %dma_wait3A_76 = tpu.memref_slice %arg14[%add3A_7, %dma_wait3A_75] : memref<10240x64xf32, #tpu.memory_space<vmem_shared>> -> memref<128x64xf32, #tpu.memory_space<vmem_shared>>
      tpu.wait_dma2 semaphore(%run_scoped3A : memref<!tpu.dma_semaphore, #tpu.memory_space<semaphore_mem>>) src(%arg9 : memref<128x64xf32, #tpu.memory_space<vmem>>) dst(%dma_wait3A_76 : memref<128x64xf32, #tpu.memory_space<vmem_shared>>)
      tpu.yield
    }) : () -> ()
    %add3A_8 = arith.constant 512 : i32
    %add3A_9 = arith.addi %mul3A_0, %add3A_8 : i32
    "tpu.region"() ({
      %run_scoped3A = tpu.sem_alloc : memref<!tpu.dma_semaphore, #tpu.memory_space<semaphore_mem>>
      %dma_start3A_70 = arith.constant 0 : i32
      %dma_start3A_71 = tpu.memref_slice %arg14[%add3A_9, %dma_start3A_70] : memref<10240x64xf32, #tpu.memory_space<vmem_shared>> -> memref<128x64xf32, #tpu.memory_space<vmem_shared>>
      %dma_start3A_72 = arith.constant 0 : i32
      %dma_start3A_73 = tpu.memref_slice %arg14[%add3A_9, %dma_start3A_72] : memref<10240x64xf32, #tpu.memory_space<vmem_shared>> -> memref<128x64xf32, #tpu.memory_space<vmem_shared>>
      tpu.enqueue_dma source(%arg9 : memref<128x64xf32, #tpu.memory_space<vmem>>) target(%dma_start3A_73 : memref<128x64xf32, #tpu.memory_space<vmem_shared>>) target_semaphore(%run_scoped3A : memref<!tpu.dma_semaphore, #tpu.memory_space<semaphore_mem>>)
      %dma_wait3A = arith.constant 0 : i32
      %dma_wait3A_74 = tpu.memref_slice %arg14[%add3A_9, %dma_wait3A] : memref<10240x64xf32, #tpu.memory_space<vmem_shared>> -> memref<128x64xf32, #tpu.memory_space<vmem_shared>>
      %dma_wait3A_75 = arith.constant 0 : i32
      %dma_wait3A_76 = tpu.memref_slice %arg14[%add3A_9, %dma_wait3A_75] : memref<10240x64xf32, #tpu.memory_space<vmem_shared>> -> memref<128x64xf32, #tpu.memory_space<vmem_shared>>
      tpu.wait_dma2 semaphore(%run_scoped3A : memref<!tpu.dma_semaphore, #tpu.memory_space<semaphore_mem>>) src(%arg9 : memref<128x64xf32, #tpu.memory_space<vmem>>) dst(%dma_wait3A_76 : memref<128x64xf32, #tpu.memory_space<vmem_shared>>)
      tpu.yield
    }) : () -> ()
    %barrier3A = arith.constant 0 : index
    tpu.barrier barrier_id(%barrier3A)
    %dma_start3A = arith.constant 0 : i32
    %dma_start3A_10 = arith.constant 0 : i32
    %dma_start3A_11 = tpu.memref_slice %arg7[%dma_start3A, %dma_start3A_10] : memref<160x128xi32, #tpu.memory_space<vmem>> -> memref<1x128xi32, #tpu.memory_space<vmem>>
    %dma_start3A_12 = tpu.memref_squeeze %dma_start3A_11 : memref<1x128xi32, #tpu.memory_space<vmem>> -> memref<128xi32, #tpu.memory_space<vmem>>
    %dma_start3A_13 = arith.constant 0 : i32
    %dma_start3A_14 = arith.constant 0 : i32
    %dma_start3A_15 = tpu.memref_slice %arg4[%arg0, %dma_start3A_13, %dma_start3A_14] : memref<2x10240x64xf32, #tpu.memory_space<hbm>> -> memref<1x10240x64xf32, #tpu.memory_space<hbm>>
    %dma_start3A_16 = tpu.memref_squeeze %dma_start3A_15 : memref<1x10240x64xf32, #tpu.memory_space<hbm>> -> memref<10240x64xf32, #tpu.memory_space<hbm>>
    %dma_start3A_17 = arith.constant 0 : i32
    %dma_start3A_18 = arith.constant 0 : i32
    %dma_start3A_19 = tpu.memref_slice %dma_start3A_16[%dma_start3A_17, %dma_start3A_18] : memref<10240x64xf32, #tpu.memory_space<hbm>> -> memref<10240x64xf32, #tpu.memory_space<hbm>>
    tpu.enqueue_indirect_dma source(%dma_start3A_19 : memref<10240x64xf32, #tpu.memory_space<hbm>>) target(%arg9 : memref<128x64xf32, #tpu.memory_space<vmem>>) offsets(%dma_start3A_12 : memref<128xi32, #tpu.memory_space<vmem>>) semaphore(%arg15 : memref<!tpu.dma_semaphore, #tpu.memory_space<semaphore_mem>>)
    %dma_start3A_20 = arith.constant 1 : i32
    %dma_start3A_21 = arith.constant 0 : i32
    %dma_start3A_22 = tpu.memref_slice %arg7[%dma_start3A_20, %dma_start3A_21] : memref<160x128xi32, #tpu.memory_space<vmem>> -> memref<1x128xi32, #tpu.memory_space<vmem>>
    %dma_start3A_23 = tpu.memref_squeeze %dma_start3A_22 : memref<1x128xi32, #tpu.memory_space<vmem>> -> memref<128xi32, #tpu.memory_space<vmem>>
    %dma_start3A_24 = arith.constant 0 : i32
    %dma_start3A_25 = arith.constant 0 : i32
    %dma_start3A_26 = tpu.memref_slice %arg4[%arg0, %dma_start3A_24, %dma_start3A_25] : memref<2x10240x64xf32, #tpu.memory_space<hbm>> -> memref<1x10240x64xf32, #tpu.memory_space<hbm>>
    %dma_start3A_27 = tpu.memref_squeeze %dma_start3A_26 : memref<1x10240x64xf32, #tpu.memory_space<hbm>> -> memref<10240x64xf32, #tpu.memory_space<hbm>>
    %dma_start3A_28 = arith.constant 0 : i32
    %dma_start3A_29 = arith.constant 0 : i32
    %dma_start3A_30 = tpu.memref_slice %dma_start3A_27[%dma_start3A_28, %dma_start3A_29] : memref<10240x64xf32, #tpu.memory_space<hbm>> -> memref<10240x64xf32, #tpu.memory_space<hbm>>
    tpu.enqueue_indirect_dma source(%dma_start3A_30 : memref<10240x64xf32, #tpu.memory_space<hbm>>) target(%arg10 : memref<128x64xf32, #tpu.memory_space<vmem>>) offsets(%dma_start3A_23 : memref<128xi32, #tpu.memory_space<vmem>>) semaphore(%arg16 : memref<!tpu.dma_semaphore, #tpu.memory_space<semaphore_mem>>)
    %dma_start3A_31 = arith.constant 2 : i32
    %dma_start3A_32 = arith.constant 0 : i32
    %dma_start3A_33 = tpu.memref_slice %arg7[%dma_start3A_31, %dma_start3A_32] : memref<160x128xi32, #tpu.memory_space<vmem>> -> memref<1x128xi32, #tpu.memory_space<vmem>>
    %dma_start3A_34 = tpu.memref_squeeze %dma_start3A_33 : memref<1x128xi32, #tpu.memory_space<vmem>> -> memref<128xi32, #tpu.memory_space<vmem>>
    %dma_start3A_35 = arith.constant 0 : i32
    %dma_start3A_36 = arith.constant 0 : i32
    %dma_start3A_37 = tpu.memref_slice %arg4[%arg0, %dma_start3A_35, %dma_start3A_36] : memref<2x10240x64xf32, #tpu.memory_space<hbm>> -> memref<1x10240x64xf32, #tpu.memory_space<hbm>>
    %dma_start3A_38 = tpu.memref_squeeze %dma_start3A_37 : memref<1x10240x64xf32, #tpu.memory_space<hbm>> -> memref<10240x64xf32, #tpu.memory_space<hbm>>
    %dma_start3A_39 = arith.constant 0 : i32
    %dma_start3A_40 = arith.constant 0 : i32
    %dma_start3A_41 = tpu.memref_slice %dma_start3A_38[%dma_start3A_39, %dma_start3A_40] : memref<10240x64xf32, #tpu.memory_space<hbm>> -> memref<10240x64xf32, #tpu.memory_space<hbm>>
    tpu.enqueue_indirect_dma source(%dma_start3A_41 : memref<10240x64xf32, #tpu.memory_space<hbm>>) target(%arg11 : memref<128x64xf32, #tpu.memory_space<vmem>>) offsets(%dma_start3A_34 : memref<128xi32, #tpu.memory_space<vmem>>) semaphore(%arg17 : memref<!tpu.dma_semaphore, #tpu.memory_space<semaphore_mem>>)
    %dma_start3A_42 = arith.constant 3 : i32
    %dma_start3A_43 = arith.constant 0 : i32
    %dma_start3A_44 = tpu.memref_slice %arg7[%dma_start3A_42, %dma_start3A_43] : memref<160x128xi32, #tpu.memory_space<vmem>> -> memref<1x128xi32, #tpu.memory_space<vmem>>
    %dma_start3A_45 = tpu.memref_squeeze %dma_start3A_44 : memref<1x128xi32, #tpu.memory_space<vmem>> -> memref<128xi32, #tpu.memory_space<vmem>>
    %dma_start3A_46 = arith.constant 0 : i32
    %dma_start3A_47 = arith.constant 0 : i32
    %dma_start3A_48 = tpu.memref_slice %arg4[%arg0, %dma_start3A_46, %dma_start3A_47] : memref<2x10240x64xf32, #tpu.memory_space<hbm>> -> memref<1x10240x64xf32, #tpu.memory_space<hbm>>
    %dma_start3A_49 = tpu.memref_squeeze %dma_start3A_48 : memref<1x10240x64xf32, #tpu.memory_space<hbm>> -> memref<10240x64xf32, #tpu.memory_space<hbm>>
    %dma_start3A_50 = arith.constant 0 : i32
    %dma_start3A_51 = arith.constant 0 : i32
    %dma_start3A_52 = tpu.memref_slice %dma_start3A_49[%dma_start3A_50, %dma_start3A_51] : memref<10240x64xf32, #tpu.memory_space<hbm>> -> memref<10240x64xf32, #tpu.memory_space<hbm>>
    tpu.enqueue_indirect_dma source(%dma_start3A_52 : memref<10240x64xf32, #tpu.memory_space<hbm>>) target(%arg12 : memref<128x64xf32, #tpu.memory_space<vmem>>) offsets(%dma_start3A_45 : memref<128xi32, #tpu.memory_space<vmem>>) semaphore(%arg18 : memref<!tpu.dma_semaphore, #tpu.memory_space<semaphore_mem>>)
    %dma_start3A_53 = arith.constant 4 : i32
    %dma_start3A_54 = arith.constant 0 : i32
    %dma_start3A_55 = tpu.memref_slice %arg7[%dma_start3A_53, %dma_start3A_54] : memref<160x128xi32, #tpu.memory_space<vmem>> -> memref<1x128xi32, #tpu.memory_space<vmem>>
    %dma_start3A_56 = tpu.memref_squeeze %dma_start3A_55 : memref<1x128xi32, #tpu.memory_space<vmem>> -> memref<128xi32, #tpu.memory_space<vmem>>
    %dma_start3A_57 = arith.constant 0 : i32
    %dma_start3A_58 = arith.constant 0 : i32
    %dma_start3A_59 = tpu.memref_slice %arg4[%arg0, %dma_start3A_57, %dma_start3A_58] : memref<2x10240x64xf32, #tpu.memory_space<hbm>> -> memref<1x10240x64xf32, #tpu.memory_space<hbm>>
    %dma_start3A_60 = tpu.memref_squeeze %dma_start3A_59 : memref<1x10240x64xf32, #tpu.memory_space<hbm>> -> memref<10240x64xf32, #tpu.memory_space<hbm>>
    %dma_start3A_61 = arith.constant 0 : i32
    %dma_start3A_62 = arith.constant 0 : i32
    %dma_start3A_63 = tpu.memref_slice %dma_start3A_60[%dma_start3A_61, %dma_start3A_62] : memref<10240x64xf32, #tpu.memory_space<hbm>> -> memref<10240x64xf32, #tpu.memory_space<hbm>>
    tpu.enqueue_indirect_dma source(%dma_start3A_63 : memref<10240x64xf32, #tpu.memory_space<hbm>>) target(%arg13 : memref<128x64xf32, #tpu.memory_space<vmem>>) offsets(%dma_start3A_56 : memref<128xi32, #tpu.memory_space<vmem>>) semaphore(%arg19 : memref<!tpu.dma_semaphore, #tpu.memory_space<semaphore_mem>>)
    %scan3A = arith.constant 0 : i32
    %scan3A_64 = arith.constant 0 : i32
    %scan3A_65 = arith.constant 32 : i32
    %scan3A_66 = arith.addi %scan3A_64, %scan3A_65 : i32
    %scan3A_67 = arith.constant 1 : i32
    scf.for %scan3A_70 = %scan3A_64 to %scan3A_66 step %scan3A_67  : i32 {
      %mul3A_71 = arith.constant 5 : i32
      %mul3A_72 = arith.muli %scan3A_70, %mul3A_71 : i32
      %add3A_73 = arith.constant 0 : i32
      %add3A_74 = arith.addi %mul3A_72, %add3A_73 : i32
      %dma_wait3A = arith.constant 0 : i32
      %dma_wait3A_75 = tpu.memref_slice %arg7[%add3A_74, %dma_wait3A] : memref<160x128xi32, #tpu.memory_space<vmem>> -> memref<1x128xi32, #tpu.memory_space<vmem>>
      %dma_wait3A_76 = tpu.memref_squeeze %dma_wait3A_75 : memref<1x128xi32, #tpu.memory_space<vmem>> -> memref<128xi32, #tpu.memory_space<vmem>>
      %dma_wait3A_77 = arith.constant 0 : i32
      %dma_wait3A_78 = arith.constant 0 : i32
      %dma_wait3A_79 = tpu.memref_slice %arg4[%arg0, %dma_wait3A_77, %dma_wait3A_78] : memref<2x10240x64xf32, #tpu.memory_space<hbm>> -> memref<1x10240x64xf32, #tpu.memory_space<hbm>>
      %dma_wait3A_80 = tpu.memref_squeeze %dma_wait3A_79 : memref<1x10240x64xf32, #tpu.memory_space<hbm>> -> memref<10240x64xf32, #tpu.memory_space<hbm>>
      %dma_wait3A_81 = arith.constant 0 : i32
      %dma_wait3A_82 = arith.constant 0 : i32
      %dma_wait3A_83 = tpu.memref_slice %dma_wait3A_80[%dma_wait3A_81, %dma_wait3A_82] : memref<10240x64xf32, #tpu.memory_space<hbm>> -> memref<10240x64xf32, #tpu.memory_space<hbm>>
      tpu.wait_indirect_dma semaphore(%arg15 : memref<!tpu.dma_semaphore, #tpu.memory_space<semaphore_mem>>) src(%dma_wait3A_83 : memref<10240x64xf32, #tpu.memory_space<hbm>>) dst(%arg9 : memref<128x64xf32, #tpu.memory_space<vmem>>)
      "tpu.region"() ({
        %run_scoped3A = tpu.sem_alloc : memref<!tpu.dma_semaphore, #tpu.memory_space<semaphore_mem>>
        %dma_start3A_172 = arith.constant 0 : i32
        %dma_start3A_173 = tpu.memref_slice %arg8[%add3A_74, %dma_start3A_172] : memref<160x128xi32, #tpu.memory_space<vmem>> -> memref<1x128xi32, #tpu.memory_space<vmem>>
        %dma_start3A_174 = tpu.memref_squeeze %dma_start3A_173 : memref<1x128xi32, #tpu.memory_space<vmem>> -> memref<128xi32, #tpu.memory_space<vmem>>
        %dma_start3A_175 = arith.constant 0 : i32
        %dma_start3A_176 = arith.constant 0 : i32
        %dma_start3A_177 = tpu.memref_slice %arg14[%dma_start3A_175, %dma_start3A_176] : memref<10240x64xf32, #tpu.memory_space<vmem_shared>> -> memref<10240x64xf32, #tpu.memory_space<vmem_shared>>
        tpu.enqueue_indirect_dma source(%arg9 : memref<128x64xf32, #tpu.memory_space<vmem>>) target(%dma_start3A_177 : memref<10240x64xf32, #tpu.memory_space<vmem_shared>>) offsets(%dma_start3A_174 : memref<128xi32, #tpu.memory_space<vmem>>) semaphore(%run_scoped3A : memref<!tpu.dma_semaphore, #tpu.memory_space<semaphore_mem>>) {add = true}
        %dma_wait3A_178 = arith.constant 0 : i32
        %dma_wait3A_179 = tpu.memref_slice %arg8[%add3A_74, %dma_wait3A_178] : memref<160x128xi32, #tpu.memory_space<vmem>> -> memref<1x128xi32, #tpu.memory_space<vmem>>
        %dma_wait3A_180 = tpu.memref_squeeze %dma_wait3A_179 : memref<1x128xi32, #tpu.memory_space<vmem>> -> memref<128xi32, #tpu.memory_space<vmem>>
        %dma_wait3A_181 = arith.constant 0 : i32
        %dma_wait3A_182 = arith.constant 0 : i32
        %dma_wait3A_183 = tpu.memref_slice %arg14[%dma_wait3A_181, %dma_wait3A_182] : memref<10240x64xf32, #tpu.memory_space<vmem_shared>> -> memref<10240x64xf32, #tpu.memory_space<vmem_shared>>
        tpu.wait_indirect_dma semaphore(%run_scoped3A : memref<!tpu.dma_semaphore, #tpu.memory_space<semaphore_mem>>) src(%arg9 : memref<128x64xf32, #tpu.memory_space<vmem>>) dst(%dma_wait3A_183 : memref<10240x64xf32, #tpu.memory_space<vmem_shared>>)
        tpu.yield
      }) : () -> ()
      %add3A_84 = arith.constant 5 : i32
      %add3A_85 = arith.addi %add3A_74, %add3A_84 : i32
      %lt3A = arith.constant 160 : i32
      %lt3A_86 = arith.cmpi slt, %add3A_85, %lt3A : i32
      %convert_element_type3A = arith.extui %lt3A_86 : i1 to i32
      %cond3A = arith.constant 0 : i32
      %cond3A_87 = arith.cmpi ne, %convert_element_type3A, %cond3A : i32
      scf.if %cond3A_87 {
        %add3A_172 = arith.constant 5 : i32
        %add3A_173 = arith.addi %add3A_74, %add3A_172 : i32
        %dma_start3A_174 = arith.constant 0 : i32
        %dma_start3A_175 = tpu.memref_slice %arg7[%add3A_173, %dma_start3A_174] : memref<160x128xi32, #tpu.memory_space<vmem>> -> memref<1x128xi32, #tpu.memory_space<vmem>>
        %dma_start3A_176 = tpu.memref_squeeze %dma_start3A_175 : memref<1x128xi32, #tpu.memory_space<vmem>> -> memref<128xi32, #tpu.memory_space<vmem>>
        %dma_start3A_177 = arith.constant 0 : i32
        %dma_start3A_178 = arith.constant 0 : i32
        %dma_start3A_179 = tpu.memref_slice %arg4[%arg0, %dma_start3A_177, %dma_start3A_178] : memref<2x10240x64xf32, #tpu.memory_space<hbm>> -> memref<1x10240x64xf32, #tpu.memory_space<hbm>>
        %dma_start3A_180 = tpu.memref_squeeze %dma_start3A_179 : memref<1x10240x64xf32, #tpu.memory_space<hbm>> -> memref<10240x64xf32, #tpu.memory_space<hbm>>
        %dma_start3A_181 = arith.constant 0 : i32
        %dma_start3A_182 = arith.constant 0 : i32
        %dma_start3A_183 = tpu.memref_slice %dma_start3A_180[%dma_start3A_181, %dma_start3A_182] : memref<10240x64xf32, #tpu.memory_space<hbm>> -> memref<10240x64xf32, #tpu.memory_space<hbm>>
        tpu.enqueue_indirect_dma source(%dma_start3A_183 : memref<10240x64xf32, #tpu.memory_space<hbm>>) target(%arg9 : memref<128x64xf32, #tpu.memory_space<vmem>>) offsets(%dma_start3A_176 : memref<128xi32, #tpu.memory_space<vmem>>) semaphore(%arg15 : memref<!tpu.dma_semaphore, #tpu.memory_space<semaphore_mem>>)
      } else {
      }
      %mul3A_88 = arith.constant 5 : i32
      %mul3A_89 = arith.muli %scan3A_70, %mul3A_88 : i32
      %add3A_90 = arith.constant 1 : i32
      %add3A_91 = arith.addi %mul3A_89, %add3A_90 : i32
      %dma_wait3A_92 = arith.constant 0 : i32
      %dma_wait3A_93 = tpu.memref_slice %arg7[%add3A_91, %dma_wait3A_92] : memref<160x128xi32, #tpu.memory_space<vmem>> -> memref<1x128xi32, #tpu.memory_space<vmem>>
      %dma_wait3A_94 = tpu.memref_squeeze %dma_wait3A_93 : memref<1x128xi32, #tpu.memory_space<vmem>> -> memref<128xi32, #tpu.memory_space<vmem>>
      %dma_wait3A_95 = arith.constant 0 : i32
      %dma_wait3A_96 = arith.constant 0 : i32
      %dma_wait3A_97 = tpu.memref_slice %arg4[%arg0, %dma_wait3A_95, %dma_wait3A_96] : memref<2x10240x64xf32, #tpu.memory_space<hbm>> -> memref<1x10240x64xf32, #tpu.memory_space<hbm>>
      %dma_wait3A_98 = tpu.memref_squeeze %dma_wait3A_97 : memref<1x10240x64xf32, #tpu.memory_space<hbm>> -> memref<10240x64xf32, #tpu.memory_space<hbm>>
      %dma_wait3A_99 = arith.constant 0 : i32
      %dma_wait3A_100 = arith.constant 0 : i32
      %dma_wait3A_101 = tpu.memref_slice %dma_wait3A_98[%dma_wait3A_99, %dma_wait3A_100] : memref<10240x64xf32, #tpu.memory_space<hbm>> -> memref<10240x64xf32, #tpu.memory_space<hbm>>
      tpu.wait_indirect_dma semaphore(%arg16 : memref<!tpu.dma_semaphore, #tpu.memory_space<semaphore_mem>>) src(%dma_wait3A_101 : memref<10240x64xf32, #tpu.memory_space<hbm>>) dst(%arg10 : memref<128x64xf32, #tpu.memory_space<vmem>>)
      "tpu.region"() ({
        %run_scoped3A = tpu.sem_alloc : memref<!tpu.dma_semaphore, #tpu.memory_space<semaphore_mem>>
        %dma_start3A_172 = arith.constant 0 : i32
        %dma_start3A_173 = tpu.memref_slice %arg8[%add3A_91, %dma_start3A_172] : memref<160x128xi32, #tpu.memory_space<vmem>> -> memref<1x128xi32, #tpu.memory_space<vmem>>
        %dma_start3A_174 = tpu.memref_squeeze %dma_start3A_173 : memref<1x128xi32, #tpu.memory_space<vmem>> -> memref<128xi32, #tpu.memory_space<vmem>>
        %dma_start3A_175 = arith.constant 0 : i32
        %dma_start3A_176 = arith.constant 0 : i32
        %dma_start3A_177 = tpu.memref_slice %arg14[%dma_start3A_175, %dma_start3A_176] : memref<10240x64xf32, #tpu.memory_space<vmem_shared>> -> memref<10240x64xf32, #tpu.memory_space<vmem_shared>>
        tpu.enqueue_indirect_dma source(%arg10 : memref<128x64xf32, #tpu.memory_space<vmem>>) target(%dma_start3A_177 : memref<10240x64xf32, #tpu.memory_space<vmem_shared>>) offsets(%dma_start3A_174 : memref<128xi32, #tpu.memory_space<vmem>>) semaphore(%run_scoped3A : memref<!tpu.dma_semaphore, #tpu.memory_space<semaphore_mem>>) {add = true}
        %dma_wait3A_178 = arith.constant 0 : i32
        %dma_wait3A_179 = tpu.memref_slice %arg8[%add3A_91, %dma_wait3A_178] : memref<160x128xi32, #tpu.memory_space<vmem>> -> memref<1x128xi32, #tpu.memory_space<vmem>>
        %dma_wait3A_180 = tpu.memref_squeeze %dma_wait3A_179 : memref<1x128xi32, #tpu.memory_space<vmem>> -> memref<128xi32, #tpu.memory_space<vmem>>
        %dma_wait3A_181 = arith.constant 0 : i32
        %dma_wait3A_182 = arith.constant 0 : i32
        %dma_wait3A_183 = tpu.memref_slice %arg14[%dma_wait3A_181, %dma_wait3A_182] : memref<10240x64xf32, #tpu.memory_space<vmem_shared>> -> memref<10240x64xf32, #tpu.memory_space<vmem_shared>>
        tpu.wait_indirect_dma semaphore(%run_scoped3A : memref<!tpu.dma_semaphore, #tpu.memory_space<semaphore_mem>>) src(%arg10 : memref<128x64xf32, #tpu.memory_space<vmem>>) dst(%dma_wait3A_183 : memref<10240x64xf32, #tpu.memory_space<vmem_shared>>)
        tpu.yield
      }) : () -> ()
      %add3A_102 = arith.constant 5 : i32
      %add3A_103 = arith.addi %add3A_91, %add3A_102 : i32
      %lt3A_104 = arith.constant 160 : i32
      %lt3A_105 = arith.cmpi slt, %add3A_103, %lt3A_104 : i32
      %convert_element_type3A_106 = arith.extui %lt3A_105 : i1 to i32
      %cond3A_107 = arith.constant 0 : i32
      %cond3A_108 = arith.cmpi ne, %convert_element_type3A_106, %cond3A_107 : i32
      scf.if %cond3A_108 {
        %add3A_172 = arith.constant 5 : i32
        %add3A_173 = arith.addi %add3A_91, %add3A_172 : i32
        %dma_start3A_174 = arith.constant 0 : i32
        %dma_start3A_175 = tpu.memref_slice %arg7[%add3A_173, %dma_start3A_174] : memref<160x128xi32, #tpu.memory_space<vmem>> -> memref<1x128xi32, #tpu.memory_space<vmem>>
        %dma_start3A_176 = tpu.memref_squeeze %dma_start3A_175 : memref<1x128xi32, #tpu.memory_space<vmem>> -> memref<128xi32, #tpu.memory_space<vmem>>
        %dma_start3A_177 = arith.constant 0 : i32
        %dma_start3A_178 = arith.constant 0 : i32
        %dma_start3A_179 = tpu.memref_slice %arg4[%arg0, %dma_start3A_177, %dma_start3A_178] : memref<2x10240x64xf32, #tpu.memory_space<hbm>> -> memref<1x10240x64xf32, #tpu.memory_space<hbm>>
        %dma_start3A_180 = tpu.memref_squeeze %dma_start3A_179 : memref<1x10240x64xf32, #tpu.memory_space<hbm>> -> memref<10240x64xf32, #tpu.memory_space<hbm>>
        %dma_start3A_181 = arith.constant 0 : i32
        %dma_start3A_182 = arith.constant 0 : i32
        %dma_start3A_183 = tpu.memref_slice %dma_start3A_180[%dma_start3A_181, %dma_start3A_182] : memref<10240x64xf32, #tpu.memory_space<hbm>> -> memref<10240x64xf32, #tpu.memory_space<hbm>>
        tpu.enqueue_indirect_dma source(%dma_start3A_183 : memref<10240x64xf32, #tpu.memory_space<hbm>>) target(%arg10 : memref<128x64xf32, #tpu.memory_space<vmem>>) offsets(%dma_start3A_176 : memref<128xi32, #tpu.memory_space<vmem>>) semaphore(%arg16 : memref<!tpu.dma_semaphore, #tpu.memory_space<semaphore_mem>>)
      } else {
      }
      %mul3A_109 = arith.constant 5 : i32
      %mul3A_110 = arith.muli %scan3A_70, %mul3A_109 : i32
      %add3A_111 = arith.constant 2 : i32
      %add3A_112 = arith.addi %mul3A_110, %add3A_111 : i32
      %dma_wait3A_113 = arith.constant 0 : i32
      %dma_wait3A_114 = tpu.memref_slice %arg7[%add3A_112, %dma_wait3A_113] : memref<160x128xi32, #tpu.memory_space<vmem>> -> memref<1x128xi32, #tpu.memory_space<vmem>>
      %dma_wait3A_115 = tpu.memref_squeeze %dma_wait3A_114 : memref<1x128xi32, #tpu.memory_space<vmem>> -> memref<128xi32, #tpu.memory_space<vmem>>
      %dma_wait3A_116 = arith.constant 0 : i32
      %dma_wait3A_117 = arith.constant 0 : i32
      %dma_wait3A_118 = tpu.memref_slice %arg4[%arg0, %dma_wait3A_116, %dma_wait3A_117] : memref<2x10240x64xf32, #tpu.memory_space<hbm>> -> memref<1x10240x64xf32, #tpu.memory_space<hbm>>
      %dma_wait3A_119 = tpu.memref_squeeze %dma_wait3A_118 : memref<1x10240x64xf32, #tpu.memory_space<hbm>> -> memref<10240x64xf32, #tpu.memory_space<hbm>>
      %dma_wait3A_120 = arith.constant 0 : i32
      %dma_wait3A_121 = arith.constant 0 : i32
      %dma_wait3A_122 = tpu.memref_slice %dma_wait3A_119[%dma_wait3A_120, %dma_wait3A_121] : memref<10240x64xf32, #tpu.memory_space<hbm>> -> memref<10240x64xf32, #tpu.memory_space<hbm>>
      tpu.wait_indirect_dma semaphore(%arg17 : memref<!tpu.dma_semaphore, #tpu.memory_space<semaphore_mem>>) src(%dma_wait3A_122 : memref<10240x64xf32, #tpu.memory_space<hbm>>) dst(%arg11 : memref<128x64xf32, #tpu.memory_space<vmem>>)
      "tpu.region"() ({
        %run_scoped3A = tpu.sem_alloc : memref<!tpu.dma_semaphore, #tpu.memory_space<semaphore_mem>>
        %dma_start3A_172 = arith.constant 0 : i32
        %dma_start3A_173 = tpu.memref_slice %arg8[%add3A_112, %dma_start3A_172] : memref<160x128xi32, #tpu.memory_space<vmem>> -> memref<1x128xi32, #tpu.memory_space<vmem>>
        %dma_start3A_174 = tpu.memref_squeeze %dma_start3A_173 : memref<1x128xi32, #tpu.memory_space<vmem>> -> memref<128xi32, #tpu.memory_space<vmem>>
        %dma_start3A_175 = arith.constant 0 : i32
        %dma_start3A_176 = arith.constant 0 : i32
        %dma_start3A_177 = tpu.memref_slice %arg14[%dma_start3A_175, %dma_start3A_176] : memref<10240x64xf32, #tpu.memory_space<vmem_shared>> -> memref<10240x64xf32, #tpu.memory_space<vmem_shared>>
        tpu.enqueue_indirect_dma source(%arg11 : memref<128x64xf32, #tpu.memory_space<vmem>>) target(%dma_start3A_177 : memref<10240x64xf32, #tpu.memory_space<vmem_shared>>) offsets(%dma_start3A_174 : memref<128xi32, #tpu.memory_space<vmem>>) semaphore(%run_scoped3A : memref<!tpu.dma_semaphore, #tpu.memory_space<semaphore_mem>>) {add = true}
        %dma_wait3A_178 = arith.constant 0 : i32
        %dma_wait3A_179 = tpu.memref_slice %arg8[%add3A_112, %dma_wait3A_178] : memref<160x128xi32, #tpu.memory_space<vmem>> -> memref<1x128xi32, #tpu.memory_space<vmem>>
        %dma_wait3A_180 = tpu.memref_squeeze %dma_wait3A_179 : memref<1x128xi32, #tpu.memory_space<vmem>> -> memref<128xi32, #tpu.memory_space<vmem>>
        %dma_wait3A_181 = arith.constant 0 : i32
        %dma_wait3A_182 = arith.constant 0 : i32
        %dma_wait3A_183 = tpu.memref_slice %arg14[%dma_wait3A_181, %dma_wait3A_182] : memref<10240x64xf32, #tpu.memory_space<vmem_shared>> -> memref<10240x64xf32, #tpu.memory_space<vmem_shared>>
        tpu.wait_indirect_dma semaphore(%run_scoped3A : memref<!tpu.dma_semaphore, #tpu.memory_space<semaphore_mem>>) src(%arg11 : memref<128x64xf32, #tpu.memory_space<vmem>>) dst(%dma_wait3A_183 : memref<10240x64xf32, #tpu.memory_space<vmem_shared>>)
        tpu.yield
      }) : () -> ()
      %add3A_123 = arith.constant 5 : i32
      %add3A_124 = arith.addi %add3A_112, %add3A_123 : i32
      %lt3A_125 = arith.constant 160 : i32
      %lt3A_126 = arith.cmpi slt, %add3A_124, %lt3A_125 : i32
      %convert_element_type3A_127 = arith.extui %lt3A_126 : i1 to i32
      %cond3A_128 = arith.constant 0 : i32
      %cond3A_129 = arith.cmpi ne, %convert_element_type3A_127, %cond3A_128 : i32
      scf.if %cond3A_129 {
        %add3A_172 = arith.constant 5 : i32
        %add3A_173 = arith.addi %add3A_112, %add3A_172 : i32
        %dma_start3A_174 = arith.constant 0 : i32
        %dma_start3A_175 = tpu.memref_slice %arg7[%add3A_173, %dma_start3A_174] : memref<160x128xi32, #tpu.memory_space<vmem>> -> memref<1x128xi32, #tpu.memory_space<vmem>>
        %dma_start3A_176 = tpu.memref_squeeze %dma_start3A_175 : memref<1x128xi32, #tpu.memory_space<vmem>> -> memref<128xi32, #tpu.memory_space<vmem>>
        %dma_start3A_177 = arith.constant 0 : i32
        %dma_start3A_178 = arith.constant 0 : i32
        %dma_start3A_179 = tpu.memref_slice %arg4[%arg0, %dma_start3A_177, %dma_start3A_178] : memref<2x10240x64xf32, #tpu.memory_space<hbm>> -> memref<1x10240x64xf32, #tpu.memory_space<hbm>>
        %dma_start3A_180 = tpu.memref_squeeze %dma_start3A_179 : memref<1x10240x64xf32, #tpu.memory_space<hbm>> -> memref<10240x64xf32, #tpu.memory_space<hbm>>
        %dma_start3A_181 = arith.constant 0 : i32
        %dma_start3A_182 = arith.constant 0 : i32
        %dma_start3A_183 = tpu.memref_slice %dma_start3A_180[%dma_start3A_181, %dma_start3A_182] : memref<10240x64xf32, #tpu.memory_space<hbm>> -> memref<10240x64xf32, #tpu.memory_space<hbm>>
        tpu.enqueue_indirect_dma source(%dma_start3A_183 : memref<10240x64xf32, #tpu.memory_space<hbm>>) target(%arg11 : memref<128x64xf32, #tpu.memory_space<vmem>>) offsets(%dma_start3A_176 : memref<128xi32, #tpu.memory_space<vmem>>) semaphore(%arg17 : memref<!tpu.dma_semaphore, #tpu.memory_space<semaphore_mem>>)
      } else {
      }
      %mul3A_130 = arith.constant 5 : i32
      %mul3A_131 = arith.muli %scan3A_70, %mul3A_130 : i32
      %add3A_132 = arith.constant 3 : i32
      %add3A_133 = arith.addi %mul3A_131, %add3A_132 : i32
      %dma_wait3A_134 = arith.constant 0 : i32
      %dma_wait3A_135 = tpu.memref_slice %arg7[%add3A_133, %dma_wait3A_134] : memref<160x128xi32, #tpu.memory_space<vmem>> -> memref<1x128xi32, #tpu.memory_space<vmem>>
      %dma_wait3A_136 = tpu.memref_squeeze %dma_wait3A_135 : memref<1x128xi32, #tpu.memory_space<vmem>> -> memref<128xi32, #tpu.memory_space<vmem>>
      %dma_wait3A_137 = arith.constant 0 : i32
      %dma_wait3A_138 = arith.constant 0 : i32
      %dma_wait3A_139 = tpu.memref_slice %arg4[%arg0, %dma_wait3A_137, %dma_wait3A_138] : memref<2x10240x64xf32, #tpu.memory_space<hbm>> -> memref<1x10240x64xf32, #tpu.memory_space<hbm>>
      %dma_wait3A_140 = tpu.memref_squeeze %dma_wait3A_139 : memref<1x10240x64xf32, #tpu.memory_space<hbm>> -> memref<10240x64xf32, #tpu.memory_space<hbm>>
      %dma_wait3A_141 = arith.constant 0 : i32
      %dma_wait3A_142 = arith.constant 0 : i32
      %dma_wait3A_143 = tpu.memref_slice %dma_wait3A_140[%dma_wait3A_141, %dma_wait3A_142] : memref<10240x64xf32, #tpu.memory_space<hbm>> -> memref<10240x64xf32, #tpu.memory_space<hbm>>
      tpu.wait_indirect_dma semaphore(%arg18 : memref<!tpu.dma_semaphore, #tpu.memory_space<semaphore_mem>>) src(%dma_wait3A_143 : memref<10240x64xf32, #tpu.memory_space<hbm>>) dst(%arg12 : memref<128x64xf32, #tpu.memory_space<vmem>>)
      "tpu.region"() ({
        %run_scoped3A = tpu.sem_alloc : memref<!tpu.dma_semaphore, #tpu.memory_space<semaphore_mem>>
        %dma_start3A_172 = arith.constant 0 : i32
        %dma_start3A_173 = tpu.memref_slice %arg8[%add3A_133, %dma_start3A_172] : memref<160x128xi32, #tpu.memory_space<vmem>> -> memref<1x128xi32, #tpu.memory_space<vmem>>
        %dma_start3A_174 = tpu.memref_squeeze %dma_start3A_173 : memref<1x128xi32, #tpu.memory_space<vmem>> -> memref<128xi32, #tpu.memory_space<vmem>>
        %dma_start3A_175 = arith.constant 0 : i32
        %dma_start3A_176 = arith.constant 0 : i32
        %dma_start3A_177 = tpu.memref_slice %arg14[%dma_start3A_175, %dma_start3A_176] : memref<10240x64xf32, #tpu.memory_space<vmem_shared>> -> memref<10240x64xf32, #tpu.memory_space<vmem_shared>>
        tpu.enqueue_indirect_dma source(%arg12 : memref<128x64xf32, #tpu.memory_space<vmem>>) target(%dma_start3A_177 : memref<10240x64xf32, #tpu.memory_space<vmem_shared>>) offsets(%dma_start3A_174 : memref<128xi32, #tpu.memory_space<vmem>>) semaphore(%run_scoped3A : memref<!tpu.dma_semaphore, #tpu.memory_space<semaphore_mem>>) {add = true}
        %dma_wait3A_178 = arith.constant 0 : i32
        %dma_wait3A_179 = tpu.memref_slice %arg8[%add3A_133, %dma_wait3A_178] : memref<160x128xi32, #tpu.memory_space<vmem>> -> memref<1x128xi32, #tpu.memory_space<vmem>>
        %dma_wait3A_180 = tpu.memref_squeeze %dma_wait3A_179 : memref<1x128xi32, #tpu.memory_space<vmem>> -> memref<128xi32, #tpu.memory_space<vmem>>
        %dma_wait3A_181 = arith.constant 0 : i32
        %dma_wait3A_182 = arith.constant 0 : i32
        %dma_wait3A_183 = tpu.memref_slice %arg14[%dma_wait3A_181, %dma_wait3A_182] : memref<10240x64xf32, #tpu.memory_space<vmem_shared>> -> memref<10240x64xf32, #tpu.memory_space<vmem_shared>>
        tpu.wait_indirect_dma semaphore(%run_scoped3A : memref<!tpu.dma_semaphore, #tpu.memory_space<semaphore_mem>>) src(%arg12 : memref<128x64xf32, #tpu.memory_space<vmem>>) dst(%dma_wait3A_183 : memref<10240x64xf32, #tpu.memory_space<vmem_shared>>)
        tpu.yield
      }) : () -> ()
      %add3A_144 = arith.constant 5 : i32
      %add3A_145 = arith.addi %add3A_133, %add3A_144 : i32
      %lt3A_146 = arith.constant 160 : i32
      %lt3A_147 = arith.cmpi slt, %add3A_145, %lt3A_146 : i32
      %convert_element_type3A_148 = arith.extui %lt3A_147 : i1 to i32
      %cond3A_149 = arith.constant 0 : i32
      %cond3A_150 = arith.cmpi ne, %convert_element_type3A_148, %cond3A_149 : i32
      scf.if %cond3A_150 {
        %add3A_172 = arith.constant 5 : i32
        %add3A_173 = arith.addi %add3A_133, %add3A_172 : i32
        %dma_start3A_174 = arith.constant 0 : i32
        %dma_start3A_175 = tpu.memref_slice %arg7[%add3A_173, %dma_start3A_174] : memref<160x128xi32, #tpu.memory_space<vmem>> -> memref<1x128xi32, #tpu.memory_space<vmem>>
        %dma_start3A_176 = tpu.memref_squeeze %dma_start3A_175 : memref<1x128xi32, #tpu.memory_space<vmem>> -> memref<128xi32, #tpu.memory_space<vmem>>
        %dma_start3A_177 = arith.constant 0 : i32
        %dma_start3A_178 = arith.constant 0 : i32
        %dma_start3A_179 = tpu.memref_slice %arg4[%arg0, %dma_start3A_177, %dma_start3A_178] : memref<2x10240x64xf32, #tpu.memory_space<hbm>> -> memref<1x10240x64xf32, #tpu.memory_space<hbm>>
        %dma_start3A_180 = tpu.memref_squeeze %dma_start3A_179 : memref<1x10240x64xf32, #tpu.memory_space<hbm>> -> memref<10240x64xf32, #tpu.memory_space<hbm>>
        %dma_start3A_181 = arith.constant 0 : i32
        %dma_start3A_182 = arith.constant 0 : i32
        %dma_start3A_183 = tpu.memref_slice %dma_start3A_180[%dma_start3A_181, %dma_start3A_182] : memref<10240x64xf32, #tpu.memory_space<hbm>> -> memref<10240x64xf32, #tpu.memory_space<hbm>>
        tpu.enqueue_indirect_dma source(%dma_start3A_183 : memref<10240x64xf32, #tpu.memory_space<hbm>>) target(%arg12 : memref<128x64xf32, #tpu.memory_space<vmem>>) offsets(%dma_start3A_176 : memref<128xi32, #tpu.memory_space<vmem>>) semaphore(%arg18 : memref<!tpu.dma_semaphore, #tpu.memory_space<semaphore_mem>>)
      } else {
      }
      %mul3A_151 = arith.constant 5 : i32
      %mul3A_152 = arith.muli %scan3A_70, %mul3A_151 : i32
      %add3A_153 = arith.constant 4 : i32
      %add3A_154 = arith.addi %mul3A_152, %add3A_153 : i32
      %dma_wait3A_155 = arith.constant 0 : i32
      %dma_wait3A_156 = tpu.memref_slice %arg7[%add3A_154, %dma_wait3A_155] : memref<160x128xi32, #tpu.memory_space<vmem>> -> memref<1x128xi32, #tpu.memory_space<vmem>>
      %dma_wait3A_157 = tpu.memref_squeeze %dma_wait3A_156 : memref<1x128xi32, #tpu.memory_space<vmem>> -> memref<128xi32, #tpu.memory_space<vmem>>
      %dma_wait3A_158 = arith.constant 0 : i32
      %dma_wait3A_159 = arith.constant 0 : i32
      %dma_wait3A_160 = tpu.memref_slice %arg4[%arg0, %dma_wait3A_158, %dma_wait3A_159] : memref<2x10240x64xf32, #tpu.memory_space<hbm>> -> memref<1x10240x64xf32, #tpu.memory_space<hbm>>
      %dma_wait3A_161 = tpu.memref_squeeze %dma_wait3A_160 : memref<1x10240x64xf32, #tpu.memory_space<hbm>> -> memref<10240x64xf32, #tpu.memory_space<hbm>>
      %dma_wait3A_162 = arith.constant 0 : i32
      %dma_wait3A_163 = arith.constant 0 : i32
      %dma_wait3A_164 = tpu.memref_slice %dma_wait3A_161[%dma_wait3A_162, %dma_wait3A_163] : memref<10240x64xf32, #tpu.memory_space<hbm>> -> memref<10240x64xf32, #tpu.memory_space<hbm>>
      tpu.wait_indirect_dma semaphore(%arg19 : memref<!tpu.dma_semaphore, #tpu.memory_space<semaphore_mem>>) src(%dma_wait3A_164 : memref<10240x64xf32, #tpu.memory_space<hbm>>) dst(%arg13 : memref<128x64xf32, #tpu.memory_space<vmem>>)
      "tpu.region"() ({
        %run_scoped3A = tpu.sem_alloc : memref<!tpu.dma_semaphore, #tpu.memory_space<semaphore_mem>>
        %dma_start3A_172 = arith.constant 0 : i32
        %dma_start3A_173 = tpu.memref_slice %arg8[%add3A_154, %dma_start3A_172] : memref<160x128xi32, #tpu.memory_space<vmem>> -> memref<1x128xi32, #tpu.memory_space<vmem>>
        %dma_start3A_174 = tpu.memref_squeeze %dma_start3A_173 : memref<1x128xi32, #tpu.memory_space<vmem>> -> memref<128xi32, #tpu.memory_space<vmem>>
        %dma_start3A_175 = arith.constant 0 : i32
        %dma_start3A_176 = arith.constant 0 : i32
        %dma_start3A_177 = tpu.memref_slice %arg14[%dma_start3A_175, %dma_start3A_176] : memref<10240x64xf32, #tpu.memory_space<vmem_shared>> -> memref<10240x64xf32, #tpu.memory_space<vmem_shared>>
        tpu.enqueue_indirect_dma source(%arg13 : memref<128x64xf32, #tpu.memory_space<vmem>>) target(%dma_start3A_177 : memref<10240x64xf32, #tpu.memory_space<vmem_shared>>) offsets(%dma_start3A_174 : memref<128xi32, #tpu.memory_space<vmem>>) semaphore(%run_scoped3A : memref<!tpu.dma_semaphore, #tpu.memory_space<semaphore_mem>>) {add = true}
        %dma_wait3A_178 = arith.constant 0 : i32
        %dma_wait3A_179 = tpu.memref_slice %arg8[%add3A_154, %dma_wait3A_178] : memref<160x128xi32, #tpu.memory_space<vmem>> -> memref<1x128xi32, #tpu.memory_space<vmem>>
        %dma_wait3A_180 = tpu.memref_squeeze %dma_wait3A_179 : memref<1x128xi32, #tpu.memory_space<vmem>> -> memref<128xi32, #tpu.memory_space<vmem>>
        %dma_wait3A_181 = arith.constant 0 : i32
        %dma_wait3A_182 = arith.constant 0 : i32
        %dma_wait3A_183 = tpu.memref_slice %arg14[%dma_wait3A_181, %dma_wait3A_182] : memref<10240x64xf32, #tpu.memory_space<vmem_shared>> -> memref<10240x64xf32, #tpu.memory_space<vmem_shared>>
        tpu.wait_indirect_dma semaphore(%run_scoped3A : memref<!tpu.dma_semaphore, #tpu.memory_space<semaphore_mem>>) src(%arg13 : memref<128x64xf32, #tpu.memory_space<vmem>>) dst(%dma_wait3A_183 : memref<10240x64xf32, #tpu.memory_space<vmem_shared>>)
        tpu.yield
      }) : () -> ()
      %add3A_165 = arith.constant 5 : i32
      %add3A_166 = arith.addi %add3A_154, %add3A_165 : i32
      %lt3A_167 = arith.constant 160 : i32
      %lt3A_168 = arith.cmpi slt, %add3A_166, %lt3A_167 : i32
      %convert_element_type3A_169 = arith.extui %lt3A_168 : i1 to i32
      %cond3A_170 = arith.constant 0 : i32
      %cond3A_171 = arith.cmpi ne, %convert_element_type3A_169, %cond3A_170 : i32
      scf.if %cond3A_171 {
        %add3A_172 = arith.constant 5 : i32
        %add3A_173 = arith.addi %add3A_154, %add3A_172 : i32
        %dma_start3A_174 = arith.constant 0 : i32
        %dma_start3A_175 = tpu.memref_slice %arg7[%add3A_173, %dma_start3A_174] : memref<160x128xi32, #tpu.memory_space<vmem>> -> memref<1x128xi32, #tpu.memory_space<vmem>>
        %dma_start3A_176 = tpu.memref_squeeze %dma_start3A_175 : memref<1x128xi32, #tpu.memory_space<vmem>> -> memref<128xi32, #tpu.memory_space<vmem>>
        %dma_start3A_177 = arith.constant 0 : i32
        %dma_start3A_178 = arith.constant 0 : i32
        %dma_start3A_179 = tpu.memref_slice %arg4[%arg0, %dma_start3A_177, %dma_start3A_178] : memref<2x10240x64xf32, #tpu.memory_space<hbm>> -> memref<1x10240x64xf32, #tpu.memory_space<hbm>>
        %dma_start3A_180 = tpu.memref_squeeze %dma_start3A_179 : memref<1x10240x64xf32, #tpu.memory_space<hbm>> -> memref<10240x64xf32, #tpu.memory_space<hbm>>
        %dma_start3A_181 = arith.constant 0 : i32
        %dma_start3A_182 = arith.constant 0 : i32
        %dma_start3A_183 = tpu.memref_slice %dma_start3A_180[%dma_start3A_181, %dma_start3A_182] : memref<10240x64xf32, #tpu.memory_space<hbm>> -> memref<10240x64xf32, #tpu.memory_space<hbm>>
        tpu.enqueue_indirect_dma source(%dma_start3A_183 : memref<10240x64xf32, #tpu.memory_space<hbm>>) target(%arg13 : memref<128x64xf32, #tpu.memory_space<vmem>>) offsets(%dma_start3A_176 : memref<128xi32, #tpu.memory_space<vmem>>) semaphore(%arg19 : memref<!tpu.dma_semaphore, #tpu.memory_space<semaphore_mem>>)
      } else {
      }
    }
    %scan3A_68 = arith.constant 32 : i32
    %barrier3A_69 = arith.constant 0 : index
    tpu.barrier barrier_id(%barrier3A_69)
    "tpu.region"() ({
      %run_scoped3A = tpu.sem_alloc : memref<!tpu.dma_semaphore, #tpu.memory_space<semaphore_mem>>
      %dma_start3A_70 = arith.constant 0 : i32
      %dma_start3A_71 = tpu.memref_slice %arg6[%arg0, %mul3A_0, %dma_start3A_70] : memref<2x10240x64xf32, #tpu.memory_space<hbm>> -> memref<1x640x64xf32, #tpu.memory_space<hbm>>
      %dma_start3A_72 = tpu.memref_squeeze %dma_start3A_71 : memref<1x640x64xf32, #tpu.memory_space<hbm>> -> memref<640x64xf32, #tpu.memory_space<hbm>>
      %dma_start3A_73 = arith.constant 0 : i32
      %dma_start3A_74 = tpu.memref_slice %arg14[%mul3A_0, %dma_start3A_73] : memref<10240x64xf32, #tpu.memory_space<vmem_shared>> -> memref<640x64xf32, #tpu.memory_space<vmem_shared>>
      tpu.enqueue_dma source(%dma_start3A_74 : memref<640x64xf32, #tpu.memory_space<vmem_shared>>) target(%dma_start3A_72 : memref<640x64xf32, #tpu.memory_space<hbm>>) target_semaphore(%run_scoped3A : memref<!tpu.dma_semaphore, #tpu.memory_space<semaphore_mem>>)
      %dma_wait3A = arith.constant 0 : i32
      %dma_wait3A_75 = tpu.memref_slice %arg6[%arg0, %mul3A_0, %dma_wait3A] : memref<2x10240x64xf32, #tpu.memory_space<hbm>> -> memref<1x640x64xf32, #tpu.memory_space<hbm>>
      %dma_wait3A_76 = tpu.memref_squeeze %dma_wait3A_75 : memref<1x640x64xf32, #tpu.memory_space<hbm>> -> memref<640x64xf32, #tpu.memory_space<hbm>>
      %dma_wait3A_77 = arith.constant 0 : i32
      %dma_wait3A_78 = tpu.memref_slice %arg14[%mul3A_0, %dma_wait3A_77] : memref<10240x64xf32, #tpu.memory_space<vmem_shared>> -> memref<640x64xf32, #tpu.memory_space<vmem_shared>>
      tpu.wait_dma2 semaphore(%run_scoped3A : memref<!tpu.dma_semaphore, #tpu.memory_space<semaphore_mem>>) src(%dma_wait3A_78 : memref<640x64xf32, #tpu.memory_space<vmem_shared>>) dst(%dma_wait3A_76 : memref<640x64xf32, #tpu.memory_space<hbm>>)
      tpu.yield
    }) : () -> ()
    return
  }
}

#map = affine_map<(d0, d1) -> (0, 0, 0)>
#map1 = affine_map<(d0, d1) -> (0, 0)>
module attributes {stable_mosaic.version = 14 : i64} {
  func.func @_propagate_kernel(%arg0: i32, %arg1: i32, %arg2: memref<16x160x128xi32, #tpu.memory_space<hbm>>, %arg3: memref<16x160x128xi32, #tpu.memory_space<hbm>>, %arg4: memref<2x10240x64xf32, #tpu.memory_space<hbm>>, %arg5: memref<128x64xf32, #tpu.memory_space<hbm>>, %arg6: memref<2x10240x64xf32, #tpu.memory_space<hbm>>, %arg7: memref<160x128xi32, #tpu.memory_space<vmem>>, %arg8: memref<160x128xi32, #tpu.memory_space<vmem>>, %arg9: memref<128x64xf32, #tpu.memory_space<vmem>>, %arg10: memref<128x64xf32, #tpu.memory_space<vmem>>, %arg11: memref<128x64xf32, #tpu.memory_space<vmem>>, %arg12: memref<128x64xf32, #tpu.memory_space<vmem>>, %arg13: memref<128x64xf32, #tpu.memory_space<vmem>>, %arg14: memref<10240x64xf32, #tpu.memory_space<vmem_shared>>, %arg15: memref<!tpu.dma_semaphore, #tpu.memory_space<semaphore_mem>>, %arg16: memref<!tpu.dma_semaphore, #tpu.memory_space<semaphore_mem>>, %arg17: memref<!tpu.dma_semaphore, #tpu.memory_space<semaphore_mem>>, %arg18: memref<!tpu.dma_semaphore, #tpu.memory_space<semaphore_mem>>, %arg19: memref<!tpu.dma_semaphore, #tpu.memory_space<semaphore_mem>>) attributes {dimension_semantics = [#tpu.dimension_semantics<core_parallel>, #tpu.dimension_semantics<subcore_parallel>], iteration_bounds = array<i64: 2, 16>, scalar_prefetch = 0 : i64, scratch_operands = 13 : i64, tpu.core_type = #tpu.core_type<sc_vector_subcore>, window_params = [{transform_indices = #map}, {transform_indices = #map}, {transform_indices = #map}, {transform_indices = #map1}, {transform_indices = #map}]} {
    "tpu.region"() ({
      %run_scoped3A = tpu.sem_alloc : memref<!tpu.dma_semaphore, #tpu.memory_space<semaphore_mem>>
      %dma_start3A_70 = arith.constant 0 : i32
      %dma_start3A_71 = arith.constant 0 : i32
      %dma_start3A_72 = tpu.memref_slice %arg2[%arg1, %dma_start3A_70, %dma_start3A_71] : memref<16x160x128xi32, #tpu.memory_space<hbm>> -> memref<1x160x128xi32, #tpu.memory_space<hbm>>
      %dma_start3A_73 = tpu.memref_squeeze %dma_start3A_72 : memref<1x160x128xi32, #tpu.memory_space<hbm>> -> memref<160x128xi32, #tpu.memory_space<hbm>>
      %dma_start3A_74 = arith.constant 0 : i32
      %dma_start3A_75 = arith.constant 0 : i32
      %dma_start3A_76 = tpu.memref_slice %arg2[%arg1, %dma_start3A_74, %dma_start3A_75] : memref<16x160x128xi32, #tpu.memory_space<hbm>> -> memref<1x160x128xi32, #tpu.memory_space<hbm>>
      %dma_start3A_77 = tpu.memref_squeeze %dma_start3A_76 : memref<1x160x128xi32, #tpu.memory_space<hbm>> -> memref<160x128xi32, #tpu.memory_space<hbm>>
      tpu.enqueue_dma source(%dma_start3A_77 : memref<160x128xi32, #tpu.memory_space<hbm>>) target(%arg7 : memref<160x128xi32, #tpu.memory_space<vmem>>) target_semaphore(%run_scoped3A : memref<!tpu.dma_semaphore, #tpu.memory_space<semaphore_mem>>)
      %dma_wait3A = arith.constant 0 : i32
      %dma_wait3A_78 = arith.constant 0 : i32
      %dma_wait3A_79 = tpu.memref_slice %arg2[%arg1, %dma_wait3A, %dma_wait3A_78] : memref<16x160x128xi32, #tpu.memory_space<hbm>> -> memref<1x160x128xi32, #tpu.memory_space<hbm>>
      %dma_wait3A_80 = tpu.memref_squeeze %dma_wait3A_79 : memref<1x160x128xi32, #tpu.memory_space<hbm>> -> memref<160x128xi32, #tpu.memory_space<hbm>>
      %dma_wait3A_81 = arith.constant 0 : i32
      %dma_wait3A_82 = arith.constant 0 : i32
      %dma_wait3A_83 = tpu.memref_slice %arg2[%arg1, %dma_wait3A_81, %dma_wait3A_82] : memref<16x160x128xi32, #tpu.memory_space<hbm>> -> memref<1x160x128xi32, #tpu.memory_space<hbm>>
      %dma_wait3A_84 = tpu.memref_squeeze %dma_wait3A_83 : memref<1x160x128xi32, #tpu.memory_space<hbm>> -> memref<160x128xi32, #tpu.memory_space<hbm>>
      tpu.wait_dma2 semaphore(%run_scoped3A : memref<!tpu.dma_semaphore, #tpu.memory_space<semaphore_mem>>) src(%dma_wait3A_84 : memref<160x128xi32, #tpu.memory_space<hbm>>) dst(%arg7 : memref<160x128xi32, #tpu.memory_space<vmem>>)
      tpu.yield
    }) : () -> ()
    "tpu.region"() ({
      %run_scoped3A = tpu.sem_alloc : memref<!tpu.dma_semaphore, #tpu.memory_space<semaphore_mem>>
      %dma_start3A_70 = arith.constant 0 : i32
      %dma_start3A_71 = arith.constant 0 : i32
      %dma_start3A_72 = tpu.memref_slice %arg3[%arg1, %dma_start3A_70, %dma_start3A_71] : memref<16x160x128xi32, #tpu.memory_space<hbm>> -> memref<1x160x128xi32, #tpu.memory_space<hbm>>
      %dma_start3A_73 = tpu.memref_squeeze %dma_start3A_72 : memref<1x160x128xi32, #tpu.memory_space<hbm>> -> memref<160x128xi32, #tpu.memory_space<hbm>>
      %dma_start3A_74 = arith.constant 0 : i32
      %dma_start3A_75 = arith.constant 0 : i32
      %dma_start3A_76 = tpu.memref_slice %arg3[%arg1, %dma_start3A_74, %dma_start3A_75] : memref<16x160x128xi32, #tpu.memory_space<hbm>> -> memref<1x160x128xi32, #tpu.memory_space<hbm>>
      %dma_start3A_77 = tpu.memref_squeeze %dma_start3A_76 : memref<1x160x128xi32, #tpu.memory_space<hbm>> -> memref<160x128xi32, #tpu.memory_space<hbm>>
      tpu.enqueue_dma source(%dma_start3A_77 : memref<160x128xi32, #tpu.memory_space<hbm>>) target(%arg8 : memref<160x128xi32, #tpu.memory_space<vmem>>) target_semaphore(%run_scoped3A : memref<!tpu.dma_semaphore, #tpu.memory_space<semaphore_mem>>)
      %dma_wait3A = arith.constant 0 : i32
      %dma_wait3A_78 = arith.constant 0 : i32
      %dma_wait3A_79 = tpu.memref_slice %arg3[%arg1, %dma_wait3A, %dma_wait3A_78] : memref<16x160x128xi32, #tpu.memory_space<hbm>> -> memref<1x160x128xi32, #tpu.memory_space<hbm>>
      %dma_wait3A_80 = tpu.memref_squeeze %dma_wait3A_79 : memref<1x160x128xi32, #tpu.memory_space<hbm>> -> memref<160x128xi32, #tpu.memory_space<hbm>>
      %dma_wait3A_81 = arith.constant 0 : i32
      %dma_wait3A_82 = arith.constant 0 : i32
      %dma_wait3A_83 = tpu.memref_slice %arg3[%arg1, %dma_wait3A_81, %dma_wait3A_82] : memref<16x160x128xi32, #tpu.memory_space<hbm>> -> memref<1x160x128xi32, #tpu.memory_space<hbm>>
      %dma_wait3A_84 = tpu.memref_squeeze %dma_wait3A_83 : memref<1x160x128xi32, #tpu.memory_space<hbm>> -> memref<160x128xi32, #tpu.memory_space<hbm>>
      tpu.wait_dma2 semaphore(%run_scoped3A : memref<!tpu.dma_semaphore, #tpu.memory_space<semaphore_mem>>) src(%dma_wait3A_84 : memref<160x128xi32, #tpu.memory_space<hbm>>) dst(%arg8 : memref<160x128xi32, #tpu.memory_space<vmem>>)
      tpu.yield
    }) : () -> ()
    "tpu.region"() ({
      %run_scoped3A = tpu.sem_alloc : memref<!tpu.dma_semaphore, #tpu.memory_space<semaphore_mem>>
      tpu.enqueue_dma source(%arg5 : memref<128x64xf32, #tpu.memory_space<hbm>>) target(%arg9 : memref<128x64xf32, #tpu.memory_space<vmem>>) target_semaphore(%run_scoped3A : memref<!tpu.dma_semaphore, #tpu.memory_space<semaphore_mem>>)
      tpu.wait_dma2 semaphore(%run_scoped3A : memref<!tpu.dma_semaphore, #tpu.memory_space<semaphore_mem>>) src(%arg5 : memref<128x64xf32, #tpu.memory_space<hbm>>) dst(%arg9 : memref<128x64xf32, #tpu.memory_space<vmem>>)
      tpu.yield
    }) : () -> ()
    %mul3A = arith.constant 640 : i32
    %mul3A_0 = arith.muli %arg1, %mul3A : i32
    %add3A = arith.constant 0 : i32
    %add3A_1 = arith.addi %mul3A_0, %add3A : i32
    "tpu.region"() ({
      %run_scoped3A = tpu.sem_alloc : memref<!tpu.dma_semaphore, #tpu.memory_space<semaphore_mem>>
      %dma_start3A_70 = arith.constant 0 : i32
      %dma_start3A_71 = tpu.memref_slice %arg14[%add3A_1, %dma_start3A_70] : memref<10240x64xf32, #tpu.memory_space<vmem_shared>> -> memref<128x64xf32, #tpu.memory_space<vmem_shared>>
      %dma_start3A_72 = arith.constant 0 : i32
      %dma_start3A_73 = tpu.memref_slice %arg14[%add3A_1, %dma_start3A_72] : memref<10240x64xf32, #tpu.memory_space<vmem_shared>> -> memref<128x64xf32, #tpu.memory_space<vmem_shared>>
      tpu.enqueue_dma source(%arg9 : memref<128x64xf32, #tpu.memory_space<vmem>>) target(%dma_start3A_73 : memref<128x64xf32, #tpu.memory_space<vmem_shared>>) target_semaphore(%run_scoped3A : memref<!tpu.dma_semaphore, #tpu.memory_space<semaphore_mem>>)
      %dma_wait3A = arith.constant 0 : i32
      %dma_wait3A_74 = tpu.memref_slice %arg14[%add3A_1, %dma_wait3A] : memref<10240x64xf32, #tpu.memory_space<vmem_shared>> -> memref<128x64xf32, #tpu.memory_space<vmem_shared>>
      %dma_wait3A_75 = arith.constant 0 : i32
      %dma_wait3A_76 = tpu.memref_slice %arg14[%add3A_1, %dma_wait3A_75] : memref<10240x64xf32, #tpu.memory_space<vmem_shared>> -> memref<128x64xf32, #tpu.memory_space<vmem_shared>>
      tpu.wait_dma2 semaphore(%run_scoped3A : memref<!tpu.dma_semaphore, #tpu.memory_space<semaphore_mem>>) src(%arg9 : memref<128x64xf32, #tpu.memory_space<vmem>>) dst(%dma_wait3A_76 : memref<128x64xf32, #tpu.memory_space<vmem_shared>>)
      tpu.yield
    }) : () -> ()
    %add3A_2 = arith.constant 128 : i32
    %add3A_3 = arith.addi %mul3A_0, %add3A_2 : i32
    "tpu.region"() ({
      %run_scoped3A = tpu.sem_alloc : memref<!tpu.dma_semaphore, #tpu.memory_space<semaphore_mem>>
      %dma_start3A_70 = arith.constant 0 : i32
      %dma_start3A_71 = tpu.memref_slice %arg14[%add3A_3, %dma_start3A_70] : memref<10240x64xf32, #tpu.memory_space<vmem_shared>> -> memref<128x64xf32, #tpu.memory_space<vmem_shared>>
      %dma_start3A_72 = arith.constant 0 : i32
      %dma_start3A_73 = tpu.memref_slice %arg14[%add3A_3, %dma_start3A_72] : memref<10240x64xf32, #tpu.memory_space<vmem_shared>> -> memref<128x64xf32, #tpu.memory_space<vmem_shared>>
      tpu.enqueue_dma source(%arg9 : memref<128x64xf32, #tpu.memory_space<vmem>>) target(%dma_start3A_73 : memref<128x64xf32, #tpu.memory_space<vmem_shared>>) target_semaphore(%run_scoped3A : memref<!tpu.dma_semaphore, #tpu.memory_space<semaphore_mem>>)
      %dma_wait3A = arith.constant 0 : i32
      %dma_wait3A_74 = tpu.memref_slice %arg14[%add3A_3, %dma_wait3A] : memref<10240x64xf32, #tpu.memory_space<vmem_shared>> -> memref<128x64xf32, #tpu.memory_space<vmem_shared>>
      %dma_wait3A_75 = arith.constant 0 : i32
      %dma_wait3A_76 = tpu.memref_slice %arg14[%add3A_3, %dma_wait3A_75] : memref<10240x64xf32, #tpu.memory_space<vmem_shared>> -> memref<128x64xf32, #tpu.memory_space<vmem_shared>>
      tpu.wait_dma2 semaphore(%run_scoped3A : memref<!tpu.dma_semaphore, #tpu.memory_space<semaphore_mem>>) src(%arg9 : memref<128x64xf32, #tpu.memory_space<vmem>>) dst(%dma_wait3A_76 : memref<128x64xf32, #tpu.memory_space<vmem_shared>>)
      tpu.yield
    }) : () -> ()
    %add3A_4 = arith.constant 256 : i32
    %add3A_5 = arith.addi %mul3A_0, %add3A_4 : i32
    "tpu.region"() ({
      %run_scoped3A = tpu.sem_alloc : memref<!tpu.dma_semaphore, #tpu.memory_space<semaphore_mem>>
      %dma_start3A_70 = arith.constant 0 : i32
      %dma_start3A_71 = tpu.memref_slice %arg14[%add3A_5, %dma_start3A_70] : memref<10240x64xf32, #tpu.memory_space<vmem_shared>> -> memref<128x64xf32, #tpu.memory_space<vmem_shared>>
      %dma_start3A_72 = arith.constant 0 : i32
      %dma_start3A_73 = tpu.memref_slice %arg14[%add3A_5, %dma_start3A_72] : memref<10240x64xf32, #tpu.memory_space<vmem_shared>> -> memref<128x64xf32, #tpu.memory_space<vmem_shared>>
      tpu.enqueue_dma source(%arg9 : memref<128x64xf32, #tpu.memory_space<vmem>>) target(%dma_start3A_73 : memref<128x64xf32, #tpu.memory_space<vmem_shared>>) target_semaphore(%run_scoped3A : memref<!tpu.dma_semaphore, #tpu.memory_space<semaphore_mem>>)
      %dma_wait3A = arith.constant 0 : i32
      %dma_wait3A_74 = tpu.memref_slice %arg14[%add3A_5, %dma_wait3A] : memref<10240x64xf32, #tpu.memory_space<vmem_shared>> -> memref<128x64xf32, #tpu.memory_space<vmem_shared>>
      %dma_wait3A_75 = arith.constant 0 : i32
      %dma_wait3A_76 = tpu.memref_slice %arg14[%add3A_5, %dma_wait3A_75] : memref<10240x64xf32, #tpu.memory_space<vmem_shared>> -> memref<128x64xf32, #tpu.memory_space<vmem_shared>>
      tpu.wait_dma2 semaphore(%run_scoped3A : memref<!tpu.dma_semaphore, #tpu.memory_space<semaphore_mem>>) src(%arg9 : memref<128x64xf32, #tpu.memory_space<vmem>>) dst(%dma_wait3A_76 : memref<128x64xf32, #tpu.memory_space<vmem_shared>>)
      tpu.yield
    }) : () -> ()
    %add3A_6 = arith.constant 384 : i32
    %add3A_7 = arith.addi %mul3A_0, %add3A_6 : i32
    "tpu.region"() ({
      %run_scoped3A = tpu.sem_alloc : memref<!tpu.dma_semaphore, #tpu.memory_space<semaphore_mem>>
      %dma_start3A_70 = arith.constant 0 : i32
      %dma_start3A_71 = tpu.memref_slice %arg14[%add3A_7, %dma_start3A_70] : memref<10240x64xf32, #tpu.memory_space<vmem_shared>> -> memref<128x64xf32, #tpu.memory_space<vmem_shared>>
      %dma_start3A_72 = arith.constant 0 : i32
      %dma_start3A_73 = tpu.memref_slice %arg14[%add3A_7, %dma_start3A_72] : memref<10240x64xf32, #tpu.memory_space<vmem_shared>> -> memref<128x64xf32, #tpu.memory_space<vmem_shared>>
      tpu.enqueue_dma source(%arg9 : memref<128x64xf32, #tpu.memory_space<vmem>>) target(%dma_start3A_73 : memref<128x64xf32, #tpu.memory_space<vmem_shared>>) target_semaphore(%run_scoped3A : memref<!tpu.dma_semaphore, #tpu.memory_space<semaphore_mem>>)
      %dma_wait3A = arith.constant 0 : i32
      %dma_wait3A_74 = tpu.memref_slice %arg14[%add3A_7, %dma_wait3A] : memref<10240x64xf32, #tpu.memory_space<vmem_shared>> -> memref<128x64xf32, #tpu.memory_space<vmem_shared>>
      %dma_wait3A_75 = arith.constant 0 : i32
      %dma_wait3A_76 = tpu.memref_slice %arg14[%add3A_7, %dma_wait3A_75] : memref<10240x64xf32, #tpu.memory_space<vmem_shared>> -> memref<128x64xf32, #tpu.memory_space<vmem_shared>>
      tpu.wait_dma2 semaphore(%run_scoped3A : memref<!tpu.dma_semaphore, #tpu.memory_space<semaphore_mem>>) src(%arg9 : memref<128x64xf32, #tpu.memory_space<vmem>>) dst(%dma_wait3A_76 : memref<128x64xf32, #tpu.memory_space<vmem_shared>>)
      tpu.yield
    }) : () -> ()
    %add3A_8 = arith.constant 512 : i32
    %add3A_9 = arith.addi %mul3A_0, %add3A_8 : i32
    "tpu.region"() ({
      %run_scoped3A = tpu.sem_alloc : memref<!tpu.dma_semaphore, #tpu.memory_space<semaphore_mem>>
      %dma_start3A_70 = arith.constant 0 : i32
      %dma_start3A_71 = tpu.memref_slice %arg14[%add3A_9, %dma_start3A_70] : memref<10240x64xf32, #tpu.memory_space<vmem_shared>> -> memref<128x64xf32, #tpu.memory_space<vmem_shared>>
      %dma_start3A_72 = arith.constant 0 : i32
      %dma_start3A_73 = tpu.memref_slice %arg14[%add3A_9, %dma_start3A_72] : memref<10240x64xf32, #tpu.memory_space<vmem_shared>> -> memref<128x64xf32, #tpu.memory_space<vmem_shared>>
      tpu.enqueue_dma source(%arg9 : memref<128x64xf32, #tpu.memory_space<vmem>>) target(%dma_start3A_73 : memref<128x64xf32, #tpu.memory_space<vmem_shared>>) target_semaphore(%run_scoped3A : memref<!tpu.dma_semaphore, #tpu.memory_space<semaphore_mem>>)
      %dma_wait3A = arith.constant 0 : i32
      %dma_wait3A_74 = tpu.memref_slice %arg14[%add3A_9, %dma_wait3A] : memref<10240x64xf32, #tpu.memory_space<vmem_shared>> -> memref<128x64xf32, #tpu.memory_space<vmem_shared>>
      %dma_wait3A_75 = arith.constant 0 : i32
      %dma_wait3A_76 = tpu.memref_slice %arg14[%add3A_9, %dma_wait3A_75] : memref<10240x64xf32, #tpu.memory_space<vmem_shared>> -> memref<128x64xf32, #tpu.memory_space<vmem_shared>>
      tpu.wait_dma2 semaphore(%run_scoped3A : memref<!tpu.dma_semaphore, #tpu.memory_space<semaphore_mem>>) src(%arg9 : memref<128x64xf32, #tpu.memory_space<vmem>>) dst(%dma_wait3A_76 : memref<128x64xf32, #tpu.memory_space<vmem_shared>>)
      tpu.yield
    }) : () -> ()
    %barrier3A = arith.constant 0 : index
    tpu.barrier barrier_id(%barrier3A)
    %dma_start3A = arith.constant 0 : i32
    %dma_start3A_10 = arith.constant 0 : i32
    %dma_start3A_11 = tpu.memref_slice %arg7[%dma_start3A, %dma_start3A_10] : memref<160x128xi32, #tpu.memory_space<vmem>> -> memref<1x128xi32, #tpu.memory_space<vmem>>
    %dma_start3A_12 = tpu.memref_squeeze %dma_start3A_11 : memref<1x128xi32, #tpu.memory_space<vmem>> -> memref<128xi32, #tpu.memory_space<vmem>>
    %dma_start3A_13 = arith.constant 0 : i32
    %dma_start3A_14 = arith.constant 0 : i32
    %dma_start3A_15 = tpu.memref_slice %arg4[%arg0, %dma_start3A_13, %dma_start3A_14] : memref<2x10240x64xf32, #tpu.memory_space<hbm>> -> memref<1x10240x64xf32, #tpu.memory_space<hbm>>
    %dma_start3A_16 = tpu.memref_squeeze %dma_start3A_15 : memref<1x10240x64xf32, #tpu.memory_space<hbm>> -> memref<10240x64xf32, #tpu.memory_space<hbm>>
    %dma_start3A_17 = arith.constant 0 : i32
    %dma_start3A_18 = arith.constant 0 : i32
    %dma_start3A_19 = tpu.memref_slice %dma_start3A_16[%dma_start3A_17, %dma_start3A_18] : memref<10240x64xf32, #tpu.memory_space<hbm>> -> memref<10240x64xf32, #tpu.memory_space<hbm>>
    tpu.enqueue_indirect_dma source(%dma_start3A_19 : memref<10240x64xf32, #tpu.memory_space<hbm>>) target(%arg9 : memref<128x64xf32, #tpu.memory_space<vmem>>) offsets(%dma_start3A_12 : memref<128xi32, #tpu.memory_space<vmem>>) semaphore(%arg15 : memref<!tpu.dma_semaphore, #tpu.memory_space<semaphore_mem>>)
    %dma_start3A_20 = arith.constant 1 : i32
    %dma_start3A_21 = arith.constant 0 : i32
    %dma_start3A_22 = tpu.memref_slice %arg7[%dma_start3A_20, %dma_start3A_21] : memref<160x128xi32, #tpu.memory_space<vmem>> -> memref<1x128xi32, #tpu.memory_space<vmem>>
    %dma_start3A_23 = tpu.memref_squeeze %dma_start3A_22 : memref<1x128xi32, #tpu.memory_space<vmem>> -> memref<128xi32, #tpu.memory_space<vmem>>
    %dma_start3A_24 = arith.constant 0 : i32
    %dma_start3A_25 = arith.constant 0 : i32
    %dma_start3A_26 = tpu.memref_slice %arg4[%arg0, %dma_start3A_24, %dma_start3A_25] : memref<2x10240x64xf32, #tpu.memory_space<hbm>> -> memref<1x10240x64xf32, #tpu.memory_space<hbm>>
    %dma_start3A_27 = tpu.memref_squeeze %dma_start3A_26 : memref<1x10240x64xf32, #tpu.memory_space<hbm>> -> memref<10240x64xf32, #tpu.memory_space<hbm>>
    %dma_start3A_28 = arith.constant 0 : i32
    %dma_start3A_29 = arith.constant 0 : i32
    %dma_start3A_30 = tpu.memref_slice %dma_start3A_27[%dma_start3A_28, %dma_start3A_29] : memref<10240x64xf32, #tpu.memory_space<hbm>> -> memref<10240x64xf32, #tpu.memory_space<hbm>>
    tpu.enqueue_indirect_dma source(%dma_start3A_30 : memref<10240x64xf32, #tpu.memory_space<hbm>>) target(%arg10 : memref<128x64xf32, #tpu.memory_space<vmem>>) offsets(%dma_start3A_23 : memref<128xi32, #tpu.memory_space<vmem>>) semaphore(%arg16 : memref<!tpu.dma_semaphore, #tpu.memory_space<semaphore_mem>>)
    %dma_start3A_31 = arith.constant 2 : i32
    %dma_start3A_32 = arith.constant 0 : i32
    %dma_start3A_33 = tpu.memref_slice %arg7[%dma_start3A_31, %dma_start3A_32] : memref<160x128xi32, #tpu.memory_space<vmem>> -> memref<1x128xi32, #tpu.memory_space<vmem>>
    %dma_start3A_34 = tpu.memref_squeeze %dma_start3A_33 : memref<1x128xi32, #tpu.memory_space<vmem>> -> memref<128xi32, #tpu.memory_space<vmem>>
    %dma_start3A_35 = arith.constant 0 : i32
    %dma_start3A_36 = arith.constant 0 : i32
    %dma_start3A_37 = tpu.memref_slice %arg4[%arg0, %dma_start3A_35, %dma_start3A_36] : memref<2x10240x64xf32, #tpu.memory_space<hbm>> -> memref<1x10240x64xf32, #tpu.memory_space<hbm>>
    %dma_start3A_38 = tpu.memref_squeeze %dma_start3A_37 : memref<1x10240x64xf32, #tpu.memory_space<hbm>> -> memref<10240x64xf32, #tpu.memory_space<hbm>>
    %dma_start3A_39 = arith.constant 0 : i32
    %dma_start3A_40 = arith.constant 0 : i32
    %dma_start3A_41 = tpu.memref_slice %dma_start3A_38[%dma_start3A_39, %dma_start3A_40] : memref<10240x64xf32, #tpu.memory_space<hbm>> -> memref<10240x64xf32, #tpu.memory_space<hbm>>
    tpu.enqueue_indirect_dma source(%dma_start3A_41 : memref<10240x64xf32, #tpu.memory_space<hbm>>) target(%arg11 : memref<128x64xf32, #tpu.memory_space<vmem>>) offsets(%dma_start3A_34 : memref<128xi32, #tpu.memory_space<vmem>>) semaphore(%arg17 : memref<!tpu.dma_semaphore, #tpu.memory_space<semaphore_mem>>)
    %dma_start3A_42 = arith.constant 3 : i32
    %dma_start3A_43 = arith.constant 0 : i32
    %dma_start3A_44 = tpu.memref_slice %arg7[%dma_start3A_42, %dma_start3A_43] : memref<160x128xi32, #tpu.memory_space<vmem>> -> memref<1x128xi32, #tpu.memory_space<vmem>>
    %dma_start3A_45 = tpu.memref_squeeze %dma_start3A_44 : memref<1x128xi32, #tpu.memory_space<vmem>> -> memref<128xi32, #tpu.memory_space<vmem>>
    %dma_start3A_46 = arith.constant 0 : i32
    %dma_start3A_47 = arith.constant 0 : i32
    %dma_start3A_48 = tpu.memref_slice %arg4[%arg0, %dma_start3A_46, %dma_start3A_47] : memref<2x10240x64xf32, #tpu.memory_space<hbm>> -> memref<1x10240x64xf32, #tpu.memory_space<hbm>>
    %dma_start3A_49 = tpu.memref_squeeze %dma_start3A_48 : memref<1x10240x64xf32, #tpu.memory_space<hbm>> -> memref<10240x64xf32, #tpu.memory_space<hbm>>
    %dma_start3A_50 = arith.constant 0 : i32
    %dma_start3A_51 = arith.constant 0 : i32
    %dma_start3A_52 = tpu.memref_slice %dma_start3A_49[%dma_start3A_50, %dma_start3A_51] : memref<10240x64xf32, #tpu.memory_space<hbm>> -> memref<10240x64xf32, #tpu.memory_space<hbm>>
    tpu.enqueue_indirect_dma source(%dma_start3A_52 : memref<10240x64xf32, #tpu.memory_space<hbm>>) target(%arg12 : memref<128x64xf32, #tpu.memory_space<vmem>>) offsets(%dma_start3A_45 : memref<128xi32, #tpu.memory_space<vmem>>) semaphore(%arg18 : memref<!tpu.dma_semaphore, #tpu.memory_space<semaphore_mem>>)
    %dma_start3A_53 = arith.constant 4 : i32
    %dma_start3A_54 = arith.constant 0 : i32
    %dma_start3A_55 = tpu.memref_slice %arg7[%dma_start3A_53, %dma_start3A_54] : memref<160x128xi32, #tpu.memory_space<vmem>> -> memref<1x128xi32, #tpu.memory_space<vmem>>
    %dma_start3A_56 = tpu.memref_squeeze %dma_start3A_55 : memref<1x128xi32, #tpu.memory_space<vmem>> -> memref<128xi32, #tpu.memory_space<vmem>>
    %dma_start3A_57 = arith.constant 0 : i32
    %dma_start3A_58 = arith.constant 0 : i32
    %dma_start3A_59 = tpu.memref_slice %arg4[%arg0, %dma_start3A_57, %dma_start3A_58] : memref<2x10240x64xf32, #tpu.memory_space<hbm>> -> memref<1x10240x64xf32, #tpu.memory_space<hbm>>
    %dma_start3A_60 = tpu.memref_squeeze %dma_start3A_59 : memref<1x10240x64xf32, #tpu.memory_space<hbm>> -> memref<10240x64xf32, #tpu.memory_space<hbm>>
    %dma_start3A_61 = arith.constant 0 : i32
    %dma_start3A_62 = arith.constant 0 : i32
    %dma_start3A_63 = tpu.memref_slice %dma_start3A_60[%dma_start3A_61, %dma_start3A_62] : memref<10240x64xf32, #tpu.memory_space<hbm>> -> memref<10240x64xf32, #tpu.memory_space<hbm>>
    tpu.enqueue_indirect_dma source(%dma_start3A_63 : memref<10240x64xf32, #tpu.memory_space<hbm>>) target(%arg13 : memref<128x64xf32, #tpu.memory_space<vmem>>) offsets(%dma_start3A_56 : memref<128xi32, #tpu.memory_space<vmem>>) semaphore(%arg19 : memref<!tpu.dma_semaphore, #tpu.memory_space<semaphore_mem>>)
    %scan3A = arith.constant 0 : i32
    %scan3A_64 = arith.constant 0 : i32
    %scan3A_65 = arith.constant 32 : i32
    %scan3A_66 = arith.addi %scan3A_64, %scan3A_65 : i32
    %scan3A_67 = arith.constant 1 : i32
    scf.for %scan3A_70 = %scan3A_64 to %scan3A_66 step %scan3A_67  : i32 {
      %mul3A_71 = arith.constant 5 : i32
      %mul3A_72 = arith.muli %scan3A_70, %mul3A_71 : i32
      %add3A_73 = arith.constant 0 : i32
      %add3A_74 = arith.addi %mul3A_72, %add3A_73 : i32
      %dma_wait3A = arith.constant 0 : i32
      %dma_wait3A_75 = tpu.memref_slice %arg7[%add3A_74, %dma_wait3A] : memref<160x128xi32, #tpu.memory_space<vmem>> -> memref<1x128xi32, #tpu.memory_space<vmem>>
      %dma_wait3A_76 = tpu.memref_squeeze %dma_wait3A_75 : memref<1x128xi32, #tpu.memory_space<vmem>> -> memref<128xi32, #tpu.memory_space<vmem>>
      %dma_wait3A_77 = arith.constant 0 : i32
      %dma_wait3A_78 = arith.constant 0 : i32
      %dma_wait3A_79 = tpu.memref_slice %arg4[%arg0, %dma_wait3A_77, %dma_wait3A_78] : memref<2x10240x64xf32, #tpu.memory_space<hbm>> -> memref<1x10240x64xf32, #tpu.memory_space<hbm>>
      %dma_wait3A_80 = tpu.memref_squeeze %dma_wait3A_79 : memref<1x10240x64xf32, #tpu.memory_space<hbm>> -> memref<10240x64xf32, #tpu.memory_space<hbm>>
      %dma_wait3A_81 = arith.constant 0 : i32
      %dma_wait3A_82 = arith.constant 0 : i32
      %dma_wait3A_83 = tpu.memref_slice %dma_wait3A_80[%dma_wait3A_81, %dma_wait3A_82] : memref<10240x64xf32, #tpu.memory_space<hbm>> -> memref<10240x64xf32, #tpu.memory_space<hbm>>
      tpu.wait_indirect_dma semaphore(%arg15 : memref<!tpu.dma_semaphore, #tpu.memory_space<semaphore_mem>>) src(%dma_wait3A_83 : memref<10240x64xf32, #tpu.memory_space<hbm>>) dst(%arg9 : memref<128x64xf32, #tpu.memory_space<vmem>>)
      "tpu.region"() ({
        %run_scoped3A = tpu.sem_alloc : memref<!tpu.dma_semaphore, #tpu.memory_space<semaphore_mem>>
        %dma_start3A_172 = arith.constant 0 : i32
        %dma_start3A_173 = tpu.memref_slice %arg8[%add3A_74, %dma_start3A_172] : memref<160x128xi32, #tpu.memory_space<vmem>> -> memref<1x128xi32, #tpu.memory_space<vmem>>
        %dma_start3A_174 = tpu.memref_squeeze %dma_start3A_173 : memref<1x128xi32, #tpu.memory_space<vmem>> -> memref<128xi32, #tpu.memory_space<vmem>>
        %dma_start3A_175 = arith.constant 0 : i32
        %dma_start3A_176 = arith.constant 0 : i32
        %dma_start3A_177 = tpu.memref_slice %arg14[%dma_start3A_175, %dma_start3A_176] : memref<10240x64xf32, #tpu.memory_space<vmem_shared>> -> memref<10240x64xf32, #tpu.memory_space<vmem_shared>>
        tpu.enqueue_indirect_dma source(%arg9 : memref<128x64xf32, #tpu.memory_space<vmem>>) target(%dma_start3A_177 : memref<10240x64xf32, #tpu.memory_space<vmem_shared>>) offsets(%dma_start3A_174 : memref<128xi32, #tpu.memory_space<vmem>>) semaphore(%run_scoped3A : memref<!tpu.dma_semaphore, #tpu.memory_space<semaphore_mem>>) {add = true}
        %dma_wait3A_178 = arith.constant 0 : i32
        %dma_wait3A_179 = tpu.memref_slice %arg8[%add3A_74, %dma_wait3A_178] : memref<160x128xi32, #tpu.memory_space<vmem>> -> memref<1x128xi32, #tpu.memory_space<vmem>>
        %dma_wait3A_180 = tpu.memref_squeeze %dma_wait3A_179 : memref<1x128xi32, #tpu.memory_space<vmem>> -> memref<128xi32, #tpu.memory_space<vmem>>
        %dma_wait3A_181 = arith.constant 0 : i32
        %dma_wait3A_182 = arith.constant 0 : i32
        %dma_wait3A_183 = tpu.memref_slice %arg14[%dma_wait3A_181, %dma_wait3A_182] : memref<10240x64xf32, #tpu.memory_space<vmem_shared>> -> memref<10240x64xf32, #tpu.memory_space<vmem_shared>>
        tpu.wait_indirect_dma semaphore(%run_scoped3A : memref<!tpu.dma_semaphore, #tpu.memory_space<semaphore_mem>>) src(%arg9 : memref<128x64xf32, #tpu.memory_space<vmem>>) dst(%dma_wait3A_183 : memref<10240x64xf32, #tpu.memory_space<vmem_shared>>)
        tpu.yield
      }) : () -> ()
      %add3A_84 = arith.constant 5 : i32
      %add3A_85 = arith.addi %add3A_74, %add3A_84 : i32
      %lt3A = arith.constant 160 : i32
      %lt3A_86 = arith.cmpi slt, %add3A_85, %lt3A : i32
      %convert_element_type3A = arith.extui %lt3A_86 : i1 to i32
      %cond3A = arith.constant 0 : i32
      %cond3A_87 = arith.cmpi ne, %convert_element_type3A, %cond3A : i32
      scf.if %cond3A_87 {
        %add3A_172 = arith.constant 5 : i32
        %add3A_173 = arith.addi %add3A_74, %add3A_172 : i32
        %dma_start3A_174 = arith.constant 0 : i32
        %dma_start3A_175 = tpu.memref_slice %arg7[%add3A_173, %dma_start3A_174] : memref<160x128xi32, #tpu.memory_space<vmem>> -> memref<1x128xi32, #tpu.memory_space<vmem>>
        %dma_start3A_176 = tpu.memref_squeeze %dma_start3A_175 : memref<1x128xi32, #tpu.memory_space<vmem>> -> memref<128xi32, #tpu.memory_space<vmem>>
        %dma_start3A_177 = arith.constant 0 : i32
        %dma_start3A_178 = arith.constant 0 : i32
        %dma_start3A_179 = tpu.memref_slice %arg4[%arg0, %dma_start3A_177, %dma_start3A_178] : memref<2x10240x64xf32, #tpu.memory_space<hbm>> -> memref<1x10240x64xf32, #tpu.memory_space<hbm>>
        %dma_start3A_180 = tpu.memref_squeeze %dma_start3A_179 : memref<1x10240x64xf32, #tpu.memory_space<hbm>> -> memref<10240x64xf32, #tpu.memory_space<hbm>>
        %dma_start3A_181 = arith.constant 0 : i32
        %dma_start3A_182 = arith.constant 0 : i32
        %dma_start3A_183 = tpu.memref_slice %dma_start3A_180[%dma_start3A_181, %dma_start3A_182] : memref<10240x64xf32, #tpu.memory_space<hbm>> -> memref<10240x64xf32, #tpu.memory_space<hbm>>
        tpu.enqueue_indirect_dma source(%dma_start3A_183 : memref<10240x64xf32, #tpu.memory_space<hbm>>) target(%arg9 : memref<128x64xf32, #tpu.memory_space<vmem>>) offsets(%dma_start3A_176 : memref<128xi32, #tpu.memory_space<vmem>>) semaphore(%arg15 : memref<!tpu.dma_semaphore, #tpu.memory_space<semaphore_mem>>)
      } else {
      }
      %mul3A_88 = arith.constant 5 : i32
      %mul3A_89 = arith.muli %scan3A_70, %mul3A_88 : i32
      %add3A_90 = arith.constant 1 : i32
      %add3A_91 = arith.addi %mul3A_89, %add3A_90 : i32
      %dma_wait3A_92 = arith.constant 0 : i32
      %dma_wait3A_93 = tpu.memref_slice %arg7[%add3A_91, %dma_wait3A_92] : memref<160x128xi32, #tpu.memory_space<vmem>> -> memref<1x128xi32, #tpu.memory_space<vmem>>
      %dma_wait3A_94 = tpu.memref_squeeze %dma_wait3A_93 : memref<1x128xi32, #tpu.memory_space<vmem>> -> memref<128xi32, #tpu.memory_space<vmem>>
      %dma_wait3A_95 = arith.constant 0 : i32
      %dma_wait3A_96 = arith.constant 0 : i32
      %dma_wait3A_97 = tpu.memref_slice %arg4[%arg0, %dma_wait3A_95, %dma_wait3A_96] : memref<2x10240x64xf32, #tpu.memory_space<hbm>> -> memref<1x10240x64xf32, #tpu.memory_space<hbm>>
      %dma_wait3A_98 = tpu.memref_squeeze %dma_wait3A_97 : memref<1x10240x64xf32, #tpu.memory_space<hbm>> -> memref<10240x64xf32, #tpu.memory_space<hbm>>
      %dma_wait3A_99 = arith.constant 0 : i32
      %dma_wait3A_100 = arith.constant 0 : i32
      %dma_wait3A_101 = tpu.memref_slice %dma_wait3A_98[%dma_wait3A_99, %dma_wait3A_100] : memref<10240x64xf32, #tpu.memory_space<hbm>> -> memref<10240x64xf32, #tpu.memory_space<hbm>>
      tpu.wait_indirect_dma semaphore(%arg16 : memref<!tpu.dma_semaphore, #tpu.memory_space<semaphore_mem>>) src(%dma_wait3A_101 : memref<10240x64xf32, #tpu.memory_space<hbm>>) dst(%arg10 : memref<128x64xf32, #tpu.memory_space<vmem>>)
      "tpu.region"() ({
        %run_scoped3A = tpu.sem_alloc : memref<!tpu.dma_semaphore, #tpu.memory_space<semaphore_mem>>
        %dma_start3A_172 = arith.constant 0 : i32
        %dma_start3A_173 = tpu.memref_slice %arg8[%add3A_91, %dma_start3A_172] : memref<160x128xi32, #tpu.memory_space<vmem>> -> memref<1x128xi32, #tpu.memory_space<vmem>>
        %dma_start3A_174 = tpu.memref_squeeze %dma_start3A_173 : memref<1x128xi32, #tpu.memory_space<vmem>> -> memref<128xi32, #tpu.memory_space<vmem>>
        %dma_start3A_175 = arith.constant 0 : i32
        %dma_start3A_176 = arith.constant 0 : i32
        %dma_start3A_177 = tpu.memref_slice %arg14[%dma_start3A_175, %dma_start3A_176] : memref<10240x64xf32, #tpu.memory_space<vmem_shared>> -> memref<10240x64xf32, #tpu.memory_space<vmem_shared>>
        tpu.enqueue_indirect_dma source(%arg10 : memref<128x64xf32, #tpu.memory_space<vmem>>) target(%dma_start3A_177 : memref<10240x64xf32, #tpu.memory_space<vmem_shared>>) offsets(%dma_start3A_174 : memref<128xi32, #tpu.memory_space<vmem>>) semaphore(%run_scoped3A : memref<!tpu.dma_semaphore, #tpu.memory_space<semaphore_mem>>) {add = true}
        %dma_wait3A_178 = arith.constant 0 : i32
        %dma_wait3A_179 = tpu.memref_slice %arg8[%add3A_91, %dma_wait3A_178] : memref<160x128xi32, #tpu.memory_space<vmem>> -> memref<1x128xi32, #tpu.memory_space<vmem>>
        %dma_wait3A_180 = tpu.memref_squeeze %dma_wait3A_179 : memref<1x128xi32, #tpu.memory_space<vmem>> -> memref<128xi32, #tpu.memory_space<vmem>>
        %dma_wait3A_181 = arith.constant 0 : i32
        %dma_wait3A_182 = arith.constant 0 : i32
        %dma_wait3A_183 = tpu.memref_slice %arg14[%dma_wait3A_181, %dma_wait3A_182] : memref<10240x64xf32, #tpu.memory_space<vmem_shared>> -> memref<10240x64xf32, #tpu.memory_space<vmem_shared>>
        tpu.wait_indirect_dma semaphore(%run_scoped3A : memref<!tpu.dma_semaphore, #tpu.memory_space<semaphore_mem>>) src(%arg10 : memref<128x64xf32, #tpu.memory_space<vmem>>) dst(%dma_wait3A_183 : memref<10240x64xf32, #tpu.memory_space<vmem_shared>>)
        tpu.yield
      }) : () -> ()
      %add3A_102 = arith.constant 5 : i32
      %add3A_103 = arith.addi %add3A_91, %add3A_102 : i32
      %lt3A_104 = arith.constant 160 : i32
      %lt3A_105 = arith.cmpi slt, %add3A_103, %lt3A_104 : i32
      %convert_element_type3A_106 = arith.extui %lt3A_105 : i1 to i32
      %cond3A_107 = arith.constant 0 : i32
      %cond3A_108 = arith.cmpi ne, %convert_element_type3A_106, %cond3A_107 : i32
      scf.if %cond3A_108 {
        %add3A_172 = arith.constant 5 : i32
        %add3A_173 = arith.addi %add3A_91, %add3A_172 : i32
        %dma_start3A_174 = arith.constant 0 : i32
        %dma_start3A_175 = tpu.memref_slice %arg7[%add3A_173, %dma_start3A_174] : memref<160x128xi32, #tpu.memory_space<vmem>> -> memref<1x128xi32, #tpu.memory_space<vmem>>
        %dma_start3A_176 = tpu.memref_squeeze %dma_start3A_175 : memref<1x128xi32, #tpu.memory_space<vmem>> -> memref<128xi32, #tpu.memory_space<vmem>>
        %dma_start3A_177 = arith.constant 0 : i32
        %dma_start3A_178 = arith.constant 0 : i32
        %dma_start3A_179 = tpu.memref_slice %arg4[%arg0, %dma_start3A_177, %dma_start3A_178] : memref<2x10240x64xf32, #tpu.memory_space<hbm>> -> memref<1x10240x64xf32, #tpu.memory_space<hbm>>
        %dma_start3A_180 = tpu.memref_squeeze %dma_start3A_179 : memref<1x10240x64xf32, #tpu.memory_space<hbm>> -> memref<10240x64xf32, #tpu.memory_space<hbm>>
        %dma_start3A_181 = arith.constant 0 : i32
        %dma_start3A_182 = arith.constant 0 : i32
        %dma_start3A_183 = tpu.memref_slice %dma_start3A_180[%dma_start3A_181, %dma_start3A_182] : memref<10240x64xf32, #tpu.memory_space<hbm>> -> memref<10240x64xf32, #tpu.memory_space<hbm>>
        tpu.enqueue_indirect_dma source(%dma_start3A_183 : memref<10240x64xf32, #tpu.memory_space<hbm>>) target(%arg10 : memref<128x64xf32, #tpu.memory_space<vmem>>) offsets(%dma_start3A_176 : memref<128xi32, #tpu.memory_space<vmem>>) semaphore(%arg16 : memref<!tpu.dma_semaphore, #tpu.memory_space<semaphore_mem>>)
      } else {
      }
      %mul3A_109 = arith.constant 5 : i32
      %mul3A_110 = arith.muli %scan3A_70, %mul3A_109 : i32
      %add3A_111 = arith.constant 2 : i32
      %add3A_112 = arith.addi %mul3A_110, %add3A_111 : i32
      %dma_wait3A_113 = arith.constant 0 : i32
      %dma_wait3A_114 = tpu.memref_slice %arg7[%add3A_112, %dma_wait3A_113] : memref<160x128xi32, #tpu.memory_space<vmem>> -> memref<1x128xi32, #tpu.memory_space<vmem>>
      %dma_wait3A_115 = tpu.memref_squeeze %dma_wait3A_114 : memref<1x128xi32, #tpu.memory_space<vmem>> -> memref<128xi32, #tpu.memory_space<vmem>>
      %dma_wait3A_116 = arith.constant 0 : i32
      %dma_wait3A_117 = arith.constant 0 : i32
      %dma_wait3A_118 = tpu.memref_slice %arg4[%arg0, %dma_wait3A_116, %dma_wait3A_117] : memref<2x10240x64xf32, #tpu.memory_space<hbm>> -> memref<1x10240x64xf32, #tpu.memory_space<hbm>>
      %dma_wait3A_119 = tpu.memref_squeeze %dma_wait3A_118 : memref<1x10240x64xf32, #tpu.memory_space<hbm>> -> memref<10240x64xf32, #tpu.memory_space<hbm>>
      %dma_wait3A_120 = arith.constant 0 : i32
      %dma_wait3A_121 = arith.constant 0 : i32
      %dma_wait3A_122 = tpu.memref_slice %dma_wait3A_119[%dma_wait3A_120, %dma_wait3A_121] : memref<10240x64xf32, #tpu.memory_space<hbm>> -> memref<10240x64xf32, #tpu.memory_space<hbm>>
      tpu.wait_indirect_dma semaphore(%arg17 : memref<!tpu.dma_semaphore, #tpu.memory_space<semaphore_mem>>) src(%dma_wait3A_122 : memref<10240x64xf32, #tpu.memory_space<hbm>>) dst(%arg11 : memref<128x64xf32, #tpu.memory_space<vmem>>)
      "tpu.region"() ({
        %run_scoped3A = tpu.sem_alloc : memref<!tpu.dma_semaphore, #tpu.memory_space<semaphore_mem>>
        %dma_start3A_172 = arith.constant 0 : i32
        %dma_start3A_173 = tpu.memref_slice %arg8[%add3A_112, %dma_start3A_172] : memref<160x128xi32, #tpu.memory_space<vmem>> -> memref<1x128xi32, #tpu.memory_space<vmem>>
        %dma_start3A_174 = tpu.memref_squeeze %dma_start3A_173 : memref<1x128xi32, #tpu.memory_space<vmem>> -> memref<128xi32, #tpu.memory_space<vmem>>
        %dma_start3A_175 = arith.constant 0 : i32
        %dma_start3A_176 = arith.constant 0 : i32
        %dma_start3A_177 = tpu.memref_slice %arg14[%dma_start3A_175, %dma_start3A_176] : memref<10240x64xf32, #tpu.memory_space<vmem_shared>> -> memref<10240x64xf32, #tpu.memory_space<vmem_shared>>
        tpu.enqueue_indirect_dma source(%arg11 : memref<128x64xf32, #tpu.memory_space<vmem>>) target(%dma_start3A_177 : memref<10240x64xf32, #tpu.memory_space<vmem_shared>>) offsets(%dma_start3A_174 : memref<128xi32, #tpu.memory_space<vmem>>) semaphore(%run_scoped3A : memref<!tpu.dma_semaphore, #tpu.memory_space<semaphore_mem>>) {add = true}
        %dma_wait3A_178 = arith.constant 0 : i32
        %dma_wait3A_179 = tpu.memref_slice %arg8[%add3A_112, %dma_wait3A_178] : memref<160x128xi32, #tpu.memory_space<vmem>> -> memref<1x128xi32, #tpu.memory_space<vmem>>
        %dma_wait3A_180 = tpu.memref_squeeze %dma_wait3A_179 : memref<1x128xi32, #tpu.memory_space<vmem>> -> memref<128xi32, #tpu.memory_space<vmem>>
        %dma_wait3A_181 = arith.constant 0 : i32
        %dma_wait3A_182 = arith.constant 0 : i32
        %dma_wait3A_183 = tpu.memref_slice %arg14[%dma_wait3A_181, %dma_wait3A_182] : memref<10240x64xf32, #tpu.memory_space<vmem_shared>> -> memref<10240x64xf32, #tpu.memory_space<vmem_shared>>
        tpu.wait_indirect_dma semaphore(%run_scoped3A : memref<!tpu.dma_semaphore, #tpu.memory_space<semaphore_mem>>) src(%arg11 : memref<128x64xf32, #tpu.memory_space<vmem>>) dst(%dma_wait3A_183 : memref<10240x64xf32, #tpu.memory_space<vmem_shared>>)
        tpu.yield
      }) : () -> ()
      %add3A_123 = arith.constant 5 : i32
      %add3A_124 = arith.addi %add3A_112, %add3A_123 : i32
      %lt3A_125 = arith.constant 160 : i32
      %lt3A_126 = arith.cmpi slt, %add3A_124, %lt3A_125 : i32
      %convert_element_type3A_127 = arith.extui %lt3A_126 : i1 to i32
      %cond3A_128 = arith.constant 0 : i32
      %cond3A_129 = arith.cmpi ne, %convert_element_type3A_127, %cond3A_128 : i32
      scf.if %cond3A_129 {
        %add3A_172 = arith.constant 5 : i32
        %add3A_173 = arith.addi %add3A_112, %add3A_172 : i32
        %dma_start3A_174 = arith.constant 0 : i32
        %dma_start3A_175 = tpu.memref_slice %arg7[%add3A_173, %dma_start3A_174] : memref<160x128xi32, #tpu.memory_space<vmem>> -> memref<1x128xi32, #tpu.memory_space<vmem>>
        %dma_start3A_176 = tpu.memref_squeeze %dma_start3A_175 : memref<1x128xi32, #tpu.memory_space<vmem>> -> memref<128xi32, #tpu.memory_space<vmem>>
        %dma_start3A_177 = arith.constant 0 : i32
        %dma_start3A_178 = arith.constant 0 : i32
        %dma_start3A_179 = tpu.memref_slice %arg4[%arg0, %dma_start3A_177, %dma_start3A_178] : memref<2x10240x64xf32, #tpu.memory_space<hbm>> -> memref<1x10240x64xf32, #tpu.memory_space<hbm>>
        %dma_start3A_180 = tpu.memref_squeeze %dma_start3A_179 : memref<1x10240x64xf32, #tpu.memory_space<hbm>> -> memref<10240x64xf32, #tpu.memory_space<hbm>>
        %dma_start3A_181 = arith.constant 0 : i32
        %dma_start3A_182 = arith.constant 0 : i32
        %dma_start3A_183 = tpu.memref_slice %dma_start3A_180[%dma_start3A_181, %dma_start3A_182] : memref<10240x64xf32, #tpu.memory_space<hbm>> -> memref<10240x64xf32, #tpu.memory_space<hbm>>
        tpu.enqueue_indirect_dma source(%dma_start3A_183 : memref<10240x64xf32, #tpu.memory_space<hbm>>) target(%arg11 : memref<128x64xf32, #tpu.memory_space<vmem>>) offsets(%dma_start3A_176 : memref<128xi32, #tpu.memory_space<vmem>>) semaphore(%arg17 : memref<!tpu.dma_semaphore, #tpu.memory_space<semaphore_mem>>)
      } else {
      }
      %mul3A_130 = arith.constant 5 : i32
      %mul3A_131 = arith.muli %scan3A_70, %mul3A_130 : i32
      %add3A_132 = arith.constant 3 : i32
      %add3A_133 = arith.addi %mul3A_131, %add3A_132 : i32
      %dma_wait3A_134 = arith.constant 0 : i32
      %dma_wait3A_135 = tpu.memref_slice %arg7[%add3A_133, %dma_wait3A_134] : memref<160x128xi32, #tpu.memory_space<vmem>> -> memref<1x128xi32, #tpu.memory_space<vmem>>
      %dma_wait3A_136 = tpu.memref_squeeze %dma_wait3A_135 : memref<1x128xi32, #tpu.memory_space<vmem>> -> memref<128xi32, #tpu.memory_space<vmem>>
      %dma_wait3A_137 = arith.constant 0 : i32
      %dma_wait3A_138 = arith.constant 0 : i32
      %dma_wait3A_139 = tpu.memref_slice %arg4[%arg0, %dma_wait3A_137, %dma_wait3A_138] : memref<2x10240x64xf32, #tpu.memory_space<hbm>> -> memref<1x10240x64xf32, #tpu.memory_space<hbm>>
      %dma_wait3A_140 = tpu.memref_squeeze %dma_wait3A_139 : memref<1x10240x64xf32, #tpu.memory_space<hbm>> -> memref<10240x64xf32, #tpu.memory_space<hbm>>
      %dma_wait3A_141 = arith.constant 0 : i32
      %dma_wait3A_142 = arith.constant 0 : i32
      %dma_wait3A_143 = tpu.memref_slice %dma_wait3A_140[%dma_wait3A_141, %dma_wait3A_142] : memref<10240x64xf32, #tpu.memory_space<hbm>> -> memref<10240x64xf32, #tpu.memory_space<hbm>>
      tpu.wait_indirect_dma semaphore(%arg18 : memref<!tpu.dma_semaphore, #tpu.memory_space<semaphore_mem>>) src(%dma_wait3A_143 : memref<10240x64xf32, #tpu.memory_space<hbm>>) dst(%arg12 : memref<128x64xf32, #tpu.memory_space<vmem>>)
      "tpu.region"() ({
        %run_scoped3A = tpu.sem_alloc : memref<!tpu.dma_semaphore, #tpu.memory_space<semaphore_mem>>
        %dma_start3A_172 = arith.constant 0 : i32
        %dma_start3A_173 = tpu.memref_slice %arg8[%add3A_133, %dma_start3A_172] : memref<160x128xi32, #tpu.memory_space<vmem>> -> memref<1x128xi32, #tpu.memory_space<vmem>>
        %dma_start3A_174 = tpu.memref_squeeze %dma_start3A_173 : memref<1x128xi32, #tpu.memory_space<vmem>> -> memref<128xi32, #tpu.memory_space<vmem>>
        %dma_start3A_175 = arith.constant 0 : i32
        %dma_start3A_176 = arith.constant 0 : i32
        %dma_start3A_177 = tpu.memref_slice %arg14[%dma_start3A_175, %dma_start3A_176] : memref<10240x64xf32, #tpu.memory_space<vmem_shared>> -> memref<10240x64xf32, #tpu.memory_space<vmem_shared>>
        tpu.enqueue_indirect_dma source(%arg12 : memref<128x64xf32, #tpu.memory_space<vmem>>) target(%dma_start3A_177 : memref<10240x64xf32, #tpu.memory_space<vmem_shared>>) offsets(%dma_start3A_174 : memref<128xi32, #tpu.memory_space<vmem>>) semaphore(%run_scoped3A : memref<!tpu.dma_semaphore, #tpu.memory_space<semaphore_mem>>) {add = true}
        %dma_wait3A_178 = arith.constant 0 : i32
        %dma_wait3A_179 = tpu.memref_slice %arg8[%add3A_133, %dma_wait3A_178] : memref<160x128xi32, #tpu.memory_space<vmem>> -> memref<1x128xi32, #tpu.memory_space<vmem>>
        %dma_wait3A_180 = tpu.memref_squeeze %dma_wait3A_179 : memref<1x128xi32, #tpu.memory_space<vmem>> -> memref<128xi32, #tpu.memory_space<vmem>>
        %dma_wait3A_181 = arith.constant 0 : i32
        %dma_wait3A_182 = arith.constant 0 : i32
        %dma_wait3A_183 = tpu.memref_slice %arg14[%dma_wait3A_181, %dma_wait3A_182] : memref<10240x64xf32, #tpu.memory_space<vmem_shared>> -> memref<10240x64xf32, #tpu.memory_space<vmem_shared>>
        tpu.wait_indirect_dma semaphore(%run_scoped3A : memref<!tpu.dma_semaphore, #tpu.memory_space<semaphore_mem>>) src(%arg12 : memref<128x64xf32, #tpu.memory_space<vmem>>) dst(%dma_wait3A_183 : memref<10240x64xf32, #tpu.memory_space<vmem_shared>>)
        tpu.yield
      }) : () -> ()
      %add3A_144 = arith.constant 5 : i32
      %add3A_145 = arith.addi %add3A_133, %add3A_144 : i32
      %lt3A_146 = arith.constant 160 : i32
      %lt3A_147 = arith.cmpi slt, %add3A_145, %lt3A_146 : i32
      %convert_element_type3A_148 = arith.extui %lt3A_147 : i1 to i32
      %cond3A_149 = arith.constant 0 : i32
      %cond3A_150 = arith.cmpi ne, %convert_element_type3A_148, %cond3A_149 : i32
      scf.if %cond3A_150 {
        %add3A_172 = arith.constant 5 : i32
        %add3A_173 = arith.addi %add3A_133, %add3A_172 : i32
        %dma_start3A_174 = arith.constant 0 : i32
        %dma_start3A_175 = tpu.memref_slice %arg7[%add3A_173, %dma_start3A_174] : memref<160x128xi32, #tpu.memory_space<vmem>> -> memref<1x128xi32, #tpu.memory_space<vmem>>
        %dma_start3A_176 = tpu.memref_squeeze %dma_start3A_175 : memref<1x128xi32, #tpu.memory_space<vmem>> -> memref<128xi32, #tpu.memory_space<vmem>>
        %dma_start3A_177 = arith.constant 0 : i32
        %dma_start3A_178 = arith.constant 0 : i32
        %dma_start3A_179 = tpu.memref_slice %arg4[%arg0, %dma_start3A_177, %dma_start3A_178] : memref<2x10240x64xf32, #tpu.memory_space<hbm>> -> memref<1x10240x64xf32, #tpu.memory_space<hbm>>
        %dma_start3A_180 = tpu.memref_squeeze %dma_start3A_179 : memref<1x10240x64xf32, #tpu.memory_space<hbm>> -> memref<10240x64xf32, #tpu.memory_space<hbm>>
        %dma_start3A_181 = arith.constant 0 : i32
        %dma_start3A_182 = arith.constant 0 : i32
        %dma_start3A_183 = tpu.memref_slice %dma_start3A_180[%dma_start3A_181, %dma_start3A_182] : memref<10240x64xf32, #tpu.memory_space<hbm>> -> memref<10240x64xf32, #tpu.memory_space<hbm>>
        tpu.enqueue_indirect_dma source(%dma_start3A_183 : memref<10240x64xf32, #tpu.memory_space<hbm>>) target(%arg12 : memref<128x64xf32, #tpu.memory_space<vmem>>) offsets(%dma_start3A_176 : memref<128xi32, #tpu.memory_space<vmem>>) semaphore(%arg18 : memref<!tpu.dma_semaphore, #tpu.memory_space<semaphore_mem>>)
      } else {
      }
      %mul3A_151 = arith.constant 5 : i32
      %mul3A_152 = arith.muli %scan3A_70, %mul3A_151 : i32
      %add3A_153 = arith.constant 4 : i32
      %add3A_154 = arith.addi %mul3A_152, %add3A_153 : i32
      %dma_wait3A_155 = arith.constant 0 : i32
      %dma_wait3A_156 = tpu.memref_slice %arg7[%add3A_154, %dma_wait3A_155] : memref<160x128xi32, #tpu.memory_space<vmem>> -> memref<1x128xi32, #tpu.memory_space<vmem>>
      %dma_wait3A_157 = tpu.memref_squeeze %dma_wait3A_156 : memref<1x128xi32, #tpu.memory_space<vmem>> -> memref<128xi32, #tpu.memory_space<vmem>>
      %dma_wait3A_158 = arith.constant 0 : i32
      %dma_wait3A_159 = arith.constant 0 : i32
      %dma_wait3A_160 = tpu.memref_slice %arg4[%arg0, %dma_wait3A_158, %dma_wait3A_159] : memref<2x10240x64xf32, #tpu.memory_space<hbm>> -> memref<1x10240x64xf32, #tpu.memory_space<hbm>>
      %dma_wait3A_161 = tpu.memref_squeeze %dma_wait3A_160 : memref<1x10240x64xf32, #tpu.memory_space<hbm>> -> memref<10240x64xf32, #tpu.memory_space<hbm>>
      %dma_wait3A_162 = arith.constant 0 : i32
      %dma_wait3A_163 = arith.constant 0 : i32
      %dma_wait3A_164 = tpu.memref_slice %dma_wait3A_161[%dma_wait3A_162, %dma_wait3A_163] : memref<10240x64xf32, #tpu.memory_space<hbm>> -> memref<10240x64xf32, #tpu.memory_space<hbm>>
      tpu.wait_indirect_dma semaphore(%arg19 : memref<!tpu.dma_semaphore, #tpu.memory_space<semaphore_mem>>) src(%dma_wait3A_164 : memref<10240x64xf32, #tpu.memory_space<hbm>>) dst(%arg13 : memref<128x64xf32, #tpu.memory_space<vmem>>)
      "tpu.region"() ({
        %run_scoped3A = tpu.sem_alloc : memref<!tpu.dma_semaphore, #tpu.memory_space<semaphore_mem>>
        %dma_start3A_172 = arith.constant 0 : i32
        %dma_start3A_173 = tpu.memref_slice %arg8[%add3A_154, %dma_start3A_172] : memref<160x128xi32, #tpu.memory_space<vmem>> -> memref<1x128xi32, #tpu.memory_space<vmem>>
        %dma_start3A_174 = tpu.memref_squeeze %dma_start3A_173 : memref<1x128xi32, #tpu.memory_space<vmem>> -> memref<128xi32, #tpu.memory_space<vmem>>
        %dma_start3A_175 = arith.constant 0 : i32
        %dma_start3A_176 = arith.constant 0 : i32
        %dma_start3A_177 = tpu.memref_slice %arg14[%dma_start3A_175, %dma_start3A_176] : memref<10240x64xf32, #tpu.memory_space<vmem_shared>> -> memref<10240x64xf32, #tpu.memory_space<vmem_shared>>
        tpu.enqueue_indirect_dma source(%arg13 : memref<128x64xf32, #tpu.memory_space<vmem>>) target(%dma_start3A_177 : memref<10240x64xf32, #tpu.memory_space<vmem_shared>>) offsets(%dma_start3A_174 : memref<128xi32, #tpu.memory_space<vmem>>) semaphore(%run_scoped3A : memref<!tpu.dma_semaphore, #tpu.memory_space<semaphore_mem>>) {add = true}
        %dma_wait3A_178 = arith.constant 0 : i32
        %dma_wait3A_179 = tpu.memref_slice %arg8[%add3A_154, %dma_wait3A_178] : memref<160x128xi32, #tpu.memory_space<vmem>> -> memref<1x128xi32, #tpu.memory_space<vmem>>
        %dma_wait3A_180 = tpu.memref_squeeze %dma_wait3A_179 : memref<1x128xi32, #tpu.memory_space<vmem>> -> memref<128xi32, #tpu.memory_space<vmem>>
        %dma_wait3A_181 = arith.constant 0 : i32
        %dma_wait3A_182 = arith.constant 0 : i32
        %dma_wait3A_183 = tpu.memref_slice %arg14[%dma_wait3A_181, %dma_wait3A_182] : memref<10240x64xf32, #tpu.memory_space<vmem_shared>> -> memref<10240x64xf32, #tpu.memory_space<vmem_shared>>
        tpu.wait_indirect_dma semaphore(%run_scoped3A : memref<!tpu.dma_semaphore, #tpu.memory_space<semaphore_mem>>) src(%arg13 : memref<128x64xf32, #tpu.memory_space<vmem>>) dst(%dma_wait3A_183 : memref<10240x64xf32, #tpu.memory_space<vmem_shared>>)
        tpu.yield
      }) : () -> ()
      %add3A_165 = arith.constant 5 : i32
      %add3A_166 = arith.addi %add3A_154, %add3A_165 : i32
      %lt3A_167 = arith.constant 160 : i32
      %lt3A_168 = arith.cmpi slt, %add3A_166, %lt3A_167 : i32
      %convert_element_type3A_169 = arith.extui %lt3A_168 : i1 to i32
      %cond3A_170 = arith.constant 0 : i32
      %cond3A_171 = arith.cmpi ne, %convert_element_type3A_169, %cond3A_170 : i32
      scf.if %cond3A_171 {
        %add3A_172 = arith.constant 5 : i32
        %add3A_173 = arith.addi %add3A_154, %add3A_172 : i32
        %dma_start3A_174 = arith.constant 0 : i32
        %dma_start3A_175 = tpu.memref_slice %arg7[%add3A_173, %dma_start3A_174] : memref<160x128xi32, #tpu.memory_space<vmem>> -> memref<1x128xi32, #tpu.memory_space<vmem>>
        %dma_start3A_176 = tpu.memref_squeeze %dma_start3A_175 : memref<1x128xi32, #tpu.memory_space<vmem>> -> memref<128xi32, #tpu.memory_space<vmem>>
        %dma_start3A_177 = arith.constant 0 : i32
        %dma_start3A_178 = arith.constant 0 : i32
        %dma_start3A_179 = tpu.memref_slice %arg4[%arg0, %dma_start3A_177, %dma_start3A_178] : memref<2x10240x64xf32, #tpu.memory_space<hbm>> -> memref<1x10240x64xf32, #tpu.memory_space<hbm>>
        %dma_start3A_180 = tpu.memref_squeeze %dma_start3A_179 : memref<1x10240x64xf32, #tpu.memory_space<hbm>> -> memref<10240x64xf32, #tpu.memory_space<hbm>>
        %dma_start3A_181 = arith.constant 0 : i32
        %dma_start3A_182 = arith.constant 0 : i32
        %dma_start3A_183 = tpu.memref_slice %dma_start3A_180[%dma_start3A_181, %dma_start3A_182] : memref<10240x64xf32, #tpu.memory_space<hbm>> -> memref<10240x64xf32, #tpu.memory_space<hbm>>
        tpu.enqueue_indirect_dma source(%dma_start3A_183 : memref<10240x64xf32, #tpu.memory_space<hbm>>) target(%arg13 : memref<128x64xf32, #tpu.memory_space<vmem>>) offsets(%dma_start3A_176 : memref<128xi32, #tpu.memory_space<vmem>>) semaphore(%arg19 : memref<!tpu.dma_semaphore, #tpu.memory_space<semaphore_mem>>)
      } else {
      }
    }
    %scan3A_68 = arith.constant 32 : i32
    %barrier3A_69 = arith.constant 0 : index
    tpu.barrier barrier_id(%barrier3A_69)
    "tpu.region"() ({
      %run_scoped3A = tpu.sem_alloc : memref<!tpu.dma_semaphore, #tpu.memory_space<semaphore_mem>>
      %dma_start3A_70 = arith.constant 0 : i32
      %dma_start3A_71 = tpu.memref_slice %arg6[%arg0, %mul3A_0, %dma_start3A_70] : memref<2x10240x64xf32, #tpu.memory_space<hbm>> -> memref<1x640x64xf32, #tpu.memory_space<hbm>>
      %dma_start3A_72 = tpu.memref_squeeze %dma_start3A_71 : memref<1x640x64xf32, #tpu.memory_space<hbm>> -> memref<640x64xf32, #tpu.memory_space<hbm>>
      %dma_start3A_73 = arith.constant 0 : i32
      %dma_start3A_74 = tpu.memref_slice %arg14[%mul3A_0, %dma_start3A_73] : memref<10240x64xf32, #tpu.memory_space<vmem_shared>> -> memref<640x64xf32, #tpu.memory_space<vmem_shared>>
      tpu.enqueue_dma source(%dma_start3A_74 : memref<640x64xf32, #tpu.memory_space<vmem_shared>>) target(%dma_start3A_72 : memref<640x64xf32, #tpu.memory_space<hbm>>) target_semaphore(%run_scoped3A : memref<!tpu.dma_semaphore, #tpu.memory_space<semaphore_mem>>)
      %dma_wait3A = arith.constant 0 : i32
      %dma_wait3A_75 = tpu.memref_slice %arg6[%arg0, %mul3A_0, %dma_wait3A] : memref<2x10240x64xf32, #tpu.memory_space<hbm>> -> memref<1x640x64xf32, #tpu.memory_space<hbm>>
      %dma_wait3A_76 = tpu.memref_squeeze %dma_wait3A_75 : memref<1x640x64xf32, #tpu.memory_space<hbm>> -> memref<640x64xf32, #tpu.memory_space<hbm>>
      %dma_wait3A_77 = arith.constant 0 : i32
      %dma_wait3A_78 = tpu.memref_slice %arg14[%mul3A_0, %dma_wait3A_77] : memref<10240x64xf32, #tpu.memory_space<vmem_shared>> -> memref<640x64xf32, #tpu.memory_space<vmem_shared>>
      tpu.wait_dma2 semaphore(%run_scoped3A : memref<!tpu.dma_semaphore, #tpu.memory_space<semaphore_mem>>) src(%dma_wait3A_78 : memref<640x64xf32, #tpu.memory_space<vmem_shared>>) dst(%dma_wait3A_76 : memref<640x64xf32, #tpu.memory_space<hbm>>)
      tpu.yield
    }) : () -> ()
    return
  }
}

#map = affine_map<(d0, d1) -> (0, 0, 0)>
#map1 = affine_map<(d0, d1) -> (0, 0)>
module attributes {stable_mosaic.version = 14 : i64} {
  func.func @_propagate_kernel(%arg0: i32, %arg1: i32, %arg2: memref<16x160x128xi32, #tpu.memory_space<hbm>>, %arg3: memref<16x160x128xi32, #tpu.memory_space<hbm>>, %arg4: memref<2x10240x64xf32, #tpu.memory_space<hbm>>, %arg5: memref<128x64xf32, #tpu.memory_space<hbm>>, %arg6: memref<2x10240x64xf32, #tpu.memory_space<hbm>>, %arg7: memref<160x128xi32, #tpu.memory_space<vmem>>, %arg8: memref<160x128xi32, #tpu.memory_space<vmem>>, %arg9: memref<128x64xf32, #tpu.memory_space<vmem>>, %arg10: memref<128x64xf32, #tpu.memory_space<vmem>>, %arg11: memref<128x64xf32, #tpu.memory_space<vmem>>, %arg12: memref<128x64xf32, #tpu.memory_space<vmem>>, %arg13: memref<128x64xf32, #tpu.memory_space<vmem>>, %arg14: memref<10240x64xf32, #tpu.memory_space<vmem_shared>>, %arg15: memref<!tpu.dma_semaphore, #tpu.memory_space<semaphore_mem>>, %arg16: memref<!tpu.dma_semaphore, #tpu.memory_space<semaphore_mem>>, %arg17: memref<!tpu.dma_semaphore, #tpu.memory_space<semaphore_mem>>, %arg18: memref<!tpu.dma_semaphore, #tpu.memory_space<semaphore_mem>>, %arg19: memref<!tpu.dma_semaphore, #tpu.memory_space<semaphore_mem>>) attributes {dimension_semantics = [#tpu.dimension_semantics<core_parallel>, #tpu.dimension_semantics<subcore_parallel>], iteration_bounds = array<i64: 2, 16>, scalar_prefetch = 0 : i64, scratch_operands = 13 : i64, tpu.core_type = #tpu.core_type<sc_vector_subcore>, window_params = [{transform_indices = #map}, {transform_indices = #map}, {transform_indices = #map}, {transform_indices = #map1}, {transform_indices = #map}]} {
    "tpu.region"() ({
      %run_scoped3A = tpu.sem_alloc : memref<!tpu.dma_semaphore, #tpu.memory_space<semaphore_mem>>
      %dma_start3A_70 = arith.constant 0 : i32
      %dma_start3A_71 = arith.constant 0 : i32
      %dma_start3A_72 = tpu.memref_slice %arg2[%arg1, %dma_start3A_70, %dma_start3A_71] : memref<16x160x128xi32, #tpu.memory_space<hbm>> -> memref<1x160x128xi32, #tpu.memory_space<hbm>>
      %dma_start3A_73 = tpu.memref_squeeze %dma_start3A_72 : memref<1x160x128xi32, #tpu.memory_space<hbm>> -> memref<160x128xi32, #tpu.memory_space<hbm>>
      %dma_start3A_74 = arith.constant 0 : i32
      %dma_start3A_75 = arith.constant 0 : i32
      %dma_start3A_76 = tpu.memref_slice %arg2[%arg1, %dma_start3A_74, %dma_start3A_75] : memref<16x160x128xi32, #tpu.memory_space<hbm>> -> memref<1x160x128xi32, #tpu.memory_space<hbm>>
      %dma_start3A_77 = tpu.memref_squeeze %dma_start3A_76 : memref<1x160x128xi32, #tpu.memory_space<hbm>> -> memref<160x128xi32, #tpu.memory_space<hbm>>
      tpu.enqueue_dma source(%dma_start3A_77 : memref<160x128xi32, #tpu.memory_space<hbm>>) target(%arg7 : memref<160x128xi32, #tpu.memory_space<vmem>>) target_semaphore(%run_scoped3A : memref<!tpu.dma_semaphore, #tpu.memory_space<semaphore_mem>>)
      %dma_wait3A = arith.constant 0 : i32
      %dma_wait3A_78 = arith.constant 0 : i32
      %dma_wait3A_79 = tpu.memref_slice %arg2[%arg1, %dma_wait3A, %dma_wait3A_78] : memref<16x160x128xi32, #tpu.memory_space<hbm>> -> memref<1x160x128xi32, #tpu.memory_space<hbm>>
      %dma_wait3A_80 = tpu.memref_squeeze %dma_wait3A_79 : memref<1x160x128xi32, #tpu.memory_space<hbm>> -> memref<160x128xi32, #tpu.memory_space<hbm>>
      %dma_wait3A_81 = arith.constant 0 : i32
      %dma_wait3A_82 = arith.constant 0 : i32
      %dma_wait3A_83 = tpu.memref_slice %arg2[%arg1, %dma_wait3A_81, %dma_wait3A_82] : memref<16x160x128xi32, #tpu.memory_space<hbm>> -> memref<1x160x128xi32, #tpu.memory_space<hbm>>
      %dma_wait3A_84 = tpu.memref_squeeze %dma_wait3A_83 : memref<1x160x128xi32, #tpu.memory_space<hbm>> -> memref<160x128xi32, #tpu.memory_space<hbm>>
      tpu.wait_dma2 semaphore(%run_scoped3A : memref<!tpu.dma_semaphore, #tpu.memory_space<semaphore_mem>>) src(%dma_wait3A_84 : memref<160x128xi32, #tpu.memory_space<hbm>>) dst(%arg7 : memref<160x128xi32, #tpu.memory_space<vmem>>)
      tpu.yield
    }) : () -> ()
    "tpu.region"() ({
      %run_scoped3A = tpu.sem_alloc : memref<!tpu.dma_semaphore, #tpu.memory_space<semaphore_mem>>
      %dma_start3A_70 = arith.constant 0 : i32
      %dma_start3A_71 = arith.constant 0 : i32
      %dma_start3A_72 = tpu.memref_slice %arg3[%arg1, %dma_start3A_70, %dma_start3A_71] : memref<16x160x128xi32, #tpu.memory_space<hbm>> -> memref<1x160x128xi32, #tpu.memory_space<hbm>>
      %dma_start3A_73 = tpu.memref_squeeze %dma_start3A_72 : memref<1x160x128xi32, #tpu.memory_space<hbm>> -> memref<160x128xi32, #tpu.memory_space<hbm>>
      %dma_start3A_74 = arith.constant 0 : i32
      %dma_start3A_75 = arith.constant 0 : i32
      %dma_start3A_76 = tpu.memref_slice %arg3[%arg1, %dma_start3A_74, %dma_start3A_75] : memref<16x160x128xi32, #tpu.memory_space<hbm>> -> memref<1x160x128xi32, #tpu.memory_space<hbm>>
      %dma_start3A_77 = tpu.memref_squeeze %dma_start3A_76 : memref<1x160x128xi32, #tpu.memory_space<hbm>> -> memref<160x128xi32, #tpu.memory_space<hbm>>
      tpu.enqueue_dma source(%dma_start3A_77 : memref<160x128xi32, #tpu.memory_space<hbm>>) target(%arg8 : memref<160x128xi32, #tpu.memory_space<vmem>>) target_semaphore(%run_scoped3A : memref<!tpu.dma_semaphore, #tpu.memory_space<semaphore_mem>>)
      %dma_wait3A = arith.constant 0 : i32
      %dma_wait3A_78 = arith.constant 0 : i32
      %dma_wait3A_79 = tpu.memref_slice %arg3[%arg1, %dma_wait3A, %dma_wait3A_78] : memref<16x160x128xi32, #tpu.memory_space<hbm>> -> memref<1x160x128xi32, #tpu.memory_space<hbm>>
      %dma_wait3A_80 = tpu.memref_squeeze %dma_wait3A_79 : memref<1x160x128xi32, #tpu.memory_space<hbm>> -> memref<160x128xi32, #tpu.memory_space<hbm>>
      %dma_wait3A_81 = arith.constant 0 : i32
      %dma_wait3A_82 = arith.constant 0 : i32
      %dma_wait3A_83 = tpu.memref_slice %arg3[%arg1, %dma_wait3A_81, %dma_wait3A_82] : memref<16x160x128xi32, #tpu.memory_space<hbm>> -> memref<1x160x128xi32, #tpu.memory_space<hbm>>
      %dma_wait3A_84 = tpu.memref_squeeze %dma_wait3A_83 : memref<1x160x128xi32, #tpu.memory_space<hbm>> -> memref<160x128xi32, #tpu.memory_space<hbm>>
      tpu.wait_dma2 semaphore(%run_scoped3A : memref<!tpu.dma_semaphore, #tpu.memory_space<semaphore_mem>>) src(%dma_wait3A_84 : memref<160x128xi32, #tpu.memory_space<hbm>>) dst(%arg8 : memref<160x128xi32, #tpu.memory_space<vmem>>)
      tpu.yield
    }) : () -> ()
    "tpu.region"() ({
      %run_scoped3A = tpu.sem_alloc : memref<!tpu.dma_semaphore, #tpu.memory_space<semaphore_mem>>
      tpu.enqueue_dma source(%arg5 : memref<128x64xf32, #tpu.memory_space<hbm>>) target(%arg9 : memref<128x64xf32, #tpu.memory_space<vmem>>) target_semaphore(%run_scoped3A : memref<!tpu.dma_semaphore, #tpu.memory_space<semaphore_mem>>)
      tpu.wait_dma2 semaphore(%run_scoped3A : memref<!tpu.dma_semaphore, #tpu.memory_space<semaphore_mem>>) src(%arg5 : memref<128x64xf32, #tpu.memory_space<hbm>>) dst(%arg9 : memref<128x64xf32, #tpu.memory_space<vmem>>)
      tpu.yield
    }) : () -> ()
    %mul3A = arith.constant 640 : i32
    %mul3A_0 = arith.muli %arg1, %mul3A : i32
    %add3A = arith.constant 0 : i32
    %add3A_1 = arith.addi %mul3A_0, %add3A : i32
    "tpu.region"() ({
      %run_scoped3A = tpu.sem_alloc : memref<!tpu.dma_semaphore, #tpu.memory_space<semaphore_mem>>
      %dma_start3A_70 = arith.constant 0 : i32
      %dma_start3A_71 = tpu.memref_slice %arg14[%add3A_1, %dma_start3A_70] : memref<10240x64xf32, #tpu.memory_space<vmem_shared>> -> memref<128x64xf32, #tpu.memory_space<vmem_shared>>
      %dma_start3A_72 = arith.constant 0 : i32
      %dma_start3A_73 = tpu.memref_slice %arg14[%add3A_1, %dma_start3A_72] : memref<10240x64xf32, #tpu.memory_space<vmem_shared>> -> memref<128x64xf32, #tpu.memory_space<vmem_shared>>
      tpu.enqueue_dma source(%arg9 : memref<128x64xf32, #tpu.memory_space<vmem>>) target(%dma_start3A_73 : memref<128x64xf32, #tpu.memory_space<vmem_shared>>) target_semaphore(%run_scoped3A : memref<!tpu.dma_semaphore, #tpu.memory_space<semaphore_mem>>)
      %dma_wait3A = arith.constant 0 : i32
      %dma_wait3A_74 = tpu.memref_slice %arg14[%add3A_1, %dma_wait3A] : memref<10240x64xf32, #tpu.memory_space<vmem_shared>> -> memref<128x64xf32, #tpu.memory_space<vmem_shared>>
      %dma_wait3A_75 = arith.constant 0 : i32
      %dma_wait3A_76 = tpu.memref_slice %arg14[%add3A_1, %dma_wait3A_75] : memref<10240x64xf32, #tpu.memory_space<vmem_shared>> -> memref<128x64xf32, #tpu.memory_space<vmem_shared>>
      tpu.wait_dma2 semaphore(%run_scoped3A : memref<!tpu.dma_semaphore, #tpu.memory_space<semaphore_mem>>) src(%arg9 : memref<128x64xf32, #tpu.memory_space<vmem>>) dst(%dma_wait3A_76 : memref<128x64xf32, #tpu.memory_space<vmem_shared>>)
      tpu.yield
    }) : () -> ()
    %add3A_2 = arith.constant 128 : i32
    %add3A_3 = arith.addi %mul3A_0, %add3A_2 : i32
    "tpu.region"() ({
      %run_scoped3A = tpu.sem_alloc : memref<!tpu.dma_semaphore, #tpu.memory_space<semaphore_mem>>
      %dma_start3A_70 = arith.constant 0 : i32
      %dma_start3A_71 = tpu.memref_slice %arg14[%add3A_3, %dma_start3A_70] : memref<10240x64xf32, #tpu.memory_space<vmem_shared>> -> memref<128x64xf32, #tpu.memory_space<vmem_shared>>
      %dma_start3A_72 = arith.constant 0 : i32
      %dma_start3A_73 = tpu.memref_slice %arg14[%add3A_3, %dma_start3A_72] : memref<10240x64xf32, #tpu.memory_space<vmem_shared>> -> memref<128x64xf32, #tpu.memory_space<vmem_shared>>
      tpu.enqueue_dma source(%arg9 : memref<128x64xf32, #tpu.memory_space<vmem>>) target(%dma_start3A_73 : memref<128x64xf32, #tpu.memory_space<vmem_shared>>) target_semaphore(%run_scoped3A : memref<!tpu.dma_semaphore, #tpu.memory_space<semaphore_mem>>)
      %dma_wait3A = arith.constant 0 : i32
      %dma_wait3A_74 = tpu.memref_slice %arg14[%add3A_3, %dma_wait3A] : memref<10240x64xf32, #tpu.memory_space<vmem_shared>> -> memref<128x64xf32, #tpu.memory_space<vmem_shared>>
      %dma_wait3A_75 = arith.constant 0 : i32
      %dma_wait3A_76 = tpu.memref_slice %arg14[%add3A_3, %dma_wait3A_75] : memref<10240x64xf32, #tpu.memory_space<vmem_shared>> -> memref<128x64xf32, #tpu.memory_space<vmem_shared>>
      tpu.wait_dma2 semaphore(%run_scoped3A : memref<!tpu.dma_semaphore, #tpu.memory_space<semaphore_mem>>) src(%arg9 : memref<128x64xf32, #tpu.memory_space<vmem>>) dst(%dma_wait3A_76 : memref<128x64xf32, #tpu.memory_space<vmem_shared>>)
      tpu.yield
    }) : () -> ()
    %add3A_4 = arith.constant 256 : i32
    %add3A_5 = arith.addi %mul3A_0, %add3A_4 : i32
    "tpu.region"() ({
      %run_scoped3A = tpu.sem_alloc : memref<!tpu.dma_semaphore, #tpu.memory_space<semaphore_mem>>
      %dma_start3A_70 = arith.constant 0 : i32
      %dma_start3A_71 = tpu.memref_slice %arg14[%add3A_5, %dma_start3A_70] : memref<10240x64xf32, #tpu.memory_space<vmem_shared>> -> memref<128x64xf32, #tpu.memory_space<vmem_shared>>
      %dma_start3A_72 = arith.constant 0 : i32
      %dma_start3A_73 = tpu.memref_slice %arg14[%add3A_5, %dma_start3A_72] : memref<10240x64xf32, #tpu.memory_space<vmem_shared>> -> memref<128x64xf32, #tpu.memory_space<vmem_shared>>
      tpu.enqueue_dma source(%arg9 : memref<128x64xf32, #tpu.memory_space<vmem>>) target(%dma_start3A_73 : memref<128x64xf32, #tpu.memory_space<vmem_shared>>) target_semaphore(%run_scoped3A : memref<!tpu.dma_semaphore, #tpu.memory_space<semaphore_mem>>)
      %dma_wait3A = arith.constant 0 : i32
      %dma_wait3A_74 = tpu.memref_slice %arg14[%add3A_5, %dma_wait3A] : memref<10240x64xf32, #tpu.memory_space<vmem_shared>> -> memref<128x64xf32, #tpu.memory_space<vmem_shared>>
      %dma_wait3A_75 = arith.constant 0 : i32
      %dma_wait3A_76 = tpu.memref_slice %arg14[%add3A_5, %dma_wait3A_75] : memref<10240x64xf32, #tpu.memory_space<vmem_shared>> -> memref<128x64xf32, #tpu.memory_space<vmem_shared>>
      tpu.wait_dma2 semaphore(%run_scoped3A : memref<!tpu.dma_semaphore, #tpu.memory_space<semaphore_mem>>) src(%arg9 : memref<128x64xf32, #tpu.memory_space<vmem>>) dst(%dma_wait3A_76 : memref<128x64xf32, #tpu.memory_space<vmem_shared>>)
      tpu.yield
    }) : () -> ()
    %add3A_6 = arith.constant 384 : i32
    %add3A_7 = arith.addi %mul3A_0, %add3A_6 : i32
    "tpu.region"() ({
      %run_scoped3A = tpu.sem_alloc : memref<!tpu.dma_semaphore, #tpu.memory_space<semaphore_mem>>
      %dma_start3A_70 = arith.constant 0 : i32
      %dma_start3A_71 = tpu.memref_slice %arg14[%add3A_7, %dma_start3A_70] : memref<10240x64xf32, #tpu.memory_space<vmem_shared>> -> memref<128x64xf32, #tpu.memory_space<vmem_shared>>
      %dma_start3A_72 = arith.constant 0 : i32
      %dma_start3A_73 = tpu.memref_slice %arg14[%add3A_7, %dma_start3A_72] : memref<10240x64xf32, #tpu.memory_space<vmem_shared>> -> memref<128x64xf32, #tpu.memory_space<vmem_shared>>
      tpu.enqueue_dma source(%arg9 : memref<128x64xf32, #tpu.memory_space<vmem>>) target(%dma_start3A_73 : memref<128x64xf32, #tpu.memory_space<vmem_shared>>) target_semaphore(%run_scoped3A : memref<!tpu.dma_semaphore, #tpu.memory_space<semaphore_mem>>)
      %dma_wait3A = arith.constant 0 : i32
      %dma_wait3A_74 = tpu.memref_slice %arg14[%add3A_7, %dma_wait3A] : memref<10240x64xf32, #tpu.memory_space<vmem_shared>> -> memref<128x64xf32, #tpu.memory_space<vmem_shared>>
      %dma_wait3A_75 = arith.constant 0 : i32
      %dma_wait3A_76 = tpu.memref_slice %arg14[%add3A_7, %dma_wait3A_75] : memref<10240x64xf32, #tpu.memory_space<vmem_shared>> -> memref<128x64xf32, #tpu.memory_space<vmem_shared>>
      tpu.wait_dma2 semaphore(%run_scoped3A : memref<!tpu.dma_semaphore, #tpu.memory_space<semaphore_mem>>) src(%arg9 : memref<128x64xf32, #tpu.memory_space<vmem>>) dst(%dma_wait3A_76 : memref<128x64xf32, #tpu.memory_space<vmem_shared>>)
      tpu.yield
    }) : () -> ()
    %add3A_8 = arith.constant 512 : i32
    %add3A_9 = arith.addi %mul3A_0, %add3A_8 : i32
    "tpu.region"() ({
      %run_scoped3A = tpu.sem_alloc : memref<!tpu.dma_semaphore, #tpu.memory_space<semaphore_mem>>
      %dma_start3A_70 = arith.constant 0 : i32
      %dma_start3A_71 = tpu.memref_slice %arg14[%add3A_9, %dma_start3A_70] : memref<10240x64xf32, #tpu.memory_space<vmem_shared>> -> memref<128x64xf32, #tpu.memory_space<vmem_shared>>
      %dma_start3A_72 = arith.constant 0 : i32
      %dma_start3A_73 = tpu.memref_slice %arg14[%add3A_9, %dma_start3A_72] : memref<10240x64xf32, #tpu.memory_space<vmem_shared>> -> memref<128x64xf32, #tpu.memory_space<vmem_shared>>
      tpu.enqueue_dma source(%arg9 : memref<128x64xf32, #tpu.memory_space<vmem>>) target(%dma_start3A_73 : memref<128x64xf32, #tpu.memory_space<vmem_shared>>) target_semaphore(%run_scoped3A : memref<!tpu.dma_semaphore, #tpu.memory_space<semaphore_mem>>)
      %dma_wait3A = arith.constant 0 : i32
      %dma_wait3A_74 = tpu.memref_slice %arg14[%add3A_9, %dma_wait3A] : memref<10240x64xf32, #tpu.memory_space<vmem_shared>> -> memref<128x64xf32, #tpu.memory_space<vmem_shared>>
      %dma_wait3A_75 = arith.constant 0 : i32
      %dma_wait3A_76 = tpu.memref_slice %arg14[%add3A_9, %dma_wait3A_75] : memref<10240x64xf32, #tpu.memory_space<vmem_shared>> -> memref<128x64xf32, #tpu.memory_space<vmem_shared>>
      tpu.wait_dma2 semaphore(%run_scoped3A : memref<!tpu.dma_semaphore, #tpu.memory_space<semaphore_mem>>) src(%arg9 : memref<128x64xf32, #tpu.memory_space<vmem>>) dst(%dma_wait3A_76 : memref<128x64xf32, #tpu.memory_space<vmem_shared>>)
      tpu.yield
    }) : () -> ()
    %barrier3A = arith.constant 0 : index
    tpu.barrier barrier_id(%barrier3A)
    %dma_start3A = arith.constant 0 : i32
    %dma_start3A_10 = arith.constant 0 : i32
    %dma_start3A_11 = tpu.memref_slice %arg7[%dma_start3A, %dma_start3A_10] : memref<160x128xi32, #tpu.memory_space<vmem>> -> memref<1x128xi32, #tpu.memory_space<vmem>>
    %dma_start3A_12 = tpu.memref_squeeze %dma_start3A_11 : memref<1x128xi32, #tpu.memory_space<vmem>> -> memref<128xi32, #tpu.memory_space<vmem>>
    %dma_start3A_13 = arith.constant 0 : i32
    %dma_start3A_14 = arith.constant 0 : i32
    %dma_start3A_15 = tpu.memref_slice %arg4[%arg0, %dma_start3A_13, %dma_start3A_14] : memref<2x10240x64xf32, #tpu.memory_space<hbm>> -> memref<1x10240x64xf32, #tpu.memory_space<hbm>>
    %dma_start3A_16 = tpu.memref_squeeze %dma_start3A_15 : memref<1x10240x64xf32, #tpu.memory_space<hbm>> -> memref<10240x64xf32, #tpu.memory_space<hbm>>
    %dma_start3A_17 = arith.constant 0 : i32
    %dma_start3A_18 = arith.constant 0 : i32
    %dma_start3A_19 = tpu.memref_slice %dma_start3A_16[%dma_start3A_17, %dma_start3A_18] : memref<10240x64xf32, #tpu.memory_space<hbm>> -> memref<10240x64xf32, #tpu.memory_space<hbm>>
    tpu.enqueue_indirect_dma source(%dma_start3A_19 : memref<10240x64xf32, #tpu.memory_space<hbm>>) target(%arg9 : memref<128x64xf32, #tpu.memory_space<vmem>>) offsets(%dma_start3A_12 : memref<128xi32, #tpu.memory_space<vmem>>) semaphore(%arg15 : memref<!tpu.dma_semaphore, #tpu.memory_space<semaphore_mem>>)
    %dma_start3A_20 = arith.constant 1 : i32
    %dma_start3A_21 = arith.constant 0 : i32
    %dma_start3A_22 = tpu.memref_slice %arg7[%dma_start3A_20, %dma_start3A_21] : memref<160x128xi32, #tpu.memory_space<vmem>> -> memref<1x128xi32, #tpu.memory_space<vmem>>
    %dma_start3A_23 = tpu.memref_squeeze %dma_start3A_22 : memref<1x128xi32, #tpu.memory_space<vmem>> -> memref<128xi32, #tpu.memory_space<vmem>>
    %dma_start3A_24 = arith.constant 0 : i32
    %dma_start3A_25 = arith.constant 0 : i32
    %dma_start3A_26 = tpu.memref_slice %arg4[%arg0, %dma_start3A_24, %dma_start3A_25] : memref<2x10240x64xf32, #tpu.memory_space<hbm>> -> memref<1x10240x64xf32, #tpu.memory_space<hbm>>
    %dma_start3A_27 = tpu.memref_squeeze %dma_start3A_26 : memref<1x10240x64xf32, #tpu.memory_space<hbm>> -> memref<10240x64xf32, #tpu.memory_space<hbm>>
    %dma_start3A_28 = arith.constant 0 : i32
    %dma_start3A_29 = arith.constant 0 : i32
    %dma_start3A_30 = tpu.memref_slice %dma_start3A_27[%dma_start3A_28, %dma_start3A_29] : memref<10240x64xf32, #tpu.memory_space<hbm>> -> memref<10240x64xf32, #tpu.memory_space<hbm>>
    tpu.enqueue_indirect_dma source(%dma_start3A_30 : memref<10240x64xf32, #tpu.memory_space<hbm>>) target(%arg10 : memref<128x64xf32, #tpu.memory_space<vmem>>) offsets(%dma_start3A_23 : memref<128xi32, #tpu.memory_space<vmem>>) semaphore(%arg16 : memref<!tpu.dma_semaphore, #tpu.memory_space<semaphore_mem>>)
    %dma_start3A_31 = arith.constant 2 : i32
    %dma_start3A_32 = arith.constant 0 : i32
    %dma_start3A_33 = tpu.memref_slice %arg7[%dma_start3A_31, %dma_start3A_32] : memref<160x128xi32, #tpu.memory_space<vmem>> -> memref<1x128xi32, #tpu.memory_space<vmem>>
    %dma_start3A_34 = tpu.memref_squeeze %dma_start3A_33 : memref<1x128xi32, #tpu.memory_space<vmem>> -> memref<128xi32, #tpu.memory_space<vmem>>
    %dma_start3A_35 = arith.constant 0 : i32
    %dma_start3A_36 = arith.constant 0 : i32
    %dma_start3A_37 = tpu.memref_slice %arg4[%arg0, %dma_start3A_35, %dma_start3A_36] : memref<2x10240x64xf32, #tpu.memory_space<hbm>> -> memref<1x10240x64xf32, #tpu.memory_space<hbm>>
    %dma_start3A_38 = tpu.memref_squeeze %dma_start3A_37 : memref<1x10240x64xf32, #tpu.memory_space<hbm>> -> memref<10240x64xf32, #tpu.memory_space<hbm>>
    %dma_start3A_39 = arith.constant 0 : i32
    %dma_start3A_40 = arith.constant 0 : i32
    %dma_start3A_41 = tpu.memref_slice %dma_start3A_38[%dma_start3A_39, %dma_start3A_40] : memref<10240x64xf32, #tpu.memory_space<hbm>> -> memref<10240x64xf32, #tpu.memory_space<hbm>>
    tpu.enqueue_indirect_dma source(%dma_start3A_41 : memref<10240x64xf32, #tpu.memory_space<hbm>>) target(%arg11 : memref<128x64xf32, #tpu.memory_space<vmem>>) offsets(%dma_start3A_34 : memref<128xi32, #tpu.memory_space<vmem>>) semaphore(%arg17 : memref<!tpu.dma_semaphore, #tpu.memory_space<semaphore_mem>>)
    %dma_start3A_42 = arith.constant 3 : i32
    %dma_start3A_43 = arith.constant 0 : i32
    %dma_start3A_44 = tpu.memref_slice %arg7[%dma_start3A_42, %dma_start3A_43] : memref<160x128xi32, #tpu.memory_space<vmem>> -> memref<1x128xi32, #tpu.memory_space<vmem>>
    %dma_start3A_45 = tpu.memref_squeeze %dma_start3A_44 : memref<1x128xi32, #tpu.memory_space<vmem>> -> memref<128xi32, #tpu.memory_space<vmem>>
    %dma_start3A_46 = arith.constant 0 : i32
    %dma_start3A_47 = arith.constant 0 : i32
    %dma_start3A_48 = tpu.memref_slice %arg4[%arg0, %dma_start3A_46, %dma_start3A_47] : memref<2x10240x64xf32, #tpu.memory_space<hbm>> -> memref<1x10240x64xf32, #tpu.memory_space<hbm>>
    %dma_start3A_49 = tpu.memref_squeeze %dma_start3A_48 : memref<1x10240x64xf32, #tpu.memory_space<hbm>> -> memref<10240x64xf32, #tpu.memory_space<hbm>>
    %dma_start3A_50 = arith.constant 0 : i32
    %dma_start3A_51 = arith.constant 0 : i32
    %dma_start3A_52 = tpu.memref_slice %dma_start3A_49[%dma_start3A_50, %dma_start3A_51] : memref<10240x64xf32, #tpu.memory_space<hbm>> -> memref<10240x64xf32, #tpu.memory_space<hbm>>
    tpu.enqueue_indirect_dma source(%dma_start3A_52 : memref<10240x64xf32, #tpu.memory_space<hbm>>) target(%arg12 : memref<128x64xf32, #tpu.memory_space<vmem>>) offsets(%dma_start3A_45 : memref<128xi32, #tpu.memory_space<vmem>>) semaphore(%arg18 : memref<!tpu.dma_semaphore, #tpu.memory_space<semaphore_mem>>)
    %dma_start3A_53 = arith.constant 4 : i32
    %dma_start3A_54 = arith.constant 0 : i32
    %dma_start3A_55 = tpu.memref_slice %arg7[%dma_start3A_53, %dma_start3A_54] : memref<160x128xi32, #tpu.memory_space<vmem>> -> memref<1x128xi32, #tpu.memory_space<vmem>>
    %dma_start3A_56 = tpu.memref_squeeze %dma_start3A_55 : memref<1x128xi32, #tpu.memory_space<vmem>> -> memref<128xi32, #tpu.memory_space<vmem>>
    %dma_start3A_57 = arith.constant 0 : i32
    %dma_start3A_58 = arith.constant 0 : i32
    %dma_start3A_59 = tpu.memref_slice %arg4[%arg0, %dma_start3A_57, %dma_start3A_58] : memref<2x10240x64xf32, #tpu.memory_space<hbm>> -> memref<1x10240x64xf32, #tpu.memory_space<hbm>>
    %dma_start3A_60 = tpu.memref_squeeze %dma_start3A_59 : memref<1x10240x64xf32, #tpu.memory_space<hbm>> -> memref<10240x64xf32, #tpu.memory_space<hbm>>
    %dma_start3A_61 = arith.constant 0 : i32
    %dma_start3A_62 = arith.constant 0 : i32
    %dma_start3A_63 = tpu.memref_slice %dma_start3A_60[%dma_start3A_61, %dma_start3A_62] : memref<10240x64xf32, #tpu.memory_space<hbm>> -> memref<10240x64xf32, #tpu.memory_space<hbm>>
    tpu.enqueue_indirect_dma source(%dma_start3A_63 : memref<10240x64xf32, #tpu.memory_space<hbm>>) target(%arg13 : memref<128x64xf32, #tpu.memory_space<vmem>>) offsets(%dma_start3A_56 : memref<128xi32, #tpu.memory_space<vmem>>) semaphore(%arg19 : memref<!tpu.dma_semaphore, #tpu.memory_space<semaphore_mem>>)
    %scan3A = arith.constant 0 : i32
    %scan3A_64 = arith.constant 0 : i32
    %scan3A_65 = arith.constant 32 : i32
    %scan3A_66 = arith.addi %scan3A_64, %scan3A_65 : i32
    %scan3A_67 = arith.constant 1 : i32
    scf.for %scan3A_70 = %scan3A_64 to %scan3A_66 step %scan3A_67  : i32 {
      %mul3A_71 = arith.constant 5 : i32
      %mul3A_72 = arith.muli %scan3A_70, %mul3A_71 : i32
      %add3A_73 = arith.constant 0 : i32
      %add3A_74 = arith.addi %mul3A_72, %add3A_73 : i32
      %dma_wait3A = arith.constant 0 : i32
      %dma_wait3A_75 = tpu.memref_slice %arg7[%add3A_74, %dma_wait3A] : memref<160x128xi32, #tpu.memory_space<vmem>> -> memref<1x128xi32, #tpu.memory_space<vmem>>
      %dma_wait3A_76 = tpu.memref_squeeze %dma_wait3A_75 : memref<1x128xi32, #tpu.memory_space<vmem>> -> memref<128xi32, #tpu.memory_space<vmem>>
      %dma_wait3A_77 = arith.constant 0 : i32
      %dma_wait3A_78 = arith.constant 0 : i32
      %dma_wait3A_79 = tpu.memref_slice %arg4[%arg0, %dma_wait3A_77, %dma_wait3A_78] : memref<2x10240x64xf32, #tpu.memory_space<hbm>> -> memref<1x10240x64xf32, #tpu.memory_space<hbm>>
      %dma_wait3A_80 = tpu.memref_squeeze %dma_wait3A_79 : memref<1x10240x64xf32, #tpu.memory_space<hbm>> -> memref<10240x64xf32, #tpu.memory_space<hbm>>
      %dma_wait3A_81 = arith.constant 0 : i32
      %dma_wait3A_82 = arith.constant 0 : i32
      %dma_wait3A_83 = tpu.memref_slice %dma_wait3A_80[%dma_wait3A_81, %dma_wait3A_82] : memref<10240x64xf32, #tpu.memory_space<hbm>> -> memref<10240x64xf32, #tpu.memory_space<hbm>>
      tpu.wait_indirect_dma semaphore(%arg15 : memref<!tpu.dma_semaphore, #tpu.memory_space<semaphore_mem>>) src(%dma_wait3A_83 : memref<10240x64xf32, #tpu.memory_space<hbm>>) dst(%arg9 : memref<128x64xf32, #tpu.memory_space<vmem>>)
      "tpu.region"() ({
        %run_scoped3A = tpu.sem_alloc : memref<!tpu.dma_semaphore, #tpu.memory_space<semaphore_mem>>
        %dma_start3A_172 = arith.constant 0 : i32
        %dma_start3A_173 = tpu.memref_slice %arg8[%add3A_74, %dma_start3A_172] : memref<160x128xi32, #tpu.memory_space<vmem>> -> memref<1x128xi32, #tpu.memory_space<vmem>>
        %dma_start3A_174 = tpu.memref_squeeze %dma_start3A_173 : memref<1x128xi32, #tpu.memory_space<vmem>> -> memref<128xi32, #tpu.memory_space<vmem>>
        %dma_start3A_175 = arith.constant 0 : i32
        %dma_start3A_176 = arith.constant 0 : i32
        %dma_start3A_177 = tpu.memref_slice %arg14[%dma_start3A_175, %dma_start3A_176] : memref<10240x64xf32, #tpu.memory_space<vmem_shared>> -> memref<10240x64xf32, #tpu.memory_space<vmem_shared>>
        tpu.enqueue_indirect_dma source(%arg9 : memref<128x64xf32, #tpu.memory_space<vmem>>) target(%dma_start3A_177 : memref<10240x64xf32, #tpu.memory_space<vmem_shared>>) offsets(%dma_start3A_174 : memref<128xi32, #tpu.memory_space<vmem>>) semaphore(%run_scoped3A : memref<!tpu.dma_semaphore, #tpu.memory_space<semaphore_mem>>) {add = true}
        %dma_wait3A_178 = arith.constant 0 : i32
        %dma_wait3A_179 = tpu.memref_slice %arg8[%add3A_74, %dma_wait3A_178] : memref<160x128xi32, #tpu.memory_space<vmem>> -> memref<1x128xi32, #tpu.memory_space<vmem>>
        %dma_wait3A_180 = tpu.memref_squeeze %dma_wait3A_179 : memref<1x128xi32, #tpu.memory_space<vmem>> -> memref<128xi32, #tpu.memory_space<vmem>>
        %dma_wait3A_181 = arith.constant 0 : i32
        %dma_wait3A_182 = arith.constant 0 : i32
        %dma_wait3A_183 = tpu.memref_slice %arg14[%dma_wait3A_181, %dma_wait3A_182] : memref<10240x64xf32, #tpu.memory_space<vmem_shared>> -> memref<10240x64xf32, #tpu.memory_space<vmem_shared>>
        tpu.wait_indirect_dma semaphore(%run_scoped3A : memref<!tpu.dma_semaphore, #tpu.memory_space<semaphore_mem>>) src(%arg9 : memref<128x64xf32, #tpu.memory_space<vmem>>) dst(%dma_wait3A_183 : memref<10240x64xf32, #tpu.memory_space<vmem_shared>>)
        tpu.yield
      }) : () -> ()
      %add3A_84 = arith.constant 5 : i32
      %add3A_85 = arith.addi %add3A_74, %add3A_84 : i32
      %lt3A = arith.constant 160 : i32
      %lt3A_86 = arith.cmpi slt, %add3A_85, %lt3A : i32
      %convert_element_type3A = arith.extui %lt3A_86 : i1 to i32
      %cond3A = arith.constant 0 : i32
      %cond3A_87 = arith.cmpi ne, %convert_element_type3A, %cond3A : i32
      scf.if %cond3A_87 {
        %add3A_172 = arith.constant 5 : i32
        %add3A_173 = arith.addi %add3A_74, %add3A_172 : i32
        %dma_start3A_174 = arith.constant 0 : i32
        %dma_start3A_175 = tpu.memref_slice %arg7[%add3A_173, %dma_start3A_174] : memref<160x128xi32, #tpu.memory_space<vmem>> -> memref<1x128xi32, #tpu.memory_space<vmem>>
        %dma_start3A_176 = tpu.memref_squeeze %dma_start3A_175 : memref<1x128xi32, #tpu.memory_space<vmem>> -> memref<128xi32, #tpu.memory_space<vmem>>
        %dma_start3A_177 = arith.constant 0 : i32
        %dma_start3A_178 = arith.constant 0 : i32
        %dma_start3A_179 = tpu.memref_slice %arg4[%arg0, %dma_start3A_177, %dma_start3A_178] : memref<2x10240x64xf32, #tpu.memory_space<hbm>> -> memref<1x10240x64xf32, #tpu.memory_space<hbm>>
        %dma_start3A_180 = tpu.memref_squeeze %dma_start3A_179 : memref<1x10240x64xf32, #tpu.memory_space<hbm>> -> memref<10240x64xf32, #tpu.memory_space<hbm>>
        %dma_start3A_181 = arith.constant 0 : i32
        %dma_start3A_182 = arith.constant 0 : i32
        %dma_start3A_183 = tpu.memref_slice %dma_start3A_180[%dma_start3A_181, %dma_start3A_182] : memref<10240x64xf32, #tpu.memory_space<hbm>> -> memref<10240x64xf32, #tpu.memory_space<hbm>>
        tpu.enqueue_indirect_dma source(%dma_start3A_183 : memref<10240x64xf32, #tpu.memory_space<hbm>>) target(%arg9 : memref<128x64xf32, #tpu.memory_space<vmem>>) offsets(%dma_start3A_176 : memref<128xi32, #tpu.memory_space<vmem>>) semaphore(%arg15 : memref<!tpu.dma_semaphore, #tpu.memory_space<semaphore_mem>>)
      } else {
      }
      %mul3A_88 = arith.constant 5 : i32
      %mul3A_89 = arith.muli %scan3A_70, %mul3A_88 : i32
      %add3A_90 = arith.constant 1 : i32
      %add3A_91 = arith.addi %mul3A_89, %add3A_90 : i32
      %dma_wait3A_92 = arith.constant 0 : i32
      %dma_wait3A_93 = tpu.memref_slice %arg7[%add3A_91, %dma_wait3A_92] : memref<160x128xi32, #tpu.memory_space<vmem>> -> memref<1x128xi32, #tpu.memory_space<vmem>>
      %dma_wait3A_94 = tpu.memref_squeeze %dma_wait3A_93 : memref<1x128xi32, #tpu.memory_space<vmem>> -> memref<128xi32, #tpu.memory_space<vmem>>
      %dma_wait3A_95 = arith.constant 0 : i32
      %dma_wait3A_96 = arith.constant 0 : i32
      %dma_wait3A_97 = tpu.memref_slice %arg4[%arg0, %dma_wait3A_95, %dma_wait3A_96] : memref<2x10240x64xf32, #tpu.memory_space<hbm>> -> memref<1x10240x64xf32, #tpu.memory_space<hbm>>
      %dma_wait3A_98 = tpu.memref_squeeze %dma_wait3A_97 : memref<1x10240x64xf32, #tpu.memory_space<hbm>> -> memref<10240x64xf32, #tpu.memory_space<hbm>>
      %dma_wait3A_99 = arith.constant 0 : i32
      %dma_wait3A_100 = arith.constant 0 : i32
      %dma_wait3A_101 = tpu.memref_slice %dma_wait3A_98[%dma_wait3A_99, %dma_wait3A_100] : memref<10240x64xf32, #tpu.memory_space<hbm>> -> memref<10240x64xf32, #tpu.memory_space<hbm>>
      tpu.wait_indirect_dma semaphore(%arg16 : memref<!tpu.dma_semaphore, #tpu.memory_space<semaphore_mem>>) src(%dma_wait3A_101 : memref<10240x64xf32, #tpu.memory_space<hbm>>) dst(%arg10 : memref<128x64xf32, #tpu.memory_space<vmem>>)
      "tpu.region"() ({
        %run_scoped3A = tpu.sem_alloc : memref<!tpu.dma_semaphore, #tpu.memory_space<semaphore_mem>>
        %dma_start3A_172 = arith.constant 0 : i32
        %dma_start3A_173 = tpu.memref_slice %arg8[%add3A_91, %dma_start3A_172] : memref<160x128xi32, #tpu.memory_space<vmem>> -> memref<1x128xi32, #tpu.memory_space<vmem>>
        %dma_start3A_174 = tpu.memref_squeeze %dma_start3A_173 : memref<1x128xi32, #tpu.memory_space<vmem>> -> memref<128xi32, #tpu.memory_space<vmem>>
        %dma_start3A_175 = arith.constant 0 : i32
        %dma_start3A_176 = arith.constant 0 : i32
        %dma_start3A_177 = tpu.memref_slice %arg14[%dma_start3A_175, %dma_start3A_176] : memref<10240x64xf32, #tpu.memory_space<vmem_shared>> -> memref<10240x64xf32, #tpu.memory_space<vmem_shared>>
        tpu.enqueue_indirect_dma source(%arg10 : memref<128x64xf32, #tpu.memory_space<vmem>>) target(%dma_start3A_177 : memref<10240x64xf32, #tpu.memory_space<vmem_shared>>) offsets(%dma_start3A_174 : memref<128xi32, #tpu.memory_space<vmem>>) semaphore(%run_scoped3A : memref<!tpu.dma_semaphore, #tpu.memory_space<semaphore_mem>>) {add = true}
        %dma_wait3A_178 = arith.constant 0 : i32
        %dma_wait3A_179 = tpu.memref_slice %arg8[%add3A_91, %dma_wait3A_178] : memref<160x128xi32, #tpu.memory_space<vmem>> -> memref<1x128xi32, #tpu.memory_space<vmem>>
        %dma_wait3A_180 = tpu.memref_squeeze %dma_wait3A_179 : memref<1x128xi32, #tpu.memory_space<vmem>> -> memref<128xi32, #tpu.memory_space<vmem>>
        %dma_wait3A_181 = arith.constant 0 : i32
        %dma_wait3A_182 = arith.constant 0 : i32
        %dma_wait3A_183 = tpu.memref_slice %arg14[%dma_wait3A_181, %dma_wait3A_182] : memref<10240x64xf32, #tpu.memory_space<vmem_shared>> -> memref<10240x64xf32, #tpu.memory_space<vmem_shared>>
        tpu.wait_indirect_dma semaphore(%run_scoped3A : memref<!tpu.dma_semaphore, #tpu.memory_space<semaphore_mem>>) src(%arg10 : memref<128x64xf32, #tpu.memory_space<vmem>>) dst(%dma_wait3A_183 : memref<10240x64xf32, #tpu.memory_space<vmem_shared>>)
        tpu.yield
      }) : () -> ()
      %add3A_102 = arith.constant 5 : i32
      %add3A_103 = arith.addi %add3A_91, %add3A_102 : i32
      %lt3A_104 = arith.constant 160 : i32
      %lt3A_105 = arith.cmpi slt, %add3A_103, %lt3A_104 : i32
      %convert_element_type3A_106 = arith.extui %lt3A_105 : i1 to i32
      %cond3A_107 = arith.constant 0 : i32
      %cond3A_108 = arith.cmpi ne, %convert_element_type3A_106, %cond3A_107 : i32
      scf.if %cond3A_108 {
        %add3A_172 = arith.constant 5 : i32
        %add3A_173 = arith.addi %add3A_91, %add3A_172 : i32
        %dma_start3A_174 = arith.constant 0 : i32
        %dma_start3A_175 = tpu.memref_slice %arg7[%add3A_173, %dma_start3A_174] : memref<160x128xi32, #tpu.memory_space<vmem>> -> memref<1x128xi32, #tpu.memory_space<vmem>>
        %dma_start3A_176 = tpu.memref_squeeze %dma_start3A_175 : memref<1x128xi32, #tpu.memory_space<vmem>> -> memref<128xi32, #tpu.memory_space<vmem>>
        %dma_start3A_177 = arith.constant 0 : i32
        %dma_start3A_178 = arith.constant 0 : i32
        %dma_start3A_179 = tpu.memref_slice %arg4[%arg0, %dma_start3A_177, %dma_start3A_178] : memref<2x10240x64xf32, #tpu.memory_space<hbm>> -> memref<1x10240x64xf32, #tpu.memory_space<hbm>>
        %dma_start3A_180 = tpu.memref_squeeze %dma_start3A_179 : memref<1x10240x64xf32, #tpu.memory_space<hbm>> -> memref<10240x64xf32, #tpu.memory_space<hbm>>
        %dma_start3A_181 = arith.constant 0 : i32
        %dma_start3A_182 = arith.constant 0 : i32
        %dma_start3A_183 = tpu.memref_slice %dma_start3A_180[%dma_start3A_181, %dma_start3A_182] : memref<10240x64xf32, #tpu.memory_space<hbm>> -> memref<10240x64xf32, #tpu.memory_space<hbm>>
        tpu.enqueue_indirect_dma source(%dma_start3A_183 : memref<10240x64xf32, #tpu.memory_space<hbm>>) target(%arg10 : memref<128x64xf32, #tpu.memory_space<vmem>>) offsets(%dma_start3A_176 : memref<128xi32, #tpu.memory_space<vmem>>) semaphore(%arg16 : memref<!tpu.dma_semaphore, #tpu.memory_space<semaphore_mem>>)
      } else {
      }
      %mul3A_109 = arith.constant 5 : i32
      %mul3A_110 = arith.muli %scan3A_70, %mul3A_109 : i32
      %add3A_111 = arith.constant 2 : i32
      %add3A_112 = arith.addi %mul3A_110, %add3A_111 : i32
      %dma_wait3A_113 = arith.constant 0 : i32
      %dma_wait3A_114 = tpu.memref_slice %arg7[%add3A_112, %dma_wait3A_113] : memref<160x128xi32, #tpu.memory_space<vmem>> -> memref<1x128xi32, #tpu.memory_space<vmem>>
      %dma_wait3A_115 = tpu.memref_squeeze %dma_wait3A_114 : memref<1x128xi32, #tpu.memory_space<vmem>> -> memref<128xi32, #tpu.memory_space<vmem>>
      %dma_wait3A_116 = arith.constant 0 : i32
      %dma_wait3A_117 = arith.constant 0 : i32
      %dma_wait3A_118 = tpu.memref_slice %arg4[%arg0, %dma_wait3A_116, %dma_wait3A_117] : memref<2x10240x64xf32, #tpu.memory_space<hbm>> -> memref<1x10240x64xf32, #tpu.memory_space<hbm>>
      %dma_wait3A_119 = tpu.memref_squeeze %dma_wait3A_118 : memref<1x10240x64xf32, #tpu.memory_space<hbm>> -> memref<10240x64xf32, #tpu.memory_space<hbm>>
      %dma_wait3A_120 = arith.constant 0 : i32
      %dma_wait3A_121 = arith.constant 0 : i32
      %dma_wait3A_122 = tpu.memref_slice %dma_wait3A_119[%dma_wait3A_120, %dma_wait3A_121] : memref<10240x64xf32, #tpu.memory_space<hbm>> -> memref<10240x64xf32, #tpu.memory_space<hbm>>
      tpu.wait_indirect_dma semaphore(%arg17 : memref<!tpu.dma_semaphore, #tpu.memory_space<semaphore_mem>>) src(%dma_wait3A_122 : memref<10240x64xf32, #tpu.memory_space<hbm>>) dst(%arg11 : memref<128x64xf32, #tpu.memory_space<vmem>>)
      "tpu.region"() ({
        %run_scoped3A = tpu.sem_alloc : memref<!tpu.dma_semaphore, #tpu.memory_space<semaphore_mem>>
        %dma_start3A_172 = arith.constant 0 : i32
        %dma_start3A_173 = tpu.memref_slice %arg8[%add3A_112, %dma_start3A_172] : memref<160x128xi32, #tpu.memory_space<vmem>> -> memref<1x128xi32, #tpu.memory_space<vmem>>
        %dma_start3A_174 = tpu.memref_squeeze %dma_start3A_173 : memref<1x128xi32, #tpu.memory_space<vmem>> -> memref<128xi32, #tpu.memory_space<vmem>>
        %dma_start3A_175 = arith.constant 0 : i32
        %dma_start3A_176 = arith.constant 0 : i32
        %dma_start3A_177 = tpu.memref_slice %arg14[%dma_start3A_175, %dma_start3A_176] : memref<10240x64xf32, #tpu.memory_space<vmem_shared>> -> memref<10240x64xf32, #tpu.memory_space<vmem_shared>>
        tpu.enqueue_indirect_dma source(%arg11 : memref<128x64xf32, #tpu.memory_space<vmem>>) target(%dma_start3A_177 : memref<10240x64xf32, #tpu.memory_space<vmem_shared>>) offsets(%dma_start3A_174 : memref<128xi32, #tpu.memory_space<vmem>>) semaphore(%run_scoped3A : memref<!tpu.dma_semaphore, #tpu.memory_space<semaphore_mem>>) {add = true}
        %dma_wait3A_178 = arith.constant 0 : i32
        %dma_wait3A_179 = tpu.memref_slice %arg8[%add3A_112, %dma_wait3A_178] : memref<160x128xi32, #tpu.memory_space<vmem>> -> memref<1x128xi32, #tpu.memory_space<vmem>>
        %dma_wait3A_180 = tpu.memref_squeeze %dma_wait3A_179 : memref<1x128xi32, #tpu.memory_space<vmem>> -> memref<128xi32, #tpu.memory_space<vmem>>
        %dma_wait3A_181 = arith.constant 0 : i32
        %dma_wait3A_182 = arith.constant 0 : i32
        %dma_wait3A_183 = tpu.memref_slice %arg14[%dma_wait3A_181, %dma_wait3A_182] : memref<10240x64xf32, #tpu.memory_space<vmem_shared>> -> memref<10240x64xf32, #tpu.memory_space<vmem_shared>>
        tpu.wait_indirect_dma semaphore(%run_scoped3A : memref<!tpu.dma_semaphore, #tpu.memory_space<semaphore_mem>>) src(%arg11 : memref<128x64xf32, #tpu.memory_space<vmem>>) dst(%dma_wait3A_183 : memref<10240x64xf32, #tpu.memory_space<vmem_shared>>)
        tpu.yield
      }) : () -> ()
      %add3A_123 = arith.constant 5 : i32
      %add3A_124 = arith.addi %add3A_112, %add3A_123 : i32
      %lt3A_125 = arith.constant 160 : i32
      %lt3A_126 = arith.cmpi slt, %add3A_124, %lt3A_125 : i32
      %convert_element_type3A_127 = arith.extui %lt3A_126 : i1 to i32
      %cond3A_128 = arith.constant 0 : i32
      %cond3A_129 = arith.cmpi ne, %convert_element_type3A_127, %cond3A_128 : i32
      scf.if %cond3A_129 {
        %add3A_172 = arith.constant 5 : i32
        %add3A_173 = arith.addi %add3A_112, %add3A_172 : i32
        %dma_start3A_174 = arith.constant 0 : i32
        %dma_start3A_175 = tpu.memref_slice %arg7[%add3A_173, %dma_start3A_174] : memref<160x128xi32, #tpu.memory_space<vmem>> -> memref<1x128xi32, #tpu.memory_space<vmem>>
        %dma_start3A_176 = tpu.memref_squeeze %dma_start3A_175 : memref<1x128xi32, #tpu.memory_space<vmem>> -> memref<128xi32, #tpu.memory_space<vmem>>
        %dma_start3A_177 = arith.constant 0 : i32
        %dma_start3A_178 = arith.constant 0 : i32
        %dma_start3A_179 = tpu.memref_slice %arg4[%arg0, %dma_start3A_177, %dma_start3A_178] : memref<2x10240x64xf32, #tpu.memory_space<hbm>> -> memref<1x10240x64xf32, #tpu.memory_space<hbm>>
        %dma_start3A_180 = tpu.memref_squeeze %dma_start3A_179 : memref<1x10240x64xf32, #tpu.memory_space<hbm>> -> memref<10240x64xf32, #tpu.memory_space<hbm>>
        %dma_start3A_181 = arith.constant 0 : i32
        %dma_start3A_182 = arith.constant 0 : i32
        %dma_start3A_183 = tpu.memref_slice %dma_start3A_180[%dma_start3A_181, %dma_start3A_182] : memref<10240x64xf32, #tpu.memory_space<hbm>> -> memref<10240x64xf32, #tpu.memory_space<hbm>>
        tpu.enqueue_indirect_dma source(%dma_start3A_183 : memref<10240x64xf32, #tpu.memory_space<hbm>>) target(%arg11 : memref<128x64xf32, #tpu.memory_space<vmem>>) offsets(%dma_start3A_176 : memref<128xi32, #tpu.memory_space<vmem>>) semaphore(%arg17 : memref<!tpu.dma_semaphore, #tpu.memory_space<semaphore_mem>>)
      } else {
      }
      %mul3A_130 = arith.constant 5 : i32
      %mul3A_131 = arith.muli %scan3A_70, %mul3A_130 : i32
      %add3A_132 = arith.constant 3 : i32
      %add3A_133 = arith.addi %mul3A_131, %add3A_132 : i32
      %dma_wait3A_134 = arith.constant 0 : i32
      %dma_wait3A_135 = tpu.memref_slice %arg7[%add3A_133, %dma_wait3A_134] : memref<160x128xi32, #tpu.memory_space<vmem>> -> memref<1x128xi32, #tpu.memory_space<vmem>>
      %dma_wait3A_136 = tpu.memref_squeeze %dma_wait3A_135 : memref<1x128xi32, #tpu.memory_space<vmem>> -> memref<128xi32, #tpu.memory_space<vmem>>
      %dma_wait3A_137 = arith.constant 0 : i32
      %dma_wait3A_138 = arith.constant 0 : i32
      %dma_wait3A_139 = tpu.memref_slice %arg4[%arg0, %dma_wait3A_137, %dma_wait3A_138] : memref<2x10240x64xf32, #tpu.memory_space<hbm>> -> memref<1x10240x64xf32, #tpu.memory_space<hbm>>
      %dma_wait3A_140 = tpu.memref_squeeze %dma_wait3A_139 : memref<1x10240x64xf32, #tpu.memory_space<hbm>> -> memref<10240x64xf32, #tpu.memory_space<hbm>>
      %dma_wait3A_141 = arith.constant 0 : i32
      %dma_wait3A_142 = arith.constant 0 : i32
      %dma_wait3A_143 = tpu.memref_slice %dma_wait3A_140[%dma_wait3A_141, %dma_wait3A_142] : memref<10240x64xf32, #tpu.memory_space<hbm>> -> memref<10240x64xf32, #tpu.memory_space<hbm>>
      tpu.wait_indirect_dma semaphore(%arg18 : memref<!tpu.dma_semaphore, #tpu.memory_space<semaphore_mem>>) src(%dma_wait3A_143 : memref<10240x64xf32, #tpu.memory_space<hbm>>) dst(%arg12 : memref<128x64xf32, #tpu.memory_space<vmem>>)
      "tpu.region"() ({
        %run_scoped3A = tpu.sem_alloc : memref<!tpu.dma_semaphore, #tpu.memory_space<semaphore_mem>>
        %dma_start3A_172 = arith.constant 0 : i32
        %dma_start3A_173 = tpu.memref_slice %arg8[%add3A_133, %dma_start3A_172] : memref<160x128xi32, #tpu.memory_space<vmem>> -> memref<1x128xi32, #tpu.memory_space<vmem>>
        %dma_start3A_174 = tpu.memref_squeeze %dma_start3A_173 : memref<1x128xi32, #tpu.memory_space<vmem>> -> memref<128xi32, #tpu.memory_space<vmem>>
        %dma_start3A_175 = arith.constant 0 : i32
        %dma_start3A_176 = arith.constant 0 : i32
        %dma_start3A_177 = tpu.memref_slice %arg14[%dma_start3A_175, %dma_start3A_176] : memref<10240x64xf32, #tpu.memory_space<vmem_shared>> -> memref<10240x64xf32, #tpu.memory_space<vmem_shared>>
        tpu.enqueue_indirect_dma source(%arg12 : memref<128x64xf32, #tpu.memory_space<vmem>>) target(%dma_start3A_177 : memref<10240x64xf32, #tpu.memory_space<vmem_shared>>) offsets(%dma_start3A_174 : memref<128xi32, #tpu.memory_space<vmem>>) semaphore(%run_scoped3A : memref<!tpu.dma_semaphore, #tpu.memory_space<semaphore_mem>>) {add = true}
        %dma_wait3A_178 = arith.constant 0 : i32
        %dma_wait3A_179 = tpu.memref_slice %arg8[%add3A_133, %dma_wait3A_178] : memref<160x128xi32, #tpu.memory_space<vmem>> -> memref<1x128xi32, #tpu.memory_space<vmem>>
        %dma_wait3A_180 = tpu.memref_squeeze %dma_wait3A_179 : memref<1x128xi32, #tpu.memory_space<vmem>> -> memref<128xi32, #tpu.memory_space<vmem>>
        %dma_wait3A_181 = arith.constant 0 : i32
        %dma_wait3A_182 = arith.constant 0 : i32
        %dma_wait3A_183 = tpu.memref_slice %arg14[%dma_wait3A_181, %dma_wait3A_182] : memref<10240x64xf32, #tpu.memory_space<vmem_shared>> -> memref<10240x64xf32, #tpu.memory_space<vmem_shared>>
        tpu.wait_indirect_dma semaphore(%run_scoped3A : memref<!tpu.dma_semaphore, #tpu.memory_space<semaphore_mem>>) src(%arg12 : memref<128x64xf32, #tpu.memory_space<vmem>>) dst(%dma_wait3A_183 : memref<10240x64xf32, #tpu.memory_space<vmem_shared>>)
        tpu.yield
      }) : () -> ()
      %add3A_144 = arith.constant 5 : i32
      %add3A_145 = arith.addi %add3A_133, %add3A_144 : i32
      %lt3A_146 = arith.constant 160 : i32
      %lt3A_147 = arith.cmpi slt, %add3A_145, %lt3A_146 : i32
      %convert_element_type3A_148 = arith.extui %lt3A_147 : i1 to i32
      %cond3A_149 = arith.constant 0 : i32
      %cond3A_150 = arith.cmpi ne, %convert_element_type3A_148, %cond3A_149 : i32
      scf.if %cond3A_150 {
        %add3A_172 = arith.constant 5 : i32
        %add3A_173 = arith.addi %add3A_133, %add3A_172 : i32
        %dma_start3A_174 = arith.constant 0 : i32
        %dma_start3A_175 = tpu.memref_slice %arg7[%add3A_173, %dma_start3A_174] : memref<160x128xi32, #tpu.memory_space<vmem>> -> memref<1x128xi32, #tpu.memory_space<vmem>>
        %dma_start3A_176 = tpu.memref_squeeze %dma_start3A_175 : memref<1x128xi32, #tpu.memory_space<vmem>> -> memref<128xi32, #tpu.memory_space<vmem>>
        %dma_start3A_177 = arith.constant 0 : i32
        %dma_start3A_178 = arith.constant 0 : i32
        %dma_start3A_179 = tpu.memref_slice %arg4[%arg0, %dma_start3A_177, %dma_start3A_178] : memref<2x10240x64xf32, #tpu.memory_space<hbm>> -> memref<1x10240x64xf32, #tpu.memory_space<hbm>>
        %dma_start3A_180 = tpu.memref_squeeze %dma_start3A_179 : memref<1x10240x64xf32, #tpu.memory_space<hbm>> -> memref<10240x64xf32, #tpu.memory_space<hbm>>
        %dma_start3A_181 = arith.constant 0 : i32
        %dma_start3A_182 = arith.constant 0 : i32
        %dma_start3A_183 = tpu.memref_slice %dma_start3A_180[%dma_start3A_181, %dma_start3A_182] : memref<10240x64xf32, #tpu.memory_space<hbm>> -> memref<10240x64xf32, #tpu.memory_space<hbm>>
        tpu.enqueue_indirect_dma source(%dma_start3A_183 : memref<10240x64xf32, #tpu.memory_space<hbm>>) target(%arg12 : memref<128x64xf32, #tpu.memory_space<vmem>>) offsets(%dma_start3A_176 : memref<128xi32, #tpu.memory_space<vmem>>) semaphore(%arg18 : memref<!tpu.dma_semaphore, #tpu.memory_space<semaphore_mem>>)
      } else {
      }
      %mul3A_151 = arith.constant 5 : i32
      %mul3A_152 = arith.muli %scan3A_70, %mul3A_151 : i32
      %add3A_153 = arith.constant 4 : i32
      %add3A_154 = arith.addi %mul3A_152, %add3A_153 : i32
      %dma_wait3A_155 = arith.constant 0 : i32
      %dma_wait3A_156 = tpu.memref_slice %arg7[%add3A_154, %dma_wait3A_155] : memref<160x128xi32, #tpu.memory_space<vmem>> -> memref<1x128xi32, #tpu.memory_space<vmem>>
      %dma_wait3A_157 = tpu.memref_squeeze %dma_wait3A_156 : memref<1x128xi32, #tpu.memory_space<vmem>> -> memref<128xi32, #tpu.memory_space<vmem>>
      %dma_wait3A_158 = arith.constant 0 : i32
      %dma_wait3A_159 = arith.constant 0 : i32
      %dma_wait3A_160 = tpu.memref_slice %arg4[%arg0, %dma_wait3A_158, %dma_wait3A_159] : memref<2x10240x64xf32, #tpu.memory_space<hbm>> -> memref<1x10240x64xf32, #tpu.memory_space<hbm>>
      %dma_wait3A_161 = tpu.memref_squeeze %dma_wait3A_160 : memref<1x10240x64xf32, #tpu.memory_space<hbm>> -> memref<10240x64xf32, #tpu.memory_space<hbm>>
      %dma_wait3A_162 = arith.constant 0 : i32
      %dma_wait3A_163 = arith.constant 0 : i32
      %dma_wait3A_164 = tpu.memref_slice %dma_wait3A_161[%dma_wait3A_162, %dma_wait3A_163] : memref<10240x64xf32, #tpu.memory_space<hbm>> -> memref<10240x64xf32, #tpu.memory_space<hbm>>
      tpu.wait_indirect_dma semaphore(%arg19 : memref<!tpu.dma_semaphore, #tpu.memory_space<semaphore_mem>>) src(%dma_wait3A_164 : memref<10240x64xf32, #tpu.memory_space<hbm>>) dst(%arg13 : memref<128x64xf32, #tpu.memory_space<vmem>>)
      "tpu.region"() ({
        %run_scoped3A = tpu.sem_alloc : memref<!tpu.dma_semaphore, #tpu.memory_space<semaphore_mem>>
        %dma_start3A_172 = arith.constant 0 : i32
        %dma_start3A_173 = tpu.memref_slice %arg8[%add3A_154, %dma_start3A_172] : memref<160x128xi32, #tpu.memory_space<vmem>> -> memref<1x128xi32, #tpu.memory_space<vmem>>
        %dma_start3A_174 = tpu.memref_squeeze %dma_start3A_173 : memref<1x128xi32, #tpu.memory_space<vmem>> -> memref<128xi32, #tpu.memory_space<vmem>>
        %dma_start3A_175 = arith.constant 0 : i32
        %dma_start3A_176 = arith.constant 0 : i32
        %dma_start3A_177 = tpu.memref_slice %arg14[%dma_start3A_175, %dma_start3A_176] : memref<10240x64xf32, #tpu.memory_space<vmem_shared>> -> memref<10240x64xf32, #tpu.memory_space<vmem_shared>>
        tpu.enqueue_indirect_dma source(%arg13 : memref<128x64xf32, #tpu.memory_space<vmem>>) target(%dma_start3A_177 : memref<10240x64xf32, #tpu.memory_space<vmem_shared>>) offsets(%dma_start3A_174 : memref<128xi32, #tpu.memory_space<vmem>>) semaphore(%run_scoped3A : memref<!tpu.dma_semaphore, #tpu.memory_space<semaphore_mem>>) {add = true}
        %dma_wait3A_178 = arith.constant 0 : i32
        %dma_wait3A_179 = tpu.memref_slice %arg8[%add3A_154, %dma_wait3A_178] : memref<160x128xi32, #tpu.memory_space<vmem>> -> memref<1x128xi32, #tpu.memory_space<vmem>>
        %dma_wait3A_180 = tpu.memref_squeeze %dma_wait3A_179 : memref<1x128xi32, #tpu.memory_space<vmem>> -> memref<128xi32, #tpu.memory_space<vmem>>
        %dma_wait3A_181 = arith.constant 0 : i32
        %dma_wait3A_182 = arith.constant 0 : i32
        %dma_wait3A_183 = tpu.memref_slice %arg14[%dma_wait3A_181, %dma_wait3A_182] : memref<10240x64xf32, #tpu.memory_space<vmem_shared>> -> memref<10240x64xf32, #tpu.memory_space<vmem_shared>>
        tpu.wait_indirect_dma semaphore(%run_scoped3A : memref<!tpu.dma_semaphore, #tpu.memory_space<semaphore_mem>>) src(%arg13 : memref<128x64xf32, #tpu.memory_space<vmem>>) dst(%dma_wait3A_183 : memref<10240x64xf32, #tpu.memory_space<vmem_shared>>)
        tpu.yield
      }) : () -> ()
      %add3A_165 = arith.constant 5 : i32
      %add3A_166 = arith.addi %add3A_154, %add3A_165 : i32
      %lt3A_167 = arith.constant 160 : i32
      %lt3A_168 = arith.cmpi slt, %add3A_166, %lt3A_167 : i32
      %convert_element_type3A_169 = arith.extui %lt3A_168 : i1 to i32
      %cond3A_170 = arith.constant 0 : i32
      %cond3A_171 = arith.cmpi ne, %convert_element_type3A_169, %cond3A_170 : i32
      scf.if %cond3A_171 {
        %add3A_172 = arith.constant 5 : i32
        %add3A_173 = arith.addi %add3A_154, %add3A_172 : i32
        %dma_start3A_174 = arith.constant 0 : i32
        %dma_start3A_175 = tpu.memref_slice %arg7[%add3A_173, %dma_start3A_174] : memref<160x128xi32, #tpu.memory_space<vmem>> -> memref<1x128xi32, #tpu.memory_space<vmem>>
        %dma_start3A_176 = tpu.memref_squeeze %dma_start3A_175 : memref<1x128xi32, #tpu.memory_space<vmem>> -> memref<128xi32, #tpu.memory_space<vmem>>
        %dma_start3A_177 = arith.constant 0 : i32
        %dma_start3A_178 = arith.constant 0 : i32
        %dma_start3A_179 = tpu.memref_slice %arg4[%arg0, %dma_start3A_177, %dma_start3A_178] : memref<2x10240x64xf32, #tpu.memory_space<hbm>> -> memref<1x10240x64xf32, #tpu.memory_space<hbm>>
        %dma_start3A_180 = tpu.memref_squeeze %dma_start3A_179 : memref<1x10240x64xf32, #tpu.memory_space<hbm>> -> memref<10240x64xf32, #tpu.memory_space<hbm>>
        %dma_start3A_181 = arith.constant 0 : i32
        %dma_start3A_182 = arith.constant 0 : i32
        %dma_start3A_183 = tpu.memref_slice %dma_start3A_180[%dma_start3A_181, %dma_start3A_182] : memref<10240x64xf32, #tpu.memory_space<hbm>> -> memref<10240x64xf32, #tpu.memory_space<hbm>>
        tpu.enqueue_indirect_dma source(%dma_start3A_183 : memref<10240x64xf32, #tpu.memory_space<hbm>>) target(%arg13 : memref<128x64xf32, #tpu.memory_space<vmem>>) offsets(%dma_start3A_176 : memref<128xi32, #tpu.memory_space<vmem>>) semaphore(%arg19 : memref<!tpu.dma_semaphore, #tpu.memory_space<semaphore_mem>>)
      } else {
      }
    }
    %scan3A_68 = arith.constant 32 : i32
    %barrier3A_69 = arith.constant 0 : index
    tpu.barrier barrier_id(%barrier3A_69)
    "tpu.region"() ({
      %run_scoped3A = tpu.sem_alloc : memref<!tpu.dma_semaphore, #tpu.memory_space<semaphore_mem>>
      %dma_start3A_70 = arith.constant 0 : i32
      %dma_start3A_71 = tpu.memref_slice %arg6[%arg0, %mul3A_0, %dma_start3A_70] : memref<2x10240x64xf32, #tpu.memory_space<hbm>> -> memref<1x640x64xf32, #tpu.memory_space<hbm>>
      %dma_start3A_72 = tpu.memref_squeeze %dma_start3A_71 : memref<1x640x64xf32, #tpu.memory_space<hbm>> -> memref<640x64xf32, #tpu.memory_space<hbm>>
      %dma_start3A_73 = arith.constant 0 : i32
      %dma_start3A_74 = tpu.memref_slice %arg14[%mul3A_0, %dma_start3A_73] : memref<10240x64xf32, #tpu.memory_space<vmem_shared>> -> memref<640x64xf32, #tpu.memory_space<vmem_shared>>
      tpu.enqueue_dma source(%dma_start3A_74 : memref<640x64xf32, #tpu.memory_space<vmem_shared>>) target(%dma_start3A_72 : memref<640x64xf32, #tpu.memory_space<hbm>>) target_semaphore(%run_scoped3A : memref<!tpu.dma_semaphore, #tpu.memory_space<semaphore_mem>>)
      %dma_wait3A = arith.constant 0 : i32
      %dma_wait3A_75 = tpu.memref_slice %arg6[%arg0, %mul3A_0, %dma_wait3A] : memref<2x10240x64xf32, #tpu.memory_space<hbm>> -> memref<1x640x64xf32, #tpu.memory_space<hbm>>
      %dma_wait3A_76 = tpu.memref_squeeze %dma_wait3A_75 : memref<1x640x64xf32, #tpu.memory_space<hbm>> -> memref<640x64xf32, #tpu.memory_space<hbm>>
      %dma_wait3A_77 = arith.constant 0 : i32
      %dma_wait3A_78 = tpu.memref_slice %arg14[%mul3A_0, %dma_wait3A_77] : memref<10240x64xf32, #tpu.memory_space<vmem_shared>> -> memref<640x64xf32, #tpu.memory_space<vmem_shared>>
      tpu.wait_dma2 semaphore(%run_scoped3A : memref<!tpu.dma_semaphore, #tpu.memory_space<semaphore_mem>>) src(%dma_wait3A_78 : memref<640x64xf32, #tpu.memory_space<vmem_shared>>) dst(%dma_wait3A_76 : memref<640x64xf32, #tpu.memory_space<hbm>>)
      tpu.yield
    }) : () -> ()
    return
  }
}

#map = affine_map<(d0, d1) -> (0, 0, 0)>
#map1 = affine_map<(d0, d1) -> (0, 0)>
module attributes {stable_mosaic.version = 14 : i64} {
  func.func @_propagate_kernel(%arg0: i32, %arg1: i32, %arg2: memref<16x160x128xi32, #tpu.memory_space<hbm>>, %arg3: memref<16x160x128xi32, #tpu.memory_space<hbm>>, %arg4: memref<2x10240x64xf32, #tpu.memory_space<hbm>>, %arg5: memref<128x64xf32, #tpu.memory_space<hbm>>, %arg6: memref<2x10240x64xf32, #tpu.memory_space<hbm>>, %arg7: memref<160x128xi32, #tpu.memory_space<vmem>>, %arg8: memref<160x128xi32, #tpu.memory_space<vmem>>, %arg9: memref<128x64xf32, #tpu.memory_space<vmem>>, %arg10: memref<128x64xf32, #tpu.memory_space<vmem>>, %arg11: memref<128x64xf32, #tpu.memory_space<vmem>>, %arg12: memref<128x64xf32, #tpu.memory_space<vmem>>, %arg13: memref<128x64xf32, #tpu.memory_space<vmem>>, %arg14: memref<10240x64xf32, #tpu.memory_space<vmem_shared>>, %arg15: memref<!tpu.dma_semaphore, #tpu.memory_space<semaphore_mem>>, %arg16: memref<!tpu.dma_semaphore, #tpu.memory_space<semaphore_mem>>, %arg17: memref<!tpu.dma_semaphore, #tpu.memory_space<semaphore_mem>>, %arg18: memref<!tpu.dma_semaphore, #tpu.memory_space<semaphore_mem>>, %arg19: memref<!tpu.dma_semaphore, #tpu.memory_space<semaphore_mem>>) attributes {dimension_semantics = [#tpu.dimension_semantics<core_parallel>, #tpu.dimension_semantics<subcore_parallel>], iteration_bounds = array<i64: 2, 16>, scalar_prefetch = 0 : i64, scratch_operands = 13 : i64, tpu.core_type = #tpu.core_type<sc_vector_subcore>, window_params = [{transform_indices = #map}, {transform_indices = #map}, {transform_indices = #map}, {transform_indices = #map1}, {transform_indices = #map}]} {
    "tpu.region"() ({
      %run_scoped3A = tpu.sem_alloc : memref<!tpu.dma_semaphore, #tpu.memory_space<semaphore_mem>>
      %dma_start3A_70 = arith.constant 0 : i32
      %dma_start3A_71 = arith.constant 0 : i32
      %dma_start3A_72 = tpu.memref_slice %arg2[%arg1, %dma_start3A_70, %dma_start3A_71] : memref<16x160x128xi32, #tpu.memory_space<hbm>> -> memref<1x160x128xi32, #tpu.memory_space<hbm>>
      %dma_start3A_73 = tpu.memref_squeeze %dma_start3A_72 : memref<1x160x128xi32, #tpu.memory_space<hbm>> -> memref<160x128xi32, #tpu.memory_space<hbm>>
      %dma_start3A_74 = arith.constant 0 : i32
      %dma_start3A_75 = arith.constant 0 : i32
      %dma_start3A_76 = tpu.memref_slice %arg2[%arg1, %dma_start3A_74, %dma_start3A_75] : memref<16x160x128xi32, #tpu.memory_space<hbm>> -> memref<1x160x128xi32, #tpu.memory_space<hbm>>
      %dma_start3A_77 = tpu.memref_squeeze %dma_start3A_76 : memref<1x160x128xi32, #tpu.memory_space<hbm>> -> memref<160x128xi32, #tpu.memory_space<hbm>>
      tpu.enqueue_dma source(%dma_start3A_77 : memref<160x128xi32, #tpu.memory_space<hbm>>) target(%arg7 : memref<160x128xi32, #tpu.memory_space<vmem>>) target_semaphore(%run_scoped3A : memref<!tpu.dma_semaphore, #tpu.memory_space<semaphore_mem>>)
      %dma_wait3A = arith.constant 0 : i32
      %dma_wait3A_78 = arith.constant 0 : i32
      %dma_wait3A_79 = tpu.memref_slice %arg2[%arg1, %dma_wait3A, %dma_wait3A_78] : memref<16x160x128xi32, #tpu.memory_space<hbm>> -> memref<1x160x128xi32, #tpu.memory_space<hbm>>
      %dma_wait3A_80 = tpu.memref_squeeze %dma_wait3A_79 : memref<1x160x128xi32, #tpu.memory_space<hbm>> -> memref<160x128xi32, #tpu.memory_space<hbm>>
      %dma_wait3A_81 = arith.constant 0 : i32
      %dma_wait3A_82 = arith.constant 0 : i32
      %dma_wait3A_83 = tpu.memref_slice %arg2[%arg1, %dma_wait3A_81, %dma_wait3A_82] : memref<16x160x128xi32, #tpu.memory_space<hbm>> -> memref<1x160x128xi32, #tpu.memory_space<hbm>>
      %dma_wait3A_84 = tpu.memref_squeeze %dma_wait3A_83 : memref<1x160x128xi32, #tpu.memory_space<hbm>> -> memref<160x128xi32, #tpu.memory_space<hbm>>
      tpu.wait_dma2 semaphore(%run_scoped3A : memref<!tpu.dma_semaphore, #tpu.memory_space<semaphore_mem>>) src(%dma_wait3A_84 : memref<160x128xi32, #tpu.memory_space<hbm>>) dst(%arg7 : memref<160x128xi32, #tpu.memory_space<vmem>>)
      tpu.yield
    }) : () -> ()
    "tpu.region"() ({
      %run_scoped3A = tpu.sem_alloc : memref<!tpu.dma_semaphore, #tpu.memory_space<semaphore_mem>>
      %dma_start3A_70 = arith.constant 0 : i32
      %dma_start3A_71 = arith.constant 0 : i32
      %dma_start3A_72 = tpu.memref_slice %arg3[%arg1, %dma_start3A_70, %dma_start3A_71] : memref<16x160x128xi32, #tpu.memory_space<hbm>> -> memref<1x160x128xi32, #tpu.memory_space<hbm>>
      %dma_start3A_73 = tpu.memref_squeeze %dma_start3A_72 : memref<1x160x128xi32, #tpu.memory_space<hbm>> -> memref<160x128xi32, #tpu.memory_space<hbm>>
      %dma_start3A_74 = arith.constant 0 : i32
      %dma_start3A_75 = arith.constant 0 : i32
      %dma_start3A_76 = tpu.memref_slice %arg3[%arg1, %dma_start3A_74, %dma_start3A_75] : memref<16x160x128xi32, #tpu.memory_space<hbm>> -> memref<1x160x128xi32, #tpu.memory_space<hbm>>
      %dma_start3A_77 = tpu.memref_squeeze %dma_start3A_76 : memref<1x160x128xi32, #tpu.memory_space<hbm>> -> memref<160x128xi32, #tpu.memory_space<hbm>>
      tpu.enqueue_dma source(%dma_start3A_77 : memref<160x128xi32, #tpu.memory_space<hbm>>) target(%arg8 : memref<160x128xi32, #tpu.memory_space<vmem>>) target_semaphore(%run_scoped3A : memref<!tpu.dma_semaphore, #tpu.memory_space<semaphore_mem>>)
      %dma_wait3A = arith.constant 0 : i32
      %dma_wait3A_78 = arith.constant 0 : i32
      %dma_wait3A_79 = tpu.memref_slice %arg3[%arg1, %dma_wait3A, %dma_wait3A_78] : memref<16x160x128xi32, #tpu.memory_space<hbm>> -> memref<1x160x128xi32, #tpu.memory_space<hbm>>
      %dma_wait3A_80 = tpu.memref_squeeze %dma_wait3A_79 : memref<1x160x128xi32, #tpu.memory_space<hbm>> -> memref<160x128xi32, #tpu.memory_space<hbm>>
      %dma_wait3A_81 = arith.constant 0 : i32
      %dma_wait3A_82 = arith.constant 0 : i32
      %dma_wait3A_83 = tpu.memref_slice %arg3[%arg1, %dma_wait3A_81, %dma_wait3A_82] : memref<16x160x128xi32, #tpu.memory_space<hbm>> -> memref<1x160x128xi32, #tpu.memory_space<hbm>>
      %dma_wait3A_84 = tpu.memref_squeeze %dma_wait3A_83 : memref<1x160x128xi32, #tpu.memory_space<hbm>> -> memref<160x128xi32, #tpu.memory_space<hbm>>
      tpu.wait_dma2 semaphore(%run_scoped3A : memref<!tpu.dma_semaphore, #tpu.memory_space<semaphore_mem>>) src(%dma_wait3A_84 : memref<160x128xi32, #tpu.memory_space<hbm>>) dst(%arg8 : memref<160x128xi32, #tpu.memory_space<vmem>>)
      tpu.yield
    }) : () -> ()
    "tpu.region"() ({
      %run_scoped3A = tpu.sem_alloc : memref<!tpu.dma_semaphore, #tpu.memory_space<semaphore_mem>>
      tpu.enqueue_dma source(%arg5 : memref<128x64xf32, #tpu.memory_space<hbm>>) target(%arg9 : memref<128x64xf32, #tpu.memory_space<vmem>>) target_semaphore(%run_scoped3A : memref<!tpu.dma_semaphore, #tpu.memory_space<semaphore_mem>>)
      tpu.wait_dma2 semaphore(%run_scoped3A : memref<!tpu.dma_semaphore, #tpu.memory_space<semaphore_mem>>) src(%arg5 : memref<128x64xf32, #tpu.memory_space<hbm>>) dst(%arg9 : memref<128x64xf32, #tpu.memory_space<vmem>>)
      tpu.yield
    }) : () -> ()
    %mul3A = arith.constant 640 : i32
    %mul3A_0 = arith.muli %arg1, %mul3A : i32
    %add3A = arith.constant 0 : i32
    %add3A_1 = arith.addi %mul3A_0, %add3A : i32
    "tpu.region"() ({
      %run_scoped3A = tpu.sem_alloc : memref<!tpu.dma_semaphore, #tpu.memory_space<semaphore_mem>>
      %dma_start3A_70 = arith.constant 0 : i32
      %dma_start3A_71 = tpu.memref_slice %arg14[%add3A_1, %dma_start3A_70] : memref<10240x64xf32, #tpu.memory_space<vmem_shared>> -> memref<128x64xf32, #tpu.memory_space<vmem_shared>>
      %dma_start3A_72 = arith.constant 0 : i32
      %dma_start3A_73 = tpu.memref_slice %arg14[%add3A_1, %dma_start3A_72] : memref<10240x64xf32, #tpu.memory_space<vmem_shared>> -> memref<128x64xf32, #tpu.memory_space<vmem_shared>>
      tpu.enqueue_dma source(%arg9 : memref<128x64xf32, #tpu.memory_space<vmem>>) target(%dma_start3A_73 : memref<128x64xf32, #tpu.memory_space<vmem_shared>>) target_semaphore(%run_scoped3A : memref<!tpu.dma_semaphore, #tpu.memory_space<semaphore_mem>>)
      %dma_wait3A = arith.constant 0 : i32
      %dma_wait3A_74 = tpu.memref_slice %arg14[%add3A_1, %dma_wait3A] : memref<10240x64xf32, #tpu.memory_space<vmem_shared>> -> memref<128x64xf32, #tpu.memory_space<vmem_shared>>
      %dma_wait3A_75 = arith.constant 0 : i32
      %dma_wait3A_76 = tpu.memref_slice %arg14[%add3A_1, %dma_wait3A_75] : memref<10240x64xf32, #tpu.memory_space<vmem_shared>> -> memref<128x64xf32, #tpu.memory_space<vmem_shared>>
      tpu.wait_dma2 semaphore(%run_scoped3A : memref<!tpu.dma_semaphore, #tpu.memory_space<semaphore_mem>>) src(%arg9 : memref<128x64xf32, #tpu.memory_space<vmem>>) dst(%dma_wait3A_76 : memref<128x64xf32, #tpu.memory_space<vmem_shared>>)
      tpu.yield
    }) : () -> ()
    %add3A_2 = arith.constant 128 : i32
    %add3A_3 = arith.addi %mul3A_0, %add3A_2 : i32
    "tpu.region"() ({
      %run_scoped3A = tpu.sem_alloc : memref<!tpu.dma_semaphore, #tpu.memory_space<semaphore_mem>>
      %dma_start3A_70 = arith.constant 0 : i32
      %dma_start3A_71 = tpu.memref_slice %arg14[%add3A_3, %dma_start3A_70] : memref<10240x64xf32, #tpu.memory_space<vmem_shared>> -> memref<128x64xf32, #tpu.memory_space<vmem_shared>>
      %dma_start3A_72 = arith.constant 0 : i32
      %dma_start3A_73 = tpu.memref_slice %arg14[%add3A_3, %dma_start3A_72] : memref<10240x64xf32, #tpu.memory_space<vmem_shared>> -> memref<128x64xf32, #tpu.memory_space<vmem_shared>>
      tpu.enqueue_dma source(%arg9 : memref<128x64xf32, #tpu.memory_space<vmem>>) target(%dma_start3A_73 : memref<128x64xf32, #tpu.memory_space<vmem_shared>>) target_semaphore(%run_scoped3A : memref<!tpu.dma_semaphore, #tpu.memory_space<semaphore_mem>>)
      %dma_wait3A = arith.constant 0 : i32
      %dma_wait3A_74 = tpu.memref_slice %arg14[%add3A_3, %dma_wait3A] : memref<10240x64xf32, #tpu.memory_space<vmem_shared>> -> memref<128x64xf32, #tpu.memory_space<vmem_shared>>
      %dma_wait3A_75 = arith.constant 0 : i32
      %dma_wait3A_76 = tpu.memref_slice %arg14[%add3A_3, %dma_wait3A_75] : memref<10240x64xf32, #tpu.memory_space<vmem_shared>> -> memref<128x64xf32, #tpu.memory_space<vmem_shared>>
      tpu.wait_dma2 semaphore(%run_scoped3A : memref<!tpu.dma_semaphore, #tpu.memory_space<semaphore_mem>>) src(%arg9 : memref<128x64xf32, #tpu.memory_space<vmem>>) dst(%dma_wait3A_76 : memref<128x64xf32, #tpu.memory_space<vmem_shared>>)
      tpu.yield
    }) : () -> ()
    %add3A_4 = arith.constant 256 : i32
    %add3A_5 = arith.addi %mul3A_0, %add3A_4 : i32
    "tpu.region"() ({
      %run_scoped3A = tpu.sem_alloc : memref<!tpu.dma_semaphore, #tpu.memory_space<semaphore_mem>>
      %dma_start3A_70 = arith.constant 0 : i32
      %dma_start3A_71 = tpu.memref_slice %arg14[%add3A_5, %dma_start3A_70] : memref<10240x64xf32, #tpu.memory_space<vmem_shared>> -> memref<128x64xf32, #tpu.memory_space<vmem_shared>>
      %dma_start3A_72 = arith.constant 0 : i32
      %dma_start3A_73 = tpu.memref_slice %arg14[%add3A_5, %dma_start3A_72] : memref<10240x64xf32, #tpu.memory_space<vmem_shared>> -> memref<128x64xf32, #tpu.memory_space<vmem_shared>>
      tpu.enqueue_dma source(%arg9 : memref<128x64xf32, #tpu.memory_space<vmem>>) target(%dma_start3A_73 : memref<128x64xf32, #tpu.memory_space<vmem_shared>>) target_semaphore(%run_scoped3A : memref<!tpu.dma_semaphore, #tpu.memory_space<semaphore_mem>>)
      %dma_wait3A = arith.constant 0 : i32
      %dma_wait3A_74 = tpu.memref_slice %arg14[%add3A_5, %dma_wait3A] : memref<10240x64xf32, #tpu.memory_space<vmem_shared>> -> memref<128x64xf32, #tpu.memory_space<vmem_shared>>
      %dma_wait3A_75 = arith.constant 0 : i32
      %dma_wait3A_76 = tpu.memref_slice %arg14[%add3A_5, %dma_wait3A_75] : memref<10240x64xf32, #tpu.memory_space<vmem_shared>> -> memref<128x64xf32, #tpu.memory_space<vmem_shared>>
      tpu.wait_dma2 semaphore(%run_scoped3A : memref<!tpu.dma_semaphore, #tpu.memory_space<semaphore_mem>>) src(%arg9 : memref<128x64xf32, #tpu.memory_space<vmem>>) dst(%dma_wait3A_76 : memref<128x64xf32, #tpu.memory_space<vmem_shared>>)
      tpu.yield
    }) : () -> ()
    %add3A_6 = arith.constant 384 : i32
    %add3A_7 = arith.addi %mul3A_0, %add3A_6 : i32
    "tpu.region"() ({
      %run_scoped3A = tpu.sem_alloc : memref<!tpu.dma_semaphore, #tpu.memory_space<semaphore_mem>>
      %dma_start3A_70 = arith.constant 0 : i32
      %dma_start3A_71 = tpu.memref_slice %arg14[%add3A_7, %dma_start3A_70] : memref<10240x64xf32, #tpu.memory_space<vmem_shared>> -> memref<128x64xf32, #tpu.memory_space<vmem_shared>>
      %dma_start3A_72 = arith.constant 0 : i32
      %dma_start3A_73 = tpu.memref_slice %arg14[%add3A_7, %dma_start3A_72] : memref<10240x64xf32, #tpu.memory_space<vmem_shared>> -> memref<128x64xf32, #tpu.memory_space<vmem_shared>>
      tpu.enqueue_dma source(%arg9 : memref<128x64xf32, #tpu.memory_space<vmem>>) target(%dma_start3A_73 : memref<128x64xf32, #tpu.memory_space<vmem_shared>>) target_semaphore(%run_scoped3A : memref<!tpu.dma_semaphore, #tpu.memory_space<semaphore_mem>>)
      %dma_wait3A = arith.constant 0 : i32
      %dma_wait3A_74 = tpu.memref_slice %arg14[%add3A_7, %dma_wait3A] : memref<10240x64xf32, #tpu.memory_space<vmem_shared>> -> memref<128x64xf32, #tpu.memory_space<vmem_shared>>
      %dma_wait3A_75 = arith.constant 0 : i32
      %dma_wait3A_76 = tpu.memref_slice %arg14[%add3A_7, %dma_wait3A_75] : memref<10240x64xf32, #tpu.memory_space<vmem_shared>> -> memref<128x64xf32, #tpu.memory_space<vmem_shared>>
      tpu.wait_dma2 semaphore(%run_scoped3A : memref<!tpu.dma_semaphore, #tpu.memory_space<semaphore_mem>>) src(%arg9 : memref<128x64xf32, #tpu.memory_space<vmem>>) dst(%dma_wait3A_76 : memref<128x64xf32, #tpu.memory_space<vmem_shared>>)
      tpu.yield
    }) : () -> ()
    %add3A_8 = arith.constant 512 : i32
    %add3A_9 = arith.addi %mul3A_0, %add3A_8 : i32
    "tpu.region"() ({
      %run_scoped3A = tpu.sem_alloc : memref<!tpu.dma_semaphore, #tpu.memory_space<semaphore_mem>>
      %dma_start3A_70 = arith.constant 0 : i32
      %dma_start3A_71 = tpu.memref_slice %arg14[%add3A_9, %dma_start3A_70] : memref<10240x64xf32, #tpu.memory_space<vmem_shared>> -> memref<128x64xf32, #tpu.memory_space<vmem_shared>>
      %dma_start3A_72 = arith.constant 0 : i32
      %dma_start3A_73 = tpu.memref_slice %arg14[%add3A_9, %dma_start3A_72] : memref<10240x64xf32, #tpu.memory_space<vmem_shared>> -> memref<128x64xf32, #tpu.memory_space<vmem_shared>>
      tpu.enqueue_dma source(%arg9 : memref<128x64xf32, #tpu.memory_space<vmem>>) target(%dma_start3A_73 : memref<128x64xf32, #tpu.memory_space<vmem_shared>>) target_semaphore(%run_scoped3A : memref<!tpu.dma_semaphore, #tpu.memory_space<semaphore_mem>>)
      %dma_wait3A = arith.constant 0 : i32
      %dma_wait3A_74 = tpu.memref_slice %arg14[%add3A_9, %dma_wait3A] : memref<10240x64xf32, #tpu.memory_space<vmem_shared>> -> memref<128x64xf32, #tpu.memory_space<vmem_shared>>
      %dma_wait3A_75 = arith.constant 0 : i32
      %dma_wait3A_76 = tpu.memref_slice %arg14[%add3A_9, %dma_wait3A_75] : memref<10240x64xf32, #tpu.memory_space<vmem_shared>> -> memref<128x64xf32, #tpu.memory_space<vmem_shared>>
      tpu.wait_dma2 semaphore(%run_scoped3A : memref<!tpu.dma_semaphore, #tpu.memory_space<semaphore_mem>>) src(%arg9 : memref<128x64xf32, #tpu.memory_space<vmem>>) dst(%dma_wait3A_76 : memref<128x64xf32, #tpu.memory_space<vmem_shared>>)
      tpu.yield
    }) : () -> ()
    %barrier3A = arith.constant 0 : index
    tpu.barrier barrier_id(%barrier3A)
    %dma_start3A = arith.constant 0 : i32
    %dma_start3A_10 = arith.constant 0 : i32
    %dma_start3A_11 = tpu.memref_slice %arg7[%dma_start3A, %dma_start3A_10] : memref<160x128xi32, #tpu.memory_space<vmem>> -> memref<1x128xi32, #tpu.memory_space<vmem>>
    %dma_start3A_12 = tpu.memref_squeeze %dma_start3A_11 : memref<1x128xi32, #tpu.memory_space<vmem>> -> memref<128xi32, #tpu.memory_space<vmem>>
    %dma_start3A_13 = arith.constant 0 : i32
    %dma_start3A_14 = arith.constant 0 : i32
    %dma_start3A_15 = tpu.memref_slice %arg4[%arg0, %dma_start3A_13, %dma_start3A_14] : memref<2x10240x64xf32, #tpu.memory_space<hbm>> -> memref<1x10240x64xf32, #tpu.memory_space<hbm>>
    %dma_start3A_16 = tpu.memref_squeeze %dma_start3A_15 : memref<1x10240x64xf32, #tpu.memory_space<hbm>> -> memref<10240x64xf32, #tpu.memory_space<hbm>>
    %dma_start3A_17 = arith.constant 0 : i32
    %dma_start3A_18 = arith.constant 0 : i32
    %dma_start3A_19 = tpu.memref_slice %dma_start3A_16[%dma_start3A_17, %dma_start3A_18] : memref<10240x64xf32, #tpu.memory_space<hbm>> -> memref<10240x64xf32, #tpu.memory_space<hbm>>
    tpu.enqueue_indirect_dma source(%dma_start3A_19 : memref<10240x64xf32, #tpu.memory_space<hbm>>) target(%arg9 : memref<128x64xf32, #tpu.memory_space<vmem>>) offsets(%dma_start3A_12 : memref<128xi32, #tpu.memory_space<vmem>>) semaphore(%arg15 : memref<!tpu.dma_semaphore, #tpu.memory_space<semaphore_mem>>)
    %dma_start3A_20 = arith.constant 1 : i32
    %dma_start3A_21 = arith.constant 0 : i32
    %dma_start3A_22 = tpu.memref_slice %arg7[%dma_start3A_20, %dma_start3A_21] : memref<160x128xi32, #tpu.memory_space<vmem>> -> memref<1x128xi32, #tpu.memory_space<vmem>>
    %dma_start3A_23 = tpu.memref_squeeze %dma_start3A_22 : memref<1x128xi32, #tpu.memory_space<vmem>> -> memref<128xi32, #tpu.memory_space<vmem>>
    %dma_start3A_24 = arith.constant 0 : i32
    %dma_start3A_25 = arith.constant 0 : i32
    %dma_start3A_26 = tpu.memref_slice %arg4[%arg0, %dma_start3A_24, %dma_start3A_25] : memref<2x10240x64xf32, #tpu.memory_space<hbm>> -> memref<1x10240x64xf32, #tpu.memory_space<hbm>>
    %dma_start3A_27 = tpu.memref_squeeze %dma_start3A_26 : memref<1x10240x64xf32, #tpu.memory_space<hbm>> -> memref<10240x64xf32, #tpu.memory_space<hbm>>
    %dma_start3A_28 = arith.constant 0 : i32
    %dma_start3A_29 = arith.constant 0 : i32
    %dma_start3A_30 = tpu.memref_slice %dma_start3A_27[%dma_start3A_28, %dma_start3A_29] : memref<10240x64xf32, #tpu.memory_space<hbm>> -> memref<10240x64xf32, #tpu.memory_space<hbm>>
    tpu.enqueue_indirect_dma source(%dma_start3A_30 : memref<10240x64xf32, #tpu.memory_space<hbm>>) target(%arg10 : memref<128x64xf32, #tpu.memory_space<vmem>>) offsets(%dma_start3A_23 : memref<128xi32, #tpu.memory_space<vmem>>) semaphore(%arg16 : memref<!tpu.dma_semaphore, #tpu.memory_space<semaphore_mem>>)
    %dma_start3A_31 = arith.constant 2 : i32
    %dma_start3A_32 = arith.constant 0 : i32
    %dma_start3A_33 = tpu.memref_slice %arg7[%dma_start3A_31, %dma_start3A_32] : memref<160x128xi32, #tpu.memory_space<vmem>> -> memref<1x128xi32, #tpu.memory_space<vmem>>
    %dma_start3A_34 = tpu.memref_squeeze %dma_start3A_33 : memref<1x128xi32, #tpu.memory_space<vmem>> -> memref<128xi32, #tpu.memory_space<vmem>>
    %dma_start3A_35 = arith.constant 0 : i32
    %dma_start3A_36 = arith.constant 0 : i32
    %dma_start3A_37 = tpu.memref_slice %arg4[%arg0, %dma_start3A_35, %dma_start3A_36] : memref<2x10240x64xf32, #tpu.memory_space<hbm>> -> memref<1x10240x64xf32, #tpu.memory_space<hbm>>
    %dma_start3A_38 = tpu.memref_squeeze %dma_start3A_37 : memref<1x10240x64xf32, #tpu.memory_space<hbm>> -> memref<10240x64xf32, #tpu.memory_space<hbm>>
    %dma_start3A_39 = arith.constant 0 : i32
    %dma_start3A_40 = arith.constant 0 : i32
    %dma_start3A_41 = tpu.memref_slice %dma_start3A_38[%dma_start3A_39, %dma_start3A_40] : memref<10240x64xf32, #tpu.memory_space<hbm>> -> memref<10240x64xf32, #tpu.memory_space<hbm>>
    tpu.enqueue_indirect_dma source(%dma_start3A_41 : memref<10240x64xf32, #tpu.memory_space<hbm>>) target(%arg11 : memref<128x64xf32, #tpu.memory_space<vmem>>) offsets(%dma_start3A_34 : memref<128xi32, #tpu.memory_space<vmem>>) semaphore(%arg17 : memref<!tpu.dma_semaphore, #tpu.memory_space<semaphore_mem>>)
    %dma_start3A_42 = arith.constant 3 : i32
    %dma_start3A_43 = arith.constant 0 : i32
    %dma_start3A_44 = tpu.memref_slice %arg7[%dma_start3A_42, %dma_start3A_43] : memref<160x128xi32, #tpu.memory_space<vmem>> -> memref<1x128xi32, #tpu.memory_space<vmem>>
    %dma_start3A_45 = tpu.memref_squeeze %dma_start3A_44 : memref<1x128xi32, #tpu.memory_space<vmem>> -> memref<128xi32, #tpu.memory_space<vmem>>
    %dma_start3A_46 = arith.constant 0 : i32
    %dma_start3A_47 = arith.constant 0 : i32
    %dma_start3A_48 = tpu.memref_slice %arg4[%arg0, %dma_start3A_46, %dma_start3A_47] : memref<2x10240x64xf32, #tpu.memory_space<hbm>> -> memref<1x10240x64xf32, #tpu.memory_space<hbm>>
    %dma_start3A_49 = tpu.memref_squeeze %dma_start3A_48 : memref<1x10240x64xf32, #tpu.memory_space<hbm>> -> memref<10240x64xf32, #tpu.memory_space<hbm>>
    %dma_start3A_50 = arith.constant 0 : i32
    %dma_start3A_51 = arith.constant 0 : i32
    %dma_start3A_52 = tpu.memref_slice %dma_start3A_49[%dma_start3A_50, %dma_start3A_51] : memref<10240x64xf32, #tpu.memory_space<hbm>> -> memref<10240x64xf32, #tpu.memory_space<hbm>>
    tpu.enqueue_indirect_dma source(%dma_start3A_52 : memref<10240x64xf32, #tpu.memory_space<hbm>>) target(%arg12 : memref<128x64xf32, #tpu.memory_space<vmem>>) offsets(%dma_start3A_45 : memref<128xi32, #tpu.memory_space<vmem>>) semaphore(%arg18 : memref<!tpu.dma_semaphore, #tpu.memory_space<semaphore_mem>>)
    %dma_start3A_53 = arith.constant 4 : i32
    %dma_start3A_54 = arith.constant 0 : i32
    %dma_start3A_55 = tpu.memref_slice %arg7[%dma_start3A_53, %dma_start3A_54] : memref<160x128xi32, #tpu.memory_space<vmem>> -> memref<1x128xi32, #tpu.memory_space<vmem>>
    %dma_start3A_56 = tpu.memref_squeeze %dma_start3A_55 : memref<1x128xi32, #tpu.memory_space<vmem>> -> memref<128xi32, #tpu.memory_space<vmem>>
    %dma_start3A_57 = arith.constant 0 : i32
    %dma_start3A_58 = arith.constant 0 : i32
    %dma_start3A_59 = tpu.memref_slice %arg4[%arg0, %dma_start3A_57, %dma_start3A_58] : memref<2x10240x64xf32, #tpu.memory_space<hbm>> -> memref<1x10240x64xf32, #tpu.memory_space<hbm>>
    %dma_start3A_60 = tpu.memref_squeeze %dma_start3A_59 : memref<1x10240x64xf32, #tpu.memory_space<hbm>> -> memref<10240x64xf32, #tpu.memory_space<hbm>>
    %dma_start3A_61 = arith.constant 0 : i32
    %dma_start3A_62 = arith.constant 0 : i32
    %dma_start3A_63 = tpu.memref_slice %dma_start3A_60[%dma_start3A_61, %dma_start3A_62] : memref<10240x64xf32, #tpu.memory_space<hbm>> -> memref<10240x64xf32, #tpu.memory_space<hbm>>
    tpu.enqueue_indirect_dma source(%dma_start3A_63 : memref<10240x64xf32, #tpu.memory_space<hbm>>) target(%arg13 : memref<128x64xf32, #tpu.memory_space<vmem>>) offsets(%dma_start3A_56 : memref<128xi32, #tpu.memory_space<vmem>>) semaphore(%arg19 : memref<!tpu.dma_semaphore, #tpu.memory_space<semaphore_mem>>)
    %scan3A = arith.constant 0 : i32
    %scan3A_64 = arith.constant 0 : i32
    %scan3A_65 = arith.constant 32 : i32
    %scan3A_66 = arith.addi %scan3A_64, %scan3A_65 : i32
    %scan3A_67 = arith.constant 1 : i32
    scf.for %scan3A_70 = %scan3A_64 to %scan3A_66 step %scan3A_67  : i32 {
      %mul3A_71 = arith.constant 5 : i32
      %mul3A_72 = arith.muli %scan3A_70, %mul3A_71 : i32
      %add3A_73 = arith.constant 0 : i32
      %add3A_74 = arith.addi %mul3A_72, %add3A_73 : i32
      %dma_wait3A = arith.constant 0 : i32
      %dma_wait3A_75 = tpu.memref_slice %arg7[%add3A_74, %dma_wait3A] : memref<160x128xi32, #tpu.memory_space<vmem>> -> memref<1x128xi32, #tpu.memory_space<vmem>>
      %dma_wait3A_76 = tpu.memref_squeeze %dma_wait3A_75 : memref<1x128xi32, #tpu.memory_space<vmem>> -> memref<128xi32, #tpu.memory_space<vmem>>
      %dma_wait3A_77 = arith.constant 0 : i32
      %dma_wait3A_78 = arith.constant 0 : i32
      %dma_wait3A_79 = tpu.memref_slice %arg4[%arg0, %dma_wait3A_77, %dma_wait3A_78] : memref<2x10240x64xf32, #tpu.memory_space<hbm>> -> memref<1x10240x64xf32, #tpu.memory_space<hbm>>
      %dma_wait3A_80 = tpu.memref_squeeze %dma_wait3A_79 : memref<1x10240x64xf32, #tpu.memory_space<hbm>> -> memref<10240x64xf32, #tpu.memory_space<hbm>>
      %dma_wait3A_81 = arith.constant 0 : i32
      %dma_wait3A_82 = arith.constant 0 : i32
      %dma_wait3A_83 = tpu.memref_slice %dma_wait3A_80[%dma_wait3A_81, %dma_wait3A_82] : memref<10240x64xf32, #tpu.memory_space<hbm>> -> memref<10240x64xf32, #tpu.memory_space<hbm>>
      tpu.wait_indirect_dma semaphore(%arg15 : memref<!tpu.dma_semaphore, #tpu.memory_space<semaphore_mem>>) src(%dma_wait3A_83 : memref<10240x64xf32, #tpu.memory_space<hbm>>) dst(%arg9 : memref<128x64xf32, #tpu.memory_space<vmem>>)
      "tpu.region"() ({
        %run_scoped3A = tpu.sem_alloc : memref<!tpu.dma_semaphore, #tpu.memory_space<semaphore_mem>>
        %dma_start3A_172 = arith.constant 0 : i32
        %dma_start3A_173 = tpu.memref_slice %arg8[%add3A_74, %dma_start3A_172] : memref<160x128xi32, #tpu.memory_space<vmem>> -> memref<1x128xi32, #tpu.memory_space<vmem>>
        %dma_start3A_174 = tpu.memref_squeeze %dma_start3A_173 : memref<1x128xi32, #tpu.memory_space<vmem>> -> memref<128xi32, #tpu.memory_space<vmem>>
        %dma_start3A_175 = arith.constant 0 : i32
        %dma_start3A_176 = arith.constant 0 : i32
        %dma_start3A_177 = tpu.memref_slice %arg14[%dma_start3A_175, %dma_start3A_176] : memref<10240x64xf32, #tpu.memory_space<vmem_shared>> -> memref<10240x64xf32, #tpu.memory_space<vmem_shared>>
        tpu.enqueue_indirect_dma source(%arg9 : memref<128x64xf32, #tpu.memory_space<vmem>>) target(%dma_start3A_177 : memref<10240x64xf32, #tpu.memory_space<vmem_shared>>) offsets(%dma_start3A_174 : memref<128xi32, #tpu.memory_space<vmem>>) semaphore(%run_scoped3A : memref<!tpu.dma_semaphore, #tpu.memory_space<semaphore_mem>>) {add = true}
        %dma_wait3A_178 = arith.constant 0 : i32
        %dma_wait3A_179 = tpu.memref_slice %arg8[%add3A_74, %dma_wait3A_178] : memref<160x128xi32, #tpu.memory_space<vmem>> -> memref<1x128xi32, #tpu.memory_space<vmem>>
        %dma_wait3A_180 = tpu.memref_squeeze %dma_wait3A_179 : memref<1x128xi32, #tpu.memory_space<vmem>> -> memref<128xi32, #tpu.memory_space<vmem>>
        %dma_wait3A_181 = arith.constant 0 : i32
        %dma_wait3A_182 = arith.constant 0 : i32
        %dma_wait3A_183 = tpu.memref_slice %arg14[%dma_wait3A_181, %dma_wait3A_182] : memref<10240x64xf32, #tpu.memory_space<vmem_shared>> -> memref<10240x64xf32, #tpu.memory_space<vmem_shared>>
        tpu.wait_indirect_dma semaphore(%run_scoped3A : memref<!tpu.dma_semaphore, #tpu.memory_space<semaphore_mem>>) src(%arg9 : memref<128x64xf32, #tpu.memory_space<vmem>>) dst(%dma_wait3A_183 : memref<10240x64xf32, #tpu.memory_space<vmem_shared>>)
        tpu.yield
      }) : () -> ()
      %add3A_84 = arith.constant 5 : i32
      %add3A_85 = arith.addi %add3A_74, %add3A_84 : i32
      %lt3A = arith.constant 160 : i32
      %lt3A_86 = arith.cmpi slt, %add3A_85, %lt3A : i32
      %convert_element_type3A = arith.extui %lt3A_86 : i1 to i32
      %cond3A = arith.constant 0 : i32
      %cond3A_87 = arith.cmpi ne, %convert_element_type3A, %cond3A : i32
      scf.if %cond3A_87 {
        %add3A_172 = arith.constant 5 : i32
        %add3A_173 = arith.addi %add3A_74, %add3A_172 : i32
        %dma_start3A_174 = arith.constant 0 : i32
        %dma_start3A_175 = tpu.memref_slice %arg7[%add3A_173, %dma_start3A_174] : memref<160x128xi32, #tpu.memory_space<vmem>> -> memref<1x128xi32, #tpu.memory_space<vmem>>
        %dma_start3A_176 = tpu.memref_squeeze %dma_start3A_175 : memref<1x128xi32, #tpu.memory_space<vmem>> -> memref<128xi32, #tpu.memory_space<vmem>>
        %dma_start3A_177 = arith.constant 0 : i32
        %dma_start3A_178 = arith.constant 0 : i32
        %dma_start3A_179 = tpu.memref_slice %arg4[%arg0, %dma_start3A_177, %dma_start3A_178] : memref<2x10240x64xf32, #tpu.memory_space<hbm>> -> memref<1x10240x64xf32, #tpu.memory_space<hbm>>
        %dma_start3A_180 = tpu.memref_squeeze %dma_start3A_179 : memref<1x10240x64xf32, #tpu.memory_space<hbm>> -> memref<10240x64xf32, #tpu.memory_space<hbm>>
        %dma_start3A_181 = arith.constant 0 : i32
        %dma_start3A_182 = arith.constant 0 : i32
        %dma_start3A_183 = tpu.memref_slice %dma_start3A_180[%dma_start3A_181, %dma_start3A_182] : memref<10240x64xf32, #tpu.memory_space<hbm>> -> memref<10240x64xf32, #tpu.memory_space<hbm>>
        tpu.enqueue_indirect_dma source(%dma_start3A_183 : memref<10240x64xf32, #tpu.memory_space<hbm>>) target(%arg9 : memref<128x64xf32, #tpu.memory_space<vmem>>) offsets(%dma_start3A_176 : memref<128xi32, #tpu.memory_space<vmem>>) semaphore(%arg15 : memref<!tpu.dma_semaphore, #tpu.memory_space<semaphore_mem>>)
      } else {
      }
      %mul3A_88 = arith.constant 5 : i32
      %mul3A_89 = arith.muli %scan3A_70, %mul3A_88 : i32
      %add3A_90 = arith.constant 1 : i32
      %add3A_91 = arith.addi %mul3A_89, %add3A_90 : i32
      %dma_wait3A_92 = arith.constant 0 : i32
      %dma_wait3A_93 = tpu.memref_slice %arg7[%add3A_91, %dma_wait3A_92] : memref<160x128xi32, #tpu.memory_space<vmem>> -> memref<1x128xi32, #tpu.memory_space<vmem>>
      %dma_wait3A_94 = tpu.memref_squeeze %dma_wait3A_93 : memref<1x128xi32, #tpu.memory_space<vmem>> -> memref<128xi32, #tpu.memory_space<vmem>>
      %dma_wait3A_95 = arith.constant 0 : i32
      %dma_wait3A_96 = arith.constant 0 : i32
      %dma_wait3A_97 = tpu.memref_slice %arg4[%arg0, %dma_wait3A_95, %dma_wait3A_96] : memref<2x10240x64xf32, #tpu.memory_space<hbm>> -> memref<1x10240x64xf32, #tpu.memory_space<hbm>>
      %dma_wait3A_98 = tpu.memref_squeeze %dma_wait3A_97 : memref<1x10240x64xf32, #tpu.memory_space<hbm>> -> memref<10240x64xf32, #tpu.memory_space<hbm>>
      %dma_wait3A_99 = arith.constant 0 : i32
      %dma_wait3A_100 = arith.constant 0 : i32
      %dma_wait3A_101 = tpu.memref_slice %dma_wait3A_98[%dma_wait3A_99, %dma_wait3A_100] : memref<10240x64xf32, #tpu.memory_space<hbm>> -> memref<10240x64xf32, #tpu.memory_space<hbm>>
      tpu.wait_indirect_dma semaphore(%arg16 : memref<!tpu.dma_semaphore, #tpu.memory_space<semaphore_mem>>) src(%dma_wait3A_101 : memref<10240x64xf32, #tpu.memory_space<hbm>>) dst(%arg10 : memref<128x64xf32, #tpu.memory_space<vmem>>)
      "tpu.region"() ({
        %run_scoped3A = tpu.sem_alloc : memref<!tpu.dma_semaphore, #tpu.memory_space<semaphore_mem>>
        %dma_start3A_172 = arith.constant 0 : i32
        %dma_start3A_173 = tpu.memref_slice %arg8[%add3A_91, %dma_start3A_172] : memref<160x128xi32, #tpu.memory_space<vmem>> -> memref<1x128xi32, #tpu.memory_space<vmem>>
        %dma_start3A_174 = tpu.memref_squeeze %dma_start3A_173 : memref<1x128xi32, #tpu.memory_space<vmem>> -> memref<128xi32, #tpu.memory_space<vmem>>
        %dma_start3A_175 = arith.constant 0 : i32
        %dma_start3A_176 = arith.constant 0 : i32
        %dma_start3A_177 = tpu.memref_slice %arg14[%dma_start3A_175, %dma_start3A_176] : memref<10240x64xf32, #tpu.memory_space<vmem_shared>> -> memref<10240x64xf32, #tpu.memory_space<vmem_shared>>
        tpu.enqueue_indirect_dma source(%arg10 : memref<128x64xf32, #tpu.memory_space<vmem>>) target(%dma_start3A_177 : memref<10240x64xf32, #tpu.memory_space<vmem_shared>>) offsets(%dma_start3A_174 : memref<128xi32, #tpu.memory_space<vmem>>) semaphore(%run_scoped3A : memref<!tpu.dma_semaphore, #tpu.memory_space<semaphore_mem>>) {add = true}
        %dma_wait3A_178 = arith.constant 0 : i32
        %dma_wait3A_179 = tpu.memref_slice %arg8[%add3A_91, %dma_wait3A_178] : memref<160x128xi32, #tpu.memory_space<vmem>> -> memref<1x128xi32, #tpu.memory_space<vmem>>
        %dma_wait3A_180 = tpu.memref_squeeze %dma_wait3A_179 : memref<1x128xi32, #tpu.memory_space<vmem>> -> memref<128xi32, #tpu.memory_space<vmem>>
        %dma_wait3A_181 = arith.constant 0 : i32
        %dma_wait3A_182 = arith.constant 0 : i32
        %dma_wait3A_183 = tpu.memref_slice %arg14[%dma_wait3A_181, %dma_wait3A_182] : memref<10240x64xf32, #tpu.memory_space<vmem_shared>> -> memref<10240x64xf32, #tpu.memory_space<vmem_shared>>
        tpu.wait_indirect_dma semaphore(%run_scoped3A : memref<!tpu.dma_semaphore, #tpu.memory_space<semaphore_mem>>) src(%arg10 : memref<128x64xf32, #tpu.memory_space<vmem>>) dst(%dma_wait3A_183 : memref<10240x64xf32, #tpu.memory_space<vmem_shared>>)
        tpu.yield
      }) : () -> ()
      %add3A_102 = arith.constant 5 : i32
      %add3A_103 = arith.addi %add3A_91, %add3A_102 : i32
      %lt3A_104 = arith.constant 160 : i32
      %lt3A_105 = arith.cmpi slt, %add3A_103, %lt3A_104 : i32
      %convert_element_type3A_106 = arith.extui %lt3A_105 : i1 to i32
      %cond3A_107 = arith.constant 0 : i32
      %cond3A_108 = arith.cmpi ne, %convert_element_type3A_106, %cond3A_107 : i32
      scf.if %cond3A_108 {
        %add3A_172 = arith.constant 5 : i32
        %add3A_173 = arith.addi %add3A_91, %add3A_172 : i32
        %dma_start3A_174 = arith.constant 0 : i32
        %dma_start3A_175 = tpu.memref_slice %arg7[%add3A_173, %dma_start3A_174] : memref<160x128xi32, #tpu.memory_space<vmem>> -> memref<1x128xi32, #tpu.memory_space<vmem>>
        %dma_start3A_176 = tpu.memref_squeeze %dma_start3A_175 : memref<1x128xi32, #tpu.memory_space<vmem>> -> memref<128xi32, #tpu.memory_space<vmem>>
        %dma_start3A_177 = arith.constant 0 : i32
        %dma_start3A_178 = arith.constant 0 : i32
        %dma_start3A_179 = tpu.memref_slice %arg4[%arg0, %dma_start3A_177, %dma_start3A_178] : memref<2x10240x64xf32, #tpu.memory_space<hbm>> -> memref<1x10240x64xf32, #tpu.memory_space<hbm>>
        %dma_start3A_180 = tpu.memref_squeeze %dma_start3A_179 : memref<1x10240x64xf32, #tpu.memory_space<hbm>> -> memref<10240x64xf32, #tpu.memory_space<hbm>>
        %dma_start3A_181 = arith.constant 0 : i32
        %dma_start3A_182 = arith.constant 0 : i32
        %dma_start3A_183 = tpu.memref_slice %dma_start3A_180[%dma_start3A_181, %dma_start3A_182] : memref<10240x64xf32, #tpu.memory_space<hbm>> -> memref<10240x64xf32, #tpu.memory_space<hbm>>
        tpu.enqueue_indirect_dma source(%dma_start3A_183 : memref<10240x64xf32, #tpu.memory_space<hbm>>) target(%arg10 : memref<128x64xf32, #tpu.memory_space<vmem>>) offsets(%dma_start3A_176 : memref<128xi32, #tpu.memory_space<vmem>>) semaphore(%arg16 : memref<!tpu.dma_semaphore, #tpu.memory_space<semaphore_mem>>)
      } else {
      }
      %mul3A_109 = arith.constant 5 : i32
      %mul3A_110 = arith.muli %scan3A_70, %mul3A_109 : i32
      %add3A_111 = arith.constant 2 : i32
      %add3A_112 = arith.addi %mul3A_110, %add3A_111 : i32
      %dma_wait3A_113 = arith.constant 0 : i32
      %dma_wait3A_114 = tpu.memref_slice %arg7[%add3A_112, %dma_wait3A_113] : memref<160x128xi32, #tpu.memory_space<vmem>> -> memref<1x128xi32, #tpu.memory_space<vmem>>
      %dma_wait3A_115 = tpu.memref_squeeze %dma_wait3A_114 : memref<1x128xi32, #tpu.memory_space<vmem>> -> memref<128xi32, #tpu.memory_space<vmem>>
      %dma_wait3A_116 = arith.constant 0 : i32
      %dma_wait3A_117 = arith.constant 0 : i32
      %dma_wait3A_118 = tpu.memref_slice %arg4[%arg0, %dma_wait3A_116, %dma_wait3A_117] : memref<2x10240x64xf32, #tpu.memory_space<hbm>> -> memref<1x10240x64xf32, #tpu.memory_space<hbm>>
      %dma_wait3A_119 = tpu.memref_squeeze %dma_wait3A_118 : memref<1x10240x64xf32, #tpu.memory_space<hbm>> -> memref<10240x64xf32, #tpu.memory_space<hbm>>
      %dma_wait3A_120 = arith.constant 0 : i32
      %dma_wait3A_121 = arith.constant 0 : i32
      %dma_wait3A_122 = tpu.memref_slice %dma_wait3A_119[%dma_wait3A_120, %dma_wait3A_121] : memref<10240x64xf32, #tpu.memory_space<hbm>> -> memref<10240x64xf32, #tpu.memory_space<hbm>>
      tpu.wait_indirect_dma semaphore(%arg17 : memref<!tpu.dma_semaphore, #tpu.memory_space<semaphore_mem>>) src(%dma_wait3A_122 : memref<10240x64xf32, #tpu.memory_space<hbm>>) dst(%arg11 : memref<128x64xf32, #tpu.memory_space<vmem>>)
      "tpu.region"() ({
        %run_scoped3A = tpu.sem_alloc : memref<!tpu.dma_semaphore, #tpu.memory_space<semaphore_mem>>
        %dma_start3A_172 = arith.constant 0 : i32
        %dma_start3A_173 = tpu.memref_slice %arg8[%add3A_112, %dma_start3A_172] : memref<160x128xi32, #tpu.memory_space<vmem>> -> memref<1x128xi32, #tpu.memory_space<vmem>>
        %dma_start3A_174 = tpu.memref_squeeze %dma_start3A_173 : memref<1x128xi32, #tpu.memory_space<vmem>> -> memref<128xi32, #tpu.memory_space<vmem>>
        %dma_start3A_175 = arith.constant 0 : i32
        %dma_start3A_176 = arith.constant 0 : i32
        %dma_start3A_177 = tpu.memref_slice %arg14[%dma_start3A_175, %dma_start3A_176] : memref<10240x64xf32, #tpu.memory_space<vmem_shared>> -> memref<10240x64xf32, #tpu.memory_space<vmem_shared>>
        tpu.enqueue_indirect_dma source(%arg11 : memref<128x64xf32, #tpu.memory_space<vmem>>) target(%dma_start3A_177 : memref<10240x64xf32, #tpu.memory_space<vmem_shared>>) offsets(%dma_start3A_174 : memref<128xi32, #tpu.memory_space<vmem>>) semaphore(%run_scoped3A : memref<!tpu.dma_semaphore, #tpu.memory_space<semaphore_mem>>) {add = true}
        %dma_wait3A_178 = arith.constant 0 : i32
        %dma_wait3A_179 = tpu.memref_slice %arg8[%add3A_112, %dma_wait3A_178] : memref<160x128xi32, #tpu.memory_space<vmem>> -> memref<1x128xi32, #tpu.memory_space<vmem>>
        %dma_wait3A_180 = tpu.memref_squeeze %dma_wait3A_179 : memref<1x128xi32, #tpu.memory_space<vmem>> -> memref<128xi32, #tpu.memory_space<vmem>>
        %dma_wait3A_181 = arith.constant 0 : i32
        %dma_wait3A_182 = arith.constant 0 : i32
        %dma_wait3A_183 = tpu.memref_slice %arg14[%dma_wait3A_181, %dma_wait3A_182] : memref<10240x64xf32, #tpu.memory_space<vmem_shared>> -> memref<10240x64xf32, #tpu.memory_space<vmem_shared>>
        tpu.wait_indirect_dma semaphore(%run_scoped3A : memref<!tpu.dma_semaphore, #tpu.memory_space<semaphore_mem>>) src(%arg11 : memref<128x64xf32, #tpu.memory_space<vmem>>) dst(%dma_wait3A_183 : memref<10240x64xf32, #tpu.memory_space<vmem_shared>>)
        tpu.yield
      }) : () -> ()
      %add3A_123 = arith.constant 5 : i32
      %add3A_124 = arith.addi %add3A_112, %add3A_123 : i32
      %lt3A_125 = arith.constant 160 : i32
      %lt3A_126 = arith.cmpi slt, %add3A_124, %lt3A_125 : i32
      %convert_element_type3A_127 = arith.extui %lt3A_126 : i1 to i32
      %cond3A_128 = arith.constant 0 : i32
      %cond3A_129 = arith.cmpi ne, %convert_element_type3A_127, %cond3A_128 : i32
      scf.if %cond3A_129 {
        %add3A_172 = arith.constant 5 : i32
        %add3A_173 = arith.addi %add3A_112, %add3A_172 : i32
        %dma_start3A_174 = arith.constant 0 : i32
        %dma_start3A_175 = tpu.memref_slice %arg7[%add3A_173, %dma_start3A_174] : memref<160x128xi32, #tpu.memory_space<vmem>> -> memref<1x128xi32, #tpu.memory_space<vmem>>
        %dma_start3A_176 = tpu.memref_squeeze %dma_start3A_175 : memref<1x128xi32, #tpu.memory_space<vmem>> -> memref<128xi32, #tpu.memory_space<vmem>>
        %dma_start3A_177 = arith.constant 0 : i32
        %dma_start3A_178 = arith.constant 0 : i32
        %dma_start3A_179 = tpu.memref_slice %arg4[%arg0, %dma_start3A_177, %dma_start3A_178] : memref<2x10240x64xf32, #tpu.memory_space<hbm>> -> memref<1x10240x64xf32, #tpu.memory_space<hbm>>
        %dma_start3A_180 = tpu.memref_squeeze %dma_start3A_179 : memref<1x10240x64xf32, #tpu.memory_space<hbm>> -> memref<10240x64xf32, #tpu.memory_space<hbm>>
        %dma_start3A_181 = arith.constant 0 : i32
        %dma_start3A_182 = arith.constant 0 : i32
        %dma_start3A_183 = tpu.memref_slice %dma_start3A_180[%dma_start3A_181, %dma_start3A_182] : memref<10240x64xf32, #tpu.memory_space<hbm>> -> memref<10240x64xf32, #tpu.memory_space<hbm>>
        tpu.enqueue_indirect_dma source(%dma_start3A_183 : memref<10240x64xf32, #tpu.memory_space<hbm>>) target(%arg11 : memref<128x64xf32, #tpu.memory_space<vmem>>) offsets(%dma_start3A_176 : memref<128xi32, #tpu.memory_space<vmem>>) semaphore(%arg17 : memref<!tpu.dma_semaphore, #tpu.memory_space<semaphore_mem>>)
      } else {
      }
      %mul3A_130 = arith.constant 5 : i32
      %mul3A_131 = arith.muli %scan3A_70, %mul3A_130 : i32
      %add3A_132 = arith.constant 3 : i32
      %add3A_133 = arith.addi %mul3A_131, %add3A_132 : i32
      %dma_wait3A_134 = arith.constant 0 : i32
      %dma_wait3A_135 = tpu.memref_slice %arg7[%add3A_133, %dma_wait3A_134] : memref<160x128xi32, #tpu.memory_space<vmem>> -> memref<1x128xi32, #tpu.memory_space<vmem>>
      %dma_wait3A_136 = tpu.memref_squeeze %dma_wait3A_135 : memref<1x128xi32, #tpu.memory_space<vmem>> -> memref<128xi32, #tpu.memory_space<vmem>>
      %dma_wait3A_137 = arith.constant 0 : i32
      %dma_wait3A_138 = arith.constant 0 : i32
      %dma_wait3A_139 = tpu.memref_slice %arg4[%arg0, %dma_wait3A_137, %dma_wait3A_138] : memref<2x10240x64xf32, #tpu.memory_space<hbm>> -> memref<1x10240x64xf32, #tpu.memory_space<hbm>>
      %dma_wait3A_140 = tpu.memref_squeeze %dma_wait3A_139 : memref<1x10240x64xf32, #tpu.memory_space<hbm>> -> memref<10240x64xf32, #tpu.memory_space<hbm>>
      %dma_wait3A_141 = arith.constant 0 : i32
      %dma_wait3A_142 = arith.constant 0 : i32
      %dma_wait3A_143 = tpu.memref_slice %dma_wait3A_140[%dma_wait3A_141, %dma_wait3A_142] : memref<10240x64xf32, #tpu.memory_space<hbm>> -> memref<10240x64xf32, #tpu.memory_space<hbm>>
      tpu.wait_indirect_dma semaphore(%arg18 : memref<!tpu.dma_semaphore, #tpu.memory_space<semaphore_mem>>) src(%dma_wait3A_143 : memref<10240x64xf32, #tpu.memory_space<hbm>>) dst(%arg12 : memref<128x64xf32, #tpu.memory_space<vmem>>)
      "tpu.region"() ({
        %run_scoped3A = tpu.sem_alloc : memref<!tpu.dma_semaphore, #tpu.memory_space<semaphore_mem>>
        %dma_start3A_172 = arith.constant 0 : i32
        %dma_start3A_173 = tpu.memref_slice %arg8[%add3A_133, %dma_start3A_172] : memref<160x128xi32, #tpu.memory_space<vmem>> -> memref<1x128xi32, #tpu.memory_space<vmem>>
        %dma_start3A_174 = tpu.memref_squeeze %dma_start3A_173 : memref<1x128xi32, #tpu.memory_space<vmem>> -> memref<128xi32, #tpu.memory_space<vmem>>
        %dma_start3A_175 = arith.constant 0 : i32
        %dma_start3A_176 = arith.constant 0 : i32
        %dma_start3A_177 = tpu.memref_slice %arg14[%dma_start3A_175, %dma_start3A_176] : memref<10240x64xf32, #tpu.memory_space<vmem_shared>> -> memref<10240x64xf32, #tpu.memory_space<vmem_shared>>
        tpu.enqueue_indirect_dma source(%arg12 : memref<128x64xf32, #tpu.memory_space<vmem>>) target(%dma_start3A_177 : memref<10240x64xf32, #tpu.memory_space<vmem_shared>>) offsets(%dma_start3A_174 : memref<128xi32, #tpu.memory_space<vmem>>) semaphore(%run_scoped3A : memref<!tpu.dma_semaphore, #tpu.memory_space<semaphore_mem>>) {add = true}
        %dma_wait3A_178 = arith.constant 0 : i32
        %dma_wait3A_179 = tpu.memref_slice %arg8[%add3A_133, %dma_wait3A_178] : memref<160x128xi32, #tpu.memory_space<vmem>> -> memref<1x128xi32, #tpu.memory_space<vmem>>
        %dma_wait3A_180 = tpu.memref_squeeze %dma_wait3A_179 : memref<1x128xi32, #tpu.memory_space<vmem>> -> memref<128xi32, #tpu.memory_space<vmem>>
        %dma_wait3A_181 = arith.constant 0 : i32
        %dma_wait3A_182 = arith.constant 0 : i32
        %dma_wait3A_183 = tpu.memref_slice %arg14[%dma_wait3A_181, %dma_wait3A_182] : memref<10240x64xf32, #tpu.memory_space<vmem_shared>> -> memref<10240x64xf32, #tpu.memory_space<vmem_shared>>
        tpu.wait_indirect_dma semaphore(%run_scoped3A : memref<!tpu.dma_semaphore, #tpu.memory_space<semaphore_mem>>) src(%arg12 : memref<128x64xf32, #tpu.memory_space<vmem>>) dst(%dma_wait3A_183 : memref<10240x64xf32, #tpu.memory_space<vmem_shared>>)
        tpu.yield
      }) : () -> ()
      %add3A_144 = arith.constant 5 : i32
      %add3A_145 = arith.addi %add3A_133, %add3A_144 : i32
      %lt3A_146 = arith.constant 160 : i32
      %lt3A_147 = arith.cmpi slt, %add3A_145, %lt3A_146 : i32
      %convert_element_type3A_148 = arith.extui %lt3A_147 : i1 to i32
      %cond3A_149 = arith.constant 0 : i32
      %cond3A_150 = arith.cmpi ne, %convert_element_type3A_148, %cond3A_149 : i32
      scf.if %cond3A_150 {
        %add3A_172 = arith.constant 5 : i32
        %add3A_173 = arith.addi %add3A_133, %add3A_172 : i32
        %dma_start3A_174 = arith.constant 0 : i32
        %dma_start3A_175 = tpu.memref_slice %arg7[%add3A_173, %dma_start3A_174] : memref<160x128xi32, #tpu.memory_space<vmem>> -> memref<1x128xi32, #tpu.memory_space<vmem>>
        %dma_start3A_176 = tpu.memref_squeeze %dma_start3A_175 : memref<1x128xi32, #tpu.memory_space<vmem>> -> memref<128xi32, #tpu.memory_space<vmem>>
        %dma_start3A_177 = arith.constant 0 : i32
        %dma_start3A_178 = arith.constant 0 : i32
        %dma_start3A_179 = tpu.memref_slice %arg4[%arg0, %dma_start3A_177, %dma_start3A_178] : memref<2x10240x64xf32, #tpu.memory_space<hbm>> -> memref<1x10240x64xf32, #tpu.memory_space<hbm>>
        %dma_start3A_180 = tpu.memref_squeeze %dma_start3A_179 : memref<1x10240x64xf32, #tpu.memory_space<hbm>> -> memref<10240x64xf32, #tpu.memory_space<hbm>>
        %dma_start3A_181 = arith.constant 0 : i32
        %dma_start3A_182 = arith.constant 0 : i32
        %dma_start3A_183 = tpu.memref_slice %dma_start3A_180[%dma_start3A_181, %dma_start3A_182] : memref<10240x64xf32, #tpu.memory_space<hbm>> -> memref<10240x64xf32, #tpu.memory_space<hbm>>
        tpu.enqueue_indirect_dma source(%dma_start3A_183 : memref<10240x64xf32, #tpu.memory_space<hbm>>) target(%arg12 : memref<128x64xf32, #tpu.memory_space<vmem>>) offsets(%dma_start3A_176 : memref<128xi32, #tpu.memory_space<vmem>>) semaphore(%arg18 : memref<!tpu.dma_semaphore, #tpu.memory_space<semaphore_mem>>)
      } else {
      }
      %mul3A_151 = arith.constant 5 : i32
      %mul3A_152 = arith.muli %scan3A_70, %mul3A_151 : i32
      %add3A_153 = arith.constant 4 : i32
      %add3A_154 = arith.addi %mul3A_152, %add3A_153 : i32
      %dma_wait3A_155 = arith.constant 0 : i32
      %dma_wait3A_156 = tpu.memref_slice %arg7[%add3A_154, %dma_wait3A_155] : memref<160x128xi32, #tpu.memory_space<vmem>> -> memref<1x128xi32, #tpu.memory_space<vmem>>
      %dma_wait3A_157 = tpu.memref_squeeze %dma_wait3A_156 : memref<1x128xi32, #tpu.memory_space<vmem>> -> memref<128xi32, #tpu.memory_space<vmem>>
      %dma_wait3A_158 = arith.constant 0 : i32
      %dma_wait3A_159 = arith.constant 0 : i32
      %dma_wait3A_160 = tpu.memref_slice %arg4[%arg0, %dma_wait3A_158, %dma_wait3A_159] : memref<2x10240x64xf32, #tpu.memory_space<hbm>> -> memref<1x10240x64xf32, #tpu.memory_space<hbm>>
      %dma_wait3A_161 = tpu.memref_squeeze %dma_wait3A_160 : memref<1x10240x64xf32, #tpu.memory_space<hbm>> -> memref<10240x64xf32, #tpu.memory_space<hbm>>
      %dma_wait3A_162 = arith.constant 0 : i32
      %dma_wait3A_163 = arith.constant 0 : i32
      %dma_wait3A_164 = tpu.memref_slice %dma_wait3A_161[%dma_wait3A_162, %dma_wait3A_163] : memref<10240x64xf32, #tpu.memory_space<hbm>> -> memref<10240x64xf32, #tpu.memory_space<hbm>>
      tpu.wait_indirect_dma semaphore(%arg19 : memref<!tpu.dma_semaphore, #tpu.memory_space<semaphore_mem>>) src(%dma_wait3A_164 : memref<10240x64xf32, #tpu.memory_space<hbm>>) dst(%arg13 : memref<128x64xf32, #tpu.memory_space<vmem>>)
      "tpu.region"() ({
        %run_scoped3A = tpu.sem_alloc : memref<!tpu.dma_semaphore, #tpu.memory_space<semaphore_mem>>
        %dma_start3A_172 = arith.constant 0 : i32
        %dma_start3A_173 = tpu.memref_slice %arg8[%add3A_154, %dma_start3A_172] : memref<160x128xi32, #tpu.memory_space<vmem>> -> memref<1x128xi32, #tpu.memory_space<vmem>>
        %dma_start3A_174 = tpu.memref_squeeze %dma_start3A_173 : memref<1x128xi32, #tpu.memory_space<vmem>> -> memref<128xi32, #tpu.memory_space<vmem>>
        %dma_start3A_175 = arith.constant 0 : i32
        %dma_start3A_176 = arith.constant 0 : i32
        %dma_start3A_177 = tpu.memref_slice %arg14[%dma_start3A_175, %dma_start3A_176] : memref<10240x64xf32, #tpu.memory_space<vmem_shared>> -> memref<10240x64xf32, #tpu.memory_space<vmem_shared>>
        tpu.enqueue_indirect_dma source(%arg13 : memref<128x64xf32, #tpu.memory_space<vmem>>) target(%dma_start3A_177 : memref<10240x64xf32, #tpu.memory_space<vmem_shared>>) offsets(%dma_start3A_174 : memref<128xi32, #tpu.memory_space<vmem>>) semaphore(%run_scoped3A : memref<!tpu.dma_semaphore, #tpu.memory_space<semaphore_mem>>) {add = true}
        %dma_wait3A_178 = arith.constant 0 : i32
        %dma_wait3A_179 = tpu.memref_slice %arg8[%add3A_154, %dma_wait3A_178] : memref<160x128xi32, #tpu.memory_space<vmem>> -> memref<1x128xi32, #tpu.memory_space<vmem>>
        %dma_wait3A_180 = tpu.memref_squeeze %dma_wait3A_179 : memref<1x128xi32, #tpu.memory_space<vmem>> -> memref<128xi32, #tpu.memory_space<vmem>>
        %dma_wait3A_181 = arith.constant 0 : i32
        %dma_wait3A_182 = arith.constant 0 : i32
        %dma_wait3A_183 = tpu.memref_slice %arg14[%dma_wait3A_181, %dma_wait3A_182] : memref<10240x64xf32, #tpu.memory_space<vmem_shared>> -> memref<10240x64xf32, #tpu.memory_space<vmem_shared>>
        tpu.wait_indirect_dma semaphore(%run_scoped3A : memref<!tpu.dma_semaphore, #tpu.memory_space<semaphore_mem>>) src(%arg13 : memref<128x64xf32, #tpu.memory_space<vmem>>) dst(%dma_wait3A_183 : memref<10240x64xf32, #tpu.memory_space<vmem_shared>>)
        tpu.yield
      }) : () -> ()
      %add3A_165 = arith.constant 5 : i32
      %add3A_166 = arith.addi %add3A_154, %add3A_165 : i32
      %lt3A_167 = arith.constant 160 : i32
      %lt3A_168 = arith.cmpi slt, %add3A_166, %lt3A_167 : i32
      %convert_element_type3A_169 = arith.extui %lt3A_168 : i1 to i32
      %cond3A_170 = arith.constant 0 : i32
      %cond3A_171 = arith.cmpi ne, %convert_element_type3A_169, %cond3A_170 : i32
      scf.if %cond3A_171 {
        %add3A_172 = arith.constant 5 : i32
        %add3A_173 = arith.addi %add3A_154, %add3A_172 : i32
        %dma_start3A_174 = arith.constant 0 : i32
        %dma_start3A_175 = tpu.memref_slice %arg7[%add3A_173, %dma_start3A_174] : memref<160x128xi32, #tpu.memory_space<vmem>> -> memref<1x128xi32, #tpu.memory_space<vmem>>
        %dma_start3A_176 = tpu.memref_squeeze %dma_start3A_175 : memref<1x128xi32, #tpu.memory_space<vmem>> -> memref<128xi32, #tpu.memory_space<vmem>>
        %dma_start3A_177 = arith.constant 0 : i32
        %dma_start3A_178 = arith.constant 0 : i32
        %dma_start3A_179 = tpu.memref_slice %arg4[%arg0, %dma_start3A_177, %dma_start3A_178] : memref<2x10240x64xf32, #tpu.memory_space<hbm>> -> memref<1x10240x64xf32, #tpu.memory_space<hbm>>
        %dma_start3A_180 = tpu.memref_squeeze %dma_start3A_179 : memref<1x10240x64xf32, #tpu.memory_space<hbm>> -> memref<10240x64xf32, #tpu.memory_space<hbm>>
        %dma_start3A_181 = arith.constant 0 : i32
        %dma_start3A_182 = arith.constant 0 : i32
        %dma_start3A_183 = tpu.memref_slice %dma_start3A_180[%dma_start3A_181, %dma_start3A_182] : memref<10240x64xf32, #tpu.memory_space<hbm>> -> memref<10240x64xf32, #tpu.memory_space<hbm>>
        tpu.enqueue_indirect_dma source(%dma_start3A_183 : memref<10240x64xf32, #tpu.memory_space<hbm>>) target(%arg13 : memref<128x64xf32, #tpu.memory_space<vmem>>) offsets(%dma_start3A_176 : memref<128xi32, #tpu.memory_space<vmem>>) semaphore(%arg19 : memref<!tpu.dma_semaphore, #tpu.memory_space<semaphore_mem>>)
      } else {
      }
    }
    %scan3A_68 = arith.constant 32 : i32
    %barrier3A_69 = arith.constant 0 : index
    tpu.barrier barrier_id(%barrier3A_69)
    "tpu.region"() ({
      %run_scoped3A = tpu.sem_alloc : memref<!tpu.dma_semaphore, #tpu.memory_space<semaphore_mem>>
      %dma_start3A_70 = arith.constant 0 : i32
      %dma_start3A_71 = tpu.memref_slice %arg6[%arg0, %mul3A_0, %dma_start3A_70] : memref<2x10240x64xf32, #tpu.memory_space<hbm>> -> memref<1x640x64xf32, #tpu.memory_space<hbm>>
      %dma_start3A_72 = tpu.memref_squeeze %dma_start3A_71 : memref<1x640x64xf32, #tpu.memory_space<hbm>> -> memref<640x64xf32, #tpu.memory_space<hbm>>
      %dma_start3A_73 = arith.constant 0 : i32
      %dma_start3A_74 = tpu.memref_slice %arg14[%mul3A_0, %dma_start3A_73] : memref<10240x64xf32, #tpu.memory_space<vmem_shared>> -> memref<640x64xf32, #tpu.memory_space<vmem_shared>>
      tpu.enqueue_dma source(%dma_start3A_74 : memref<640x64xf32, #tpu.memory_space<vmem_shared>>) target(%dma_start3A_72 : memref<640x64xf32, #tpu.memory_space<hbm>>) target_semaphore(%run_scoped3A : memref<!tpu.dma_semaphore, #tpu.memory_space<semaphore_mem>>)
      %dma_wait3A = arith.constant 0 : i32
      %dma_wait3A_75 = tpu.memref_slice %arg6[%arg0, %mul3A_0, %dma_wait3A] : memref<2x10240x64xf32, #tpu.memory_space<hbm>> -> memref<1x640x64xf32, #tpu.memory_space<hbm>>
      %dma_wait3A_76 = tpu.memref_squeeze %dma_wait3A_75 : memref<1x640x64xf32, #tpu.memory_space<hbm>> -> memref<640x64xf32, #tpu.memory_space<hbm>>
      %dma_wait3A_77 = arith.constant 0 : i32
      %dma_wait3A_78 = tpu.memref_slice %arg14[%mul3A_0, %dma_wait3A_77] : memref<10240x64xf32, #tpu.memory_space<vmem_shared>> -> memref<640x64xf32, #tpu.memory_space<vmem_shared>>
      tpu.wait_dma2 semaphore(%run_scoped3A : memref<!tpu.dma_semaphore, #tpu.memory_space<semaphore_mem>>) src(%dma_wait3A_78 : memref<640x64xf32, #tpu.memory_space<vmem_shared>>) dst(%dma_wait3A_76 : memref<640x64xf32, #tpu.memory_space<hbm>>)
      tpu.yield
    }) : () -> ()
    return
  }
}

module attributes {stable_mosaic.version = 14 : i64} {
  func.func @_tc_first_body(%arg0: i32, %arg1: memref<1024x1xf32, #tpu.memory_space<vmem>>, %arg2: memref<1024x1xf32, #tpu.memory_space<vmem>>, %arg3: memref<1024x128xf32, #tpu.memory_space<vmem>>, %arg4: memref<128x128xf32, #tpu.memory_space<vmem>>, %arg5: memref<1024x1xf32, #tpu.memory_space<vmem>>, %arg6: memref<2x1024x64xf32, #tpu.memory_space<vmem>>) attributes {dimension_semantics = [#tpu.dimension_semantics<arbitrary>], iteration_bounds = array<i64: 10>, scalar_prefetch = 0 : i64, scratch_operands = 0 : i64, tpu.core_type = #tpu.core_type<tc>, window_params = [{transform_indices = @transform_0, window_bounds = array<i64: 1024, 1>}, {transform_indices = @transform_1, window_bounds = array<i64: 1024, 1>}, {transform_indices = @transform_2, window_bounds = array<i64: 1024, 128>}, {pipeline_mode = #tpu.pipeline_mode<synchronous>, transform_indices = @transform_3, window_bounds = array<i64: 128, 128>}, {transform_indices = @transform_4, window_bounds = array<i64: 1024, 1>}, {transform_indices = @transform_5, window_bounds = array<i64: 2, 1024, 64>}]} {
    %get3A = arith.constant 0 : index
    %get3A_0 = arith.constant 0 : index
    %get3A_1 = vector.load %arg1[%get3A, %get3A_0] : memref<1024x1xf32, #tpu.memory_space<vmem>>, vector<1024x1xf32>
    %get3A_2 = arith.constant 0 : index
    %get3A_3 = arith.constant 0 : index
    %get3A_4 = vector.load %arg2[%get3A_2, %get3A_3] : memref<1024x1xf32, #tpu.memory_space<vmem>>, vector<1024x1xf32>
    %add3A = arith.addf %get3A_1, %get3A_4 : vector<1024x1xf32>
    %add3A_5 = arith.constant 1.000000e+00 : f32
    %add3A_6 = vector.broadcast %add3A_5 : f32 to vector<1024x1xf32>
    %add3A_7 = arith.addf %add3A, %add3A_6 : vector<1024x1xf32>
    %rsqrt3A = math.rsqrt %add3A_7 : vector<1024x1xf32>
    %swap3A = arith.constant 0 : index
    %swap3A_8 = arith.constant 0 : index
    %swap3A_9 = vector.load %arg5[%swap3A, %swap3A_8] : memref<1024x1xf32, #tpu.memory_space<vmem>>, vector<1024x1xf32>
    tpu.vector_store %arg5[%swap3A, %swap3A_8], %rsqrt3A {strides = array<i32>} : memref<1024x1xf32, #tpu.memory_space<vmem>>, vector<1024x1xf32>,
    %get3A_10 = arith.constant 0 : index
    %get3A_11 = arith.constant 0 : index
    %get3A_12 = vector.load %arg3[%get3A_10, %get3A_11] : memref<1024x128xf32, #tpu.memory_space<vmem>>, vector<1024x128xf32>
    %get3A_13 = arith.constant 0 : index
    %get3A_14 = arith.constant 0 : index
    %get3A_15 = vector.load %arg4[%get3A_13, %get3A_14] : memref<128x128xf32, #tpu.memory_space<vmem>>, vector<128x128xf32>
    %dot_general3A = arith.constant dense<0.000000e+00> : vector<1024x128xf32>
    %dot_general3A_16 = tpu.matmul %get3A_12, %get3A_15, %dot_general3A {dimension_numbers = #tpu.dot_dimension_numbers<[1], [0], [0], [1], [0, 0, 1, 1], [], []>, transpose_lhs_hint = false} : vector<1024x128xf32>, vector<128x128xf32>, vector<1024x128xf32> -> vector<1024x128xf32>
    %mul3A = vector.broadcast %rsqrt3A : vector<1024x1xf32> to vector<1024x128xf32>
    %mul3A_17 = arith.mulf %mul3A, %dot_general3A_16 : vector<1024x128xf32>
    %slice3A = vector.extract_strided_slice %mul3A_17 {offsets = [0, 0], sizes = [1024, 64], strides = [1, 1]} : vector<1024x128xf32> to vector<1024x64xf32>
    %swap3A_18 = arith.constant 0 : index
    %swap3A_19 = arith.constant 0 : index
    %swap3A_20 = arith.constant 0 : index
    %swap3A_21 = vector.load %arg6[%swap3A_18, %swap3A_19, %swap3A_20] : memref<2x1024x64xf32, #tpu.memory_space<vmem>>, vector<1x1024x64xf32>
    %swap3A_22 = vector.shape_cast %swap3A_21 : vector<1x1024x64xf32> to vector<1024x64xf32>
    %swap3A_23 = vector.shape_cast %slice3A : vector<1024x64xf32> to vector<1x1024x64xf32>
    tpu.vector_store %arg6[%swap3A_18, %swap3A_19, %swap3A_20], %swap3A_23 {strides = array<i32>} : memref<2x1024x64xf32, #tpu.memory_space<vmem>>, vector<1x1024x64xf32>,
    %slice3A_24 = vector.extract_strided_slice %mul3A_17 {offsets = [0, 64], sizes = [1024, 64], strides = [1, 1]} : vector<1024x128xf32> to vector<1024x64xf32>
    %swap3A_25 = arith.constant 1 : index
    %swap3A_26 = arith.constant 0 : index
    %swap3A_27 = arith.constant 0 : index
    %swap3A_28 = vector.load %arg6[%swap3A_25, %swap3A_26, %swap3A_27] : memref<2x1024x64xf32, #tpu.memory_space<vmem>>, vector<1x1024x64xf32>
    %swap3A_29 = vector.shape_cast %swap3A_28 : vector<1x1024x64xf32> to vector<1024x64xf32>
    %swap3A_30 = vector.shape_cast %slice3A_24 : vector<1024x64xf32> to vector<1x1024x64xf32>
    tpu.vector_store %arg6[%swap3A_25, %swap3A_26, %swap3A_27], %swap3A_30 {strides = array<i32>} : memref<2x1024x64xf32, #tpu.memory_space<vmem>>, vector<1x1024x64xf32>,
    return
  }
  func.func @transform_0(%arg0: i32) -> (i32, i32) {
    %c0_i32 = arith.constant 0 : i32
    %c0_i32_0 = arith.constant 0 : i32
    return %arg0, %c0_i32 : i32, i32
  }
  func.func @transform_1(%arg0: i32) -> (i32, i32) {
    %c0_i32 = arith.constant 0 : i32
    %c0_i32_0 = arith.constant 0 : i32
    return %arg0, %c0_i32 : i32, i32
  }
  func.func @transform_2(%arg0: i32) -> (i32, i32) {
    %c0_i32 = arith.constant 0 : i32
    %c0_i32_0 = arith.constant 0 : i32
    return %arg0, %c0_i32 : i32, i32
  }
  func.func @transform_3(%arg0: i32) -> (i32, i32) {
    %c0_i32 = arith.constant 0 : i32
    %c0_i32_0 = arith.constant 0 : i32
    %c0_i32_1 = arith.constant 0 : i32
    return %c0_i32, %c0_i32_0 : i32, i32
  }
  func.func @transform_4(%arg0: i32) -> (i32, i32) {
    %c0_i32 = arith.constant 0 : i32
    %c0_i32_0 = arith.constant 0 : i32
    return %arg0, %c0_i32 : i32, i32
  }
  func.func @transform_5(%arg0: i32) -> (i32, i32, i32) {
    %c0_i32 = arith.constant 0 : i32
    %c0_i32_0 = arith.constant 0 : i32
    %c0_i32_1 = arith.constant 0 : i32
    return %c0_i32, %arg0, %c0_i32_0 : i32, i32, i32
  }
}

module attributes {stable_mosaic.version = 14 : i64} {
  func.func @_tc_mid_body(%arg0: i32, %arg1: memref<1024x1xf32, #tpu.memory_space<vmem>>, %arg2: memref<2x1024x64xf32, #tpu.memory_space<vmem>>, %arg3: memref<2x1024x64xf32, #tpu.memory_space<vmem>>, %arg4: memref<2x1x64xf32, #tpu.memory_space<vmem>>, %arg5: memref<2x1024x64xf32, #tpu.memory_space<vmem>>, %arg6: memref<128x128xf32, #tpu.memory_space<vmem>>, %arg7: memref<2x1024x64xf32, #tpu.memory_space<vmem>>, %arg8: memref<2x1024x64xf32, #tpu.memory_space<vmem>>) attributes {dimension_semantics = [#tpu.dimension_semantics<arbitrary>], iteration_bounds = array<i64: 10>, scalar_prefetch = 0 : i64, scratch_operands = 0 : i64, tpu.core_type = #tpu.core_type<tc>, window_params = [{transform_indices = @transform_0, window_bounds = array<i64: 1024, 1>}, {transform_indices = @transform_1, window_bounds = array<i64: 2, 1024, 64>}, {transform_indices = @transform_2, window_bounds = array<i64: 2, 1024, 64>}, {pipeline_mode = #tpu.pipeline_mode<synchronous>, transform_indices = @transform_3, window_bounds = array<i64: 2, 1, 64>}, {transform_indices = @transform_4, window_bounds = array<i64: 2, 1024, 64>}, {pipeline_mode = #tpu.pipeline_mode<synchronous>, transform_indices = @transform_5, window_bounds = array<i64: 128, 128>}, {transform_indices = @transform_6, window_bounds = array<i64: 2, 1024, 64>}, {transform_indices = @transform_7, window_bounds = array<i64: 2, 1024, 64>}]} {
    %get3A = arith.constant 0 : index
    %get3A_0 = arith.constant 0 : index
    %get3A_1 = vector.load %arg1[%get3A, %get3A_0] : memref<1024x1xf32, #tpu.memory_space<vmem>>, vector<1024x1xf32>
    %get3A_2 = arith.constant 0 : index
    %get3A_3 = arith.constant 0 : index
    %get3A_4 = arith.constant 0 : index
    %get3A_5 = vector.load %arg2[%get3A_2, %get3A_3, %get3A_4] : memref<2x1024x64xf32, #tpu.memory_space<vmem>>, vector<1x1024x64xf32>
    %get3A_6 = vector.shape_cast %get3A_5 : vector<1x1024x64xf32> to vector<1024x64xf32>
    %get3A_7 = arith.constant 0 : index
    %get3A_8 = arith.constant 0 : index
    %get3A_9 = arith.constant 0 : index
    %get3A_10 = vector.load %arg3[%get3A_7, %get3A_8, %get3A_9] : memref<2x1024x64xf32, #tpu.memory_space<vmem>>, vector<1x1024x64xf32>
    %get3A_11 = vector.shape_cast %get3A_10 : vector<1x1024x64xf32> to vector<1024x64xf32>
    %add3A = arith.addf %get3A_6, %get3A_11 : vector<1024x64xf32>
    %mul3A = vector.broadcast %get3A_1 : vector<1024x1xf32> to vector<1024x64xf32>
    %mul3A_12 = arith.mulf %mul3A, %add3A : vector<1024x64xf32>
    %get3A_13 = arith.constant 0 : index
    %get3A_14 = arith.constant 0 : index
    %get3A_15 = arith.constant 0 : index
    %get3A_16 = vector.load %arg4[%get3A_13, %get3A_14, %get3A_15] : memref<2x1x64xf32, #tpu.memory_space<vmem>>, vector<1x1x64xf32>
    %get3A_17 = vector.shape_cast %get3A_16 : vector<1x1x64xf32> to vector<1x64xf32>
    %add3A_18 = vector.broadcast %get3A_17 : vector<1x64xf32> to vector<1024x64xf32>
    %add3A_19 = arith.addf %mul3A_12, %add3A_18 : vector<1024x64xf32>
    %max3A = arith.constant 0.000000e+00 : f32
    %max3A_20 = vector.broadcast %max3A : f32 to vector<1024x64xf32>
    %max3A_21 = arith.maximumf %add3A_19, %max3A_20 : vector<1024x64xf32>
    %swap3A = arith.constant 0 : index
    %swap3A_22 = arith.constant 0 : index
    %swap3A_23 = arith.constant 0 : index
    %swap3A_24 = vector.load %arg7[%swap3A, %swap3A_22, %swap3A_23] : memref<2x1024x64xf32, #tpu.memory_space<vmem>>, vector<1x1024x64xf32>
    %swap3A_25 = vector.shape_cast %swap3A_24 : vector<1x1024x64xf32> to vector<1024x64xf32>
    %swap3A_26 = vector.shape_cast %max3A_21 : vector<1024x64xf32> to vector<1x1024x64xf32>
    tpu.vector_store %arg7[%swap3A, %swap3A_22, %swap3A_23], %swap3A_26 {strides = array<i32>} : memref<2x1024x64xf32, #tpu.memory_space<vmem>>, vector<1x1024x64xf32>,
    %get3A_27 = arith.constant 1 : index
    %get3A_28 = arith.constant 0 : index
    %get3A_29 = arith.constant 0 : index
    %get3A_30 = vector.load %arg2[%get3A_27, %get3A_28, %get3A_29] : memref<2x1024x64xf32, #tpu.memory_space<vmem>>, vector<1x1024x64xf32>
    %get3A_31 = vector.shape_cast %get3A_30 : vector<1x1024x64xf32> to vector<1024x64xf32>
    %get3A_32 = arith.constant 1 : index
    %get3A_33 = arith.constant 0 : index
    %get3A_34 = arith.constant 0 : index
    %get3A_35 = vector.load %arg3[%get3A_32, %get3A_33, %get3A_34] : memref<2x1024x64xf32, #tpu.memory_space<vmem>>, vector<1x1024x64xf32>
    %get3A_36 = vector.shape_cast %get3A_35 : vector<1x1024x64xf32> to vector<1024x64xf32>
    %add3A_37 = arith.addf %get3A_31, %get3A_36 : vector<1024x64xf32>
    %mul3A_38 = vector.broadcast %get3A_1 : vector<1024x1xf32> to vector<1024x64xf32>
    %mul3A_39 = arith.mulf %mul3A_38, %add3A_37 : vector<1024x64xf32>
    %get3A_40 = arith.constant 1 : index
    %get3A_41 = arith.constant 0 : index
    %get3A_42 = arith.constant 0 : index
    %get3A_43 = vector.load %arg4[%get3A_40, %get3A_41, %get3A_42] : memref<2x1x64xf32, #tpu.memory_space<vmem>>, vector<1x1x64xf32>
    %get3A_44 = vector.shape_cast %get3A_43 : vector<1x1x64xf32> to vector<1x64xf32>
    %add3A_45 = vector.broadcast %get3A_44 : vector<1x64xf32> to vector<1024x64xf32>
    %add3A_46 = arith.addf %mul3A_39, %add3A_45 : vector<1024x64xf32>
    %max3A_47 = arith.constant 0.000000e+00 : f32
    %max3A_48 = vector.broadcast %max3A_47 : f32 to vector<1024x64xf32>
    %max3A_49 = arith.maximumf %add3A_46, %max3A_48 : vector<1024x64xf32>
    %swap3A_50 = arith.constant 1 : index
    %swap3A_51 = arith.constant 0 : index
    %swap3A_52 = arith.constant 0 : index
    %swap3A_53 = vector.load %arg7[%swap3A_50, %swap3A_51, %swap3A_52] : memref<2x1024x64xf32, #tpu.memory_space<vmem>>, vector<1x1024x64xf32>
    %swap3A_54 = vector.shape_cast %swap3A_53 : vector<1x1024x64xf32> to vector<1024x64xf32>
    %swap3A_55 = vector.shape_cast %max3A_49 : vector<1024x64xf32> to vector<1x1024x64xf32>
    tpu.vector_store %arg7[%swap3A_50, %swap3A_51, %swap3A_52], %swap3A_55 {strides = array<i32>} : memref<2x1024x64xf32, #tpu.memory_space<vmem>>, vector<1x1024x64xf32>,
    %get3A_56 = arith.constant 0 : index
    %get3A_57 = arith.constant 0 : index
    %get3A_58 = vector.load %arg6[%get3A_56, %get3A_57] : memref<128x128xf32, #tpu.memory_space<vmem>>, vector<64x128xf32>
    %dot_general3A = arith.constant dense<0.000000e+00> : vector<1024x128xf32>
    %dot_general3A_59 = tpu.matmul %max3A_21, %get3A_58, %dot_general3A {dimension_numbers = #tpu.dot_dimension_numbers<[1], [0], [0], [1], [0, 0, 1, 1], [], []>, transpose_lhs_hint = false} : vector<1024x64xf32>, vector<64x128xf32>, vector<1024x128xf32> -> vector<1024x128xf32>
    %get3A_60 = arith.constant 64 : index
    %get3A_61 = arith.constant 0 : index
    %get3A_62 = vector.load %arg6[%get3A_60, %get3A_61] : memref<128x128xf32, #tpu.memory_space<vmem>>, vector<64x128xf32>
    %dot_general3A_63 = arith.constant dense<0.000000e+00> : vector<1024x128xf32>
    %dot_general3A_64 = tpu.matmul %max3A_49, %get3A_62, %dot_general3A_63 {dimension_numbers = #tpu.dot_dimension_numbers<[1], [0], [0], [1], [0, 0, 1, 1], [], []>, transpose_lhs_hint = false} : vector<1024x64xf32>, vector<64x128xf32>, vector<1024x128xf32> -> vector<1024x128xf32>
    %add3A_65 = arith.addf %dot_general3A_59, %dot_general3A_64 : vector<1024x128xf32>
    %mul3A_66 = vector.broadcast %get3A_1 : vector<1024x1xf32> to vector<1024x128xf32>
    %mul3A_67 = arith.mulf %mul3A_66, %add3A_65 : vector<1024x128xf32>
    %slice3A = vector.extract_strided_slice %mul3A_67 {offsets = [0, 0], sizes = [1024, 64], strides = [1, 1]} : vector<1024x128xf32> to vector<1024x64xf32>
    %swap3A_68 = arith.constant 0 : index
    %swap3A_69 = arith.constant 0 : index
    %swap3A_70 = arith.constant 0 : index
    %swap3A_71 = vector.load %arg8[%swap3A_68, %swap3A_69, %swap3A_70] : memref<2x1024x64xf32, #tpu.memory_space<vmem>>, vector<1x1024x64xf32>
    %swap3A_72 = vector.shape_cast %swap3A_71 : vector<1x1024x64xf32> to vector<1024x64xf32>
    %swap3A_73 = vector.shape_cast %slice3A : vector<1024x64xf32> to vector<1x1024x64xf32>
    tpu.vector_store %arg8[%swap3A_68, %swap3A_69, %swap3A_70], %swap3A_73 {strides = array<i32>} : memref<2x1024x64xf32, #tpu.memory_space<vmem>>, vector<1x1024x64xf32>,
    %slice3A_74 = vector.extract_strided_slice %mul3A_67 {offsets = [0, 64], sizes = [1024, 64], strides = [1, 1]} : vector<1024x128xf32> to vector<1024x64xf32>
    %swap3A_75 = arith.constant 1 : index
    %swap3A_76 = arith.constant 0 : index
    %swap3A_77 = arith.constant 0 : index
    %swap3A_78 = vector.load %arg8[%swap3A_75, %swap3A_76, %swap3A_77] : memref<2x1024x64xf32, #tpu.memory_space<vmem>>, vector<1x1024x64xf32>
    %swap3A_79 = vector.shape_cast %swap3A_78 : vector<1x1024x64xf32> to vector<1024x64xf32>
    %swap3A_80 = vector.shape_cast %slice3A_74 : vector<1024x64xf32> to vector<1x1024x64xf32>
    tpu.vector_store %arg8[%swap3A_75, %swap3A_76, %swap3A_77], %swap3A_80 {strides = array<i32>} : memref<2x1024x64xf32, #tpu.memory_space<vmem>>, vector<1x1024x64xf32>,
    return
  }
  func.func @transform_0(%arg0: i32) -> (i32, i32) {
    %c0_i32 = arith.constant 0 : i32
    %c0_i32_0 = arith.constant 0 : i32
    return %arg0, %c0_i32 : i32, i32
  }
  func.func @transform_1(%arg0: i32) -> (i32, i32, i32) {
    %c0_i32 = arith.constant 0 : i32
    %c0_i32_0 = arith.constant 0 : i32
    %c0_i32_1 = arith.constant 0 : i32
    return %c0_i32, %arg0, %c0_i32_0 : i32, i32, i32
  }
  func.func @transform_2(%arg0: i32) -> (i32, i32, i32) {
    %c0_i32 = arith.constant 0 : i32
    %c0_i32_0 = arith.constant 0 : i32
    %c0_i32_1 = arith.constant 0 : i32
    return %c0_i32, %arg0, %c0_i32_0 : i32, i32, i32
  }
  func.func @transform_3(%arg0: i32) -> (i32, i32, i32) {
    %c0_i32 = arith.constant 0 : i32
    %c0_i32_0 = arith.constant 0 : i32
    %c0_i32_1 = arith.constant 0 : i32
    %c0_i32_2 = arith.constant 0 : i32
    return %c0_i32, %c0_i32_0, %c0_i32_1 : i32, i32, i32
  }
  func.func @transform_4(%arg0: i32) -> (i32, i32, i32) {
    %c0_i32 = arith.constant 0 : i32
    %c0_i32_0 = arith.constant 0 : i32
    %c0_i32_1 = arith.constant 0 : i32
    return %c0_i32, %arg0, %c0_i32_0 : i32, i32, i32
  }
  func.func @transform_5(%arg0: i32) -> (i32, i32) {
    %c0_i32 = arith.constant 0 : i32
    %c0_i32_0 = arith.constant 0 : i32
    %c0_i32_1 = arith.constant 0 : i32
    return %c0_i32, %c0_i32_0 : i32, i32
  }
  func.func @transform_6(%arg0: i32) -> (i32, i32, i32) {
    %c0_i32 = arith.constant 0 : i32
    %c0_i32_0 = arith.constant 0 : i32
    %c0_i32_1 = arith.constant 0 : i32
    return %c0_i32, %arg0, %c0_i32_0 : i32, i32, i32
  }
  func.func @transform_7(%arg0: i32) -> (i32, i32, i32) {
    %c0_i32 = arith.constant 0 : i32
    %c0_i32_0 = arith.constant 0 : i32
    %c0_i32_1 = arith.constant 0 : i32
    return %c0_i32, %arg0, %c0_i32_0 : i32, i32, i32
  }
}

module attributes {stable_mosaic.version = 14 : i64} {
  func.func @_tc_mid_body(%arg0: i32, %arg1: memref<1024x1xf32, #tpu.memory_space<vmem>>, %arg2: memref<2x1024x64xf32, #tpu.memory_space<vmem>>, %arg3: memref<2x1024x64xf32, #tpu.memory_space<vmem>>, %arg4: memref<2x1x64xf32, #tpu.memory_space<vmem>>, %arg5: memref<2x1024x64xf32, #tpu.memory_space<vmem>>, %arg6: memref<128x128xf32, #tpu.memory_space<vmem>>, %arg7: memref<2x1024x64xf32, #tpu.memory_space<vmem>>, %arg8: memref<2x1024x64xf32, #tpu.memory_space<vmem>>) attributes {dimension_semantics = [#tpu.dimension_semantics<arbitrary>], iteration_bounds = array<i64: 10>, scalar_prefetch = 0 : i64, scratch_operands = 0 : i64, tpu.core_type = #tpu.core_type<tc>, window_params = [{transform_indices = @transform_0, window_bounds = array<i64: 1024, 1>}, {transform_indices = @transform_1, window_bounds = array<i64: 2, 1024, 64>}, {transform_indices = @transform_2, window_bounds = array<i64: 2, 1024, 64>}, {pipeline_mode = #tpu.pipeline_mode<synchronous>, transform_indices = @transform_3, window_bounds = array<i64: 2, 1, 64>}, {transform_indices = @transform_4, window_bounds = array<i64: 2, 1024, 64>}, {pipeline_mode = #tpu.pipeline_mode<synchronous>, transform_indices = @transform_5, window_bounds = array<i64: 128, 128>}, {transform_indices = @transform_6, window_bounds = array<i64: 2, 1024, 64>}, {transform_indices = @transform_7, window_bounds = array<i64: 2, 1024, 64>}]} {
    %get3A = arith.constant 0 : index
    %get3A_0 = arith.constant 0 : index
    %get3A_1 = vector.load %arg1[%get3A, %get3A_0] : memref<1024x1xf32, #tpu.memory_space<vmem>>, vector<1024x1xf32>
    %get3A_2 = arith.constant 0 : index
    %get3A_3 = arith.constant 0 : index
    %get3A_4 = arith.constant 0 : index
    %get3A_5 = vector.load %arg2[%get3A_2, %get3A_3, %get3A_4] : memref<2x1024x64xf32, #tpu.memory_space<vmem>>, vector<1x1024x64xf32>
    %get3A_6 = vector.shape_cast %get3A_5 : vector<1x1024x64xf32> to vector<1024x64xf32>
    %get3A_7 = arith.constant 0 : index
    %get3A_8 = arith.constant 0 : index
    %get3A_9 = arith.constant 0 : index
    %get3A_10 = vector.load %arg3[%get3A_7, %get3A_8, %get3A_9] : memref<2x1024x64xf32, #tpu.memory_space<vmem>>, vector<1x1024x64xf32>
    %get3A_11 = vector.shape_cast %get3A_10 : vector<1x1024x64xf32> to vector<1024x64xf32>
    %add3A = arith.addf %get3A_6, %get3A_11 : vector<1024x64xf32>
    %mul3A = vector.broadcast %get3A_1 : vector<1024x1xf32> to vector<1024x64xf32>
    %mul3A_12 = arith.mulf %mul3A, %add3A : vector<1024x64xf32>
    %get3A_13 = arith.constant 0 : index
    %get3A_14 = arith.constant 0 : index
    %get3A_15 = arith.constant 0 : index
    %get3A_16 = vector.load %arg4[%get3A_13, %get3A_14, %get3A_15] : memref<2x1x64xf32, #tpu.memory_space<vmem>>, vector<1x1x64xf32>
    %get3A_17 = vector.shape_cast %get3A_16 : vector<1x1x64xf32> to vector<1x64xf32>
    %add3A_18 = vector.broadcast %get3A_17 : vector<1x64xf32> to vector<1024x64xf32>
    %add3A_19 = arith.addf %mul3A_12, %add3A_18 : vector<1024x64xf32>
    %max3A = arith.constant 0.000000e+00 : f32
    %max3A_20 = vector.broadcast %max3A : f32 to vector<1024x64xf32>
    %max3A_21 = arith.maximumf %add3A_19, %max3A_20 : vector<1024x64xf32>
    %get3A_22 = arith.constant 0 : index
    %get3A_23 = arith.constant 0 : index
    %get3A_24 = arith.constant 0 : index
    %get3A_25 = vector.load %arg5[%get3A_22, %get3A_23, %get3A_24] : memref<2x1024x64xf32, #tpu.memory_space<vmem>>, vector<1x1024x64xf32>
    %get3A_26 = vector.shape_cast %get3A_25 : vector<1x1024x64xf32> to vector<1024x64xf32>
    %add3A_27 = arith.addf %max3A_21, %get3A_26 : vector<1024x64xf32>
    %swap3A = arith.constant 0 : index
    %swap3A_28 = arith.constant 0 : index
    %swap3A_29 = arith.constant 0 : index
    %swap3A_30 = vector.load %arg7[%swap3A, %swap3A_28, %swap3A_29] : memref<2x1024x64xf32, #tpu.memory_space<vmem>>, vector<1x1024x64xf32>
    %swap3A_31 = vector.shape_cast %swap3A_30 : vector<1x1024x64xf32> to vector<1024x64xf32>
    %swap3A_32 = vector.shape_cast %add3A_27 : vector<1024x64xf32> to vector<1x1024x64xf32>
    tpu.vector_store %arg7[%swap3A, %swap3A_28, %swap3A_29], %swap3A_32 {strides = array<i32>} : memref<2x1024x64xf32, #tpu.memory_space<vmem>>, vector<1x1024x64xf32>,
    %get3A_33 = arith.constant 1 : index
    %get3A_34 = arith.constant 0 : index
    %get3A_35 = arith.constant 0 : index
    %get3A_36 = vector.load %arg2[%get3A_33, %get3A_34, %get3A_35] : memref<2x1024x64xf32, #tpu.memory_space<vmem>>, vector<1x1024x64xf32>
    %get3A_37 = vector.shape_cast %get3A_36 : vector<1x1024x64xf32> to vector<1024x64xf32>
    %get3A_38 = arith.constant 1 : index
    %get3A_39 = arith.constant 0 : index
    %get3A_40 = arith.constant 0 : index
    %get3A_41 = vector.load %arg3[%get3A_38, %get3A_39, %get3A_40] : memref<2x1024x64xf32, #tpu.memory_space<vmem>>, vector<1x1024x64xf32>
    %get3A_42 = vector.shape_cast %get3A_41 : vector<1x1024x64xf32> to vector<1024x64xf32>
    %add3A_43 = arith.addf %get3A_37, %get3A_42 : vector<1024x64xf32>
    %mul3A_44 = vector.broadcast %get3A_1 : vector<1024x1xf32> to vector<1024x64xf32>
    %mul3A_45 = arith.mulf %mul3A_44, %add3A_43 : vector<1024x64xf32>
    %get3A_46 = arith.constant 1 : index
    %get3A_47 = arith.constant 0 : index
    %get3A_48 = arith.constant 0 : index
    %get3A_49 = vector.load %arg4[%get3A_46, %get3A_47, %get3A_48] : memref<2x1x64xf32, #tpu.memory_space<vmem>>, vector<1x1x64xf32>
    %get3A_50 = vector.shape_cast %get3A_49 : vector<1x1x64xf32> to vector<1x64xf32>
    %add3A_51 = vector.broadcast %get3A_50 : vector<1x64xf32> to vector<1024x64xf32>
    %add3A_52 = arith.addf %mul3A_45, %add3A_51 : vector<1024x64xf32>
    %max3A_53 = arith.constant 0.000000e+00 : f32
    %max3A_54 = vector.broadcast %max3A_53 : f32 to vector<1024x64xf32>
    %max3A_55 = arith.maximumf %add3A_52, %max3A_54 : vector<1024x64xf32>
    %get3A_56 = arith.constant 1 : index
    %get3A_57 = arith.constant 0 : index
    %get3A_58 = arith.constant 0 : index
    %get3A_59 = vector.load %arg5[%get3A_56, %get3A_57, %get3A_58] : memref<2x1024x64xf32, #tpu.memory_space<vmem>>, vector<1x1024x64xf32>
    %get3A_60 = vector.shape_cast %get3A_59 : vector<1x1024x64xf32> to vector<1024x64xf32>
    %add3A_61 = arith.addf %max3A_55, %get3A_60 : vector<1024x64xf32>
    %swap3A_62 = arith.constant 1 : index
    %swap3A_63 = arith.constant 0 : index
    %swap3A_64 = arith.constant 0 : index
    %swap3A_65 = vector.load %arg7[%swap3A_62, %swap3A_63, %swap3A_64] : memref<2x1024x64xf32, #tpu.memory_space<vmem>>, vector<1x1024x64xf32>
    %swap3A_66 = vector.shape_cast %swap3A_65 : vector<1x1024x64xf32> to vector<1024x64xf32>
    %swap3A_67 = vector.shape_cast %add3A_61 : vector<1024x64xf32> to vector<1x1024x64xf32>
    tpu.vector_store %arg7[%swap3A_62, %swap3A_63, %swap3A_64], %swap3A_67 {strides = array<i32>} : memref<2x1024x64xf32, #tpu.memory_space<vmem>>, vector<1x1024x64xf32>,
    %get3A_68 = arith.constant 0 : index
    %get3A_69 = arith.constant 0 : index
    %get3A_70 = vector.load %arg6[%get3A_68, %get3A_69] : memref<128x128xf32, #tpu.memory_space<vmem>>, vector<64x128xf32>
    %dot_general3A = arith.constant dense<0.000000e+00> : vector<1024x128xf32>
    %dot_general3A_71 = tpu.matmul %add3A_27, %get3A_70, %dot_general3A {dimension_numbers = #tpu.dot_dimension_numbers<[1], [0], [0], [1], [0, 0, 1, 1], [], []>, transpose_lhs_hint = false} : vector<1024x64xf32>, vector<64x128xf32>, vector<1024x128xf32> -> vector<1024x128xf32>
    %get3A_72 = arith.constant 64 : index
    %get3A_73 = arith.constant 0 : index
    %get3A_74 = vector.load %arg6[%get3A_72, %get3A_73] : memref<128x128xf32, #tpu.memory_space<vmem>>, vector<64x128xf32>
    %dot_general3A_75 = arith.constant dense<0.000000e+00> : vector<1024x128xf32>
    %dot_general3A_76 = tpu.matmul %add3A_61, %get3A_74, %dot_general3A_75 {dimension_numbers = #tpu.dot_dimension_numbers<[1], [0], [0], [1], [0, 0, 1, 1], [], []>, transpose_lhs_hint = false} : vector<1024x64xf32>, vector<64x128xf32>, vector<1024x128xf32> -> vector<1024x128xf32>
    %add3A_77 = arith.addf %dot_general3A_71, %dot_general3A_76 : vector<1024x128xf32>
    %mul3A_78 = vector.broadcast %get3A_1 : vector<1024x1xf32> to vector<1024x128xf32>
    %mul3A_79 = arith.mulf %mul3A_78, %add3A_77 : vector<1024x128xf32>
    %slice3A = vector.extract_strided_slice %mul3A_79 {offsets = [0, 0], sizes = [1024, 64], strides = [1, 1]} : vector<1024x128xf32> to vector<1024x64xf32>
    %swap3A_80 = arith.constant 0 : index
    %swap3A_81 = arith.constant 0 : index
    %swap3A_82 = arith.constant 0 : index
    %swap3A_83 = vector.load %arg8[%swap3A_80, %swap3A_81, %swap3A_82] : memref<2x1024x64xf32, #tpu.memory_space<vmem>>, vector<1x1024x64xf32>
    %swap3A_84 = vector.shape_cast %swap3A_83 : vector<1x1024x64xf32> to vector<1024x64xf32>
    %swap3A_85 = vector.shape_cast %slice3A : vector<1024x64xf32> to vector<1x1024x64xf32>
    tpu.vector_store %arg8[%swap3A_80, %swap3A_81, %swap3A_82], %swap3A_85 {strides = array<i32>} : memref<2x1024x64xf32, #tpu.memory_space<vmem>>, vector<1x1024x64xf32>,
    %slice3A_86 = vector.extract_strided_slice %mul3A_79 {offsets = [0, 64], sizes = [1024, 64], strides = [1, 1]} : vector<1024x128xf32> to vector<1024x64xf32>
    %swap3A_87 = arith.constant 1 : index
    %swap3A_88 = arith.constant 0 : index
    %swap3A_89 = arith.constant 0 : index
    %swap3A_90 = vector.load %arg8[%swap3A_87, %swap3A_88, %swap3A_89] : memref<2x1024x64xf32, #tpu.memory_space<vmem>>, vector<1x1024x64xf32>
    %swap3A_91 = vector.shape_cast %swap3A_90 : vector<1x1024x64xf32> to vector<1024x64xf32>
    %swap3A_92 = vector.shape_cast %slice3A_86 : vector<1024x64xf32> to vector<1x1024x64xf32>
    tpu.vector_store %arg8[%swap3A_87, %swap3A_88, %swap3A_89], %swap3A_92 {strides = array<i32>} : memref<2x1024x64xf32, #tpu.memory_space<vmem>>, vector<1x1024x64xf32>,
    return
  }
  func.func @transform_0(%arg0: i32) -> (i32, i32) {
    %c0_i32 = arith.constant 0 : i32
    %c0_i32_0 = arith.constant 0 : i32
    return %arg0, %c0_i32 : i32, i32
  }
  func.func @transform_1(%arg0: i32) -> (i32, i32, i32) {
    %c0_i32 = arith.constant 0 : i32
    %c0_i32_0 = arith.constant 0 : i32
    %c0_i32_1 = arith.constant 0 : i32
    return %c0_i32, %arg0, %c0_i32_0 : i32, i32, i32
  }
  func.func @transform_2(%arg0: i32) -> (i32, i32, i32) {
    %c0_i32 = arith.constant 0 : i32
    %c0_i32_0 = arith.constant 0 : i32
    %c0_i32_1 = arith.constant 0 : i32
    return %c0_i32, %arg0, %c0_i32_0 : i32, i32, i32
  }
  func.func @transform_3(%arg0: i32) -> (i32, i32, i32) {
    %c0_i32 = arith.constant 0 : i32
    %c0_i32_0 = arith.constant 0 : i32
    %c0_i32_1 = arith.constant 0 : i32
    %c0_i32_2 = arith.constant 0 : i32
    return %c0_i32, %c0_i32_0, %c0_i32_1 : i32, i32, i32
  }
  func.func @transform_4(%arg0: i32) -> (i32, i32, i32) {
    %c0_i32 = arith.constant 0 : i32
    %c0_i32_0 = arith.constant 0 : i32
    %c0_i32_1 = arith.constant 0 : i32
    return %c0_i32, %arg0, %c0_i32_0 : i32, i32, i32
  }
  func.func @transform_5(%arg0: i32) -> (i32, i32) {
    %c0_i32 = arith.constant 0 : i32
    %c0_i32_0 = arith.constant 0 : i32
    %c0_i32_1 = arith.constant 0 : i32
    return %c0_i32, %c0_i32_0 : i32, i32
  }
  func.func @transform_6(%arg0: i32) -> (i32, i32, i32) {
    %c0_i32 = arith.constant 0 : i32
    %c0_i32_0 = arith.constant 0 : i32
    %c0_i32_1 = arith.constant 0 : i32
    return %c0_i32, %arg0, %c0_i32_0 : i32, i32, i32
  }
  func.func @transform_7(%arg0: i32) -> (i32, i32, i32) {
    %c0_i32 = arith.constant 0 : i32
    %c0_i32_0 = arith.constant 0 : i32
    %c0_i32_1 = arith.constant 0 : i32
    return %c0_i32, %arg0, %c0_i32_0 : i32, i32, i32
  }
}

module attributes {stable_mosaic.version = 14 : i64} {
  func.func @_tc_mid_body(%arg0: i32, %arg1: memref<1024x1xf32, #tpu.memory_space<vmem>>, %arg2: memref<2x1024x64xf32, #tpu.memory_space<vmem>>, %arg3: memref<2x1024x64xf32, #tpu.memory_space<vmem>>, %arg4: memref<2x1x64xf32, #tpu.memory_space<vmem>>, %arg5: memref<2x1024x64xf32, #tpu.memory_space<vmem>>, %arg6: memref<128x128xf32, #tpu.memory_space<vmem>>, %arg7: memref<2x1024x64xf32, #tpu.memory_space<vmem>>, %arg8: memref<2x1024x64xf32, #tpu.memory_space<vmem>>) attributes {dimension_semantics = [#tpu.dimension_semantics<arbitrary>], iteration_bounds = array<i64: 10>, scalar_prefetch = 0 : i64, scratch_operands = 0 : i64, tpu.core_type = #tpu.core_type<tc>, window_params = [{transform_indices = @transform_0, window_bounds = array<i64: 1024, 1>}, {transform_indices = @transform_1, window_bounds = array<i64: 2, 1024, 64>}, {transform_indices = @transform_2, window_bounds = array<i64: 2, 1024, 64>}, {pipeline_mode = #tpu.pipeline_mode<synchronous>, transform_indices = @transform_3, window_bounds = array<i64: 2, 1, 64>}, {transform_indices = @transform_4, window_bounds = array<i64: 2, 1024, 64>}, {pipeline_mode = #tpu.pipeline_mode<synchronous>, transform_indices = @transform_5, window_bounds = array<i64: 128, 128>}, {transform_indices = @transform_6, window_bounds = array<i64: 2, 1024, 64>}, {transform_indices = @transform_7, window_bounds = array<i64: 2, 1024, 64>}]} {
    %get3A = arith.constant 0 : index
    %get3A_0 = arith.constant 0 : index
    %get3A_1 = vector.load %arg1[%get3A, %get3A_0] : memref<1024x1xf32, #tpu.memory_space<vmem>>, vector<1024x1xf32>
    %get3A_2 = arith.constant 0 : index
    %get3A_3 = arith.constant 0 : index
    %get3A_4 = arith.constant 0 : index
    %get3A_5 = vector.load %arg2[%get3A_2, %get3A_3, %get3A_4] : memref<2x1024x64xf32, #tpu.memory_space<vmem>>, vector<1x1024x64xf32>
    %get3A_6 = vector.shape_cast %get3A_5 : vector<1x1024x64xf32> to vector<1024x64xf32>
    %get3A_7 = arith.constant 0 : index
    %get3A_8 = arith.constant 0 : index
    %get3A_9 = arith.constant 0 : index
    %get3A_10 = vector.load %arg3[%get3A_7, %get3A_8, %get3A_9] : memref<2x1024x64xf32, #tpu.memory_space<vmem>>, vector<1x1024x64xf32>
    %get3A_11 = vector.shape_cast %get3A_10 : vector<1x1024x64xf32> to vector<1024x64xf32>
    %add3A = arith.addf %get3A_6, %get3A_11 : vector<1024x64xf32>
    %mul3A = vector.broadcast %get3A_1 : vector<1024x1xf32> to vector<1024x64xf32>
    %mul3A_12 = arith.mulf %mul3A, %add3A : vector<1024x64xf32>
    %get3A_13 = arith.constant 0 : index
    %get3A_14 = arith.constant 0 : index
    %get3A_15 = arith.constant 0 : index
    %get3A_16 = vector.load %arg4[%get3A_13, %get3A_14, %get3A_15] : memref<2x1x64xf32, #tpu.memory_space<vmem>>, vector<1x1x64xf32>
    %get3A_17 = vector.shape_cast %get3A_16 : vector<1x1x64xf32> to vector<1x64xf32>
    %add3A_18 = vector.broadcast %get3A_17 : vector<1x64xf32> to vector<1024x64xf32>
    %add3A_19 = arith.addf %mul3A_12, %add3A_18 : vector<1024x64xf32>
    %max3A = arith.constant 0.000000e+00 : f32
    %max3A_20 = vector.broadcast %max3A : f32 to vector<1024x64xf32>
    %max3A_21 = arith.maximumf %add3A_19, %max3A_20 : vector<1024x64xf32>
    %get3A_22 = arith.constant 0 : index
    %get3A_23 = arith.constant 0 : index
    %get3A_24 = arith.constant 0 : index
    %get3A_25 = vector.load %arg5[%get3A_22, %get3A_23, %get3A_24] : memref<2x1024x64xf32, #tpu.memory_space<vmem>>, vector<1x1024x64xf32>
    %get3A_26 = vector.shape_cast %get3A_25 : vector<1x1024x64xf32> to vector<1024x64xf32>
    %add3A_27 = arith.addf %max3A_21, %get3A_26 : vector<1024x64xf32>
    %swap3A = arith.constant 0 : index
    %swap3A_28 = arith.constant 0 : index
    %swap3A_29 = arith.constant 0 : index
    %swap3A_30 = vector.load %arg7[%swap3A, %swap3A_28, %swap3A_29] : memref<2x1024x64xf32, #tpu.memory_space<vmem>>, vector<1x1024x64xf32>
    %swap3A_31 = vector.shape_cast %swap3A_30 : vector<1x1024x64xf32> to vector<1024x64xf32>
    %swap3A_32 = vector.shape_cast %add3A_27 : vector<1024x64xf32> to vector<1x1024x64xf32>
    tpu.vector_store %arg7[%swap3A, %swap3A_28, %swap3A_29], %swap3A_32 {strides = array<i32>} : memref<2x1024x64xf32, #tpu.memory_space<vmem>>, vector<1x1024x64xf32>,
    %get3A_33 = arith.constant 1 : index
    %get3A_34 = arith.constant 0 : index
    %get3A_35 = arith.constant 0 : index
    %get3A_36 = vector.load %arg2[%get3A_33, %get3A_34, %get3A_35] : memref<2x1024x64xf32, #tpu.memory_space<vmem>>, vector<1x1024x64xf32>
    %get3A_37 = vector.shape_cast %get3A_36 : vector<1x1024x64xf32> to vector<1024x64xf32>
    %get3A_38 = arith.constant 1 : index
    %get3A_39 = arith.constant 0 : index
    %get3A_40 = arith.constant 0 : index
    %get3A_41 = vector.load %arg3[%get3A_38, %get3A_39, %get3A_40] : memref<2x1024x64xf32, #tpu.memory_space<vmem>>, vector<1x1024x64xf32>
    %get3A_42 = vector.shape_cast %get3A_41 : vector<1x1024x64xf32> to vector<1024x64xf32>
    %add3A_43 = arith.addf %get3A_37, %get3A_42 : vector<1024x64xf32>
    %mul3A_44 = vector.broadcast %get3A_1 : vector<1024x1xf32> to vector<1024x64xf32>
    %mul3A_45 = arith.mulf %mul3A_44, %add3A_43 : vector<1024x64xf32>
    %get3A_46 = arith.constant 1 : index
    %get3A_47 = arith.constant 0 : index
    %get3A_48 = arith.constant 0 : index
    %get3A_49 = vector.load %arg4[%get3A_46, %get3A_47, %get3A_48] : memref<2x1x64xf32, #tpu.memory_space<vmem>>, vector<1x1x64xf32>
    %get3A_50 = vector.shape_cast %get3A_49 : vector<1x1x64xf32> to vector<1x64xf32>
    %add3A_51 = vector.broadcast %get3A_50 : vector<1x64xf32> to vector<1024x64xf32>
    %add3A_52 = arith.addf %mul3A_45, %add3A_51 : vector<1024x64xf32>
    %max3A_53 = arith.constant 0.000000e+00 : f32
    %max3A_54 = vector.broadcast %max3A_53 : f32 to vector<1024x64xf32>
    %max3A_55 = arith.maximumf %add3A_52, %max3A_54 : vector<1024x64xf32>
    %get3A_56 = arith.constant 1 : index
    %get3A_57 = arith.constant 0 : index
    %get3A_58 = arith.constant 0 : index
    %get3A_59 = vector.load %arg5[%get3A_56, %get3A_57, %get3A_58] : memref<2x1024x64xf32, #tpu.memory_space<vmem>>, vector<1x1024x64xf32>
    %get3A_60 = vector.shape_cast %get3A_59 : vector<1x1024x64xf32> to vector<1024x64xf32>
    %add3A_61 = arith.addf %max3A_55, %get3A_60 : vector<1024x64xf32>
    %swap3A_62 = arith.constant 1 : index
    %swap3A_63 = arith.constant 0 : index
    %swap3A_64 = arith.constant 0 : index
    %swap3A_65 = vector.load %arg7[%swap3A_62, %swap3A_63, %swap3A_64] : memref<2x1024x64xf32, #tpu.memory_space<vmem>>, vector<1x1024x64xf32>
    %swap3A_66 = vector.shape_cast %swap3A_65 : vector<1x1024x64xf32> to vector<1024x64xf32>
    %swap3A_67 = vector.shape_cast %add3A_61 : vector<1024x64xf32> to vector<1x1024x64xf32>
    tpu.vector_store %arg7[%swap3A_62, %swap3A_63, %swap3A_64], %swap3A_67 {strides = array<i32>} : memref<2x1024x64xf32, #tpu.memory_space<vmem>>, vector<1x1024x64xf32>,
    %get3A_68 = arith.constant 0 : index
    %get3A_69 = arith.constant 0 : index
    %get3A_70 = vector.load %arg6[%get3A_68, %get3A_69] : memref<128x128xf32, #tpu.memory_space<vmem>>, vector<64x128xf32>
    %dot_general3A = arith.constant dense<0.000000e+00> : vector<1024x128xf32>
    %dot_general3A_71 = tpu.matmul %add3A_27, %get3A_70, %dot_general3A {dimension_numbers = #tpu.dot_dimension_numbers<[1], [0], [0], [1], [0, 0, 1, 1], [], []>, transpose_lhs_hint = false} : vector<1024x64xf32>, vector<64x128xf32>, vector<1024x128xf32> -> vector<1024x128xf32>
    %get3A_72 = arith.constant 64 : index
    %get3A_73 = arith.constant 0 : index
    %get3A_74 = vector.load %arg6[%get3A_72, %get3A_73] : memref<128x128xf32, #tpu.memory_space<vmem>>, vector<64x128xf32>
    %dot_general3A_75 = arith.constant dense<0.000000e+00> : vector<1024x128xf32>
    %dot_general3A_76 = tpu.matmul %add3A_61, %get3A_74, %dot_general3A_75 {dimension_numbers = #tpu.dot_dimension_numbers<[1], [0], [0], [1], [0, 0, 1, 1], [], []>, transpose_lhs_hint = false} : vector<1024x64xf32>, vector<64x128xf32>, vector<1024x128xf32> -> vector<1024x128xf32>
    %add3A_77 = arith.addf %dot_general3A_71, %dot_general3A_76 : vector<1024x128xf32>
    %mul3A_78 = vector.broadcast %get3A_1 : vector<1024x1xf32> to vector<1024x128xf32>
    %mul3A_79 = arith.mulf %mul3A_78, %add3A_77 : vector<1024x128xf32>
    %slice3A = vector.extract_strided_slice %mul3A_79 {offsets = [0, 0], sizes = [1024, 64], strides = [1, 1]} : vector<1024x128xf32> to vector<1024x64xf32>
    %swap3A_80 = arith.constant 0 : index
    %swap3A_81 = arith.constant 0 : index
    %swap3A_82 = arith.constant 0 : index
    %swap3A_83 = vector.load %arg8[%swap3A_80, %swap3A_81, %swap3A_82] : memref<2x1024x64xf32, #tpu.memory_space<vmem>>, vector<1x1024x64xf32>
    %swap3A_84 = vector.shape_cast %swap3A_83 : vector<1x1024x64xf32> to vector<1024x64xf32>
    %swap3A_85 = vector.shape_cast %slice3A : vector<1024x64xf32> to vector<1x1024x64xf32>
    tpu.vector_store %arg8[%swap3A_80, %swap3A_81, %swap3A_82], %swap3A_85 {strides = array<i32>} : memref<2x1024x64xf32, #tpu.memory_space<vmem>>, vector<1x1024x64xf32>,
    %slice3A_86 = vector.extract_strided_slice %mul3A_79 {offsets = [0, 64], sizes = [1024, 64], strides = [1, 1]} : vector<1024x128xf32> to vector<1024x64xf32>
    %swap3A_87 = arith.constant 1 : index
    %swap3A_88 = arith.constant 0 : index
    %swap3A_89 = arith.constant 0 : index
    %swap3A_90 = vector.load %arg8[%swap3A_87, %swap3A_88, %swap3A_89] : memref<2x1024x64xf32, #tpu.memory_space<vmem>>, vector<1x1024x64xf32>
    %swap3A_91 = vector.shape_cast %swap3A_90 : vector<1x1024x64xf32> to vector<1024x64xf32>
    %swap3A_92 = vector.shape_cast %slice3A_86 : vector<1024x64xf32> to vector<1x1024x64xf32>
    tpu.vector_store %arg8[%swap3A_87, %swap3A_88, %swap3A_89], %swap3A_92 {strides = array<i32>} : memref<2x1024x64xf32, #tpu.memory_space<vmem>>, vector<1x1024x64xf32>,
    return
  }
  func.func @transform_0(%arg0: i32) -> (i32, i32) {
    %c0_i32 = arith.constant 0 : i32
    %c0_i32_0 = arith.constant 0 : i32
    return %arg0, %c0_i32 : i32, i32
  }
  func.func @transform_1(%arg0: i32) -> (i32, i32, i32) {
    %c0_i32 = arith.constant 0 : i32
    %c0_i32_0 = arith.constant 0 : i32
    %c0_i32_1 = arith.constant 0 : i32
    return %c0_i32, %arg0, %c0_i32_0 : i32, i32, i32
  }
  func.func @transform_2(%arg0: i32) -> (i32, i32, i32) {
    %c0_i32 = arith.constant 0 : i32
    %c0_i32_0 = arith.constant 0 : i32
    %c0_i32_1 = arith.constant 0 : i32
    return %c0_i32, %arg0, %c0_i32_0 : i32, i32, i32
  }
  func.func @transform_3(%arg0: i32) -> (i32, i32, i32) {
    %c0_i32 = arith.constant 0 : i32
    %c0_i32_0 = arith.constant 0 : i32
    %c0_i32_1 = arith.constant 0 : i32
    %c0_i32_2 = arith.constant 0 : i32
    return %c0_i32, %c0_i32_0, %c0_i32_1 : i32, i32, i32
  }
  func.func @transform_4(%arg0: i32) -> (i32, i32, i32) {
    %c0_i32 = arith.constant 0 : i32
    %c0_i32_0 = arith.constant 0 : i32
    %c0_i32_1 = arith.constant 0 : i32
    return %c0_i32, %arg0, %c0_i32_0 : i32, i32, i32
  }
  func.func @transform_5(%arg0: i32) -> (i32, i32) {
    %c0_i32 = arith.constant 0 : i32
    %c0_i32_0 = arith.constant 0 : i32
    %c0_i32_1 = arith.constant 0 : i32
    return %c0_i32, %c0_i32_0 : i32, i32
  }
  func.func @transform_6(%arg0: i32) -> (i32, i32, i32) {
    %c0_i32 = arith.constant 0 : i32
    %c0_i32_0 = arith.constant 0 : i32
    %c0_i32_1 = arith.constant 0 : i32
    return %c0_i32, %arg0, %c0_i32_0 : i32, i32, i32
  }
  func.func @transform_7(%arg0: i32) -> (i32, i32, i32) {
    %c0_i32 = arith.constant 0 : i32
    %c0_i32_0 = arith.constant 0 : i32
    %c0_i32_1 = arith.constant 0 : i32
    return %c0_i32, %arg0, %c0_i32_0 : i32, i32, i32
  }
}

module attributes {stable_mosaic.version = 14 : i64} {
  func.func @_tc_last_body(%arg0: i32, %arg1: memref<1024x1xf32, #tpu.memory_space<vmem>>, %arg2: memref<2x1024x64xf32, #tpu.memory_space<vmem>>, %arg3: memref<2x1024x64xf32, #tpu.memory_space<vmem>>, %arg4: memref<2x1x64xf32, #tpu.memory_space<vmem>>, %arg5: memref<1024x128xf32, #tpu.memory_space<vmem>>) attributes {dimension_semantics = [#tpu.dimension_semantics<arbitrary>], iteration_bounds = array<i64: 10>, scalar_prefetch = 0 : i64, scratch_operands = 0 : i64, tpu.core_type = #tpu.core_type<tc>, window_params = [{transform_indices = @transform_0, window_bounds = array<i64: 1024, 1>}, {transform_indices = @transform_1, window_bounds = array<i64: 2, 1024, 64>}, {transform_indices = @transform_2, window_bounds = array<i64: 2, 1024, 64>}, {pipeline_mode = #tpu.pipeline_mode<synchronous>, transform_indices = @transform_3, window_bounds = array<i64: 2, 1, 64>}, {transform_indices = @transform_4, window_bounds = array<i64: 1024, 128>}]} {
    %get3A = arith.constant 0 : index
    %get3A_0 = arith.constant 0 : index
    %get3A_1 = vector.load %arg1[%get3A, %get3A_0] : memref<1024x1xf32, #tpu.memory_space<vmem>>, vector<1024x1xf32>
    %get3A_2 = arith.constant 0 : index
    %get3A_3 = arith.constant 0 : index
    %get3A_4 = arith.constant 0 : index
    %get3A_5 = vector.load %arg2[%get3A_2, %get3A_3, %get3A_4] : memref<2x1024x64xf32, #tpu.memory_space<vmem>>, vector<1x1024x64xf32>
    %get3A_6 = vector.shape_cast %get3A_5 : vector<1x1024x64xf32> to vector<1024x64xf32>
    %get3A_7 = arith.constant 0 : index
    %get3A_8 = arith.constant 0 : index
    %get3A_9 = arith.constant 0 : index
    %get3A_10 = vector.load %arg3[%get3A_7, %get3A_8, %get3A_9] : memref<2x1024x64xf32, #tpu.memory_space<vmem>>, vector<1x1024x64xf32>
    %get3A_11 = vector.shape_cast %get3A_10 : vector<1x1024x64xf32> to vector<1024x64xf32>
    %add3A = arith.addf %get3A_6, %get3A_11 : vector<1024x64xf32>
    %mul3A = vector.broadcast %get3A_1 : vector<1024x1xf32> to vector<1024x64xf32>
    %mul3A_12 = arith.mulf %mul3A, %add3A : vector<1024x64xf32>
    %get3A_13 = arith.constant 0 : index
    %get3A_14 = arith.constant 0 : index
    %get3A_15 = arith.constant 0 : index
    %get3A_16 = vector.load %arg4[%get3A_13, %get3A_14, %get3A_15] : memref<2x1x64xf32, #tpu.memory_space<vmem>>, vector<1x1x64xf32>
    %get3A_17 = vector.shape_cast %get3A_16 : vector<1x1x64xf32> to vector<1x64xf32>
    %add3A_18 = vector.broadcast %get3A_17 : vector<1x64xf32> to vector<1024x64xf32>
    %add3A_19 = arith.addf %mul3A_12, %add3A_18 : vector<1024x64xf32>
    %swap3A = arith.constant 0 : index
    %swap3A_20 = arith.constant 0 : index
    %swap3A_21 = vector.load %arg5[%swap3A, %swap3A_20] : memref<1024x128xf32, #tpu.memory_space<vmem>>, vector<1024x64xf32>
    tpu.vector_store %arg5[%swap3A, %swap3A_20], %add3A_19 {strides = array<i32>} : memref<1024x128xf32, #tpu.memory_space<vmem>>, vector<1024x64xf32>,
    %get3A_22 = arith.constant 1 : index
    %get3A_23 = arith.constant 0 : index
    %get3A_24 = arith.constant 0 : index
    %get3A_25 = vector.load %arg2[%get3A_22, %get3A_23, %get3A_24] : memref<2x1024x64xf32, #tpu.memory_space<vmem>>, vector<1x1024x64xf32>
    %get3A_26 = vector.shape_cast %get3A_25 : vector<1x1024x64xf32> to vector<1024x64xf32>
    %get3A_27 = arith.constant 1 : index
    %get3A_28 = arith.constant 0 : index
    %get3A_29 = arith.constant 0 : index
    %get3A_30 = vector.load %arg3[%get3A_27, %get3A_28, %get3A_29] : memref<2x1024x64xf32, #tpu.memory_space<vmem>>, vector<1x1024x64xf32>
    %get3A_31 = vector.shape_cast %get3A_30 : vector<1x1024x64xf32> to vector<1024x64xf32>
    %add3A_32 = arith.addf %get3A_26, %get3A_31 : vector<1024x64xf32>
    %mul3A_33 = vector.broadcast %get3A_1 : vector<1024x1xf32> to vector<1024x64xf32>
    %mul3A_34 = arith.mulf %mul3A_33, %add3A_32 : vector<1024x64xf32>
    %get3A_35 = arith.constant 1 : index
    %get3A_36 = arith.constant 0 : index
    %get3A_37 = arith.constant 0 : index
    %get3A_38 = vector.load %arg4[%get3A_35, %get3A_36, %get3A_37] : memref<2x1x64xf32, #tpu.memory_space<vmem>>, vector<1x1x64xf32>
    %get3A_39 = vector.shape_cast %get3A_38 : vector<1x1x64xf32> to vector<1x64xf32>
    %add3A_40 = vector.broadcast %get3A_39 : vector<1x64xf32> to vector<1024x64xf32>
    %add3A_41 = arith.addf %mul3A_34, %add3A_40 : vector<1024x64xf32>
    %swap3A_42 = arith.constant 0 : index
    %swap3A_43 = arith.constant 64 : index
    %swap3A_44 = vector.load %arg5[%swap3A_42, %swap3A_43] : memref<1024x128xf32, #tpu.memory_space<vmem>>, vector<1024x64xf32>
    tpu.vector_store %arg5[%swap3A_42, %swap3A_43], %add3A_41 {strides = array<i32>} : memref<1024x128xf32, #tpu.memory_space<vmem>>, vector<1024x64xf32>,
    return
  }
  func.func @transform_0(%arg0: i32) -> (i32, i32) {
    %c0_i32 = arith.constant 0 : i32
    %c0_i32_0 = arith.constant 0 : i32
    return %arg0, %c0_i32 : i32, i32
  }
  func.func @transform_1(%arg0: i32) -> (i32, i32, i32) {
    %c0_i32 = arith.constant 0 : i32
    %c0_i32_0 = arith.constant 0 : i32
    %c0_i32_1 = arith.constant 0 : i32
    return %c0_i32, %arg0, %c0_i32_0 : i32, i32, i32
  }
  func.func @transform_2(%arg0: i32) -> (i32, i32, i32) {
    %c0_i32 = arith.constant 0 : i32
    %c0_i32_0 = arith.constant 0 : i32
    %c0_i32_1 = arith.constant 0 : i32
    return %c0_i32, %arg0, %c0_i32_0 : i32, i32, i32
  }
  func.func @transform_3(%arg0: i32) -> (i32, i32, i32) {
    %c0_i32 = arith.constant 0 : i32
    %c0_i32_0 = arith.constant 0 : i32
    %c0_i32_1 = arith.constant 0 : i32
    %c0_i32_2 = arith.constant 0 : i32
    return %c0_i32, %c0_i32_0, %c0_i32_1 : i32, i32, i32
  }
  func.func @transform_4(%arg0: i32) -> (i32, i32) {
    %c0_i32 = arith.constant 0 : i32
    %c0_i32_0 = arith.constant 0 : i32
    return %arg0, %c0_i32 : i32, i32
  }
}

</mosaic_0001>

<sc_bundles>
// kernel: kernel.14.cloned.1.call-start
scs
__scs_entry_jumppad:
0x0: {  	(pc) =	sbr.rel $0x88, $3  }
0x1: {  	(tag) =	ssettag $0x0;
	lr =	simm.s32 $0x1  }
0x2: {  	[smem:$0x3F99] =	sst lr;
	_ =	strace $0xD0000000  }
0x3: {  	_ = 	snop  }
0x4: {  	_ = 	snop  }
0x5: {  	_ = 	snop  }
0x6: {  	_ = 	snop  }
0x7: {  	_ = 	snop  }
__scs_overlays_trampoline_lowered:
0x8: {  	[smem:$0x3FA8] =	sst s0  }
0x9: {  	[smem:$0x3FA9] =	sst s1  }
0xa: {  	[smem:$0x3FAA] =	sst s2  }
0xb: {  	[smem:$0x3FAB] =	sst s3  }
0xc: {  	[smem:$0x3FAC] =	sst s4  }
0xd: {  	[smem:$0x3FAD] =	sst s5  }
0xe: {  	[smem:$0x3FAE] =	sst s6  }
0xf: {  	[smem:$0x3FAF] =	sst s7  }
0x10: {  	[smem:$0x3FB0] =	sst s8  }
0x11: {  	[smem:$0x3FB1] =	sst s9;
	s0 =	simm.s32 @!p0 $0x0  }
0x12: {  	s1 =	sld [smem:$0x3F97];
	s0 =	simm.s32 @p0 $0x1  }
0x13: {  	[smem:$0x3FB2] =	sst s0;
	s0 =	simm.s32 @!p1 $0x0  }
0x14: {  	s2 =	sld [smem:$0x3F96];
	s0 =	simm.s32 @p1 $0x1  }
0x15: {  	[smem:$0x3FB3] =	sst s0;
	s0 =	simm.s32 @!p2 $0x0  }
0x16: {  	s3 =	sld [smem:$0x3FDB];
	s0 =	simm.s32 @p2 $0x1  }
0x17: {  	s4 =	simm.s32 $0x1BF5;
	[smem:$0x3FB5] =	sst s0  }
0x18: {  	s0 =	sld [smem:$0x3F98];
	_ =	swait.ge [sflag:s4], $0x0  }
0x19: {  	s7 =	sld [smem:$0x3F99]  }
0x1a: {  	s8 =	sadd.s32 $0xFFFFE003, lr  }
0x1b: {  	s9 =	sadd.s32 $0xFFFFFEF7, lr;
	s5 =	simm.s32 $0xFFFFFFFF;
	p2 =	slt.u32 s8, $0xFFFFF086  }
0x1c: {  	p1 =	slt.u32 s9, $0xF7A;
	s5 =	simm.s32 @!p2 $0x0  }
0x1d: {  	s5 =	simm.s32 @p1 $0x1;
	p0 =	seq.s32 s7, s2  }
0x1e: {  	s7 =	smul.u32 @!p0 $0xF7A, s2;
	p2 =	seq.s32 @!p0 s5, $0x0  }
0x1f: {  	s9 =	smul.u32 $0xF7A, s1;
	s8 =	simm.s32 @!p0 $0x1BF5;
	p2 =	por !p2, p0  }
0x20: {  	[sflag:s8] =	ssyncset.s32 @!p0 $0xFFFFF086;
	s6 =	sadd.s32 @!p0 s3, s7;
	s7 =	simm.s32 @!p0 $0x108  }
0x21: {  	s3 =	sadd.s32 s3, s9;
	s6 =	sadd.s32 @!p0 $0x88, s6;
	s7 =	simm.s32 @p2 $0x1082  }
0x22: {  	[simem:s7], [sflag:s8] =	dma.local @!p0 [hbm:s6], $0xF7A  }
0x23: {  	s9 =	sor.u32 $0xD0000000, s2;
	s6 =	simm.s32 $0x108;
	_ =	swait.ge @!p0 [sflag:s8], $0x0  }
0x24: {  	s3 =	sadd.s32 $0x88, s3;
	s6 =	simm.s32 @!p1 $0x1082;
	[sflag:s4] =	ssyncset.s32 $0xFFFFF086  }
0x25: {  	[simem:s6], [sflag:s4] =	dma.local [hbm:s3], $0xF7A  }
0x26: {  	[smem:$0x3F99] =	sst s1;
	(tag) =	ssettag s2;
	_ =	strace s9  }
0x27: {  	s1 =	sld [smem:$0x3FA9]  }
0x28: {  	s2 =	sld [smem:$0x3FAA]  }
0x29: {  	s4 =	sld [smem:$0x3FAC]  }
0x2a: {  	p0 =	seq.s32 s5, $0x0;
	s5 =	sld [smem:$0x3FAD]  }
0x2b: {  	s6 =	sld [smem:$0x3FAE]  }
0x2c: {  	s7 =	sld [smem:$0x3FAF]  }
0x2d: {  	s3 =	simm.s32 $0x108;
	s8 =	sld [smem:$0x3FB0]  }
0x2e: {  	s3 =	simm.s32 @!p0 $0x1082;
	s9 =	sld [smem:$0x3FB1]  }
0x2f: {  	lr =	sadd.s32 s0, s3;
	s0 =	sld [smem:$0x3FA8]  }
0x30: {  	s3 =	sld [smem:$0x3FAB]  }
0x31: {  	[smem:$0x3FB4] =	sst s10  }
0x32: {  	s10 =	sld [smem:$0x3FB2];
	_ =	sdelay $0x3  }
0x33: {  	p0 =	seq.s32 s10, $0x1;
	s10 =	sld [smem:$0x3FB4];
	_ =	sdelay $0x3  }
0x34: {  	[smem:$0x3FB4] =	sst s10  }
0x35: {  	s10 =	sld [smem:$0x3FB3];
	_ =	sdelay $0x3  }
0x36: {  	p1 =	seq.s32 s10, $0x1;
	s10 =	sld [smem:$0x3FB4];
	_ =	sdelay $0x3  }
0x37: {  	[smem:$0x3FB4] =	sst s10  }
0x38: {  	s10 =	sld [smem:$0x3FB5]  }
0x39: {  	_ = 	snop;
	(pc) =	sbr.ind lr, $3  }
0x3a: {  	_ = 	snop  }
0x3b: {  	_ = 	snop  }
0x3c: {  	p2 =	seq.s32 s10, $0x1;
	s10 =	sld [smem:$0x3FB4]  }
0x3d: {  	_ =	shalt  }
0x3e: {  	_ =	shalt  }
0x3f: {  	_ =	shalt  }
0x40: {  	_ =	shalt  }
0x41: {  	_ =	shalt  }
0x42: {  	_ =	shalt  }
0x43: {  	_ =	shalt  }
0x44: {  	_ =	shalt  }
0x45: {  	_ =	shalt  }
0x46: {  	_ =	shalt  }
0x47: {  	_ =	shalt  }
0x48: {  	_ =	shalt  }
0x49: {  	_ =	shalt  }
0x4a: {  	_ =	shalt  }
0x4b: {  	_ =	shalt  }
0x4c: {  	_ =	shalt  }
0x4d: {  	_ =	shalt  }
0x4e: {  	_ =	shalt  }
0x4f: {  	_ =	shalt  }
0x50: {  	_ =	shalt  }
0x51: {  	_ =	shalt  }
0x52: {  	_ =	shalt  }
0x53: {  	_ =	shalt  }
0x54: {  	_ =	shalt  }
0x55: {  	_ =	shalt  }
0x56: {  	_ =	shalt  }
0x57: {  	_ =	shalt  }
0x58: {  	_ =	shalt  }
0x59: {  	_ =	shalt  }
0x5a: {  	_ =	shalt  }
0x5b: {  	_ =	shalt  }
0x5c: {  	_ =	shalt  }
0x5d: {  	_ =	shalt  }
0x5e: {  	_ =	shalt  }
0x5f: {  	_ =	shalt  }
0x60: {  	_ =	shalt  }
0x61: {  	_ =	shalt  }
0x62: {  	_ =	shalt  }
0x63: {  	_ =	shalt  }
0x64: {  	_ =	shalt  }
0x65: {  	_ =	shalt  }
0x66: {  	_ =	shalt  }
0x67: {  	_ =	shalt  }
0x68: {  	_ =	shalt  }
0x69: {  	_ =	shalt  }
0x6a: {  	_ =	shalt  }
0x6b: {  	_ =	shalt  }
0x6c: {  	_ =	shalt  }
0x6d: {  	_ =	shalt  }
0x6e: {  	_ =	shalt  }
0x6f: {  	_ =	shalt  }
0x70: {  	_ =	shalt  }
0x71: {  	_ =	shalt  }
0x72: {  	_ =	shalt  }
0x73: {  	_ =	shalt  }
0x74: {  	_ =	shalt  }
0x75: {  	_ =	shalt  }
0x76: {  	_ =	shalt  }
0x77: {  	_ =	shalt  }
0x78: {  	_ =	shalt  }
0x79: {  	_ =	shalt  }
0x7a: {  	_ =	shalt  }
0x7b: {  	_ =	shalt  }
0x7c: {  	_ =	shalt  }
0x7d: {  	_ =	shalt  }
0x7e: {  	_ =	shalt  }
0x7f: {  	_ =	shalt  }
0x80: {  	_ =	shalt  }
0x81: {  	_ =	shalt  }
0x82: {  	_ =	shalt  }
0x83: {  	_ =	shalt  }
0x84: {  	_ =	shalt  }
0x85: {  	_ =	shalt  }
0x86: {  	_ =	shalt  }
0x87: {  	_ =	shalt  }
.Lfunc_end0:
.L_simem_size_0:
called_computation_lowered:
.L_overlay_start_0:
0x88: {  	s2 =	sld [smem:$0x3FD9]  }
0x89: {  	s3 =	sld [smem:$0x3FFE];
	_ =	sdelay $0x1  }
0x8a: {  	s1 =	srdreg.scid  }
0x8b: {  	s0 =	sand.u32 $0x1, s1  }
0x8c: {  	s17 =	sshll.u32 s0, $0xA;
	s2 =	sadd.s32 s3, s2  }
0x8d: {  	s2 =	sadd.s32 s2, s17  }
0x8e: {  	[smem:$0x3FC0] =	sst s2  }
0x8f: {  	_ = 	snop  }
0x90: {  	s2 =	sld [smem:$0x3FD0];
	(tm) =	ssettm $0x1  }
0x91: {  	s18 =	sld [smem:$0x3FFB];
	_ =	sdelay $0x3  }
0x92: {  	_ =	strace s18  }
0x93: {  	s3 =	sld [smem:$0x3FFC];
	_ =	sdelay $0x3  }
0x94: {  	_ =	strace s3  }
0x95: {  	s3 =	sld [smem:$0x3FFD];
	_ =	sdelay $0x3  }
0x96: {  	_ =	strace s3  }
0x97: {  	_ =	strace $0x8FFFFFFF  }
0x98: {  	s19 =	sld [smem:$0x3FDB];
	_ =	sdelay $0x1  }
0x99: {  	s4 =	simm.s32 $_scs_section_size  }
0x9a: {  	s5 =	simm.s32 $_size__tile_overlayer_lowered;
	s6 =	simm.s32 $_tile_overlayer_lowered  }
0x9b: {  	s22 =	simm.s32 $0x1BFF;
	s21 =	sshll.u32 s6, $0x1;
	s3 =	sadd.s32 s4, s19  }
0x9c: {  	s7 =	simm.s32 $0x0;
	s20 =	sshll.u32 s5, $0x1;
	s5 =	sadd.s32 s21, s3  }
0x9d: {  	[timem:s7], [sflag:s22] =	dma.local [hbm:s5], s20  }
0x9e: {  	_ =	swait.ge [sflag:s22], s20  }
0x9f: {  	s4 =	ssub.s32 $0x0, s20;
	[sflag:s22] =	ssyncset.done $0x0  }
0xa0: {  	[sflag:s22] =	ssyncadd.s32 s4;
	_ =	sdelay $0x1  }
0xa1: {  	s23 =	simm.s32 $0x1B8B  }
0xa2: {  	_ =	swait.ge [sflag:s23], $0x1  }
0xa3: {  	[sflag:s23] =	ssyncset.done $0x0  }
0xa4: {  	s25 =	simm.s32 $0x1B8E;
	s24 =	sld [smem:$0x3FFE];
	[sflag:s23] =	ssyncadd.s32 $0xFFFFFFFF  }
0xa5: {  	s26 =	simm.s32 $execute0_lowered;
	[smem:$0x3FD2] =	sst s25  }
0xa6: {  	s5 =	sshll.u32 s26, $0x1;
	_ =	strace $0x80000046;
	[dreg:$0x1] =	wrdreg $0xFFFFFFFF  }
0xa7: {  	s28 =	simm.s32 $_size_execute0_lowered;
	s3 =	sadd.s32 s3, s5;
	[dreg:$0x0] =	wrdreg $0x0  }
0xa8: {  	s5 =	sshll.u32 s28, $0x1;
	[dreg:$0x2] =	wrdreg s3  }
0xa9: {  	[dreg:$0x3] =	wrdreg s5  }
0xaa: {  	[dreg:$0x4] =	wrdreg $0xC0  }
0xab: {  	_ =	task [dreg:s7], $0x5FFFF  }
0xac: {  	[dreg:$0x1] =	wrdreg $0xFFFFFFFF  }
0xad: {  	[dreg:$0x0] =	wrdreg $0x60  }
0xae: {  	[dreg:$0x2] =	wrdreg s2  }
0xaf: {  	[dreg:$0x3] =	wrdreg s24  }
0xb0: {  	[dreg:$0x4] =	wrdreg $0x68000  }
0xb1: {  	[dreg:$0x5] =	wrdreg $0x9  }
0xb2: {  	_ =	task.clear_ibuf [dreg:s7], $0x6FFFF;
	_ =	strace $0x90000046  }
0xb3: {  	s29 =	simm.s32 $0x9;
	_ =	strace $0x80000048  }
0xb4: {  	_ =	swait.ge [sflag:s29], $0x1  }
0xb5: {  	[sflag:s29] =	ssyncadd.s32 $0xFFFFFFFF  }
0xb6: {  	_ =	strace $0x90000048  }
0xb7: {  	_ =	sfence  }
0xb8: {  	s30 =	sld [smem:$0x0];
	_ =	sdelay $0x2  }
0xb9: {  	s31 =	sshll.u32 s1, $0xD;
	s1 =	sshrl.u32 s1, $0x2  }
0xba: {  	s3 =	sand.u32 $0x4000, s31;
	s1 =	sadd.s32 s1, s30  }
0xbb: {  	s0 =	sor.u32 s3, s0;
	s1 =	sshll.u32 s1, $0x11  }
0xbc: {  	s0 =	sor.u32 s1, s0  }
0xbd: {  	s0 =	sadd.s32 $0x8F2B, s0  }
0xbe: {  	[sflag:s0] =	ssyncadd.remote.s32 $0x1  }
0xbf: {  	_ =	sfence.sel $0xFFFF  }
0xc0: {  	[dreg:$0x0] =	wrdreg $0xFFFFFFFF;
	(pc) =	sbr.abs _section_cstart, $3  }
0xc1: {  	[dreg:$0x1] =	wrdreg $0xFFFFFFFF  }
0xc2: {  	_ =	task.clear_ibuf [dreg:s7], $0x2FFFF;
	_ =	strace $0x9FFFFFFF  }
0xc3: {  	(tm) =	ssettm $0x7FFFFFFF  }
tec
execute0_lowered:
.L_overlay_start_1:
0x0: {  	(tag) =	ssettag $0x1  }
0x1: {  	s7 =	rddreg [dreg:$0x0]  }
0x2: {  	s6 =	rddreg [dreg:$0x1]  }
0x3: {  	s1 =	rddreg [dreg:$0x2];
	s2 =	srdreg.scid  }
0x4: {  	s0 =	rddreg [dreg:$0x3];
	s3 =	simm.s32 $0x0;
	s14 =	simm.s32 $0x1  }
0x5: {  	s15 =	simm.s32 $0x2800;
	s16 =	simm.s32 $0x80;
	s8 =	sand.u32 $0x1, s2  }
0x6: {  	s19 =	simm.s32 $0x0;
	s2 =	stileid.u32;
	s5 =	smul.u32 $0x140000, s8  }
0x7: {  	[smem:$0x7FF] =	sst s3;
	s4 =	sadd.s32 $0x3E00, s6;
	s9 =	smul.u32 $0x14000, s2  }
0x8: {  	_ =	strace $0x80000047;
	s10 =	sshll.u32 s8, $0x4;
	s11 =	smul.u32 $0x50000, s2  }
0x9: {  	s8 =	ssub.s32 $0x2, s8;
	s17 =	sshll.u32 s2, $0x6;
	s10 =	sor.u32 s2, s10  }
0xa: {  	s31 =	sshrl.u32 s8, $0x1;
	s17 =	sor.u32 $0x1C01, s17;
	s9 =	sadd.s32 s9, s5  }
0xb: {  	s5 =	sadd.s32 $0x3600, s6;
	s10 =	smul.u32 $0x500, s10;
	s13 =	ssub.s32 s8, s31  }
0xc: {  	s11 =	sshrl.u32 s11, $0x2;
	s9 =	sshrl.u32 s9, $0x3;
	s13 =	smax.u32 s13, $0x1  }
0xd: {  	s12 =	sadd.s32 s9, s6;
	s6 =	sadd.s32 s11, s1;
	s7 =	sadd.s32 s7, s10  }
0xe: {  	s8 =	sadd.s32 $0x4000, s6;
	s9 =	sadd.s32 $0x8000, s6;
	s10 =	sadd.s32 $0xC000, s6  }
0xf: {  	s11 =	sadd.s32 $0x10000, s6;
	s12 =	sadd.s32 $0x4600, s12;
	s18 =	sshrl.u32 s6, $0x3  }
.LBB2_1:
0x10: {  	[tilespmem:s3], [sflag:$0x1] =	stream.linear.gather [hbm4b:s7+s3], $0x2800, $0x38;
	[tilespmem:$0x9000] =	vst v63  }
0x11: {  	_ =	swait.ge [sflag:s14], $0x2800  }
0x12: {  	[sflag:s14] =	ssyncset.done $0x0  }
0x13: {  	[sflag:s14] =	ssyncadd.s32 $0xFFFFD800  }
0x14: {  	[tilespmem:s15], [sflag:$0x1] =	stream.linear.gather [hbm4b:s4+s3], $0x4000, $0x38;
	[tilespmem:$0x9000] =	vst v63  }
0x15: {  	_ =	swait.ge [sflag:s14], $0x4000  }
0x16: {  	[sflag:s14] =	ssyncset.done $0x0  }
0x17: {  	[sflag:s14] =	ssyncadd.s32 $0xFFFFC000  }
0x18: {  	[spmem:s6] =	stream.linear.scatter [tilespmem:s15], [sflag:$0x1], $0x4000, $0x38;
	[tilespmem:$0x9000] =	vst v63  }
0x19: {  	_ =	swait.ge [sflag:s14], $0x4000  }
0x1a: {  	[sflag:s14] =	ssyncset.done $0x0  }
0x1b: {  	[sflag:s14] =	ssyncadd.s32 $0xFFFFC000  }
0x1c: {  	[spmem:s8] =	stream.linear.scatter [tilespmem:s15], [sflag:$0x1], $0x4000, $0x38;
	[tilespmem:$0x9000] =	vst v63  }
0x1d: {  	_ =	swait.ge [sflag:s14], $0x4000  }
0x1e: {  	[sflag:s14] =	ssyncset.done $0x0  }
0x1f: {  	[sflag:s14] =	ssyncadd.s32 $0xFFFFC000  }
0x20: {  	[spmem:s9] =	stream.linear.scatter [tilespmem:s15], [sflag:$0x1], $0x4000, $0x38;
	[tilespmem:$0x9000] =	vst v63  }
0x21: {  	_ =	swait.ge [sflag:s14], $0x4000  }
0x22: {  	[sflag:s14] =	ssyncset.done $0x0  }
0x23: {  	[sflag:s14] =	ssyncadd.s32 $0xFFFFC000  }
0x24: {  	[spmem:s10] =	stream.linear.scatter [tilespmem:s15], [sflag:$0x1], $0x4000, $0x38;
	[tilespmem:$0x9000] =	vst v63  }
0x25: {  	_ =	swait.ge [sflag:s14], $0x4000  }
0x26: {  	[sflag:s14] =	ssyncset.done $0x0  }
0x27: {  	[sflag:s14] =	ssyncadd.s32 $0xFFFFC000  }
0x28: {  	[spmem:s11] =	stream.linear.scatter [tilespmem:s15], [sflag:$0x1], $0x4000, $0x38;
	[tilespmem:$0x9000] =	vst v63  }
0x29: {  	_ =	swait.ge [sflag:s14], $0x4000  }
0x2a: {  	[sflag:s14] =	ssyncset.done $0x0  }
0x2b: {  	[sflag:s14] =	ssyncadd.s32 $0xFFFFC000  }
0x2c: {  	[bflag:$0x0] =	sbarrier.arrive $0xFFFF  }
0x2d: {  	[tilespmem:s15], [sflag:$0x1] =	stream.linear.gather [hbm4b:s5+s3], $0x4000, $0x38;
	[tilespmem:$0x9000] =	vst v63  }
0x2e: {  	_ =	swait.ge [sflag:s14], $0x4000  }
0x2f: {  	[sflag:s14] =	ssyncset.done $0x0  }
0x30: {  	s20 =	simm.s32 $0x0;
	[sflag:s14] =	ssyncadd.s32 $0xFFFFC000  }
0x31: {  	[spmem:s1] =	stream.indirect.scatter.add.f32 [tilespmem:s15], [sflag:$0x1], $0x10, s20, s16, $0xb8;
	[tilespmem:$0x9000] =	vst v63  }
0x32: {  	_ =	swait.ge [sflag:s14], $0x800  }
0x33: {  	s20 =	simm.s32 $0x200;
	[sflag:s14] =	ssyncset.done $0x0  }
.LBB2_2:
0x34: {  	s21 =	sshra.s32 s20, $0x2;
	[sflag:s14] =	ssyncadd.s32 $0xFFFFF800;
	p0 =	sne.s32 s20, $0x9E00  }
0x35: {  	[spmem:s1] =	stream.indirect.scatter.add.f32 [tilespmem:s15], [sflag:$0x1], $0x10, s21, s16, $0xb8;
	[tilespmem:$0x9000] =	vst v63  }
.Ltmp0:
0x36: {  	_ = 	snop;
	(pc) =	sbr.rel @p0 .LBB2_2-.Ltmp0, $4  }
0x37: {  	_ = 	snop  }
0x38: {  	s20 =	sadd.s32 $0x200, s20  }
0x39: {  	_ =	swait.ge [sflag:s14], $0x800  }
0x3a: {  	[sflag:s14] =	ssyncset.done $0x0  }
0x3b: {  	s19 =	sadd.s32 $0x1, s19  }
0x3c: {  	[sflag:s14] =	ssyncadd.s32 $0xFFFFF800;
	p0 =	sne.s32 s19, s13  }
.Ltmp1:
0x3d: {  	[bflag:$0x0] =	sbarrier.arrive $0xFFFF;
	(pc) =	sbr.rel @p0 .LBB2_1-.Ltmp1, $4  }
0x3e: {  	[hbm:s12], [sflag:s17] =	dma.local [spmem:s18], $0x2800  }
0x3f: {  	_ =	swait.ge [sflag:s14], $0x2800  }
0x40: {  	[sflag:s14] =	ssyncset.done $0x0  }
0x41: {  	[sflag:s14] =	ssyncadd.s32 $0xFFFFD800  }
0x42: {  	_ =	sfence.sel $0x180000  }
0x43: {  	[bflag:$0x0] =	sbarrier.arrive $0xFFFF  }
0x44: {  	p0 =	sne.s32 s2, $0x0;
	_ =	strace $0x90000047  }
0x45: {  	s0 =	sadd.s32 @!p0 $0x100000, s0;
	[bflag:$0x2] =	sbarrier.arrive $0xFFFF  }
0x46: {  	[sflag:s0] =	ssyncadd.tile.s32 @!p0 $0x1;
	_ =	shalt  }
.Lfunc_end2:
_tile_overlayer_lowered:
.L_overlay_start_2:
0x47: {  	(tag) =	ssettag $0x2  }
0x48: {  	s0 =	rddreg [dreg:$0x0];
	s2 =	stileid.u32  }
0x49: {  	s1 =	rddreg [dreg:$0x1];
	p0 =	sne.s32 s2, $0x0  }
0x4a: {  	s3 =	rddreg [dreg:$0x2];
	[bflag:$0x3] =	sbarrier.arrive $0xFFFF;
	s2 =	simm.s32 @!p0 $0x1C01  }
0x4b: {  	[timem:s3], [sflag:s2] =	dma.local @!p0 [hbm:s0], s1  }
0x4c: {  	s0 =	simm.s32 @!p0 $0x1  }
0x4d: {  	_ =	swait.ge @!p0 [sflag:s0], s1  }
0x4e: {  	s1 =	ssub.s32 @!p0 $0x0, s1;
	[sflag:s0] =	ssyncset.done @!p0 $0x0  }
0x4f: {  	[sflag:s0] =	ssyncadd.s32 @!p0 s1  }
0x50: {  	[bflag:$0x3] =	sbarrier.arrive $0xFFFF  }
0x51: {  	_ =	shalt  }

// kernel: kernel.17.cloned.1.call-start
scs
__scs_entry_jumppad:
0x0: {  	(pc) =	sbr.rel $0x88, $3  }
0x1: {  	(tag) =	ssettag $0x0;
	lr =	simm.s32 $0x1  }
0x2: {  	[smem:$0x3F99] =	sst lr;
	_ =	strace $0xD0000000  }
0x3: {  	_ = 	snop  }
0x4: {  	_ = 	snop  }
0x5: {  	_ = 	snop  }
0x6: {  	_ = 	snop  }
0x7: {  	_ = 	snop  }
__scs_overlays_trampoline_lowered:
0x8: {  	[smem:$0x3FA8] =	sst s0  }
0x9: {  	[smem:$0x3FA9] =	sst s1  }
0xa: {  	[smem:$0x3FAA] =	sst s2  }
0xb: {  	[smem:$0x3FAB] =	sst s3  }
0xc: {  	[smem:$0x3FAC] =	sst s4  }
0xd: {  	[smem:$0x3FAD] =	sst s5  }
0xe: {  	[smem:$0x3FAE] =	sst s6  }
0xf: {  	[smem:$0x3FAF] =	sst s7  }
0x10: {  	[smem:$0x3FB0] =	sst s8  }
0x11: {  	[smem:$0x3FB1] =	sst s9;
	s0 =	simm.s32 @!p0 $0x0  }
0x12: {  	s1 =	sld [smem:$0x3F97];
	s0 =	simm.s32 @p0 $0x1  }
0x13: {  	[smem:$0x3FB2] =	sst s0;
	s0 =	simm.s32 @!p1 $0x0  }
0x14: {  	s2 =	sld [smem:$0x3F96];
	s0 =	simm.s32 @p1 $0x1  }
0x15: {  	[smem:$0x3FB3] =	sst s0;
	s0 =	simm.s32 @!p2 $0x0  }
0x16: {  	s3 =	sld [smem:$0x3FDB];
	s0 =	simm.s32 @p2 $0x1  }
0x17: {  	s4 =	simm.s32 $0x1BF5;
	[smem:$0x3FB5] =	sst s0  }
0x18: {  	s0 =	sld [smem:$0x3F98];
	_ =	swait.ge [sflag:s4], $0x0  }
0x19: {  	s7 =	sld [smem:$0x3F99]  }
0x1a: {  	s8 =	sadd.s32 $0xFFFFE003, lr  }
0x1b: {  	s9 =	sadd.s32 $0xFFFFFEF7, lr;
	s5 =	simm.s32 $0xFFFFFFFF;
	p2 =	slt.u32 s8, $0xFFFFF086  }
0x1c: {  	p1 =	slt.u32 s9, $0xF7A;
	s5 =	simm.s32 @!p2 $0x0  }
0x1d: {  	s5 =	simm.s32 @p1 $0x1;
	p0 =	seq.s32 s7, s2  }
0x1e: {  	s7 =	smul.u32 @!p0 $0xF7A, s2;
	p2 =	seq.s32 @!p0 s5, $0x0  }
0x1f: {  	s9 =	smul.u32 $0xF7A, s1;
	s8 =	simm.s32 @!p0 $0x1BF5;
	p2 =	por !p2, p0  }
0x20: {  	[sflag:s8] =	ssyncset.s32 @!p0 $0xFFFFF086;
	s6 =	sadd.s32 @!p0 s3, s7;
	s7 =	simm.s32 @!p0 $0x108  }
0x21: {  	s3 =	sadd.s32 s3, s9;
	s6 =	sadd.s32 @!p0 $0x88, s6;
	s7 =	simm.s32 @p2 $0x1082  }
0x22: {  	[simem:s7], [sflag:s8] =	dma.local @!p0 [hbm:s6], $0xF7A  }
0x23: {  	s9 =	sor.u32 $0xD0000000, s2;
	s6 =	simm.s32 $0x108;
	_ =	swait.ge @!p0 [sflag:s8], $0x0  }
0x24: {  	s3 =	sadd.s32 $0x88, s3;
	s6 =	simm.s32 @!p1 $0x1082;
	[sflag:s4] =	ssyncset.s32 $0xFFFFF086  }
0x25: {  	[simem:s6], [sflag:s4] =	dma.local [hbm:s3], $0xF7A  }
0x26: {  	[smem:$0x3F99] =	sst s1;
	(tag) =	ssettag s2;
	_ =	strace s9  }
0x27: {  	s1 =	sld [smem:$0x3FA9]  }
0x28: {  	s2 =	sld [smem:$0x3FAA]  }
0x29: {  	s4 =	sld [smem:$0x3FAC]  }
0x2a: {  	p0 =	seq.s32 s5, $0x0;
	s5 =	sld [smem:$0x3FAD]  }
0x2b: {  	s6 =	sld [smem:$0x3FAE]  }
0x2c: {  	s7 =	sld [smem:$0x3FAF]  }
0x2d: {  	s3 =	simm.s32 $0x108;
	s8 =	sld [smem:$0x3FB0]  }
0x2e: {  	s3 =	simm.s32 @!p0 $0x1082;
	s9 =	sld [smem:$0x3FB1]  }
0x2f: {  	lr =	sadd.s32 s0, s3;
	s0 =	sld [smem:$0x3FA8]  }
0x30: {  	s3 =	sld [smem:$0x3FAB]  }
0x31: {  	[smem:$0x3FB4] =	sst s10  }
0x32: {  	s10 =	sld [smem:$0x3FB2];
	_ =	sdelay $0x3  }
0x33: {  	p0 =	seq.s32 s10, $0x1;
	s10 =	sld [smem:$0x3FB4];
	_ =	sdelay $0x3  }
0x34: {  	[smem:$0x3FB4] =	sst s10  }
0x35: {  	s10 =	sld [smem:$0x3FB3];
	_ =	sdelay $0x3  }
0x36: {  	p1 =	seq.s32 s10, $0x1;
	s10 =	sld [smem:$0x3FB4];
	_ =	sdelay $0x3  }
0x37: {  	[smem:$0x3FB4] =	sst s10  }
0x38: {  	s10 =	sld [smem:$0x3FB5]  }
0x39: {  	_ = 	snop;
	(pc) =	sbr.ind lr, $3  }
0x3a: {  	_ = 	snop  }
0x3b: {  	_ = 	snop  }
0x3c: {  	p2 =	seq.s32 s10, $0x1;
	s10 =	sld [smem:$0x3FB4]  }
0x3d: {  	_ =	shalt  }
0x3e: {  	_ =	shalt  }
0x3f: {  	_ =	shalt  }
0x40: {  	_ =	shalt  }
0x41: {  	_ =	shalt  }
0x42: {  	_ =	shalt  }
0x43: {  	_ =	shalt  }
0x44: {  	_ =	shalt  }
0x45: {  	_ =	shalt  }
0x46: {  	_ =	shalt  }
0x47: {  	_ =	shalt  }
0x48: {  	_ =	shalt  }
0x49: {  	_ =	shalt  }
0x4a: {  	_ =	shalt  }
0x4b: {  	_ =	shalt  }
0x4c: {  	_ =	shalt  }
0x4d: {  	_ =	shalt  }
0x4e: {  	_ =	shalt  }
0x4f: {  	_ =	shalt  }
0x50: {  	_ =	shalt  }
0x51: {  	_ =	shalt  }
0x52: {  	_ =	shalt  }
0x53: {  	_ =	shalt  }
0x54: {  	_ =	shalt  }
0x55: {  	_ =	shalt  }
0x56: {  	_ =	shalt  }
0x57: {  	_ =	shalt  }
0x58: {  	_ =	shalt  }
0x59: {  	_ =	shalt  }
0x5a: {  	_ =	shalt  }
0x5b: {  	_ =	shalt  }
0x5c: {  	_ =	shalt  }
0x5d: {  	_ =	shalt  }
0x5e: {  	_ =	shalt  }
0x5f: {  	_ =	shalt  }
0x60: {  	_ =	shalt  }
0x61: {  	_ =	shalt  }
0x62: {  	_ =	shalt  }
0x63: {  	_ =	shalt  }
0x64: {  	_ =	shalt  }
0x65: {  	_ =	shalt  }
0x66: {  	_ =	shalt  }
0x67: {  	_ =	shalt  }
0x68: {  	_ =	shalt  }
0x69: {  	_ =	shalt  }
0x6a: {  	_ =	shalt  }
0x6b: {  	_ =	shalt  }
0x6c: {  	_ =	shalt  }
0x6d: {  	_ =	shalt  }
0x6e: {  	_ =	shalt  }
0x6f: {  	_ =	shalt  }
0x70: {  	_ =	shalt  }
0x71: {  	_ =	shalt  }
0x72: {  	_ =	shalt  }
0x73: {  	_ =	shalt  }
0x74: {  	_ =	shalt  }
0x75: {  	_ =	shalt  }
0x76: {  	_ =	shalt  }
0x77: {  	_ =	shalt  }
0x78: {  	_ =	shalt  }
0x79: {  	_ =	shalt  }
0x7a: {  	_ =	shalt  }
0x7b: {  	_ =	shalt  }
0x7c: {  	_ =	shalt  }
0x7d: {  	_ =	shalt  }
0x7e: {  	_ =	shalt  }
0x7f: {  	_ =	shalt  }
0x80: {  	_ =	shalt  }
0x81: {  	_ =	shalt  }
0x82: {  	_ =	shalt  }
0x83: {  	_ =	shalt  }
0x84: {  	_ =	shalt  }
0x85: {  	_ =	shalt  }
0x86: {  	_ =	shalt  }
0x87: {  	_ =	shalt  }
.Lfunc_end0:
.L_simem_size_0:
called_computation.1_lowered:
.L_overlay_start_0:
0x88: {  	s2 =	sld [smem:$0x3FD9]  }
0x89: {  	s3 =	sld [smem:$0x3FFE];
	_ =	sdelay $0x1  }
0x8a: {  	s1 =	srdreg.scid  }
0x8b: {  	s0 =	sand.u32 $0x1, s1  }
0x8c: {  	s17 =	sshll.u32 s0, $0xA;
	s2 =	sadd.s32 s3, s2  }
0x8d: {  	s2 =	sadd.s32 s2, s17  }
0x8e: {  	[smem:$0x3FC0] =	sst s2  }
0x8f: {  	_ = 	snop  }
0x90: {  	s2 =	sld [smem:$0x3FD0];
	(tm) =	ssettm $0x1  }
0x91: {  	s18 =	sld [smem:$0x3FFB];
	_ =	sdelay $0x3  }
0x92: {  	_ =	strace s18  }
0x93: {  	s3 =	sld [smem:$0x3FFC];
	_ =	sdelay $0x3  }
0x94: {  	_ =	strace s3  }
0x95: {  	s3 =	sld [smem:$0x3FFD];
	_ =	sdelay $0x3  }
0x96: {  	_ =	strace s3  }
0x97: {  	_ =	strace $0x8FFFFFFF  }
0x98: {  	s19 =	sld [smem:$0x3FDB];
	_ =	sdelay $0x1  }
0x99: {  	s4 =	simm.s32 $_scs_section_size  }
0x9a: {  	s5 =	simm.s32 $_size__tile_overlayer_lowered;
	s6 =	simm.s32 $_tile_overlayer_lowered  }
0x9b: {  	s22 =	simm.s32 $0x1BFF;
	s21 =	sshll.u32 s6, $0x1;
	s3 =	sadd.s32 s4, s19  }
0x9c: {  	s7 =	simm.s32 $0x0;
	s20 =	sshll.u32 s5, $0x1;
	s5 =	sadd.s32 s21, s3  }
0x9d: {  	[timem:s7], [sflag:s22] =	dma.local [hbm:s5], s20  }
0x9e: {  	_ =	swait.ge [sflag:s22], s20  }
0x9f: {  	s4 =	ssub.s32 $0x0, s20;
	[sflag:s22] =	ssyncset.done $0x0  }
0xa0: {  	[sflag:s22] =	ssyncadd.s32 s4;
	_ =	sdelay $0x1  }
0xa1: {  	s23 =	simm.s32 $0x1B8B  }
0xa2: {  	_ =	swait.ge [sflag:s23], $0x1  }
0xa3: {  	[sflag:s23] =	ssyncset.done $0x0  }
0xa4: {  	s25 =	simm.s32 $0x1B8E;
	s24 =	sld [smem:$0x3FFE];
	[sflag:s23] =	ssyncadd.s32 $0xFFFFFFFF  }
0xa5: {  	s26 =	simm.s32 $execute0_lowered;
	[smem:$0x3FD2] =	sst s25  }
0xa6: {  	s5 =	sshll.u32 s26, $0x1;
	_ =	strace $0x80000049;
	[dreg:$0x1] =	wrdreg $0xFFFFFFFF  }
0xa7: {  	s28 =	simm.s32 $_size_execute0_lowered;
	s3 =	sadd.s32 s3, s5;
	[dreg:$0x0] =	wrdreg $0x0  }
0xa8: {  	s5 =	sshll.u32 s28, $0x1;
	[dreg:$0x2] =	wrdreg s3  }
0xa9: {  	[dreg:$0x3] =	wrdreg s5  }
0xaa: {  	[dreg:$0x4] =	wrdreg $0xC0  }
0xab: {  	_ =	task [dreg:s7], $0x5FFFF  }
0xac: {  	[dreg:$0x1] =	wrdreg $0xFFFFFFFF  }
0xad: {  	[dreg:$0x0] =	wrdreg $0x60  }
0xae: {  	[dreg:$0x2] =	wrdreg s24  }
0xaf: {  	[dreg:$0x3] =	wrdreg s2  }
0xb0: {  	[dreg:$0x4] =	wrdreg $0x140000  }
0xb1: {  	[dreg:$0x5] =	wrdreg $0x9  }
0xb2: {  	_ =	task.clear_ibuf [dreg:s7], $0x6FFFF;
	_ =	strace $0x90000049  }
0xb3: {  	s29 =	simm.s32 $0x9;
	_ =	strace $0x8000004B  }
0xb4: {  	_ =	swait.ge [sflag:s29], $0x1  }
0xb5: {  	[sflag:s29] =	ssyncadd.s32 $0xFFFFFFFF  }
0xb6: {  	_ =	strace $0x9000004B  }
0xb7: {  	_ =	sfence  }
0xb8: {  	s30 =	sld [smem:$0x0];
	_ =	sdelay $0x2  }
0xb9: {  	s31 =	sshll.u32 s1, $0xD;
	s1 =	sshrl.u32 s1, $0x2  }
0xba: {  	s3 =	sand.u32 $0x4000, s31;
	s1 =	sadd.s32 s1, s30  }
0xbb: {  	s0 =	sor.u32 s3, s0;
	s1 =	sshll.u32 s1, $0x11  }
0xbc: {  	s0 =	sor.u32 s1, s0  }
0xbd: {  	s0 =	sadd.s32 $0x8F2B, s0  }
0xbe: {  	[sflag:s0] =	ssyncadd.remote.s32 $0x1  }
0xbf: {  	_ =	sfence.sel $0xFFFF  }
0xc0: {  	[dreg:$0x0] =	wrdreg $0xFFFFFFFF;
	(pc) =	sbr.abs _section_cstart, $3  }
0xc1: {  	[dreg:$0x1] =	wrdreg $0xFFFFFFFF  }
0xc2: {  	_ =	task.clear_ibuf [dreg:s7], $0x2FFFF;
	_ =	strace $0x9FFFFFFF  }
0xc3: {  	(tm) =	ssettm $0x7FFFFFFF  }
tec
execute0_lowered:
.L_overlay_start_1:
0x0: {  	(tag) =	ssettag $0x1  }
0x1: {  	s0 =	rddreg [dreg:$0x0];
	s8 =	stileid.u32  }
0x2: {  	s1 =	srdreg.scid;
	s3 =	rddreg [dreg:$0x2]  }
0x3: {  	s4 =	simm.s32 $0x0;
	s15 =	simm.s32 $0x6;
	s17 =	simm.s32 $0xA000  }
0x4: {  	s18 =	simm.s32 $0x80;
	s19 =	simm.s32 $0xC000;
	s21 =	simm.s32 $0xE000  }
0x5: {  	s23 =	simm.s32 $0x10000;
	s28 =	simm.s32 $0x2;
	s29 =	simm.s32 $0x3  }
0x6: {  	s30 =	simm.s32 $0x4;
	s31 =	simm.s32 $0x5;
	s2 =	smul.u32 $0xA00, s8  }
0x7: {  	s16 =	simm.s32 $0x9F00;
	s20 =	simm.s32 $0x9F80;
	s7 =	smul.u32 $0xA000, s8  }
0x8: {  	s22 =	simm.s32 $0x0;
	s1 =	sand.u32 $0x1, s1;
	s8 =	smul.u32 $0x28000, s8  }
0x9: {  	[smem:$0x7FF] =	sst s4;
	s5 =	smul.u32 $0xA0000, s1;
	s1 =	ssub.s32 $0x2, s1  }
0xa: {  	_ =	strace $0x8000004A;
	s2 =	sadd.s32 s2, s0;
	s25 =	sshrl.u32 s1, $0x1  }
0xb: {  	s8 =	sshrl.u32 s8, $0x2;
	s6 =	sshrl.u32 s5, $0x3;
	s5 =	sadd.s32 s7, s5  }
0xc: {  	s1 =	ssub.s32 s1, s25;
	s26 =	sadd.s32 s8, s3;
	s7 =	sadd.s32 s7, s3  }
0xd: {  	s25 =	simm.s32 $0x12000;
	s12 =	sadd.s32 s6, s0;
	s5 =	sshrl.u32 s5, $0x3  }
0xe: {  	s6 =	sadd.s32 $0x54600, s2;
	s8 =	sadd.s32 $0x2000, s26;
	s9 =	sadd.s32 $0x4000, s26  }
0xf: {  	s10 =	sadd.s32 $0x6000, s26;
	s11 =	sadd.s32 $0x8000, s26;
	s14 =	smax.u32 s1, $0x1  }
0x10: {  	s26 =	simm.s32 $0x1;
	s0 =	sadd.s32 s5, s0;
	s5 =	sadd.s32 $0x5E600, s2  }
0x11: {  	s12 =	sadd.s32 $0x68600, s12;
	s13 =	sadd.s32 $0x90600, s0;
	s0 =	simm.s32 $0x9E80  }
.LBB2_1:
0x12: {  	[tilespmem:s4], [sflag:$0x6] =	stream.linear.gather [hbm4b:s5+s4], $0x5000, $0x38;
	[tilespmem:$0x1E000] =	vst v63  }
0x13: {  	_ =	swait.ge [sflag:s15], $0x5000  }
0x14: {  	[sflag:s15] =	ssyncset.done $0x0  }
0x15: {  	s1 =	simm.s32 $0x5000;
	[sflag:s15] =	ssyncadd.s32 $0xFFFFB000  }
0x16: {  	[tilespmem:s1], [sflag:$0x6] =	stream.linear.gather [hbm4b:s6+s4], $0x5000, $0x38;
	[tilespmem:$0x1E000] =	vst v63  }
0x17: {  	_ =	swait.ge [sflag:s15], $0x5000  }
0x18: {  	[sflag:s15] =	ssyncset.done $0x0  }
0x19: {  	[sflag:s15] =	ssyncadd.s32 $0xFFFFB000  }
0x1a: {  	s24 =	rddreg [dreg:$0x1]  }
0x1b: {  	[tilespmem:s17], [sflag:$0x6] =	stream.linear.gather [hbm4b:s24+s4], $0x2000, $0x38;
	[tilespmem:$0x1E000] =	vst v63  }
0x1c: {  	_ =	swait.ge [sflag:s15], $0x2000  }
0x1d: {  	[sflag:s15] =	ssyncset.done $0x0  }
0x1e: {  	[sflag:s15] =	ssyncadd.s32 $0xFFFFE000  }
0x1f: {  	[spmem:s7] =	stream.linear.scatter [tilespmem:s17], [sflag:$0x6], $0x2000, $0x38;
	[tilespmem:$0x1E000] =	vst v63  }
0x20: {  	_ =	swait.ge [sflag:s15], $0x2000  }
0x21: {  	[sflag:s15] =	ssyncset.done $0x0  }
0x22: {  	[sflag:s15] =	ssyncadd.s32 $0xFFFFE000  }
0x23: {  	[spmem:s8] =	stream.linear.scatter [tilespmem:s17], [sflag:$0x6], $0x2000, $0x38;
	[tilespmem:$0x1E000] =	vst v63  }
0x24: {  	_ =	swait.ge [sflag:s15], $0x2000  }
0x25: {  	[sflag:s15] =	ssyncset.done $0x0  }
0x26: {  	[sflag:s15] =	ssyncadd.s32 $0xFFFFE000  }
0x27: {  	[spmem:s9] =	stream.linear.scatter [tilespmem:s17], [sflag:$0x6], $0x2000, $0x38;
	[tilespmem:$0x1E000] =	vst v63  }
0x28: {  	_ =	swait.ge [sflag:s15], $0x2000  }
0x29: {  	[sflag:s15] =	ssyncset.done $0x0  }
0x2a: {  	[sflag:s15] =	ssyncadd.s32 $0xFFFFE000  }
0x2b: {  	[spmem:s10] =	stream.linear.scatter [tilespmem:s17], [sflag:$0x6], $0x2000, $0x38;
	[tilespmem:$0x1E000] =	vst v63  }
0x2c: {  	_ =	swait.ge [sflag:s15], $0x2000  }
0x2d: {  	[sflag:s15] =	ssyncset.done $0x0  }
0x2e: {  	[sflag:s15] =	ssyncadd.s32 $0xFFFFE000  }
0x2f: {  	[spmem:s11] =	stream.linear.scatter [tilespmem:s17], [sflag:$0x6], $0x2000, $0x38;
	[tilespmem:$0x1E000] =	vst v63  }
0x30: {  	_ =	swait.ge [sflag:s15], $0x2000  }
0x31: {  	[sflag:s15] =	ssyncset.done $0x0  }
0x32: {  	[sflag:s15] =	ssyncadd.s32 $0xFFFFE000  }
0x33: {  	[bflag:$0x0] =	sbarrier.arrive $0xFFFF  }
0x34: {  	[tilespmem:s17], [sflag:$0x1] =	stream.indirect.gather [hbm4b:s12+s18], $0x40, s4, s18, $0xb8;
	[tilespmem:$0x1E000] =	vst v63  }
0x35: {  	_ = 	snop  }
0x36: {  	[tilespmem:s19], [sflag:$0x2] =	stream.indirect.gather [hbm4b:s12+s18], $0x40, s18, s18, $0xb8;
	[tilespmem:$0x1E000] =	vst v63  }
0x37: {  	s2 =	simm.s32 $0x100  }
0x38: {  	[tilespmem:s21], [sflag:$0x3] =	stream.indirect.gather [hbm4b:s12+s18], $0x40, s2, s18, $0xb8;
	[tilespmem:$0x1E000] =	vst v63  }
0x39: {  	s24 =	simm.s32 $0x180  }
0x3a: {  	[tilespmem:s23], [sflag:$0x4] =	stream.indirect.gather [hbm4b:s12+s18], $0x40, s24, s18, $0xb8;
	[tilespmem:$0x1E000] =	vst v63  }
0x3b: {  	s2 =	simm.s32 $0x200  }
0x3c: {  	[tilespmem:s25], [sflag:$0x5] =	stream.indirect.gather [hbm4b:s12+s18], $0x40, s2, s18, $0xb8;
	[tilespmem:$0x1E000] =	vst v63  }
0x3d: {  	_ =	swait.ge [sflag:s26], $0x2000  }
0x3e: {  	[sflag:s26] =	ssyncset.done $0x0  }
0x3f: {  	s24 =	simm.s32 $0x5000;
	[sflag:s26] =	ssyncadd.s32 $0xFFFFE000  }
0x40: {  	[spmem:s3] =	stream.indirect.scatter.add.f32 [tilespmem:s17], [sflag:$0x6], $0x40, s24, s18, $0xb8;
	[tilespmem:$0x1E000] =	vst v63  }
0x41: {  	_ =	swait.ge [sflag:s15], $0x2000  }
0x42: {  	[sflag:s15] =	ssyncset.done $0x0  }
0x43: {  	s2 =	simm.s32 $0x280;
	[sflag:s15] =	ssyncadd.s32 $0xFFFFE000  }
0x44: {  	[tilespmem:s17], [sflag:$0x1] =	stream.indirect.gather [hbm4b:s12+s18], $0x40, s2, s18, $0xb8;
	[tilespmem:$0x1E000] =	vst v63  }
0x45: {  	_ =	swait.ge [sflag:s28], $0x2000  }
0x46: {  	[sflag:s28] =	ssyncset.done $0x0  }
0x47: {  	s24 =	simm.s32 $0x5080;
	[sflag:s28] =	ssyncadd.s32 $0xFFFFE000  }
0x48: {  	[spmem:s3] =	stream.indirect.scatter.add.f32 [tilespmem:s19], [sflag:$0x6], $0x40, s24, s18, $0xb8;
	[tilespmem:$0x1E000] =	vst v63  }
0x49: {  	_ =	swait.ge [sflag:s15], $0x2000  }
0x4a: {  	[sflag:s15] =	ssyncset.done $0x0  }
0x4b: {  	s2 =	simm.s32 $0x300;
	[sflag:s15] =	ssyncadd.s32 $0xFFFFE000  }
0x4c: {  	[tilespmem:s19], [sflag:$0x2] =	stream.indirect.gather [hbm4b:s12+s18], $0x40, s2, s18, $0xb8;
	[tilespmem:$0x1E000] =	vst v63  }
0x4d: {  	_ =	swait.ge [sflag:s29], $0x2000  }
0x4e: {  	[sflag:s29] =	ssyncset.done $0x0  }
0x4f: {  	s24 =	simm.s32 $0x5100;
	[sflag:s29] =	ssyncadd.s32 $0xFFFFE000  }
0x50: {  	[spmem:s3] =	stream.indirect.scatter.add.f32 [tilespmem:s21], [sflag:$0x6], $0x40, s24, s18, $0xb8;
	[tilespmem:$0x1E000] =	vst v63  }
0x51: {  	_ =	swait.ge [sflag:s15], $0x2000  }
0x52: {  	[sflag:s15] =	ssyncset.done $0x0  }
0x53: {  	s2 =	simm.s32 $0x380;
	[sflag:s15] =	ssyncadd.s32 $0xFFFFE000  }
0x54: {  	[tilespmem:s21], [sflag:$0x3] =	stream.indirect.gather [hbm4b:s12+s18], $0x40, s2, s18, $0xb8;
	[tilespmem:$0x1E000] =	vst v63  }
0x55: {  	_ =	swait.ge [sflag:s30], $0x2000  }
0x56: {  	[sflag:s30] =	ssyncset.done $0x0  }
0x57: {  	s24 =	simm.s32 $0x5180;
	[sflag:s30] =	ssyncadd.s32 $0xFFFFE000  }
0x58: {  	[spmem:s3] =	stream.indirect.scatter.add.f32 [tilespmem:s23], [sflag:$0x6], $0x40, s24, s18, $0xb8;
	[tilespmem:$0x1E000] =	vst v63  }
0x59: {  	_ =	swait.ge [sflag:s15], $0x2000  }
0x5a: {  	[sflag:s15] =	ssyncset.done $0x0  }
0x5b: {  	s2 =	simm.s32 $0x400;
	[sflag:s15] =	ssyncadd.s32 $0xFFFFE000  }
0x5c: {  	[tilespmem:s23], [sflag:$0x4] =	stream.indirect.gather [hbm4b:s12+s18], $0x40, s2, s18, $0xb8;
	[tilespmem:$0x1E000] =	vst v63  }
0x5d: {  	_ =	swait.ge [sflag:s31], $0x2000  }
0x5e: {  	[sflag:s31] =	ssyncset.done $0x0  }
0x5f: {  	s24 =	simm.s32 $0x5200;
	[sflag:s31] =	ssyncadd.s32 $0xFFFFE000  }
0x60: {  	[spmem:s3] =	stream.indirect.scatter.add.f32 [tilespmem:s25], [sflag:$0x6], $0x40, s24, s18, $0xb8;
	[tilespmem:$0x1E000] =	vst v63  }
0x61: {  	_ =	swait.ge [sflag:s15], $0x2000  }
0x62: {  	[sflag:s15] =	ssyncset.done $0x0  }
0x63: {  	s1 =	simm.s32 $0x480;
	s24 =	simm.s32 $0xA00;
	[sflag:s15] =	ssyncadd.s32 $0xFFFFE000  }
.LBB2_2:
0x64: {  	[tilespmem:s25], [sflag:$0x5] =	stream.indirect.gather [hbm4b:s12+s18], $0x40, s1, s18, $0xb8;
	[tilespmem:$0x1E000] =	vst v63  }
0x65: {  	s1 =	smov.u32 s24  }
0x66: {  	p0 =	sne.s32 s24, $0x12C00;
	s24 =	sadd.s32 $0xA00, s24;
	_ =	swait.ge [sflag:s26], $0x2000  }
0x67: {  	s1 =	sshra.s32 s1, $0x2;
	[sflag:s26] =	ssyncset.done $0x0  }
0x68: {  	s2 =	sadd.s32 $0x5000, s1;
	[sflag:s26] =	ssyncadd.s32 $0xFFFFE000  }
0x69: {  	[spmem:s3] =	stream.indirect.scatter.add.f32 [tilespmem:s17], [sflag:$0x6], $0x40, s2, s18, $0xb8;
	[tilespmem:$0x1E000] =	vst v63  }
0x6a: {  	_ =	swait.ge [sflag:s15], $0x2000  }
0x6b: {  	[sflag:s15] =	ssyncset.done $0x0  }
0x6c: {  	s2 =	sadd.s32 $0x280, s1;
	[sflag:s15] =	ssyncadd.s32 $0xFFFFE000  }
0x6d: {  	[tilespmem:s17], [sflag:$0x1] =	stream.indirect.gather [hbm4b:s12+s18], $0x40, s2, s18, $0xb8;
	[tilespmem:$0x1E000] =	vst v63  }
0x6e: {  	_ =	swait.ge [sflag:s28], $0x2000  }
0x6f: {  	[sflag:s28] =	ssyncset.done $0x0  }
0x70: {  	s2 =	sadd.s32 $0x5080, s1;
	[sflag:s28] =	ssyncadd.s32 $0xFFFFE000  }
0x71: {  	[spmem:s3] =	stream.indirect.scatter.add.f32 [tilespmem:s19], [sflag:$0x6], $0x40, s2, s18, $0xb8;
	[tilespmem:$0x1E000] =	vst v63  }
0x72: {  	_ =	swait.ge [sflag:s15], $0x2000  }
0x73: {  	[sflag:s15] =	ssyncset.done $0x0  }
0x74: {  	s2 =	sadd.s32 $0x300, s1;
	[sflag:s15] =	ssyncadd.s32 $0xFFFFE000  }
0x75: {  	[tilespmem:s19], [sflag:$0x2] =	stream.indirect.gather [hbm4b:s12+s18], $0x40, s2, s18, $0xb8;
	[tilespmem:$0x1E000] =	vst v63  }
0x76: {  	_ =	swait.ge [sflag:s29], $0x2000  }
0x77: {  	[sflag:s29] =	ssyncset.done $0x0  }
0x78: {  	s2 =	sadd.s32 $0x5100, s1;
	[sflag:s29] =	ssyncadd.s32 $0xFFFFE000  }
0x79: {  	[spmem:s3] =	stream.indirect.scatter.add.f32 [tilespmem:s21], [sflag:$0x6], $0x40, s2, s18, $0xb8;
	[tilespmem:$0x1E000] =	vst v63  }
0x7a: {  	_ =	swait.ge [sflag:s15], $0x2000  }
0x7b: {  	[sflag:s15] =	ssyncset.done $0x0  }
0x7c: {  	s2 =	sadd.s32 $0x380, s1;
	[sflag:s15] =	ssyncadd.s32 $0xFFFFE000  }
0x7d: {  	[tilespmem:s21], [sflag:$0x3] =	stream.indirect.gather [hbm4b:s12+s18], $0x40, s2, s18, $0xb8;
	[tilespmem:$0x1E000] =	vst v63  }
0x7e: {  	_ =	swait.ge [sflag:s30], $0x2000  }
0x7f: {  	[sflag:s30] =	ssyncset.done $0x0  }
0x80: {  	s2 =	sadd.s32 $0x5180, s1;
	[sflag:s30] =	ssyncadd.s32 $0xFFFFE000  }
0x81: {  	[spmem:s3] =	stream.indirect.scatter.add.f32 [tilespmem:s23], [sflag:$0x6], $0x40, s2, s18, $0xb8;
	[tilespmem:$0x1E000] =	vst v63  }
0x82: {  	_ =	swait.ge [sflag:s15], $0x2000  }
0x83: {  	[sflag:s15] =	ssyncset.done $0x0  }
0x84: {  	s2 =	sadd.s32 $0x400, s1;
	[sflag:s15] =	ssyncadd.s32 $0xFFFFE000  }
0x85: {  	[tilespmem:s23], [sflag:$0x4] =	stream.indirect.gather [hbm4b:s12+s18], $0x40, s2, s18, $0xb8;
	[tilespmem:$0x1E000] =	vst v63  }
0x86: {  	_ =	swait.ge [sflag:s31], $0x2000  }
0x87: {  	[sflag:s31] =	ssyncset.done $0x0  }
.Ltmp0:
0x88: {  	s2 =	sadd.s32 $0x5200, s1;
	[sflag:s31] =	ssyncadd.s32 $0xFFFFE000;
	(pc) =	sbr.rel @p0 .LBB2_2-.Ltmp0, $4  }
0x89: {  	[spmem:s3] =	stream.indirect.scatter.add.f32 [tilespmem:s25], [sflag:$0x6], $0x40, s2, s18, $0xb8;
	[tilespmem:$0x1E000] =	vst v63  }
0x8a: {  	_ =	swait.ge [sflag:s15], $0x2000  }
0x8b: {  	[sflag:s15] =	ssyncset.done $0x0  }
0x8c: {  	s1 =	sadd.s32 $0x480, s1;
	[sflag:s15] =	ssyncadd.s32 $0xFFFFE000  }
0x8d: {  	[tilespmem:s25], [sflag:$0x5] =	stream.indirect.gather [hbm4b:s12+s18], $0x40, s1, s18, $0xb8;
	[tilespmem:$0x1E000] =	vst v63  }
0x8e: {  	_ =	swait.ge [sflag:s26], $0x2000  }
0x8f: {  	[sflag:s26] =	ssyncset.done $0x0  }
0x90: {  	s24 =	simm.s32 $0x9D80;
	[sflag:s26] =	ssyncadd.s32 $0xFFFFE000  }
0x91: {  	[spmem:s3] =	stream.indirect.scatter.add.f32 [tilespmem:s17], [sflag:$0x6], $0x40, s24, s18, $0xb8;
	[tilespmem:$0x1E000] =	vst v63  }
0x92: {  	_ =	swait.ge [sflag:s15], $0x2000  }
0x93: {  	[sflag:s15] =	ssyncset.done $0x0  }
0x94: {  	[sflag:s15] =	ssyncadd.s32 $0xFFFFE000  }
0x95: {  	_ =	swait.ge [sflag:s28], $0x2000  }
0x96: {  	[sflag:s28] =	ssyncset.done $0x0  }
0x97: {  	s2 =	simm.s32 $0x9E00;
	[sflag:s28] =	ssyncadd.s32 $0xFFFFE000  }
0x98: {  	[spmem:s3] =	stream.indirect.scatter.add.f32 [tilespmem:s19], [sflag:$0x6], $0x40, s2, s18, $0xb8;
	[tilespmem:$0x1E000] =	vst v63  }
0x99: {  	_ =	swait.ge [sflag:s15], $0x2000  }
0x9a: {  	[sflag:s15] =	ssyncset.done $0x0  }
0x9b: {  	[sflag:s15] =	ssyncadd.s32 $0xFFFFE000  }
0x9c: {  	_ =	swait.ge [sflag:s29], $0x2000  }
0x9d: {  	[sflag:s29] =	ssyncset.done $0x0  }
0x9e: {  	[sflag:s29] =	ssyncadd.s32 $0xFFFFE000  }
0x9f: {  	[spmem:s3] =	stream.indirect.scatter.add.f32 [tilespmem:s21], [sflag:$0x6], $0x40, s0, s18, $0xb8;
	[tilespmem:$0x1E000] =	vst v63  }
0xa0: {  	_ =	swait.ge [sflag:s15], $0x2000  }
0xa1: {  	[sflag:s15] =	ssyncset.done $0x0  }
0xa2: {  	[sflag:s15] =	ssyncadd.s32 $0xFFFFE000  }
0xa3: {  	_ =	swait.ge [sflag:s30], $0x2000  }
0xa4: {  	[sflag:s30] =	ssyncset.done $0x0  }
0xa5: {  	[sflag:s30] =	ssyncadd.s32 $0xFFFFE000  }
0xa6: {  	[spmem:s3] =	stream.indirect.scatter.add.f32 [tilespmem:s23], [sflag:$0x6], $0x40, s16, s18, $0xb8;
	[tilespmem:$0x1E000] =	vst v63  }
0xa7: {  	_ =	swait.ge [sflag:s15], $0x2000  }
0xa8: {  	[sflag:s15] =	ssyncset.done $0x0  }
0xa9: {  	[sflag:s15] =	ssyncadd.s32 $0xFFFFE000  }
0xaa: {  	_ =	swait.ge [sflag:s31], $0x2000  }
0xab: {  	[sflag:s31] =	ssyncset.done $0x0  }
0xac: {  	[sflag:s31] =	ssyncadd.s32 $0xFFFFE000  }
0xad: {  	[spmem:s3] =	stream.indirect.scatter.add.f32 [tilespmem:s25], [sflag:$0x6], $0x40, s20, s18, $0xb8;
	[tilespmem:$0x1E000] =	vst v63  }
0xae: {  	s24 =	stileid.u32;
	_ =	swait.ge [sflag:s15], $0x2000  }
0xaf: {  	s22 =	sadd.s32 $0x1, s22;
	s1 =	sshll.u32 s24, $0x6;
	[sflag:s15] =	ssyncset.done $0x0  }
0xb0: {  	p0 =	sne.s32 s22, s14;
	s1 =	sor.u32 $0x1C06, s1;
	[sflag:s15] =	ssyncadd.s32 $0xFFFFE000  }
.Ltmp1:
0xb1: {  	s2 =	sshrl.u32 s7, $0x3;
	[bflag:$0x0] =	sbarrier.arrive $0xFFFF;
	(pc) =	sbr.rel @p0 .LBB2_1-.Ltmp1, $4  }
0xb2: {  	[hbm:s13], [sflag:s1] =	dma.local [spmem:s2], $0x1400  }
0xb3: {  	_ =	swait.ge [sflag:s15], $0x1400  }
0xb4: {  	[sflag:s15] =	ssyncset.done $0x0  }
0xb5: {  	[sflag:s15] =	ssyncadd.s32 $0xFFFFEC00  }
0xb6: {  	_ =	sfence.sel $0x180000  }
0xb7: {  	[bflag:$0x0] =	sbarrier.arrive $0xFFFF  }
0xb8: {  	_ =	strace $0x9000004A  }
0xb9: {  	s0 =	stileid.u32;
	[bflag:$0x2] =	sbarrier.arrive $0xFFFF  }
0xba: {  	p0 =	sne.s32 s0, $0x0;
	s0 =	rddreg [dreg:$0x3]  }
0xbb: {  	s0 =	sadd.s32 @!p0 $0x100000, s0  }
0xbc: {  	[sflag:s0] =	ssyncadd.tile.s32 @!p0 $0x1;
	_ =	shalt  }
.Lfunc_end2:
_tile_overlayer_lowered:
.L_overlay_start_2:
0xbd: {  	(tag) =	ssettag $0x2  }
0xbe: {  	s0 =	rddreg [dreg:$0x0];
	s2 =	stileid.u32  }
0xbf: {  	s1 =	rddreg [dreg:$0x1];
	p0 =	sne.s32 s2, $0x0  }
0xc0: {  	s3 =	rddreg [dreg:$0x2];
	[bflag:$0x3] =	sbarrier.arrive $0xFFFF;
	s2 =	simm.s32 @!p0 $0x1C06  }
0xc1: {  	[timem:s3], [sflag:s2] =	dma.local @!p0 [hbm:s0], s1  }
0xc2: {  	s0 =	simm.s32 @!p0 $0x6  }
0xc3: {  	_ =	swait.ge @!p0 [sflag:s0], s1  }
0xc4: {  	s1 =	ssub.s32 @!p0 $0x0, s1;
	[sflag:s0] =	ssyncset.done @!p0 $0x0  }
0xc5: {  	[sflag:s0] =	ssyncadd.s32 @!p0 s1  }
0xc6: {  	[bflag:$0x3] =	sbarrier.arrive $0xFFFF  }
0xc7: {  	_ =	shalt  }

// kernel: kernel.20.cloned.1.call-start
scs
__scs_entry_jumppad:
0x0: {  	(pc) =	sbr.rel $0x88, $3  }
0x1: {  	(tag) =	ssettag $0x0;
	lr =	simm.s32 $0x1  }
0x2: {  	[smem:$0x3F99] =	sst lr;
	_ =	strace $0xD0000000  }
0x3: {  	_ = 	snop  }
0x4: {  	_ = 	snop  }
0x5: {  	_ = 	snop  }
0x6: {  	_ = 	snop  }
0x7: {  	_ = 	snop  }
__scs_overlays_trampoline_lowered:
0x8: {  	[smem:$0x3FA8] =	sst s0  }
0x9: {  	[smem:$0x3FA9] =	sst s1  }
0xa: {  	[smem:$0x3FAA] =	sst s2  }
0xb: {  	[smem:$0x3FAB] =	sst s3  }
0xc: {  	[smem:$0x3FAC] =	sst s4  }
0xd: {  	[smem:$0x3FAD] =	sst s5  }
0xe: {  	[smem:$0x3FAE] =	sst s6  }
0xf: {  	[smem:$0x3FAF] =	sst s7  }
0x10: {  	[smem:$0x3FB0] =	sst s8  }
0x11: {  	[smem:$0x3FB1] =	sst s9;
	s0 =	simm.s32 @!p0 $0x0  }
0x12: {  	s1 =	sld [smem:$0x3F97];
	s0 =	simm.s32 @p0 $0x1  }
0x13: {  	[smem:$0x3FB2] =	sst s0;
	s0 =	simm.s32 @!p1 $0x0  }
0x14: {  	s2 =	sld [smem:$0x3F96];
	s0 =	simm.s32 @p1 $0x1  }
0x15: {  	[smem:$0x3FB3] =	sst s0;
	s0 =	simm.s32 @!p2 $0x0  }
0x16: {  	s3 =	sld [smem:$0x3FDB];
	s0 =	simm.s32 @p2 $0x1  }
0x17: {  	s4 =	simm.s32 $0x1BF5;
	[smem:$0x3FB5] =	sst s0  }
0x18: {  	s0 =	sld [smem:$0x3F98];
	_ =	swait.ge [sflag:s4], $0x0  }
0x19: {  	s7 =	sld [smem:$0x3F99]  }
0x1a: {  	s8 =	sadd.s32 $0xFFFFE003, lr  }
0x1b: {  	s9 =	sadd.s32 $0xFFFFFEF7, lr;
	s5 =	simm.s32 $0xFFFFFFFF;
	p2 =	slt.u32 s8, $0xFFFFF086  }
0x1c: {  	p1 =	slt.u32 s9, $0xF7A;
	s5 =	simm.s32 @!p2 $0x0  }
0x1d: {  	s5 =	simm.s32 @p1 $0x1;
	p0 =	seq.s32 s7, s2  }
0x1e: {  	s7 =	smul.u32 @!p0 $0xF7A, s2;
	p2 =	seq.s32 @!p0 s5, $0x0  }
0x1f: {  	s9 =	smul.u32 $0xF7A, s1;
	s8 =	simm.s32 @!p0 $0x1BF5;
	p2 =	por !p2, p0  }
0x20: {  	[sflag:s8] =	ssyncset.s32 @!p0 $0xFFFFF086;
	s6 =	sadd.s32 @!p0 s3, s7;
	s7 =	simm.s32 @!p0 $0x108  }
0x21: {  	s3 =	sadd.s32 s3, s9;
	s6 =	sadd.s32 @!p0 $0x88, s6;
	s7 =	simm.s32 @p2 $0x1082  }
0x22: {  	[simem:s7], [sflag:s8] =	dma.local @!p0 [hbm:s6], $0xF7A  }
0x23: {  	s9 =	sor.u32 $0xD0000000, s2;
	s6 =	simm.s32 $0x108;
	_ =	swait.ge @!p0 [sflag:s8], $0x0  }
0x24: {  	s3 =	sadd.s32 $0x88, s3;
	s6 =	simm.s32 @!p1 $0x1082;
	[sflag:s4] =	ssyncset.s32 $0xFFFFF086  }
0x25: {  	[simem:s6], [sflag:s4] =	dma.local [hbm:s3], $0xF7A  }
0x26: {  	[smem:$0x3F99] =	sst s1;
	(tag) =	ssettag s2;
	_ =	strace s9  }
0x27: {  	s1 =	sld [smem:$0x3FA9]  }
0x28: {  	s2 =	sld [smem:$0x3FAA]  }
0x29: {  	s4 =	sld [smem:$0x3FAC]  }
0x2a: {  	p0 =	seq.s32 s5, $0x0;
	s5 =	sld [smem:$0x3FAD]  }
0x2b: {  	s6 =	sld [smem:$0x3FAE]  }
0x2c: {  	s7 =	sld [smem:$0x3FAF]  }
0x2d: {  	s3 =	simm.s32 $0x108;
	s8 =	sld [smem:$0x3FB0]  }
0x2e: {  	s3 =	simm.s32 @!p0 $0x1082;
	s9 =	sld [smem:$0x3FB1]  }
0x2f: {  	lr =	sadd.s32 s0, s3;
	s0 =	sld [smem:$0x3FA8]  }
0x30: {  	s3 =	sld [smem:$0x3FAB]  }
0x31: {  	[smem:$0x3FB4] =	sst s10  }
0x32: {  	s10 =	sld [smem:$0x3FB2];
	_ =	sdelay $0x3  }
0x33: {  	p0 =	seq.s32 s10, $0x1;
	s10 =	sld [smem:$0x3FB4];
	_ =	sdelay $0x3  }
0x34: {  	[smem:$0x3FB4] =	sst s10  }
0x35: {  	s10 =	sld [smem:$0x3FB3];
	_ =	sdelay $0x3  }
0x36: {  	p1 =	seq.s32 s10, $0x1;
	s10 =	sld [smem:$0x3FB4];
	_ =	sdelay $0x3  }
0x37: {  	[smem:$0x3FB4] =	sst s10  }
0x38: {  	s10 =	sld [smem:$0x3FB5]  }
0x39: {  	_ = 	snop;
	(pc) =	sbr.ind lr, $3  }
0x3a: {  	_ = 	snop  }
0x3b: {  	_ = 	snop  }
0x3c: {  	p2 =	seq.s32 s10, $0x1;
	s10 =	sld [smem:$0x3FB4]  }
0x3d: {  	_ =	shalt  }
0x3e: {  	_ =	shalt  }
0x3f: {  	_ =	shalt  }
0x40: {  	_ =	shalt  }
0x41: {  	_ =	shalt  }
0x42: {  	_ =	shalt  }
0x43: {  	_ =	shalt  }
0x44: {  	_ =	shalt  }
0x45: {  	_ =	shalt  }
0x46: {  	_ =	shalt  }
0x47: {  	_ =	shalt  }
0x48: {  	_ =	shalt  }
0x49: {  	_ =	shalt  }
0x4a: {  	_ =	shalt  }
0x4b: {  	_ =	shalt  }
0x4c: {  	_ =	shalt  }
0x4d: {  	_ =	shalt  }
0x4e: {  	_ =	shalt  }
0x4f: {  	_ =	shalt  }
0x50: {  	_ =	shalt  }
0x51: {  	_ =	shalt  }
0x52: {  	_ =	shalt  }
0x53: {  	_ =	shalt  }
0x54: {  	_ =	shalt  }
0x55: {  	_ =	shalt  }
0x56: {  	_ =	shalt  }
0x57: {  	_ =	shalt  }
0x58: {  	_ =	shalt  }
0x59: {  	_ =	shalt  }
0x5a: {  	_ =	shalt  }
0x5b: {  	_ =	shalt  }
0x5c: {  	_ =	shalt  }
0x5d: {  	_ =	shalt  }
0x5e: {  	_ =	shalt  }
0x5f: {  	_ =	shalt  }
0x60: {  	_ =	shalt  }
0x61: {  	_ =	shalt  }
0x62: {  	_ =	shalt  }
0x63: {  	_ =	shalt  }
0x64: {  	_ =	shalt  }
0x65: {  	_ =	shalt  }
0x66: {  	_ =	shalt  }
0x67: {  	_ =	shalt  }
0x68: {  	_ =	shalt  }
0x69: {  	_ =	shalt  }
0x6a: {  	_ =	shalt  }
0x6b: {  	_ =	shalt  }
0x6c: {  	_ =	shalt  }
0x6d: {  	_ =	shalt  }
0x6e: {  	_ =	shalt  }
0x6f: {  	_ =	shalt  }
0x70: {  	_ =	shalt  }
0x71: {  	_ =	shalt  }
0x72: {  	_ =	shalt  }
0x73: {  	_ =	shalt  }
0x74: {  	_ =	shalt  }
0x75: {  	_ =	shalt  }
0x76: {  	_ =	shalt  }
0x77: {  	_ =	shalt  }
0x78: {  	_ =	shalt  }
0x79: {  	_ =	shalt  }
0x7a: {  	_ =	shalt  }
0x7b: {  	_ =	shalt  }
0x7c: {  	_ =	shalt  }
0x7d: {  	_ =	shalt  }
0x7e: {  	_ =	shalt  }
0x7f: {  	_ =	shalt  }
0x80: {  	_ =	shalt  }
0x81: {  	_ =	shalt  }
0x82: {  	_ =	shalt  }
0x83: {  	_ =	shalt  }
0x84: {  	_ =	shalt  }
0x85: {  	_ =	shalt  }
0x86: {  	_ =	shalt  }
0x87: {  	_ =	shalt  }
.Lfunc_end0:
.L_simem_size_0:
called_computation.2_lowered:
.L_overlay_start_0:
0x88: {  	s2 =	sld [smem:$0x3FD9]  }
0x89: {  	s3 =	sld [smem:$0x3FFE];
	_ =	sdelay $0x1  }
0x8a: {  	s1 =	srdreg.scid  }
0x8b: {  	s0 =	sand.u32 $0x1, s1  }
0x8c: {  	s17 =	sshll.u32 s0, $0xA;
	s2 =	sadd.s32 s3, s2  }
0x8d: {  	s2 =	sadd.s32 s2, s17  }
0x8e: {  	[smem:$0x3FC0] =	sst s2  }
0x8f: {  	_ = 	snop  }
0x90: {  	s2 =	sld [smem:$0x3FD0];
	(tm) =	ssettm $0x1  }
0x91: {  	s18 =	sld [smem:$0x3FFB];
	_ =	sdelay $0x3  }
0x92: {  	_ =	strace s18  }
0x93: {  	s3 =	sld [smem:$0x3FFC];
	_ =	sdelay $0x3  }
0x94: {  	_ =	strace s3  }
0x95: {  	s3 =	sld [smem:$0x3FFD];
	_ =	sdelay $0x3  }
0x96: {  	_ =	strace s3  }
0x97: {  	_ =	strace $0x8FFFFFFF  }
0x98: {  	s19 =	sld [smem:$0x3FDB];
	_ =	sdelay $0x1  }
0x99: {  	s4 =	simm.s32 $_scs_section_size  }
0x9a: {  	s5 =	simm.s32 $_size__tile_overlayer_lowered;
	s6 =	simm.s32 $_tile_overlayer_lowered  }
0x9b: {  	s22 =	simm.s32 $0x1BFF;
	s21 =	sshll.u32 s6, $0x1;
	s3 =	sadd.s32 s4, s19  }
0x9c: {  	s7 =	simm.s32 $0x0;
	s20 =	sshll.u32 s5, $0x1;
	s5 =	sadd.s32 s21, s3  }
0x9d: {  	[timem:s7], [sflag:s22] =	dma.local [hbm:s5], s20  }
0x9e: {  	_ =	swait.ge [sflag:s22], s20  }
0x9f: {  	s4 =	ssub.s32 $0x0, s20;
	[sflag:s22] =	ssyncset.done $0x0  }
0xa0: {  	[sflag:s22] =	ssyncadd.s32 s4;
	_ =	sdelay $0x1  }
0xa1: {  	s23 =	simm.s32 $0x1B8B  }
0xa2: {  	_ =	swait.ge [sflag:s23], $0x1  }
0xa3: {  	[sflag:s23] =	ssyncset.done $0x0  }
0xa4: {  	s25 =	simm.s32 $0x1B8E;
	s24 =	sld [smem:$0x3FFE];
	[sflag:s23] =	ssyncadd.s32 $0xFFFFFFFF  }
0xa5: {  	s26 =	simm.s32 $execute0_lowered;
	[smem:$0x3FD2] =	sst s25  }
0xa6: {  	s5 =	sshll.u32 s26, $0x1;
	_ =	strace $0x8000004C;
	[dreg:$0x1] =	wrdreg $0xFFFFFFFF  }
0xa7: {  	s28 =	simm.s32 $_size_execute0_lowered;
	s3 =	sadd.s32 s3, s5;
	[dreg:$0x0] =	wrdreg $0x0  }
0xa8: {  	s5 =	sshll.u32 s28, $0x1;
	[dreg:$0x2] =	wrdreg s3  }
0xa9: {  	[dreg:$0x3] =	wrdreg s5  }
0xaa: {  	[dreg:$0x4] =	wrdreg $0xC0  }
0xab: {  	_ =	task [dreg:s7], $0x5FFFF  }
0xac: {  	[dreg:$0x1] =	wrdreg $0xFFFFFFFF  }
0xad: {  	[dreg:$0x0] =	wrdreg $0x60  }
0xae: {  	[dreg:$0x2] =	wrdreg s24  }
0xaf: {  	[dreg:$0x3] =	wrdreg s2  }
0xb0: {  	[dreg:$0x4] =	wrdreg $0x140000  }
0xb1: {  	[dreg:$0x5] =	wrdreg $0x9  }
0xb2: {  	_ =	task.clear_ibuf [dreg:s7], $0x6FFFF;
	_ =	strace $0x9000004C  }
0xb3: {  	s29 =	simm.s32 $0x9;
	_ =	strace $0x8000004E  }
0xb4: {  	_ =	swait.ge [sflag:s29], $0x1  }
0xb5: {  	[sflag:s29] =	ssyncadd.s32 $0xFFFFFFFF  }
0xb6: {  	_ =	strace $0x9000004E  }
0xb7: {  	_ =	sfence  }
0xb8: {  	s30 =	sld [smem:$0x0];
	_ =	sdelay $0x2  }
0xb9: {  	s31 =	sshll.u32 s1, $0xD;
	s1 =	sshrl.u32 s1, $0x2  }
0xba: {  	s3 =	sand.u32 $0x4000, s31;
	s1 =	sadd.s32 s1, s30  }
0xbb: {  	s0 =	sor.u32 s3, s0;
	s1 =	sshll.u32 s1, $0x11  }
0xbc: {  	s0 =	sor.u32 s1, s0  }
0xbd: {  	s0 =	sadd.s32 $0x8F2B, s0  }
0xbe: {  	[sflag:s0] =	ssyncadd.remote.s32 $0x1  }
0xbf: {  	_ =	sfence.sel $0xFFFF  }
0xc0: {  	[dreg:$0x0] =	wrdreg $0xFFFFFFFF;
	(pc) =	sbr.abs _section_cstart, $3  }
0xc1: {  	[dreg:$0x1] =	wrdreg $0xFFFFFFFF  }
0xc2: {  	_ =	task.clear_ibuf [dreg:s7], $0x2FFFF;
	_ =	strace $0x9FFFFFFF  }
0xc3: {  	(tm) =	ssettm $0x7FFFFFFF  }
tec
execute0_lowered:
.L_overlay_start_1:
0x0: {  	(tag) =	ssettag $0x1  }
0x1: {  	s0 =	rddreg [dreg:$0x0];
	s8 =	stileid.u32  }
0x2: {  	s1 =	srdreg.scid;
	s3 =	rddreg [dreg:$0x2]  }
0x3: {  	s4 =	simm.s32 $0x0;
	s15 =	simm.s32 $0x6;
	s17 =	simm.s32 $0xA000  }
0x4: {  	s18 =	simm.s32 $0x80;
	s19 =	simm.s32 $0xC000;
	s21 =	simm.s32 $0xE000  }
0x5: {  	s23 =	simm.s32 $0x10000;
	s28 =	simm.s32 $0x2;
	s29 =	simm.s32 $0x3  }
0x6: {  	s30 =	simm.s32 $0x4;
	s31 =	simm.s32 $0x5;
	s2 =	smul.u32 $0xA00, s8  }
0x7: {  	s16 =	simm.s32 $0x9F00;
	s20 =	simm.s32 $0x9F80;
	s7 =	smul.u32 $0xA000, s8  }
0x8: {  	s22 =	simm.s32 $0x0;
	s1 =	sand.u32 $0x1, s1;
	s8 =	smul.u32 $0x28000, s8  }
0x9: {  	[smem:$0x7FF] =	sst s4;
	s5 =	smul.u32 $0xA0000, s1;
	s1 =	ssub.s32 $0x2, s1  }
0xa: {  	_ =	strace $0x8000004D;
	s2 =	sadd.s32 s2, s0;
	s25 =	sshrl.u32 s1, $0x1  }
0xb: {  	s8 =	sshrl.u32 s8, $0x2;
	s6 =	sshrl.u32 s5, $0x3;
	s5 =	sadd.s32 s7, s5  }
0xc: {  	s1 =	ssub.s32 s1, s25;
	s26 =	sadd.s32 s8, s3;
	s7 =	sadd.s32 s7, s3  }
0xd: {  	s25 =	simm.s32 $0x12000;
	s12 =	sadd.s32 s6, s0;
	s5 =	sshrl.u32 s5, $0x3  }
0xe: {  	s6 =	sadd.s32 $0x54600, s2;
	s8 =	sadd.s32 $0x2000, s26;
	s9 =	sadd.s32 $0x4000, s26  }
0xf: {  	s10 =	sadd.s32 $0x6000, s26;
	s11 =	sadd.s32 $0x8000, s26;
	s14 =	smax.u32 s1, $0x1  }
0x10: {  	s26 =	simm.s32 $0x1;
	s0 =	sadd.s32 s5, s0;
	s5 =	sadd.s32 $0x5E600, s2  }
0x11: {  	s12 =	sadd.s32 $0xB8600, s12;
	s13 =	sadd.s32 $0xE0600, s0;
	s0 =	simm.s32 $0x9E80  }
.LBB2_1:
0x12: {  	[tilespmem:s4], [sflag:$0x6] =	stream.linear.gather [hbm4b:s5+s4], $0x5000, $0x38;
	[tilespmem:$0x1E000] =	vst v63  }
0x13: {  	_ =	swait.ge [sflag:s15], $0x5000  }
0x14: {  	[sflag:s15] =	ssyncset.done $0x0  }
0x15: {  	s1 =	simm.s32 $0x5000;
	[sflag:s15] =	ssyncadd.s32 $0xFFFFB000  }
0x16: {  	[tilespmem:s1], [sflag:$0x6] =	stream.linear.gather [hbm4b:s6+s4], $0x5000, $0x38;
	[tilespmem:$0x1E000] =	vst v63  }
0x17: {  	_ =	swait.ge [sflag:s15], $0x5000  }
0x18: {  	[sflag:s15] =	ssyncset.done $0x0  }
0x19: {  	[sflag:s15] =	ssyncadd.s32 $0xFFFFB000  }
0x1a: {  	s24 =	rddreg [dreg:$0x1]  }
0x1b: {  	[tilespmem:s17], [sflag:$0x6] =	stream.linear.gather [hbm4b:s24+s4], $0x2000, $0x38;
	[tilespmem:$0x1E000] =	vst v63  }
0x1c: {  	_ =	swait.ge [sflag:s15], $0x2000  }
0x1d: {  	[sflag:s15] =	ssyncset.done $0x0  }
0x1e: {  	[sflag:s15] =	ssyncadd.s32 $0xFFFFE000  }
0x1f: {  	[spmem:s7] =	stream.linear.scatter [tilespmem:s17], [sflag:$0x6], $0x2000, $0x38;
	[tilespmem:$0x1E000] =	vst v63  }
0x20: {  	_ =	swait.ge [sflag:s15], $0x2000  }
0x21: {  	[sflag:s15] =	ssyncset.done $0x0  }
0x22: {  	[sflag:s15] =	ssyncadd.s32 $0xFFFFE000  }
0x23: {  	[spmem:s8] =	stream.linear.scatter [tilespmem:s17], [sflag:$0x6], $0x2000, $0x38;
	[tilespmem:$0x1E000] =	vst v63  }
0x24: {  	_ =	swait.ge [sflag:s15], $0x2000  }
0x25: {  	[sflag:s15] =	ssyncset.done $0x0  }
0x26: {  	[sflag:s15] =	ssyncadd.s32 $0xFFFFE000  }
0x27: {  	[spmem:s9] =	stream.linear.scatter [tilespmem:s17], [sflag:$0x6], $0x2000, $0x38;
	[tilespmem:$0x1E000] =	vst v63  }
0x28: {  	_ =	swait.ge [sflag:s15], $0x2000  }
0x29: {  	[sflag:s15] =	ssyncset.done $0x0  }
0x2a: {  	[sflag:s15] =	ssyncadd.s32 $0xFFFFE000  }
0x2b: {  	[spmem:s10] =	stream.linear.scatter [tilespmem:s17], [sflag:$0x6], $0x2000, $0x38;
	[tilespmem:$0x1E000] =	vst v63  }
0x2c: {  	_ =	swait.ge [sflag:s15], $0x2000  }
0x2d: {  	[sflag:s15] =	ssyncset.done $0x0  }
0x2e: {  	[sflag:s15] =	ssyncadd.s32 $0xFFFFE000  }
0x2f: {  	[spmem:s11] =	stream.linear.scatter [tilespmem:s17], [sflag:$0x6], $0x2000, $0x38;
	[tilespmem:$0x1E000] =	vst v63  }
0x30: {  	_ =	swait.ge [sflag:s15], $0x2000  }
0x31: {  	[sflag:s15] =	ssyncset.done $0x0  }
0x32: {  	[sflag:s15] =	ssyncadd.s32 $0xFFFFE000  }
0x33: {  	[bflag:$0x0] =	sbarrier.arrive $0xFFFF  }
0x34: {  	[tilespmem:s17], [sflag:$0x1] =	stream.indirect.gather [hbm4b:s12+s18], $0x40, s4, s18, $0xb8;
	[tilespmem:$0x1E000] =	vst v63  }
0x35: {  	_ = 	snop  }
0x36: {  	[tilespmem:s19], [sflag:$0x2] =	stream.indirect.gather [hbm4b:s12+s18], $0x40, s18, s18, $0xb8;
	[tilespmem:$0x1E000] =	vst v63  }
0x37: {  	s2 =	simm.s32 $0x100  }
0x38: {  	[tilespmem:s21], [sflag:$0x3] =	stream.indirect.gather [hbm4b:s12+s18], $0x40, s2, s18, $0xb8;
	[tilespmem:$0x1E000] =	vst v63  }
0x39: {  	s24 =	simm.s32 $0x180  }
0x3a: {  	[tilespmem:s23], [sflag:$0x4] =	stream.indirect.gather [hbm4b:s12+s18], $0x40, s24, s18, $0xb8;
	[tilespmem:$0x1E000] =	vst v63  }
0x3b: {  	s2 =	simm.s32 $0x200  }
0x3c: {  	[tilespmem:s25], [sflag:$0x5] =	stream.indirect.gather [hbm4b:s12+s18], $0x40, s2, s18, $0xb8;
	[tilespmem:$0x1E000] =	vst v63  }
0x3d: {  	_ =	swait.ge [sflag:s26], $0x2000  }
0x3e: {  	[sflag:s26] =	ssyncset.done $0x0  }
0x3f: {  	s24 =	simm.s32 $0x5000;
	[sflag:s26] =	ssyncadd.s32 $0xFFFFE000  }
0x40: {  	[spmem:s3] =	stream.indirect.scatter.add.f32 [tilespmem:s17], [sflag:$0x6], $0x40, s24, s18, $0xb8;
	[tilespmem:$0x1E000] =	vst v63  }
0x41: {  	_ =	swait.ge [sflag:s15], $0x2000  }
0x42: {  	[sflag:s15] =	ssyncset.done $0x0  }
0x43: {  	s2 =	simm.s32 $0x280;
	[sflag:s15] =	ssyncadd.s32 $0xFFFFE000  }
0x44: {  	[tilespmem:s17], [sflag:$0x1] =	stream.indirect.gather [hbm4b:s12+s18], $0x40, s2, s18, $0xb8;
	[tilespmem:$0x1E000] =	vst v63  }
0x45: {  	_ =	swait.ge [sflag:s28], $0x2000  }
0x46: {  	[sflag:s28] =	ssyncset.done $0x0  }
0x47: {  	s24 =	simm.s32 $0x5080;
	[sflag:s28] =	ssyncadd.s32 $0xFFFFE000  }
0x48: {  	[spmem:s3] =	stream.indirect.scatter.add.f32 [tilespmem:s19], [sflag:$0x6], $0x40, s24, s18, $0xb8;
	[tilespmem:$0x1E000] =	vst v63  }
0x49: {  	_ =	swait.ge [sflag:s15], $0x2000  }
0x4a: {  	[sflag:s15] =	ssyncset.done $0x0  }
0x4b: {  	s2 =	simm.s32 $0x300;
	[sflag:s15] =	ssyncadd.s32 $0xFFFFE000  }
0x4c: {  	[tilespmem:s19], [sflag:$0x2] =	stream.indirect.gather [hbm4b:s12+s18], $0x40, s2, s18, $0xb8;
	[tilespmem:$0x1E000] =	vst v63  }
0x4d: {  	_ =	swait.ge [sflag:s29], $0x2000  }
0x4e: {  	[sflag:s29] =	ssyncset.done $0x0  }
0x4f: {  	s24 =	simm.s32 $0x5100;
	[sflag:s29] =	ssyncadd.s32 $0xFFFFE000  }
0x50: {  	[spmem:s3] =	stream.indirect.scatter.add.f32 [tilespmem:s21], [sflag:$0x6], $0x40, s24, s18, $0xb8;
	[tilespmem:$0x1E000] =	vst v63  }
0x51: {  	_ =	swait.ge [sflag:s15], $0x2000  }
0x52: {  	[sflag:s15] =	ssyncset.done $0x0  }
0x53: {  	s2 =	simm.s32 $0x380;
	[sflag:s15] =	ssyncadd.s32 $0xFFFFE000  }
0x54: {  	[tilespmem:s21], [sflag:$0x3] =	stream.indirect.gather [hbm4b:s12+s18], $0x40, s2, s18, $0xb8;
	[tilespmem:$0x1E000] =	vst v63  }
0x55: {  	_ =	swait.ge [sflag:s30], $0x2000  }
0x56: {  	[sflag:s30] =	ssyncset.done $0x0  }
0x57: {  	s24 =	simm.s32 $0x5180;
	[sflag:s30] =	ssyncadd.s32 $0xFFFFE000  }
0x58: {  	[spmem:s3] =	stream.indirect.scatter.add.f32 [tilespmem:s23], [sflag:$0x6], $0x40, s24, s18, $0xb8;
	[tilespmem:$0x1E000] =	vst v63  }
0x59: {  	_ =	swait.ge [sflag:s15], $0x2000  }
0x5a: {  	[sflag:s15] =	ssyncset.done $0x0  }
0x5b: {  	s2 =	simm.s32 $0x400;
	[sflag:s15] =	ssyncadd.s32 $0xFFFFE000  }
0x5c: {  	[tilespmem:s23], [sflag:$0x4] =	stream.indirect.gather [hbm4b:s12+s18], $0x40, s2, s18, $0xb8;
	[tilespmem:$0x1E000] =	vst v63  }
0x5d: {  	_ =	swait.ge [sflag:s31], $0x2000  }
0x5e: {  	[sflag:s31] =	ssyncset.done $0x0  }
0x5f: {  	s24 =	simm.s32 $0x5200;
	[sflag:s31] =	ssyncadd.s32 $0xFFFFE000  }
0x60: {  	[spmem:s3] =	stream.indirect.scatter.add.f32 [tilespmem:s25], [sflag:$0x6], $0x40, s24, s18, $0xb8;
	[tilespmem:$0x1E000] =	vst v63  }
0x61: {  	_ =	swait.ge [sflag:s15], $0x2000  }
0x62: {  	[sflag:s15] =	ssyncset.done $0x0  }
0x63: {  	s1 =	simm.s32 $0x480;
	s24 =	simm.s32 $0xA00;
	[sflag:s15] =	ssyncadd.s32 $0xFFFFE000  }
.LBB2_2:
0x64: {  	[tilespmem:s25], [sflag:$0x5] =	stream.indirect.gather [hbm4b:s12+s18], $0x40, s1, s18, $0xb8;
	[tilespmem:$0x1E000] =	vst v63  }
0x65: {  	s1 =	smov.u32 s24  }
0x66: {  	p0 =	sne.s32 s24, $0x12C00;
	s24 =	sadd.s32 $0xA00, s24;
	_ =	swait.ge [sflag:s26], $0x2000  }
0x67: {  	s1 =	sshra.s32 s1, $0x2;
	[sflag:s26] =	ssyncset.done $0x0  }
0x68: {  	s2 =	sadd.s32 $0x5000, s1;
	[sflag:s26] =	ssyncadd.s32 $0xFFFFE000  }
0x69: {  	[spmem:s3] =	stream.indirect.scatter.add.f32 [tilespmem:s17], [sflag:$0x6], $0x40, s2, s18, $0xb8;
	[tilespmem:$0x1E000] =	vst v63  }
0x6a: {  	_ =	swait.ge [sflag:s15], $0x2000  }
0x6b: {  	[sflag:s15] =	ssyncset.done $0x0  }
0x6c: {  	s2 =	sadd.s32 $0x280, s1;
	[sflag:s15] =	ssyncadd.s32 $0xFFFFE000  }
0x6d: {  	[tilespmem:s17], [sflag:$0x1] =	stream.indirect.gather [hbm4b:s12+s18], $0x40, s2, s18, $0xb8;
	[tilespmem:$0x1E000] =	vst v63  }
0x6e: {  	_ =	swait.ge [sflag:s28], $0x2000  }
0x6f: {  	[sflag:s28] =	ssyncset.done $0x0  }
0x70: {  	s2 =	sadd.s32 $0x5080, s1;
	[sflag:s28] =	ssyncadd.s32 $0xFFFFE000  }
0x71: {  	[spmem:s3] =	stream.indirect.scatter.add.f32 [tilespmem:s19], [sflag:$0x6], $0x40, s2, s18, $0xb8;
	[tilespmem:$0x1E000] =	vst v63  }
0x72: {  	_ =	swait.ge [sflag:s15], $0x2000  }
0x73: {  	[sflag:s15] =	ssyncset.done $0x0  }
0x74: {  	s2 =	sadd.s32 $0x300, s1;
	[sflag:s15] =	ssyncadd.s32 $0xFFFFE000  }
0x75: {  	[tilespmem:s19], [sflag:$0x2] =	stream.indirect.gather [hbm4b:s12+s18], $0x40, s2, s18, $0xb8;
	[tilespmem:$0x1E000] =	vst v63  }
0x76: {  	_ =	swait.ge [sflag:s29], $0x2000  }
0x77: {  	[sflag:s29] =	ssyncset.done $0x0  }
0x78: {  	s2 =	sadd.s32 $0x5100, s1;
	[sflag:s29] =	ssyncadd.s32 $0xFFFFE000  }
0x79: {  	[spmem:s3] =	stream.indirect.scatter.add.f32 [tilespmem:s21], [sflag:$0x6], $0x40, s2, s18, $0xb8;
	[tilespmem:$0x1E000] =	vst v63  }
0x7a: {  	_ =	swait.ge [sflag:s15], $0x2000  }
0x7b: {  	[sflag:s15] =	ssyncset.done $0x0  }
0x7c: {  	s2 =	sadd.s32 $0x380, s1;
	[sflag:s15] =	ssyncadd.s32 $0xFFFFE000  }
0x7d: {  	[tilespmem:s21], [sflag:$0x3] =	stream.indirect.gather [hbm4b:s12+s18], $0x40, s2, s18, $0xb8;
	[tilespmem:$0x1E000] =	vst v63  }
0x7e: {  	_ =	swait.ge [sflag:s30], $0x2000  }
0x7f: {  	[sflag:s30] =	ssyncset.done $0x0  }
0x80: {  	s2 =	sadd.s32 $0x5180, s1;
	[sflag:s30] =	ssyncadd.s32 $0xFFFFE000  }
0x81: {  	[spmem:s3] =	stream.indirect.scatter.add.f32 [tilespmem:s23], [sflag:$0x6], $0x40, s2, s18, $0xb8;
	[tilespmem:$0x1E000] =	vst v63  }
0x82: {  	_ =	swait.ge [sflag:s15], $0x2000  }
0x83: {  	[sflag:s15] =	ssyncset.done $0x0  }
0x84: {  	s2 =	sadd.s32 $0x400, s1;
	[sflag:s15] =	ssyncadd.s32 $0xFFFFE000  }
0x85: {  	[tilespmem:s23], [sflag:$0x4] =	stream.indirect.gather [hbm4b:s12+s18], $0x40, s2, s18, $0xb8;
	[tilespmem:$0x1E000] =	vst v63  }
0x86: {  	_ =	swait.ge [sflag:s31], $0x2000  }
0x87: {  	[sflag:s31] =	ssyncset.done $0x0  }
.Ltmp0:
0x88: {  	s2 =	sadd.s32 $0x5200, s1;
	[sflag:s31] =	ssyncadd.s32 $0xFFFFE000;
	(pc) =	sbr.rel @p0 .LBB2_2-.Ltmp0, $4  }
0x89: {  	[spmem:s3] =	stream.indirect.scatter.add.f32 [tilespmem:s25], [sflag:$0x6], $0x40, s2, s18, $0xb8;
	[tilespmem:$0x1E000] =	vst v63  }
0x8a: {  	_ =	swait.ge [sflag:s15], $0x2000  }
0x8b: {  	[sflag:s15] =	ssyncset.done $0x0  }
0x8c: {  	s1 =	sadd.s32 $0x480, s1;
	[sflag:s15] =	ssyncadd.s32 $0xFFFFE000  }
0x8d: {  	[tilespmem:s25], [sflag:$0x5] =	stream.indirect.gather [hbm4b:s12+s18], $0x40, s1, s18, $0xb8;
	[tilespmem:$0x1E000] =	vst v63  }
0x8e: {  	_ =	swait.ge [sflag:s26], $0x2000  }
0x8f: {  	[sflag:s26] =	ssyncset.done $0x0  }
0x90: {  	s24 =	simm.s32 $0x9D80;
	[sflag:s26] =	ssyncadd.s32 $0xFFFFE000  }
0x91: {  	[spmem:s3] =	stream.indirect.scatter.add.f32 [tilespmem:s17], [sflag:$0x6], $0x40, s24, s18, $0xb8;
	[tilespmem:$0x1E000] =	vst v63  }
0x92: {  	_ =	swait.ge [sflag:s15], $0x2000  }
0x93: {  	[sflag:s15] =	ssyncset.done $0x0  }
0x94: {  	[sflag:s15] =	ssyncadd.s32 $0xFFFFE000  }
0x95: {  	_ =	swait.ge [sflag:s28], $0x2000  }
0x96: {  	[sflag:s28] =	ssyncset.done $0x0  }
0x97: {  	s2 =	simm.s32 $0x9E00;
	[sflag:s28] =	ssyncadd.s32 $0xFFFFE000  }
0x98: {  	[spmem:s3] =	stream.indirect.scatter.add.f32 [tilespmem:s19], [sflag:$0x6], $0x40, s2, s18, $0xb8;
	[tilespmem:$0x1E000] =	vst v63  }
0x99: {  	_ =	swait.ge [sflag:s15], $0x2000  }
0x9a: {  	[sflag:s15] =	ssyncset.done $0x0  }
0x9b: {  	[sflag:s15] =	ssyncadd.s32 $0xFFFFE000  }
0x9c: {  	_ =	swait.ge [sflag:s29], $0x2000  }
0x9d: {  	[sflag:s29] =	ssyncset.done $0x0  }
0x9e: {  	[sflag:s29] =	ssyncadd.s32 $0xFFFFE000  }
0x9f: {  	[spmem:s3] =	stream.indirect.scatter.add.f32 [tilespmem:s21], [sflag:$0x6], $0x40, s0, s18, $0xb8;
	[tilespmem:$0x1E000] =	vst v63  }
0xa0: {  	_ =	swait.ge [sflag:s15], $0x2000  }
0xa1: {  	[sflag:s15] =	ssyncset.done $0x0  }
0xa2: {  	[sflag:s15] =	ssyncadd.s32 $0xFFFFE000  }
0xa3: {  	_ =	swait.ge [sflag:s30], $0x2000  }
0xa4: {  	[sflag:s30] =	ssyncset.done $0x0  }
0xa5: {  	[sflag:s30] =	ssyncadd.s32 $0xFFFFE000  }
0xa6: {  	[spmem:s3] =	stream.indirect.scatter.add.f32 [tilespmem:s23], [sflag:$0x6], $0x40, s16, s18, $0xb8;
	[tilespmem:$0x1E000] =	vst v63  }
0xa7: {  	_ =	swait.ge [sflag:s15], $0x2000  }
0xa8: {  	[sflag:s15] =	ssyncset.done $0x0  }
0xa9: {  	[sflag:s15] =	ssyncadd.s32 $0xFFFFE000  }
0xaa: {  	_ =	swait.ge [sflag:s31], $0x2000  }
0xab: {  	[sflag:s31] =	ssyncset.done $0x0  }
0xac: {  	[sflag:s31] =	ssyncadd.s32 $0xFFFFE000  }
0xad: {  	[spmem:s3] =	stream.indirect.scatter.add.f32 [tilespmem:s25], [sflag:$0x6], $0x40, s20, s18, $0xb8;
	[tilespmem:$0x1E000] =	vst v63  }
0xae: {  	s24 =	stileid.u32;
	_ =	swait.ge [sflag:s15], $0x2000  }
0xaf: {  	s22 =	sadd.s32 $0x1, s22;
	s1 =	sshll.u32 s24, $0x6;
	[sflag:s15] =	ssyncset.done $0x0  }
0xb0: {  	p0 =	sne.s32 s22, s14;
	s1 =	sor.u32 $0x1C06, s1;
	[sflag:s15] =	ssyncadd.s32 $0xFFFFE000  }
.Ltmp1:
0xb1: {  	s2 =	sshrl.u32 s7, $0x3;
	[bflag:$0x0] =	sbarrier.arrive $0xFFFF;
	(pc) =	sbr.rel @p0 .LBB2_1-.Ltmp1, $4  }
0xb2: {  	[hbm:s13], [sflag:s1] =	dma.local [spmem:s2], $0x1400  }
0xb3: {  	_ =	swait.ge [sflag:s15], $0x1400  }
0xb4: {  	[sflag:s15] =	ssyncset.done $0x0  }
0xb5: {  	[sflag:s15] =	ssyncadd.s32 $0xFFFFEC00  }
0xb6: {  	_ =	sfence.sel $0x180000  }
0xb7: {  	[bflag:$0x0] =	sbarrier.arrive $0xFFFF  }
0xb8: {  	_ =	strace $0x9000004D  }
0xb9: {  	s0 =	stileid.u32;
	[bflag:$0x2] =	sbarrier.arrive $0xFFFF  }
0xba: {  	p0 =	sne.s32 s0, $0x0;
	s0 =	rddreg [dreg:$0x3]  }
0xbb: {  	s0 =	sadd.s32 @!p0 $0x100000, s0  }
0xbc: {  	[sflag:s0] =	ssyncadd.tile.s32 @!p0 $0x1;
	_ =	shalt  }
.Lfunc_end2:
_tile_overlayer_lowered:
.L_overlay_start_2:
0xbd: {  	(tag) =	ssettag $0x2  }
0xbe: {  	s0 =	rddreg [dreg:$0x0];
	s2 =	stileid.u32  }
0xbf: {  	s1 =	rddreg [dreg:$0x1];
	p0 =	sne.s32 s2, $0x0  }
0xc0: {  	s3 =	rddreg [dreg:$0x2];
	[bflag:$0x3] =	sbarrier.arrive $0xFFFF;
	s2 =	simm.s32 @!p0 $0x1C06  }
0xc1: {  	[timem:s3], [sflag:s2] =	dma.local @!p0 [hbm:s0], s1  }
0xc2: {  	s0 =	simm.s32 @!p0 $0x6  }
0xc3: {  	_ =	swait.ge @!p0 [sflag:s0], s1  }
0xc4: {  	s1 =	ssub.s32 @!p0 $0x0, s1;
	[sflag:s0] =	ssyncset.done @!p0 $0x0  }
0xc5: {  	[sflag:s0] =	ssyncadd.s32 @!p0 s1  }
0xc6: {  	[bflag:$0x3] =	sbarrier.arrive $0xFFFF  }
0xc7: {  	_ =	shalt  }

// kernel: kernel.23.cloned.1.call-start
scs
__scs_entry_jumppad:
0x0: {  	(pc) =	sbr.rel $0x88, $3  }
0x1: {  	(tag) =	ssettag $0x0;
	lr =	simm.s32 $0x1  }
0x2: {  	[smem:$0x3F99] =	sst lr;
	_ =	strace $0xD0000000  }
0x3: {  	_ = 	snop  }
0x4: {  	_ = 	snop  }
0x5: {  	_ = 	snop  }
0x6: {  	_ = 	snop  }
0x7: {  	_ = 	snop  }
__scs_overlays_trampoline_lowered:
0x8: {  	[smem:$0x3FA8] =	sst s0  }
0x9: {  	[smem:$0x3FA9] =	sst s1  }
0xa: {  	[smem:$0x3FAA] =	sst s2  }
0xb: {  	[smem:$0x3FAB] =	sst s3  }
0xc: {  	[smem:$0x3FAC] =	sst s4  }
0xd: {  	[smem:$0x3FAD] =	sst s5  }
0xe: {  	[smem:$0x3FAE] =	sst s6  }
0xf: {  	[smem:$0x3FAF] =	sst s7  }
0x10: {  	[smem:$0x3FB0] =	sst s8  }
0x11: {  	[smem:$0x3FB1] =	sst s9;
	s0 =	simm.s32 @!p0 $0x0  }
0x12: {  	s1 =	sld [smem:$0x3F97];
	s0 =	simm.s32 @p0 $0x1  }
0x13: {  	[smem:$0x3FB2] =	sst s0;
	s0 =	simm.s32 @!p1 $0x0  }
0x14: {  	s2 =	sld [smem:$0x3F96];
	s0 =	simm.s32 @p1 $0x1  }
0x15: {  	[smem:$0x3FB3] =	sst s0;
	s0 =	simm.s32 @!p2 $0x0  }
0x16: {  	s3 =	sld [smem:$0x3FDB];
	s0 =	simm.s32 @p2 $0x1  }
0x17: {  	s4 =	simm.s32 $0x1BF5;
	[smem:$0x3FB5] =	sst s0  }
0x18: {  	s0 =	sld [smem:$0x3F98];
	_ =	swait.ge [sflag:s4], $0x0  }
0x19: {  	s7 =	sld [smem:$0x3F99]  }
0x1a: {  	s8 =	sadd.s32 $0xFFFFE003, lr  }
0x1b: {  	s9 =	sadd.s32 $0xFFFFFEF7, lr;
	s5 =	simm.s32 $0xFFFFFFFF;
	p2 =	slt.u32 s8, $0xFFFFF086  }
0x1c: {  	p1 =	slt.u32 s9, $0xF7A;
	s5 =	simm.s32 @!p2 $0x0  }
0x1d: {  	s5 =	simm.s32 @p1 $0x1;
	p0 =	seq.s32 s7, s2  }
0x1e: {  	s7 =	smul.u32 @!p0 $0xF7A, s2;
	p2 =	seq.s32 @!p0 s5, $0x0  }
0x1f: {  	s9 =	smul.u32 $0xF7A, s1;
	s8 =	simm.s32 @!p0 $0x1BF5;
	p2 =	por !p2, p0  }
0x20: {  	[sflag:s8] =	ssyncset.s32 @!p0 $0xFFFFF086;
	s6 =	sadd.s32 @!p0 s3, s7;
	s7 =	simm.s32 @!p0 $0x108  }
0x21: {  	s3 =	sadd.s32 s3, s9;
	s6 =	sadd.s32 @!p0 $0x88, s6;
	s7 =	simm.s32 @p2 $0x1082  }
0x22: {  	[simem:s7], [sflag:s8] =	dma.local @!p0 [hbm:s6], $0xF7A  }
0x23: {  	s9 =	sor.u32 $0xD0000000, s2;
	s6 =	simm.s32 $0x108;
	_ =	swait.ge @!p0 [sflag:s8], $0x0  }
0x24: {  	s3 =	sadd.s32 $0x88, s3;
	s6 =	simm.s32 @!p1 $0x1082;
	[sflag:s4] =	ssyncset.s32 $0xFFFFF086  }
0x25: {  	[simem:s6], [sflag:s4] =	dma.local [hbm:s3], $0xF7A  }
0x26: {  	[smem:$0x3F99] =	sst s1;
	(tag) =	ssettag s2;
	_ =	strace s9  }
0x27: {  	s1 =	sld [smem:$0x3FA9]  }
0x28: {  	s2 =	sld [smem:$0x3FAA]  }
0x29: {  	s4 =	sld [smem:$0x3FAC]  }
0x2a: {  	p0 =	seq.s32 s5, $0x0;
	s5 =	sld [smem:$0x3FAD]  }
0x2b: {  	s6 =	sld [smem:$0x3FAE]  }
0x2c: {  	s7 =	sld [smem:$0x3FAF]  }
0x2d: {  	s3 =	simm.s32 $0x108;
	s8 =	sld [smem:$0x3FB0]  }
0x2e: {  	s3 =	simm.s32 @!p0 $0x1082;
	s9 =	sld [smem:$0x3FB1]  }
0x2f: {  	lr =	sadd.s32 s0, s3;
	s0 =	sld [smem:$0x3FA8]  }
0x30: {  	s3 =	sld [smem:$0x3FAB]  }
0x31: {  	[smem:$0x3FB4] =	sst s10  }
0x32: {  	s10 =	sld [smem:$0x3FB2];
	_ =	sdelay $0x3  }
0x33: {  	p0 =	seq.s32 s10, $0x1;
	s10 =	sld [smem:$0x3FB4];
	_ =	sdelay $0x3  }
0x34: {  	[smem:$0x3FB4] =	sst s10  }
0x35: {  	s10 =	sld [smem:$0x3FB3];
	_ =	sdelay $0x3  }
0x36: {  	p1 =	seq.s32 s10, $0x1;
	s10 =	sld [smem:$0x3FB4];
	_ =	sdelay $0x3  }
0x37: {  	[smem:$0x3FB4] =	sst s10  }
0x38: {  	s10 =	sld [smem:$0x3FB5]  }
0x39: {  	_ = 	snop;
	(pc) =	sbr.ind lr, $3  }
0x3a: {  	_ = 	snop  }
0x3b: {  	_ = 	snop  }
0x3c: {  	p2 =	seq.s32 s10, $0x1;
	s10 =	sld [smem:$0x3FB4]  }
0x3d: {  	_ =	shalt  }
0x3e: {  	_ =	shalt  }
0x3f: {  	_ =	shalt  }
0x40: {  	_ =	shalt  }
0x41: {  	_ =	shalt  }
0x42: {  	_ =	shalt  }
0x43: {  	_ =	shalt  }
0x44: {  	_ =	shalt  }
0x45: {  	_ =	shalt  }
0x46: {  	_ =	shalt  }
0x47: {  	_ =	shalt  }
0x48: {  	_ =	shalt  }
0x49: {  	_ =	shalt  }
0x4a: {  	_ =	shalt  }
0x4b: {  	_ =	shalt  }
0x4c: {  	_ =	shalt  }
0x4d: {  	_ =	shalt  }
0x4e: {  	_ =	shalt  }
0x4f: {  	_ =	shalt  }
0x50: {  	_ =	shalt  }
0x51: {  	_ =	shalt  }
0x52: {  	_ =	shalt  }
0x53: {  	_ =	shalt  }
0x54: {  	_ =	shalt  }
0x55: {  	_ =	shalt  }
0x56: {  	_ =	shalt  }
0x57: {  	_ =	shalt  }
0x58: {  	_ =	shalt  }
0x59: {  	_ =	shalt  }
0x5a: {  	_ =	shalt  }
0x5b: {  	_ =	shalt  }
0x5c: {  	_ =	shalt  }
0x5d: {  	_ =	shalt  }
0x5e: {  	_ =	shalt  }
0x5f: {  	_ =	shalt  }
0x60: {  	_ =	shalt  }
0x61: {  	_ =	shalt  }
0x62: {  	_ =	shalt  }
0x63: {  	_ =	shalt  }
0x64: {  	_ =	shalt  }
0x65: {  	_ =	shalt  }
0x66: {  	_ =	shalt  }
0x67: {  	_ =	shalt  }
0x68: {  	_ =	shalt  }
0x69: {  	_ =	shalt  }
0x6a: {  	_ =	shalt  }
0x6b: {  	_ =	shalt  }
0x6c: {  	_ =	shalt  }
0x6d: {  	_ =	shalt  }
0x6e: {  	_ =	shalt  }
0x6f: {  	_ =	shalt  }
0x70: {  	_ =	shalt  }
0x71: {  	_ =	shalt  }
0x72: {  	_ =	shalt  }
0x73: {  	_ =	shalt  }
0x74: {  	_ =	shalt  }
0x75: {  	_ =	shalt  }
0x76: {  	_ =	shalt  }
0x77: {  	_ =	shalt  }
0x78: {  	_ =	shalt  }
0x79: {  	_ =	shalt  }
0x7a: {  	_ =	shalt  }
0x7b: {  	_ =	shalt  }
0x7c: {  	_ =	shalt  }
0x7d: {  	_ =	shalt  }
0x7e: {  	_ =	shalt  }
0x7f: {  	_ =	shalt  }
0x80: {  	_ =	shalt  }
0x81: {  	_ =	shalt  }
0x82: {  	_ =	shalt  }
0x83: {  	_ =	shalt  }
0x84: {  	_ =	shalt  }
0x85: {  	_ =	shalt  }
0x86: {  	_ =	shalt  }
0x87: {  	_ =	shalt  }
.Lfunc_end0:
.L_simem_size_0:
called_computation.3_lowered:
.L_overlay_start_0:
0x88: {  	s2 =	sld [smem:$0x3FD9]  }
0x89: {  	s3 =	sld [smem:$0x3FFE];
	_ =	sdelay $0x1  }
0x8a: {  	s1 =	srdreg.scid  }
0x8b: {  	s0 =	sand.u32 $0x1, s1  }
0x8c: {  	s17 =	sshll.u32 s0, $0xA;
	s2 =	sadd.s32 s3, s2  }
0x8d: {  	s2 =	sadd.s32 s2, s17  }
0x8e: {  	[smem:$0x3FC0] =	sst s2  }
0x8f: {  	_ = 	snop  }
0x90: {  	s2 =	sld [smem:$0x3FD0];
	(tm) =	ssettm $0x1  }
0x91: {  	s18 =	sld [smem:$0x3FFB];
	_ =	sdelay $0x3  }
0x92: {  	_ =	strace s18  }
0x93: {  	s3 =	sld [smem:$0x3FFC];
	_ =	sdelay $0x3  }
0x94: {  	_ =	strace s3  }
0x95: {  	s3 =	sld [smem:$0x3FFD];
	_ =	sdelay $0x3  }
0x96: {  	_ =	strace s3  }
0x97: {  	_ =	strace $0x8FFFFFFF  }
0x98: {  	s19 =	sld [smem:$0x3FDB];
	_ =	sdelay $0x1  }
0x99: {  	s4 =	simm.s32 $_scs_section_size  }
0x9a: {  	s5 =	simm.s32 $_size__tile_overlayer_lowered;
	s6 =	simm.s32 $_tile_overlayer_lowered  }
0x9b: {  	s22 =	simm.s32 $0x1BFF;
	s21 =	sshll.u32 s6, $0x1;
	s3 =	sadd.s32 s4, s19  }
0x9c: {  	s7 =	simm.s32 $0x0;
	s20 =	sshll.u32 s5, $0x1;
	s5 =	sadd.s32 s21, s3  }
0x9d: {  	[timem:s7], [sflag:s22] =	dma.local [hbm:s5], s20  }
0x9e: {  	_ =	swait.ge [sflag:s22], s20  }
0x9f: {  	s4 =	ssub.s32 $0x0, s20;
	[sflag:s22] =	ssyncset.done $0x0  }
0xa0: {  	[sflag:s22] =	ssyncadd.s32 s4;
	_ =	sdelay $0x1  }
0xa1: {  	s23 =	simm.s32 $0x1B8B  }
0xa2: {  	_ =	swait.ge [sflag:s23], $0x1  }
0xa3: {  	[sflag:s23] =	ssyncset.done $0x0  }
0xa4: {  	s25 =	simm.s32 $0x1B8E;
	s24 =	sld [smem:$0x3FFE];
	[sflag:s23] =	ssyncadd.s32 $0xFFFFFFFF  }
0xa5: {  	s26 =	simm.s32 $execute0_lowered;
	[smem:$0x3FD2] =	sst s25  }
0xa6: {  	s5 =	sshll.u32 s26, $0x1;
	_ =	strace $0x8000004F;
	[dreg:$0x1] =	wrdreg $0xFFFFFFFF  }
0xa7: {  	s28 =	simm.s32 $_size_execute0_lowered;
	s3 =	sadd.s32 s3, s5;
	[dreg:$0x0] =	wrdreg $0x0  }
0xa8: {  	s5 =	sshll.u32 s28, $0x1;
	[dreg:$0x2] =	wrdreg s3  }
0xa9: {  	[dreg:$0x3] =	wrdreg s5  }
0xaa: {  	[dreg:$0x4] =	wrdreg $0xC0  }
0xab: {  	_ =	task [dreg:s7], $0x5FFFF  }
0xac: {  	[dreg:$0x1] =	wrdreg $0xFFFFFFFF  }
0xad: {  	[dreg:$0x0] =	wrdreg $0x60  }
0xae: {  	[dreg:$0x2] =	wrdreg s24  }
0xaf: {  	[dreg:$0x3] =	wrdreg s2  }
0xb0: {  	[dreg:$0x4] =	wrdreg $0x140000  }
0xb1: {  	[dreg:$0x5] =	wrdreg $0x9  }
0xb2: {  	_ =	task.clear_ibuf [dreg:s7], $0x6FFFF;
	_ =	strace $0x9000004F  }
0xb3: {  	s29 =	simm.s32 $0x9;
	_ =	strace $0x80000051  }
0xb4: {  	_ =	swait.ge [sflag:s29], $0x1  }
0xb5: {  	[sflag:s29] =	ssyncadd.s32 $0xFFFFFFFF  }
0xb6: {  	_ =	strace $0x90000051  }
0xb7: {  	_ =	sfence  }
0xb8: {  	s30 =	sld [smem:$0x0];
	_ =	sdelay $0x2  }
0xb9: {  	s31 =	sshll.u32 s1, $0xD;
	s1 =	sshrl.u32 s1, $0x2  }
0xba: {  	s3 =	sand.u32 $0x4000, s31;
	s1 =	sadd.s32 s1, s30  }
0xbb: {  	s0 =	sor.u32 s3, s0;
	s1 =	sshll.u32 s1, $0x11  }
0xbc: {  	s0 =	sor.u32 s1, s0  }
0xbd: {  	s0 =	sadd.s32 $0x8F2B, s0  }
0xbe: {  	[sflag:s0] =	ssyncadd.remote.s32 $0x1  }
0xbf: {  	_ =	sfence.sel $0xFFFF  }
0xc0: {  	[dreg:$0x0] =	wrdreg $0xFFFFFFFF;
	(pc) =	sbr.abs _section_cstart, $3  }
0xc1: {  	[dreg:$0x1] =	wrdreg $0xFFFFFFFF  }
0xc2: {  	_ =	task.clear_ibuf [dreg:s7], $0x2FFFF;
	_ =	strace $0x9FFFFFFF  }
0xc3: {  	(tm) =	ssettm $0x7FFFFFFF  }
tec
execute0_lowered:
.L_overlay_start_1:
0x0: {  	(tag) =	ssettag $0x1  }
0x1: {  	s0 =	rddreg [dreg:$0x0];
	s8 =	stileid.u32  }
0x2: {  	s1 =	srdreg.scid;
	s3 =	rddreg [dreg:$0x2]  }
0x3: {  	s4 =	simm.s32 $0x0;
	s15 =	simm.s32 $0x6;
	s17 =	simm.s32 $0xA000  }
0x4: {  	s18 =	simm.s32 $0x80;
	s19 =	simm.s32 $0xC000;
	s21 =	simm.s32 $0xE000  }
0x5: {  	s23 =	simm.s32 $0x10000;
	s28 =	simm.s32 $0x2;
	s29 =	simm.s32 $0x3  }
0x6: {  	s30 =	simm.s32 $0x4;
	s31 =	simm.s32 $0x5;
	s2 =	smul.u32 $0xA00, s8  }
0x7: {  	s16 =	simm.s32 $0x9F00;
	s20 =	simm.s32 $0x9F80;
	s7 =	smul.u32 $0xA000, s8  }
0x8: {  	s22 =	simm.s32 $0x0;
	s1 =	sand.u32 $0x1, s1;
	s8 =	smul.u32 $0x28000, s8  }
0x9: {  	[smem:$0x7FF] =	sst s4;
	s5 =	smul.u32 $0xA0000, s1;
	s1 =	ssub.s32 $0x2, s1  }
0xa: {  	_ =	strace $0x80000050;
	s2 =	sadd.s32 s2, s0;
	s25 =	sshrl.u32 s1, $0x1  }
0xb: {  	s8 =	sshrl.u32 s8, $0x2;
	s6 =	sshrl.u32 s5, $0x3;
	s5 =	sadd.s32 s7, s5  }
0xc: {  	s1 =	ssub.s32 s1, s25;
	s26 =	sadd.s32 s8, s3;
	s7 =	sadd.s32 s7, s3  }
0xd: {  	s25 =	simm.s32 $0x12000;
	s12 =	sadd.s32 s6, s0;
	s5 =	sshrl.u32 s5, $0x3  }
0xe: {  	s6 =	sadd.s32 $0x54600, s2;
	s8 =	sadd.s32 $0x2000, s26;
	s9 =	sadd.s32 $0x4000, s26  }
0xf: {  	s10 =	sadd.s32 $0x6000, s26;
	s11 =	sadd.s32 $0x8000, s26;
	s14 =	smax.u32 s1, $0x1  }
0x10: {  	s26 =	simm.s32 $0x1;
	s0 =	sadd.s32 s5, s0;
	s5 =	sadd.s32 $0x5E600, s2  }
0x11: {  	s12 =	sadd.s32 $0x3600, s12;
	s13 =	sadd.s32 $0x2B600, s0;
	s0 =	simm.s32 $0x9E80  }
.LBB2_1:
0x12: {  	[tilespmem:s4], [sflag:$0x6] =	stream.linear.gather [hbm4b:s5+s4], $0x5000, $0x38;
	[tilespmem:$0x1E000] =	vst v63  }
0x13: {  	_ =	swait.ge [sflag:s15], $0x5000  }
0x14: {  	[sflag:s15] =	ssyncset.done $0x0  }
0x15: {  	s1 =	simm.s32 $0x5000;
	[sflag:s15] =	ssyncadd.s32 $0xFFFFB000  }
0x16: {  	[tilespmem:s1], [sflag:$0x6] =	stream.linear.gather [hbm4b:s6+s4], $0x5000, $0x38;
	[tilespmem:$0x1E000] =	vst v63  }
0x17: {  	_ =	swait.ge [sflag:s15], $0x5000  }
0x18: {  	[sflag:s15] =	ssyncset.done $0x0  }
0x19: {  	[sflag:s15] =	ssyncadd.s32 $0xFFFFB000  }
0x1a: {  	s24 =	rddreg [dreg:$0x1]  }
0x1b: {  	[tilespmem:s17], [sflag:$0x6] =	stream.linear.gather [hbm4b:s24+s4], $0x2000, $0x38;
	[tilespmem:$0x1E000] =	vst v63  }
0x1c: {  	_ =	swait.ge [sflag:s15], $0x2000  }
0x1d: {  	[sflag:s15] =	ssyncset.done $0x0  }
0x1e: {  	[sflag:s15] =	ssyncadd.s32 $0xFFFFE000  }
0x1f: {  	[spmem:s7] =	stream.linear.scatter [tilespmem:s17], [sflag:$0x6], $0x2000, $0x38;
	[tilespmem:$0x1E000] =	vst v63  }
0x20: {  	_ =	swait.ge [sflag:s15], $0x2000  }
0x21: {  	[sflag:s15] =	ssyncset.done $0x0  }
0x22: {  	[sflag:s15] =	ssyncadd.s32 $0xFFFFE000  }
0x23: {  	[spmem:s8] =	stream.linear.scatter [tilespmem:s17], [sflag:$0x6], $0x2000, $0x38;
	[tilespmem:$0x1E000] =	vst v63  }
0x24: {  	_ =	swait.ge [sflag:s15], $0x2000  }
0x25: {  	[sflag:s15] =	ssyncset.done $0x0  }
0x26: {  	[sflag:s15] =	ssyncadd.s32 $0xFFFFE000  }
0x27: {  	[spmem:s9] =	stream.linear.scatter [tilespmem:s17], [sflag:$0x6], $0x2000, $0x38;
	[tilespmem:$0x1E000] =	vst v63  }
0x28: {  	_ =	swait.ge [sflag:s15], $0x2000  }
0x29: {  	[sflag:s15] =	ssyncset.done $0x0  }
0x2a: {  	[sflag:s15] =	ssyncadd.s32 $0xFFFFE000  }
0x2b: {  	[spmem:s10] =	stream.linear.scatter [tilespmem:s17], [sflag:$0x6], $0x2000, $0x38;
	[tilespmem:$0x1E000] =	vst v63  }
0x2c: {  	_ =	swait.ge [sflag:s15], $0x2000  }
0x2d: {  	[sflag:s15] =	ssyncset.done $0x0  }
0x2e: {  	[sflag:s15] =	ssyncadd.s32 $0xFFFFE000  }
0x2f: {  	[spmem:s11] =	stream.linear.scatter [tilespmem:s17], [sflag:$0x6], $0x2000, $0x38;
	[tilespmem:$0x1E000] =	vst v63  }
0x30: {  	_ =	swait.ge [sflag:s15], $0x2000  }
0x31: {  	[sflag:s15] =	ssyncset.done $0x0  }
0x32: {  	[sflag:s15] =	ssyncadd.s32 $0xFFFFE000  }
0x33: {  	[bflag:$0x0] =	sbarrier.arrive $0xFFFF  }
0x34: {  	[tilespmem:s17], [sflag:$0x1] =	stream.indirect.gather [hbm4b:s12+s18], $0x40, s4, s18, $0xb8;
	[tilespmem:$0x1E000] =	vst v63  }
0x35: {  	_ = 	snop  }
0x36: {  	[tilespmem:s19], [sflag:$0x2] =	stream.indirect.gather [hbm4b:s12+s18], $0x40, s18, s18, $0xb8;
	[tilespmem:$0x1E000] =	vst v63  }
0x37: {  	s2 =	simm.s32 $0x100  }
0x38: {  	[tilespmem:s21], [sflag:$0x3] =	stream.indirect.gather [hbm4b:s12+s18], $0x40, s2, s18, $0xb8;
	[tilespmem:$0x1E000] =	vst v63  }
0x39: {  	s24 =	simm.s32 $0x180  }
0x3a: {  	[tilespmem:s23], [sflag:$0x4] =	stream.indirect.gather [hbm4b:s12+s18], $0x40, s24, s18, $0xb8;
	[tilespmem:$0x1E000] =	vst v63  }
0x3b: {  	s2 =	simm.s32 $0x200  }
0x3c: {  	[tilespmem:s25], [sflag:$0x5] =	stream.indirect.gather [hbm4b:s12+s18], $0x40, s2, s18, $0xb8;
	[tilespmem:$0x1E000] =	vst v63  }
0x3d: {  	_ =	swait.ge [sflag:s26], $0x2000  }
0x3e: {  	[sflag:s26] =	ssyncset.done $0x0  }
0x3f: {  	s24 =	simm.s32 $0x5000;
	[sflag:s26] =	ssyncadd.s32 $0xFFFFE000  }
0x40: {  	[spmem:s3] =	stream.indirect.scatter.add.f32 [tilespmem:s17], [sflag:$0x6], $0x40, s24, s18, $0xb8;
	[tilespmem:$0x1E000] =	vst v63  }
0x41: {  	_ =	swait.ge [sflag:s15], $0x2000  }
0x42: {  	[sflag:s15] =	ssyncset.done $0x0  }
0x43: {  	s2 =	simm.s32 $0x280;
	[sflag:s15] =	ssyncadd.s32 $0xFFFFE000  }
0x44: {  	[tilespmem:s17], [sflag:$0x1] =	stream.indirect.gather [hbm4b:s12+s18], $0x40, s2, s18, $0xb8;
	[tilespmem:$0x1E000] =	vst v63  }
0x45: {  	_ =	swait.ge [sflag:s28], $0x2000  }
0x46: {  	[sflag:s28] =	ssyncset.done $0x0  }
0x47: {  	s24 =	simm.s32 $0x5080;
	[sflag:s28] =	ssyncadd.s32 $0xFFFFE000  }
0x48: {  	[spmem:s3] =	stream.indirect.scatter.add.f32 [tilespmem:s19], [sflag:$0x6], $0x40, s24, s18, $0xb8;
	[tilespmem:$0x1E000] =	vst v63  }
0x49: {  	_ =	swait.ge [sflag:s15], $0x2000  }
0x4a: {  	[sflag:s15] =	ssyncset.done $0x0  }
0x4b: {  	s2 =	simm.s32 $0x300;
	[sflag:s15] =	ssyncadd.s32 $0xFFFFE000  }
0x4c: {  	[tilespmem:s19], [sflag:$0x2] =	stream.indirect.gather [hbm4b:s12+s18], $0x40, s2, s18, $0xb8;
	[tilespmem:$0x1E000] =	vst v63  }
0x4d: {  	_ =	swait.ge [sflag:s29], $0x2000  }
0x4e: {  	[sflag:s29] =	ssyncset.done $0x0  }
0x4f: {  	s24 =	simm.s32 $0x5100;
	[sflag:s29] =	ssyncadd.s32 $0xFFFFE000  }
0x50: {  	[spmem:s3] =	stream.indirect.scatter.add.f32 [tilespmem:s21], [sflag:$0x6], $0x40, s24, s18, $0xb8;
	[tilespmem:$0x1E000] =	vst v63  }
0x51: {  	_ =	swait.ge [sflag:s15], $0x2000  }
0x52: {  	[sflag:s15] =	ssyncset.done $0x0  }
0x53: {  	s2 =	simm.s32 $0x380;
	[sflag:s15] =	ssyncadd.s32 $0xFFFFE000  }
0x54: {  	[tilespmem:s21], [sflag:$0x3] =	stream.indirect.gather [hbm4b:s12+s18], $0x40, s2, s18, $0xb8;
	[tilespmem:$0x1E000] =	vst v63  }
0x55: {  	_ =	swait.ge [sflag:s30], $0x2000  }
0x56: {  	[sflag:s30] =	ssyncset.done $0x0  }
0x57: {  	s24 =	simm.s32 $0x5180;
	[sflag:s30] =	ssyncadd.s32 $0xFFFFE000  }
0x58: {  	[spmem:s3] =	stream.indirect.scatter.add.f32 [tilespmem:s23], [sflag:$0x6], $0x40, s24, s18, $0xb8;
	[tilespmem:$0x1E000] =	vst v63  }
0x59: {  	_ =	swait.ge [sflag:s15], $0x2000  }
0x5a: {  	[sflag:s15] =	ssyncset.done $0x0  }
0x5b: {  	s2 =	simm.s32 $0x400;
	[sflag:s15] =	ssyncadd.s32 $0xFFFFE000  }
0x5c: {  	[tilespmem:s23], [sflag:$0x4] =	stream.indirect.gather [hbm4b:s12+s18], $0x40, s2, s18, $0xb8;
	[tilespmem:$0x1E000] =	vst v63  }
0x5d: {  	_ =	swait.ge [sflag:s31], $0x2000  }
0x5e: {  	[sflag:s31] =	ssyncset.done $0x0  }
0x5f: {  	s24 =	simm.s32 $0x5200;
	[sflag:s31] =	ssyncadd.s32 $0xFFFFE000  }
0x60: {  	[spmem:s3] =	stream.indirect.scatter.add.f32 [tilespmem:s25], [sflag:$0x6], $0x40, s24, s18, $0xb8;
	[tilespmem:$0x1E000] =	vst v63  }
0x61: {  	_ =	swait.ge [sflag:s15], $0x2000  }
0x62: {  	[sflag:s15] =	ssyncset.done $0x0  }
0x63: {  	s1 =	simm.s32 $0x480;
	s24 =	simm.s32 $0xA00;
	[sflag:s15] =	ssyncadd.s32 $0xFFFFE000  }
.LBB2_2:
0x64: {  	[tilespmem:s25], [sflag:$0x5] =	stream.indirect.gather [hbm4b:s12+s18], $0x40, s1, s18, $0xb8;
	[tilespmem:$0x1E000] =	vst v63  }
0x65: {  	s1 =	smov.u32 s24  }
0x66: {  	p0 =	sne.s32 s24, $0x12C00;
	s24 =	sadd.s32 $0xA00, s24;
	_ =	swait.ge [sflag:s26], $0x2000  }
0x67: {  	s1 =	sshra.s32 s1, $0x2;
	[sflag:s26] =	ssyncset.done $0x0  }
0x68: {  	s2 =	sadd.s32 $0x5000, s1;
	[sflag:s26] =	ssyncadd.s32 $0xFFFFE000  }
0x69: {  	[spmem:s3] =	stream.indirect.scatter.add.f32 [tilespmem:s17], [sflag:$0x6], $0x40, s2, s18, $0xb8;
	[tilespmem:$0x1E000] =	vst v63  }
0x6a: {  	_ =	swait.ge [sflag:s15], $0x2000  }
0x6b: {  	[sflag:s15] =	ssyncset.done $0x0  }
0x6c: {  	s2 =	sadd.s32 $0x280, s1;
	[sflag:s15] =	ssyncadd.s32 $0xFFFFE000  }
0x6d: {  	[tilespmem:s17], [sflag:$0x1] =	stream.indirect.gather [hbm4b:s12+s18], $0x40, s2, s18, $0xb8;
	[tilespmem:$0x1E000] =	vst v63  }
0x6e: {  	_ =	swait.ge [sflag:s28], $0x2000  }
0x6f: {  	[sflag:s28] =	ssyncset.done $0x0  }
0x70: {  	s2 =	sadd.s32 $0x5080, s1;
	[sflag:s28] =	ssyncadd.s32 $0xFFFFE000  }
0x71: {  	[spmem:s3] =	stream.indirect.scatter.add.f32 [tilespmem:s19], [sflag:$0x6], $0x40, s2, s18, $0xb8;
	[tilespmem:$0x1E000] =	vst v63  }
0x72: {  	_ =	swait.ge [sflag:s15], $0x2000  }
0x73: {  	[sflag:s15] =	ssyncset.done $0x0  }
0x74: {  	s2 =	sadd.s32 $0x300, s1;
	[sflag:s15] =	ssyncadd.s32 $0xFFFFE000  }
0x75: {  	[tilespmem:s19], [sflag:$0x2] =	stream.indirect.gather [hbm4b:s12+s18], $0x40, s2, s18, $0xb8;
	[tilespmem:$0x1E000] =	vst v63  }
0x76: {  	_ =	swait.ge [sflag:s29], $0x2000  }
0x77: {  	[sflag:s29] =	ssyncset.done $0x0  }
0x78: {  	s2 =	sadd.s32 $0x5100, s1;
	[sflag:s29] =	ssyncadd.s32 $0xFFFFE000  }
0x79: {  	[spmem:s3] =	stream.indirect.scatter.add.f32 [tilespmem:s21], [sflag:$0x6], $0x40, s2, s18, $0xb8;
	[tilespmem:$0x1E000] =	vst v63  }
0x7a: {  	_ =	swait.ge [sflag:s15], $0x2000  }
0x7b: {  	[sflag:s15] =	ssyncset.done $0x0  }
0x7c: {  	s2 =	sadd.s32 $0x380, s1;
	[sflag:s15] =	ssyncadd.s32 $0xFFFFE000  }
0x7d: {  	[tilespmem:s21], [sflag:$0x3] =	stream.indirect.gather [hbm4b:s12+s18], $0x40, s2, s18, $0xb8;
	[tilespmem:$0x1E000] =	vst v63  }
0x7e: {  	_ =	swait.ge [sflag:s30], $0x2000  }
0x7f: {  	[sflag:s30] =	ssyncset.done $0x0  }
0x80: {  	s2 =	sadd.s32 $0x5180, s1;
	[sflag:s30] =	ssyncadd.s32 $0xFFFFE000  }
0x81: {  	[spmem:s3] =	stream.indirect.scatter.add.f32 [tilespmem:s23], [sflag:$0x6], $0x40, s2, s18, $0xb8;
	[tilespmem:$0x1E000] =	vst v63  }
0x82: {  	_ =	swait.ge [sflag:s15], $0x2000  }
0x83: {  	[sflag:s15] =	ssyncset.done $0x0  }
0x84: {  	s2 =	sadd.s32 $0x400, s1;
	[sflag:s15] =	ssyncadd.s32 $0xFFFFE000  }
0x85: {  	[tilespmem:s23], [sflag:$0x4] =	stream.indirect.gather [hbm4b:s12+s18], $0x40, s2, s18, $0xb8;
	[tilespmem:$0x1E000] =	vst v63  }
0x86: {  	_ =	swait.ge [sflag:s31], $0x2000  }
0x87: {  	[sflag:s31] =	ssyncset.done $0x0  }
.Ltmp0:
0x88: {  	s2 =	sadd.s32 $0x5200, s1;
	[sflag:s31] =	ssyncadd.s32 $0xFFFFE000;
	(pc) =	sbr.rel @p0 .LBB2_2-.Ltmp0, $4  }
0x89: {  	[spmem:s3] =	stream.indirect.scatter.add.f32 [tilespmem:s25], [sflag:$0x6], $0x40, s2, s18, $0xb8;
	[tilespmem:$0x1E000] =	vst v63  }
0x8a: {  	_ =	swait.ge [sflag:s15], $0x2000  }
0x8b: {  	[sflag:s15] =	ssyncset.done $0x0  }
0x8c: {  	s1 =	sadd.s32 $0x480, s1;
	[sflag:s15] =	ssyncadd.s32 $0xFFFFE000  }
0x8d: {  	[tilespmem:s25], [sflag:$0x5] =	stream.indirect.gather [hbm4b:s12+s18], $0x40, s1, s18, $0xb8;
	[tilespmem:$0x1E000] =	vst v63  }
0x8e: {  	_ =	swait.ge [sflag:s26], $0x2000  }
0x8f: {  	[sflag:s26] =	ssyncset.done $0x0  }
0x90: {  	s24 =	simm.s32 $0x9D80;
	[sflag:s26] =	ssyncadd.s32 $0xFFFFE000  }
0x91: {  	[spmem:s3] =	stream.indirect.scatter.add.f32 [tilespmem:s17], [sflag:$0x6], $0x40, s24, s18, $0xb8;
	[tilespmem:$0x1E000] =	vst v63  }
0x92: {  	_ =	swait.ge [sflag:s15], $0x2000  }
0x93: {  	[sflag:s15] =	ssyncset.done $0x0  }
0x94: {  	[sflag:s15] =	ssyncadd.s32 $0xFFFFE000  }
0x95: {  	_ =	swait.ge [sflag:s28], $0x2000  }
0x96: {  	[sflag:s28] =	ssyncset.done $0x0  }
0x97: {  	s2 =	simm.s32 $0x9E00;
	[sflag:s28] =	ssyncadd.s32 $0xFFFFE000  }
0x98: {  	[spmem:s3] =	stream.indirect.scatter.add.f32 [tilespmem:s19], [sflag:$0x6], $0x40, s2, s18, $0xb8;
	[tilespmem:$0x1E000] =	vst v63  }
0x99: {  	_ =	swait.ge [sflag:s15], $0x2000  }
0x9a: {  	[sflag:s15] =	ssyncset.done $0x0  }
0x9b: {  	[sflag:s15] =	ssyncadd.s32 $0xFFFFE000  }
0x9c: {  	_ =	swait.ge [sflag:s29], $0x2000  }
0x9d: {  	[sflag:s29] =	ssyncset.done $0x0  }
0x9e: {  	[sflag:s29] =	ssyncadd.s32 $0xFFFFE000  }
0x9f: {  	[spmem:s3] =	stream.indirect.scatter.add.f32 [tilespmem:s21], [sflag:$0x6], $0x40, s0, s18, $0xb8;
	[tilespmem:$0x1E000] =	vst v63  }
0xa0: {  	_ =	swait.ge [sflag:s15], $0x2000  }
0xa1: {  	[sflag:s15] =	ssyncset.done $0x0  }
0xa2: {  	[sflag:s15] =	ssyncadd.s32 $0xFFFFE000  }
0xa3: {  	_ =	swait.ge [sflag:s30], $0x2000  }
0xa4: {  	[sflag:s30] =	ssyncset.done $0x0  }
0xa5: {  	[sflag:s30] =	ssyncadd.s32 $0xFFFFE000  }
0xa6: {  	[spmem:s3] =	stream.indirect.scatter.add.f32 [tilespmem:s23], [sflag:$0x6], $0x40, s16, s18, $0xb8;
	[tilespmem:$0x1E000] =	vst v63  }
0xa7: {  	_ =	swait.ge [sflag:s15], $0x2000  }
0xa8: {  	[sflag:s15] =	ssyncset.done $0x0  }
0xa9: {  	[sflag:s15] =	ssyncadd.s32 $0xFFFFE000  }
0xaa: {  	_ =	swait.ge [sflag:s31], $0x2000  }
0xab: {  	[sflag:s31] =	ssyncset.done $0x0  }
0xac: {  	[sflag:s31] =	ssyncadd.s32 $0xFFFFE000  }
0xad: {  	[spmem:s3] =	stream.indirect.scatter.add.f32 [tilespmem:s25], [sflag:$0x6], $0x40, s20, s18, $0xb8;
	[tilespmem:$0x1E000] =	vst v63  }
0xae: {  	s24 =	stileid.u32;
	_ =	swait.ge [sflag:s15], $0x2000  }
0xaf: {  	s22 =	sadd.s32 $0x1, s22;
	s1 =	sshll.u32 s24, $0x6;
	[sflag:s15] =	ssyncset.done $0x0  }
0xb0: {  	p0 =	sne.s32 s22, s14;
	s1 =	sor.u32 $0x1C06, s1;
	[sflag:s15] =	ssyncadd.s32 $0xFFFFE000  }
.Ltmp1:
0xb1: {  	s2 =	sshrl.u32 s7, $0x3;
	[bflag:$0x0] =	sbarrier.arrive $0xFFFF;
	(pc) =	sbr.rel @p0 .LBB2_1-.Ltmp1, $4  }
0xb2: {  	[hbm:s13], [sflag:s1] =	dma.local [spmem:s2], $0x1400  }
0xb3: {  	_ =	swait.ge [sflag:s15], $0x1400  }
0xb4: {  	[sflag:s15] =	ssyncset.done $0x0  }
0xb5: {  	[sflag:s15] =	ssyncadd.s32 $0xFFFFEC00  }
0xb6: {  	_ =	sfence.sel $0x180000  }
0xb7: {  	[bflag:$0x0] =	sbarrier.arrive $0xFFFF  }
0xb8: {  	_ =	strace $0x90000050  }
0xb9: {  	s0 =	stileid.u32;
	[bflag:$0x2] =	sbarrier.arrive $0xFFFF  }
0xba: {  	p0 =	sne.s32 s0, $0x0;
	s0 =	rddreg [dreg:$0x3]  }
0xbb: {  	s0 =	sadd.s32 @!p0 $0x100000, s0  }
0xbc: {  	[sflag:s0] =	ssyncadd.tile.s32 @!p0 $0x1;
	_ =	shalt  }
.Lfunc_end2:
_tile_overlayer_lowered:
.L_overlay_start_2:
0xbd: {  	(tag) =	ssettag $0x2  }
0xbe: {  	s0 =	rddreg [dreg:$0x0];
	s2 =	stileid.u32  }
0xbf: {  	s1 =	rddreg [dreg:$0x1];
	p0 =	sne.s32 s2, $0x0  }
0xc0: {  	s3 =	rddreg [dreg:$0x2];
	[bflag:$0x3] =	sbarrier.arrive $0xFFFF;
	s2 =	simm.s32 @!p0 $0x1C06  }
0xc1: {  	[timem:s3], [sflag:s2] =	dma.local @!p0 [hbm:s0], s1  }
0xc2: {  	s0 =	simm.s32 @!p0 $0x6  }
0xc3: {  	_ =	swait.ge @!p0 [sflag:s0], s1  }
0xc4: {  	s1 =	ssub.s32 @!p0 $0x0, s1;
	[sflag:s0] =	ssyncset.done @!p0 $0x0  }
0xc5: {  	[sflag:s0] =	ssyncadd.s32 @!p0 s1  }
0xc6: {  	[bflag:$0x3] =	sbarrier.arrive $0xFFFF  }
0xc7: {  	_ =	shalt  }

// kernel: kernel.26.cloned.1.call-start
scs
__scs_entry_jumppad:
0x0: {  	(pc) =	sbr.rel $0x88, $3  }
0x1: {  	(tag) =	ssettag $0x0;
	lr =	simm.s32 $0x1  }
0x2: {  	[smem:$0x3F99] =	sst lr;
	_ =	strace $0xD0000000  }
0x3: {  	_ = 	snop  }
0x4: {  	_ = 	snop  }
0x5: {  	_ = 	snop  }
0x6: {  	_ = 	snop  }
0x7: {  	_ = 	snop  }
__scs_overlays_trampoline_lowered:
0x8: {  	[smem:$0x3FA8] =	sst s0  }
0x9: {  	[smem:$0x3FA9] =	sst s1  }
0xa: {  	[smem:$0x3FAA] =	sst s2  }
0xb: {  	[smem:$0x3FAB] =	sst s3  }
0xc: {  	[smem:$0x3FAC] =	sst s4  }
0xd: {  	[smem:$0x3FAD] =	sst s5  }
0xe: {  	[smem:$0x3FAE] =	sst s6  }
0xf: {  	[smem:$0x3FAF] =	sst s7  }
0x10: {  	[smem:$0x3FB0] =	sst s8  }
0x11: {  	[smem:$0x3FB1] =	sst s9;
	s0 =	simm.s32 @!p0 $0x0  }
0x12: {  	s1 =	sld [smem:$0x3F97];
	s0 =	simm.s32 @p0 $0x1  }
0x13: {  	[smem:$0x3FB2] =	sst s0;
	s0 =	simm.s32 @!p1 $0x0  }
0x14: {  	s2 =	sld [smem:$0x3F96];
	s0 =	simm.s32 @p1 $0x1  }
0x15: {  	[smem:$0x3FB3] =	sst s0;
	s0 =	simm.s32 @!p2 $0x0  }
0x16: {  	s3 =	sld [smem:$0x3FDB];
	s0 =	simm.s32 @p2 $0x1  }
0x17: {  	s4 =	simm.s32 $0x1BF5;
	[smem:$0x3FB5] =	sst s0  }
0x18: {  	s0 =	sld [smem:$0x3F98];
	_ =	swait.ge [sflag:s4], $0x0  }
0x19: {  	s7 =	sld [smem:$0x3F99]  }
0x1a: {  	s8 =	sadd.s32 $0xFFFFE003, lr  }
0x1b: {  	s9 =	sadd.s32 $0xFFFFFEF7, lr;
	s5 =	simm.s32 $0xFFFFFFFF;
	p2 =	slt.u32 s8, $0xFFFFF086  }
0x1c: {  	p1 =	slt.u32 s9, $0xF7A;
	s5 =	simm.s32 @!p2 $0x0  }
0x1d: {  	s5 =	simm.s32 @p1 $0x1;
	p0 =	seq.s32 s7, s2  }
0x1e: {  	s7 =	smul.u32 @!p0 $0xF7A, s2;
	p2 =	seq.s32 @!p0 s5, $0x0  }
0x1f: {  	s9 =	smul.u32 $0xF7A, s1;
	s8 =	simm.s32 @!p0 $0x1BF5;
	p2 =	por !p2, p0  }
0x20: {  	[sflag:s8] =	ssyncset.s32 @!p0 $0xFFFFF086;
	s6 =	sadd.s32 @!p0 s3, s7;
	s7 =	simm.s32 @!p0 $0x108  }
0x21: {  	s3 =	sadd.s32 s3, s9;
	s6 =	sadd.s32 @!p0 $0x88, s6;
	s7 =	simm.s32 @p2 $0x1082  }
0x22: {  	[simem:s7], [sflag:s8] =	dma.local @!p0 [hbm:s6], $0xF7A  }
0x23: {  	s9 =	sor.u32 $0xD0000000, s2;
	s6 =	simm.s32 $0x108;
	_ =	swait.ge @!p0 [sflag:s8], $0x0  }
0x24: {  	s3 =	sadd.s32 $0x88, s3;
	s6 =	simm.s32 @!p1 $0x1082;
	[sflag:s4] =	ssyncset.s32 $0xFFFFF086  }
0x25: {  	[simem:s6], [sflag:s4] =	dma.local [hbm:s3], $0xF7A  }
0x26: {  	[smem:$0x3F99] =	sst s1;
	(tag) =	ssettag s2;
	_ =	strace s9  }
0x27: {  	s1 =	sld [smem:$0x3FA9]  }
0x28: {  	s2 =	sld [smem:$0x3FAA]  }
0x29: {  	s4 =	sld [smem:$0x3FAC]  }
0x2a: {  	p0 =	seq.s32 s5, $0x0;
	s5 =	sld [smem:$0x3FAD]  }
0x2b: {  	s6 =	sld [smem:$0x3FAE]  }
0x2c: {  	s7 =	sld [smem:$0x3FAF]  }
0x2d: {  	s3 =	simm.s32 $0x108;
	s8 =	sld [smem:$0x3FB0]  }
0x2e: {  	s3 =	simm.s32 @!p0 $0x1082;
	s9 =	sld [smem:$0x3FB1]  }
0x2f: {  	lr =	sadd.s32 s0, s3;
	s0 =	sld [smem:$0x3FA8]  }
0x30: {  	s3 =	sld [smem:$0x3FAB]  }
0x31: {  	[smem:$0x3FB4] =	sst s10  }
0x32: {  	s10 =	sld [smem:$0x3FB2];
	_ =	sdelay $0x3  }
0x33: {  	p0 =	seq.s32 s10, $0x1;
	s10 =	sld [smem:$0x3FB4];
	_ =	sdelay $0x3  }
0x34: {  	[smem:$0x3FB4] =	sst s10  }
0x35: {  	s10 =	sld [smem:$0x3FB3];
	_ =	sdelay $0x3  }
0x36: {  	p1 =	seq.s32 s10, $0x1;
	s10 =	sld [smem:$0x3FB4];
	_ =	sdelay $0x3  }
0x37: {  	[smem:$0x3FB4] =	sst s10  }
0x38: {  	s10 =	sld [smem:$0x3FB5]  }
0x39: {  	_ = 	snop;
	(pc) =	sbr.ind lr, $3  }
0x3a: {  	_ = 	snop  }
0x3b: {  	_ = 	snop  }
0x3c: {  	p2 =	seq.s32 s10, $0x1;
	s10 =	sld [smem:$0x3FB4]  }
0x3d: {  	_ =	shalt  }
0x3e: {  	_ =	shalt  }
0x3f: {  	_ =	shalt  }
0x40: {  	_ =	shalt  }
0x41: {  	_ =	shalt  }
0x42: {  	_ =	shalt  }
0x43: {  	_ =	shalt  }
0x44: {  	_ =	shalt  }
0x45: {  	_ =	shalt  }
0x46: {  	_ =	shalt  }
0x47: {  	_ =	shalt  }
0x48: {  	_ =	shalt  }
0x49: {  	_ =	shalt  }
0x4a: {  	_ =	shalt  }
0x4b: {  	_ =	shalt  }
0x4c: {  	_ =	shalt  }
0x4d: {  	_ =	shalt  }
0x4e: {  	_ =	shalt  }
0x4f: {  	_ =	shalt  }
0x50: {  	_ =	shalt  }
0x51: {  	_ =	shalt  }
0x52: {  	_ =	shalt  }
0x53: {  	_ =	shalt  }
0x54: {  	_ =	shalt  }
0x55: {  	_ =	shalt  }
0x56: {  	_ =	shalt  }
0x57: {  	_ =	shalt  }
0x58: {  	_ =	shalt  }
0x59: {  	_ =	shalt  }
0x5a: {  	_ =	shalt  }
0x5b: {  	_ =	shalt  }
0x5c: {  	_ =	shalt  }
0x5d: {  	_ =	shalt  }
0x5e: {  	_ =	shalt  }
0x5f: {  	_ =	shalt  }
0x60: {  	_ =	shalt  }
0x61: {  	_ =	shalt  }
0x62: {  	_ =	shalt  }
0x63: {  	_ =	shalt  }
0x64: {  	_ =	shalt  }
0x65: {  	_ =	shalt  }
0x66: {  	_ =	shalt  }
0x67: {  	_ =	shalt  }
0x68: {  	_ =	shalt  }
0x69: {  	_ =	shalt  }
0x6a: {  	_ =	shalt  }
0x6b: {  	_ =	shalt  }
0x6c: {  	_ =	shalt  }
0x6d: {  	_ =	shalt  }
0x6e: {  	_ =	shalt  }
0x6f: {  	_ =	shalt  }
0x70: {  	_ =	shalt  }
0x71: {  	_ =	shalt  }
0x72: {  	_ =	shalt  }
0x73: {  	_ =	shalt  }
0x74: {  	_ =	shalt  }
0x75: {  	_ =	shalt  }
0x76: {  	_ =	shalt  }
0x77: {  	_ =	shalt  }
0x78: {  	_ =	shalt  }
0x79: {  	_ =	shalt  }
0x7a: {  	_ =	shalt  }
0x7b: {  	_ =	shalt  }
0x7c: {  	_ =	shalt  }
0x7d: {  	_ =	shalt  }
0x7e: {  	_ =	shalt  }
0x7f: {  	_ =	shalt  }
0x80: {  	_ =	shalt  }
0x81: {  	_ =	shalt  }
0x82: {  	_ =	shalt  }
0x83: {  	_ =	shalt  }
0x84: {  	_ =	shalt  }
0x85: {  	_ =	shalt  }
0x86: {  	_ =	shalt  }
0x87: {  	_ =	shalt  }
.Lfunc_end0:
.L_simem_size_0:
called_computation.4_lowered:
.L_overlay_start_0:
0x88: {  	s2 =	sld [smem:$0x3FD9]  }
0x89: {  	s3 =	sld [smem:$0x3FFE];
	_ =	sdelay $0x1  }
0x8a: {  	s1 =	srdreg.scid  }
0x8b: {  	s0 =	sand.u32 $0x1, s1  }
0x8c: {  	s17 =	sshll.u32 s0, $0xA;
	s2 =	sadd.s32 s3, s2  }
0x8d: {  	s2 =	sadd.s32 s2, s17  }
0x8e: {  	[smem:$0x3FC0] =	sst s2  }
0x8f: {  	_ = 	snop  }
0x90: {  	s2 =	sld [smem:$0x3FD0];
	(tm) =	ssettm $0x1  }
0x91: {  	s18 =	sld [smem:$0x3FFB];
	_ =	sdelay $0x3  }
0x92: {  	_ =	strace s18  }
0x93: {  	s3 =	sld [smem:$0x3FFC];
	_ =	sdelay $0x3  }
0x94: {  	_ =	strace s3  }
0x95: {  	s3 =	sld [smem:$0x3FFD];
	_ =	sdelay $0x3  }
0x96: {  	_ =	strace s3  }
0x97: {  	_ =	strace $0x8FFFFFFF  }
0x98: {  	s19 =	sld [smem:$0x3FDB];
	_ =	sdelay $0x1  }
0x99: {  	s4 =	simm.s32 $_scs_section_size  }
0x9a: {  	s5 =	simm.s32 $_size__tile_overlayer_lowered;
	s6 =	simm.s32 $_tile_overlayer_lowered  }
0x9b: {  	s22 =	simm.s32 $0x1BFF;
	s21 =	sshll.u32 s6, $0x1;
	s3 =	sadd.s32 s4, s19  }
0x9c: {  	s7 =	simm.s32 $0x0;
	s20 =	sshll.u32 s5, $0x1;
	s5 =	sadd.s32 s21, s3  }
0x9d: {  	[timem:s7], [sflag:s22] =	dma.local [hbm:s5], s20  }
0x9e: {  	_ =	swait.ge [sflag:s22], s20  }
0x9f: {  	s4 =	ssub.s32 $0x0, s20;
	[sflag:s22] =	ssyncset.done $0x0  }
0xa0: {  	[sflag:s22] =	ssyncadd.s32 s4;
	_ =	sdelay $0x1  }
0xa1: {  	s23 =	simm.s32 $0x1B8B  }
0xa2: {  	_ =	swait.ge [sflag:s23], $0x1  }
0xa3: {  	[sflag:s23] =	ssyncset.done $0x0  }
0xa4: {  	s25 =	simm.s32 $0x1B8E;
	s24 =	sld [smem:$0x3FFE];
	[sflag:s23] =	ssyncadd.s32 $0xFFFFFFFF  }
0xa5: {  	s26 =	simm.s32 $execute0_lowered;
	[smem:$0x3FD2] =	sst s25  }
0xa6: {  	s5 =	sshll.u32 s26, $0x1;
	_ =	strace $0x80000052;
	[dreg:$0x1] =	wrdreg $0xFFFFFFFF  }
0xa7: {  	s28 =	simm.s32 $_size_execute0_lowered;
	s3 =	sadd.s32 s3, s5;
	[dreg:$0x0] =	wrdreg $0x0  }
0xa8: {  	s5 =	sshll.u32 s28, $0x1;
	[dreg:$0x2] =	wrdreg s3  }
0xa9: {  	[dreg:$0x3] =	wrdreg s5  }
0xaa: {  	[dreg:$0x4] =	wrdreg $0xC0  }
0xab: {  	_ =	task [dreg:s7], $0x5FFFF  }
0xac: {  	[dreg:$0x1] =	wrdreg $0xFFFFFFFF  }
0xad: {  	[dreg:$0x0] =	wrdreg $0x60  }
0xae: {  	[dreg:$0x2] =	wrdreg s24  }
0xaf: {  	[dreg:$0x3] =	wrdreg s2  }
0xb0: {  	[dreg:$0x4] =	wrdreg $0x140000  }
0xb1: {  	[dreg:$0x5] =	wrdreg $0x9  }
0xb2: {  	_ =	task.clear_ibuf [dreg:s7], $0x6FFFF;
	_ =	strace $0x90000052  }
0xb3: {  	s29 =	simm.s32 $0x9;
	_ =	strace $0x80000054  }
0xb4: {  	_ =	swait.ge [sflag:s29], $0x1  }
0xb5: {  	[sflag:s29] =	ssyncadd.s32 $0xFFFFFFFF  }
0xb6: {  	_ =	strace $0x90000054  }
0xb7: {  	_ =	sfence  }
0xb8: {  	s30 =	sld [smem:$0x0];
	_ =	sdelay $0x2  }
0xb9: {  	s31 =	sshll.u32 s1, $0xD;
	s1 =	sshrl.u32 s1, $0x2  }
0xba: {  	s3 =	sand.u32 $0x4000, s31;
	s1 =	sadd.s32 s1, s30  }
0xbb: {  	s0 =	sor.u32 s3, s0;
	s1 =	sshll.u32 s1, $0x11  }
0xbc: {  	s0 =	sor.u32 s1, s0  }
0xbd: {  	s0 =	sadd.s32 $0x8F2B, s0  }
0xbe: {  	[sflag:s0] =	ssyncadd.remote.s32 $0x1  }
0xbf: {  	_ =	sfence.sel $0xFFFF  }
0xc0: {  	[dreg:$0x0] =	wrdreg $0xFFFFFFFF;
	(pc) =	sbr.abs _section_cstart, $3  }
0xc1: {  	[dreg:$0x1] =	wrdreg $0xFFFFFFFF  }
0xc2: {  	_ =	task.clear_ibuf [dreg:s7], $0x2FFFF;
	_ =	strace $0x9FFFFFFF  }
0xc3: {  	(tm) =	ssettm $0x7FFFFFFF  }
tec
execute0_lowered:
.L_overlay_start_1:
0x0: {  	(tag) =	ssettag $0x1  }
0x1: {  	s0 =	rddreg [dreg:$0x0];
	s8 =	stileid.u32  }
0x2: {  	s1 =	srdreg.scid;
	s3 =	rddreg [dreg:$0x2]  }
0x3: {  	s4 =	simm.s32 $0x0;
	s15 =	simm.s32 $0x6;
	s17 =	simm.s32 $0xA000  }
0x4: {  	s18 =	simm.s32 $0x80;
	s19 =	simm.s32 $0xC000;
	s21 =	simm.s32 $0xE000  }
0x5: {  	s23 =	simm.s32 $0x10000;
	s28 =	simm.s32 $0x2;
	s29 =	simm.s32 $0x3  }
0x6: {  	s30 =	simm.s32 $0x4;
	s31 =	simm.s32 $0x5;
	s2 =	smul.u32 $0xA00, s8  }
0x7: {  	s16 =	simm.s32 $0x9F00;
	s20 =	simm.s32 $0x9F80;
	s7 =	smul.u32 $0xA000, s8  }
0x8: {  	s22 =	simm.s32 $0x0;
	s1 =	sand.u32 $0x1, s1;
	s8 =	smul.u32 $0x28000, s8  }
0x9: {  	[smem:$0x7FF] =	sst s4;
	s5 =	smul.u32 $0xA0000, s1;
	s1 =	ssub.s32 $0x2, s1  }
0xa: {  	_ =	strace $0x80000053;
	s2 =	sadd.s32 s2, s0;
	s25 =	sshrl.u32 s1, $0x1  }
0xb: {  	s8 =	sshrl.u32 s8, $0x2;
	s6 =	sshrl.u32 s5, $0x3;
	s5 =	sadd.s32 s7, s5  }
0xc: {  	s1 =	ssub.s32 s1, s25;
	s26 =	sadd.s32 s8, s3;
	s7 =	sadd.s32 s7, s3  }
0xd: {  	s25 =	simm.s32 $0x12000;
	s12 =	sadd.s32 s6, s0;
	s5 =	sshrl.u32 s5, $0x3  }
0xe: {  	s6 =	sadd.s32 $0x54600, s2;
	s8 =	sadd.s32 $0x2000, s26;
	s9 =	sadd.s32 $0x4000, s26  }
0xf: {  	s10 =	sadd.s32 $0x6000, s26;
	s11 =	sadd.s32 $0x8000, s26;
	s14 =	smax.u32 s1, $0x1  }
0x10: {  	s26 =	simm.s32 $0x1;
	s0 =	sadd.s32 s5, s0;
	s5 =	sadd.s32 $0x5E600, s2  }
0x11: {  	s12 =	sadd.s32 $0xB8600, s12;
	s13 =	sadd.s32 $0xE0600, s0;
	s0 =	simm.s32 $0x9E80  }
.LBB2_1:
0x12: {  	[tilespmem:s4], [sflag:$0x6] =	stream.linear.gather [hbm4b:s5+s4], $0x5000, $0x38;
	[tilespmem:$0x1E000] =	vst v63  }
0x13: {  	_ =	swait.ge [sflag:s15], $0x5000  }
0x14: {  	[sflag:s15] =	ssyncset.done $0x0  }
0x15: {  	s1 =	simm.s32 $0x5000;
	[sflag:s15] =	ssyncadd.s32 $0xFFFFB000  }
0x16: {  	[tilespmem:s1], [sflag:$0x6] =	stream.linear.gather [hbm4b:s6+s4], $0x5000, $0x38;
	[tilespmem:$0x1E000] =	vst v63  }
0x17: {  	_ =	swait.ge [sflag:s15], $0x5000  }
0x18: {  	[sflag:s15] =	ssyncset.done $0x0  }
0x19: {  	[sflag:s15] =	ssyncadd.s32 $0xFFFFB000  }
0x1a: {  	s24 =	rddreg [dreg:$0x1]  }
0x1b: {  	[tilespmem:s17], [sflag:$0x6] =	stream.linear.gather [hbm4b:s24+s4], $0x2000, $0x38;
	[tilespmem:$0x1E000] =	vst v63  }
0x1c: {  	_ =	swait.ge [sflag:s15], $0x2000  }
0x1d: {  	[sflag:s15] =	ssyncset.done $0x0  }
0x1e: {  	[sflag:s15] =	ssyncadd.s32 $0xFFFFE000  }
0x1f: {  	[spmem:s7] =	stream.linear.scatter [tilespmem:s17], [sflag:$0x6], $0x2000, $0x38;
	[tilespmem:$0x1E000] =	vst v63  }
0x20: {  	_ =	swait.ge [sflag:s15], $0x2000  }
0x21: {  	[sflag:s15] =	ssyncset.done $0x0  }
0x22: {  	[sflag:s15] =	ssyncadd.s32 $0xFFFFE000  }
0x23: {  	[spmem:s8] =	stream.linear.scatter [tilespmem:s17], [sflag:$0x6], $0x2000, $0x38;
	[tilespmem:$0x1E000] =	vst v63  }
0x24: {  	_ =	swait.ge [sflag:s15], $0x2000  }
0x25: {  	[sflag:s15] =	ssyncset.done $0x0  }
0x26: {  	[sflag:s15] =	ssyncadd.s32 $0xFFFFE000  }
0x27: {  	[spmem:s9] =	stream.linear.scatter [tilespmem:s17], [sflag:$0x6], $0x2000, $0x38;
	[tilespmem:$0x1E000] =	vst v63  }
0x28: {  	_ =	swait.ge [sflag:s15], $0x2000  }
0x29: {  	[sflag:s15] =	ssyncset.done $0x0  }
0x2a: {  	[sflag:s15] =	ssyncadd.s32 $0xFFFFE000  }
0x2b: {  	[spmem:s10] =	stream.linear.scatter [tilespmem:s17], [sflag:$0x6], $0x2000, $0x38;
	[tilespmem:$0x1E000] =	vst v63  }
0x2c: {  	_ =	swait.ge [sflag:s15], $0x2000  }
0x2d: {  	[sflag:s15] =	ssyncset.done $0x0  }
0x2e: {  	[sflag:s15] =	ssyncadd.s32 $0xFFFFE000  }
0x2f: {  	[spmem:s11] =	stream.linear.scatter [tilespmem:s17], [sflag:$0x6], $0x2000, $0x38;
	[tilespmem:$0x1E000] =	vst v63  }
0x30: {  	_ =	swait.ge [sflag:s15], $0x2000  }
0x31: {  	[sflag:s15] =	ssyncset.done $0x0  }
0x32: {  	[sflag:s15] =	ssyncadd.s32 $0xFFFFE000  }
0x33: {  	[bflag:$0x0] =	sbarrier.arrive $0xFFFF  }
0x34: {  	[tilespmem:s17], [sflag:$0x1] =	stream.indirect.gather [hbm4b:s12+s18], $0x40, s4, s18, $0xb8;
	[tilespmem:$0x1E000] =	vst v63  }
0x35: {  	_ = 	snop  }
0x36: {  	[tilespmem:s19], [sflag:$0x2] =	stream.indirect.gather [hbm4b:s12+s18], $0x40, s18, s18, $0xb8;
	[tilespmem:$0x1E000] =	vst v63  }
0x37: {  	s2 =	simm.s32 $0x100  }
0x38: {  	[tilespmem:s21], [sflag:$0x3] =	stream.indirect.gather [hbm4b:s12+s18], $0x40, s2, s18, $0xb8;
	[tilespmem:$0x1E000] =	vst v63  }
0x39: {  	s24 =	simm.s32 $0x180  }
0x3a: {  	[tilespmem:s23], [sflag:$0x4] =	stream.indirect.gather [hbm4b:s12+s18], $0x40, s24, s18, $0xb8;
	[tilespmem:$0x1E000] =	vst v63  }
0x3b: {  	s2 =	simm.s32 $0x200  }
0x3c: {  	[tilespmem:s25], [sflag:$0x5] =	stream.indirect.gather [hbm4b:s12+s18], $0x40, s2, s18, $0xb8;
	[tilespmem:$0x1E000] =	vst v63  }
0x3d: {  	_ =	swait.ge [sflag:s26], $0x2000  }
0x3e: {  	[sflag:s26] =	ssyncset.done $0x0  }
0x3f: {  	s24 =	simm.s32 $0x5000;
	[sflag:s26] =	ssyncadd.s32 $0xFFFFE000  }
0x40: {  	[spmem:s3] =	stream.indirect.scatter.add.f32 [tilespmem:s17], [sflag:$0x6], $0x40, s24, s18, $0xb8;
	[tilespmem:$0x1E000] =	vst v63  }
0x41: {  	_ =	swait.ge [sflag:s15], $0x2000  }
0x42: {  	[sflag:s15] =	ssyncset.done $0x0  }
0x43: {  	s2 =	simm.s32 $0x280;
	[sflag:s15] =	ssyncadd.s32 $0xFFFFE000  }
0x44: {  	[tilespmem:s17], [sflag:$0x1] =	stream.indirect.gather [hbm4b:s12+s18], $0x40, s2, s18, $0xb8;
	[tilespmem:$0x1E000] =	vst v63  }
0x45: {  	_ =	swait.ge [sflag:s28], $0x2000  }
0x46: {  	[sflag:s28] =	ssyncset.done $0x0  }
0x47: {  	s24 =	simm.s32 $0x5080;
	[sflag:s28] =	ssyncadd.s32 $0xFFFFE000  }
0x48: {  	[spmem:s3] =	stream.indirect.scatter.add.f32 [tilespmem:s19], [sflag:$0x6], $0x40, s24, s18, $0xb8;
	[tilespmem:$0x1E000] =	vst v63  }
0x49: {  	_ =	swait.ge [sflag:s15], $0x2000  }
0x4a: {  	[sflag:s15] =	ssyncset.done $0x0  }
0x4b: {  	s2 =	simm.s32 $0x300;
	[sflag:s15] =	ssyncadd.s32 $0xFFFFE000  }
0x4c: {  	[tilespmem:s19], [sflag:$0x2] =	stream.indirect.gather [hbm4b:s12+s18], $0x40, s2, s18, $0xb8;
	[tilespmem:$0x1E000] =	vst v63  }
0x4d: {  	_ =	swait.ge [sflag:s29], $0x2000  }
0x4e: {  	[sflag:s29] =	ssyncset.done $0x0  }
0x4f: {  	s24 =	simm.s32 $0x5100;
	[sflag:s29] =	ssyncadd.s32 $0xFFFFE000  }
0x50: {  	[spmem:s3] =	stream.indirect.scatter.add.f32 [tilespmem:s21], [sflag:$0x6], $0x40, s24, s18, $0xb8;
	[tilespmem:$0x1E000] =	vst v63  }
0x51: {  	_ =	swait.ge [sflag:s15], $0x2000  }
0x52: {  	[sflag:s15] =	ssyncset.done $0x0  }
0x53: {  	s2 =	simm.s32 $0x380;
	[sflag:s15] =	ssyncadd.s32 $0xFFFFE000  }
0x54: {  	[tilespmem:s21], [sflag:$0x3] =	stream.indirect.gather [hbm4b:s12+s18], $0x40, s2, s18, $0xb8;
	[tilespmem:$0x1E000] =	vst v63  }
0x55: {  	_ =	swait.ge [sflag:s30], $0x2000  }
0x56: {  	[sflag:s30] =	ssyncset.done $0x0  }
0x57: {  	s24 =	simm.s32 $0x5180;
	[sflag:s30] =	ssyncadd.s32 $0xFFFFE000  }
0x58: {  	[spmem:s3] =	stream.indirect.scatter.add.f32 [tilespmem:s23], [sflag:$0x6], $0x40, s24, s18, $0xb8;
	[tilespmem:$0x1E000] =	vst v63  }
0x59: {  	_ =	swait.ge [sflag:s15], $0x2000  }
0x5a: {  	[sflag:s15] =	ssyncset.done $0x0  }
0x5b: {  	s2 =	simm.s32 $0x400;
	[sflag:s15] =	ssyncadd.s32 $0xFFFFE000  }
0x5c: {  	[tilespmem:s23], [sflag:$0x4] =	stream.indirect.gather [hbm4b:s12+s18], $0x40, s2, s18, $0xb8;
	[tilespmem:$0x1E000] =	vst v63  }
0x5d: {  	_ =	swait.ge [sflag:s31], $0x2000  }
0x5e: {  	[sflag:s31] =	ssyncset.done $0x0  }
0x5f: {  	s24 =	simm.s32 $0x5200;
	[sflag:s31] =	ssyncadd.s32 $0xFFFFE000  }
0x60: {  	[spmem:s3] =	stream.indirect.scatter.add.f32 [tilespmem:s25], [sflag:$0x6], $0x40, s24, s18, $0xb8;
	[tilespmem:$0x1E000] =	vst v63  }
0x61: {  	_ =	swait.ge [sflag:s15], $0x2000  }
0x62: {  	[sflag:s15] =	ssyncset.done $0x0  }
0x63: {  	s1 =	simm.s32 $0x480;
	s24 =	simm.s32 $0xA00;
	[sflag:s15] =	ssyncadd.s32 $0xFFFFE000  }
.LBB2_2:
0x64: {  	[tilespmem:s25], [sflag:$0x5] =	stream.indirect.gather [hbm4b:s12+s18], $0x40, s1, s18, $0xb8;
	[tilespmem:$0x1E000] =	vst v63  }
0x65: {  	s1 =	smov.u32 s24  }
0x66: {  	p0 =	sne.s32 s24, $0x12C00;
	s24 =	sadd.s32 $0xA00, s24;
	_ =	swait.ge [sflag:s26], $0x2000  }
0x67: {  	s1 =	sshra.s32 s1, $0x2;
	[sflag:s26] =	ssyncset.done $0x0  }
0x68: {  	s2 =	sadd.s32 $0x5000, s1;
	[sflag:s26] =	ssyncadd.s32 $0xFFFFE000  }
0x69: {  	[spmem:s3] =	stream.indirect.scatter.add.f32 [tilespmem:s17], [sflag:$0x6], $0x40, s2, s18, $0xb8;
	[tilespmem:$0x1E000] =	vst v63  }
0x6a: {  	_ =	swait.ge [sflag:s15], $0x2000  }
0x6b: {  	[sflag:s15] =	ssyncset.done $0x0  }
0x6c: {  	s2 =	sadd.s32 $0x280, s1;
	[sflag:s15] =	ssyncadd.s32 $0xFFFFE000  }
0x6d: {  	[tilespmem:s17], [sflag:$0x1] =	stream.indirect.gather [hbm4b:s12+s18], $0x40, s2, s18, $0xb8;
	[tilespmem:$0x1E000] =	vst v63  }
0x6e: {  	_ =	swait.ge [sflag:s28], $0x2000  }
0x6f: {  	[sflag:s28] =	ssyncset.done $0x0  }
0x70: {  	s2 =	sadd.s32 $0x5080, s1;
	[sflag:s28] =	ssyncadd.s32 $0xFFFFE000  }
0x71: {  	[spmem:s3] =	stream.indirect.scatter.add.f32 [tilespmem:s19], [sflag:$0x6], $0x40, s2, s18, $0xb8;
	[tilespmem:$0x1E000] =	vst v63  }
0x72: {  	_ =	swait.ge [sflag:s15], $0x2000  }
0x73: {  	[sflag:s15] =	ssyncset.done $0x0  }
0x74: {  	s2 =	sadd.s32 $0x300, s1;
	[sflag:s15] =	ssyncadd.s32 $0xFFFFE000  }
0x75: {  	[tilespmem:s19], [sflag:$0x2] =	stream.indirect.gather [hbm4b:s12+s18], $0x40, s2, s18, $0xb8;
	[tilespmem:$0x1E000] =	vst v63  }
0x76: {  	_ =	swait.ge [sflag:s29], $0x2000  }
0x77: {  	[sflag:s29] =	ssyncset.done $0x0  }
0x78: {  	s2 =	sadd.s32 $0x5100, s1;
	[sflag:s29] =	ssyncadd.s32 $0xFFFFE000  }
0x79: {  	[spmem:s3] =	stream.indirect.scatter.add.f32 [tilespmem:s21], [sflag:$0x6], $0x40, s2, s18, $0xb8;
	[tilespmem:$0x1E000] =	vst v63  }
0x7a: {  	_ =	swait.ge [sflag:s15], $0x2000  }
0x7b: {  	[sflag:s15] =	ssyncset.done $0x0  }
0x7c: {  	s2 =	sadd.s32 $0x380, s1;
	[sflag:s15] =	ssyncadd.s32 $0xFFFFE000  }
0x7d: {  	[tilespmem:s21], [sflag:$0x3] =	stream.indirect.gather [hbm4b:s12+s18], $0x40, s2, s18, $0xb8;
	[tilespmem:$0x1E000] =	vst v63  }
0x7e: {  	_ =	swait.ge [sflag:s30], $0x2000  }
0x7f: {  	[sflag:s30] =	ssyncset.done $0x0  }
0x80: {  	s2 =	sadd.s32 $0x5180, s1;
	[sflag:s30] =	ssyncadd.s32 $0xFFFFE000  }
0x81: {  	[spmem:s3] =	stream.indirect.scatter.add.f32 [tilespmem:s23], [sflag:$0x6], $0x40, s2, s18, $0xb8;
	[tilespmem:$0x1E000] =	vst v63  }
0x82: {  	_ =	swait.ge [sflag:s15], $0x2000  }
0x83: {  	[sflag:s15] =	ssyncset.done $0x0  }
0x84: {  	s2 =	sadd.s32 $0x400, s1;
	[sflag:s15] =	ssyncadd.s32 $0xFFFFE000  }
0x85: {  	[tilespmem:s23], [sflag:$0x4] =	stream.indirect.gather [hbm4b:s12+s18], $0x40, s2, s18, $0xb8;
	[tilespmem:$0x1E000] =	vst v63  }
0x86: {  	_ =	swait.ge [sflag:s31], $0x2000  }
0x87: {  	[sflag:s31] =	ssyncset.done $0x0  }
.Ltmp0:
0x88: {  	s2 =	sadd.s32 $0x5200, s1;
	[sflag:s31] =	ssyncadd.s32 $0xFFFFE000;
	(pc) =	sbr.rel @p0 .LBB2_2-.Ltmp0, $4  }
0x89: {  	[spmem:s3] =	stream.indirect.scatter.add.f32 [tilespmem:s25], [sflag:$0x6], $0x40, s2, s18, $0xb8;
	[tilespmem:$0x1E000] =	vst v63  }
0x8a: {  	_ =	swait.ge [sflag:s15], $0x2000  }
0x8b: {  	[sflag:s15] =	ssyncset.done $0x0  }
0x8c: {  	s1 =	sadd.s32 $0x480, s1;
	[sflag:s15] =	ssyncadd.s32 $0xFFFFE000  }
0x8d: {  	[tilespmem:s25], [sflag:$0x5] =	stream.indirect.gather [hbm4b:s12+s18], $0x40, s1, s18, $0xb8;
	[tilespmem:$0x1E000] =	vst v63  }
0x8e: {  	_ =	swait.ge [sflag:s26], $0x2000  }
0x8f: {  	[sflag:s26] =	ssyncset.done $0x0  }
0x90: {  	s24 =	simm.s32 $0x9D80;
	[sflag:s26] =	ssyncadd.s32 $0xFFFFE000  }
0x91: {  	[spmem:s3] =	stream.indirect.scatter.add.f32 [tilespmem:s17], [sflag:$0x6], $0x40, s24, s18, $0xb8;
	[tilespmem:$0x1E000] =	vst v63  }
0x92: {  	_ =	swait.ge [sflag:s15], $0x2000  }
0x93: {  	[sflag:s15] =	ssyncset.done $0x0  }
0x94: {  	[sflag:s15] =	ssyncadd.s32 $0xFFFFE000  }
0x95: {  	_ =	swait.ge [sflag:s28], $0x2000  }
0x96: {  	[sflag:s28] =	ssyncset.done $0x0  }
0x97: {  	s2 =	simm.s32 $0x9E00;
	[sflag:s28] =	ssyncadd.s32 $0xFFFFE000  }
0x98: {  	[spmem:s3] =	stream.indirect.scatter.add.f32 [tilespmem:s19], [sflag:$0x6], $0x40, s2, s18, $0xb8;
	[tilespmem:$0x1E000] =	vst v63  }
0x99: {  	_ =	swait.ge [sflag:s15], $0x2000  }
0x9a: {  	[sflag:s15] =	ssyncset.done $0x0  }
0x9b: {  	[sflag:s15] =	ssyncadd.s32 $0xFFFFE000  }
0x9c: {  	_ =	swait.ge [sflag:s29], $0x2000  }
0x9d: {  	[sflag:s29] =	ssyncset.done $0x0  }
0x9e: {  	[sflag:s29] =	ssyncadd.s32 $0xFFFFE000  }
0x9f: {  	[spmem:s3] =	stream.indirect.scatter.add.f32 [tilespmem:s21], [sflag:$0x6], $0x40, s0, s18, $0xb8;
	[tilespmem:$0x1E000] =	vst v63  }
0xa0: {  	_ =	swait.ge [sflag:s15], $0x2000  }
0xa1: {  	[sflag:s15] =	ssyncset.done $0x0  }
0xa2: {  	[sflag:s15] =	ssyncadd.s32 $0xFFFFE000  }
0xa3: {  	_ =	swait.ge [sflag:s30], $0x2000  }
0xa4: {  	[sflag:s30] =	ssyncset.done $0x0  }
0xa5: {  	[sflag:s30] =	ssyncadd.s32 $0xFFFFE000  }
0xa6: {  	[spmem:s3] =	stream.indirect.scatter.add.f32 [tilespmem:s23], [sflag:$0x6], $0x40, s16, s18, $0xb8;
	[tilespmem:$0x1E000] =	vst v63  }
0xa7: {  	_ =	swait.ge [sflag:s15], $0x2000  }
0xa8: {  	[sflag:s15] =	ssyncset.done $0x0  }
0xa9: {  	[sflag:s15] =	ssyncadd.s32 $0xFFFFE000  }
0xaa: {  	_ =	swait.ge [sflag:s31], $0x2000  }
0xab: {  	[sflag:s31] =	ssyncset.done $0x0  }
0xac: {  	[sflag:s31] =	ssyncadd.s32 $0xFFFFE000  }
0xad: {  	[spmem:s3] =	stream.indirect.scatter.add.f32 [tilespmem:s25], [sflag:$0x6], $0x40, s20, s18, $0xb8;
	[tilespmem:$0x1E000] =	vst v63  }
0xae: {  	s24 =	stileid.u32;
	_ =	swait.ge [sflag:s15], $0x2000  }
0xaf: {  	s22 =	sadd.s32 $0x1, s22;
	s1 =	sshll.u32 s24, $0x6;
	[sflag:s15] =	ssyncset.done $0x0  }
0xb0: {  	p0 =	sne.s32 s22, s14;
	s1 =	sor.u32 $0x1C06, s1;
	[sflag:s15] =	ssyncadd.s32 $0xFFFFE000  }
.Ltmp1:
0xb1: {  	s2 =	sshrl.u32 s7, $0x3;
	[bflag:$0x0] =	sbarrier.arrive $0xFFFF;
	(pc) =	sbr.rel @p0 .LBB2_1-.Ltmp1, $4  }
0xb2: {  	[hbm:s13], [sflag:s1] =	dma.local [spmem:s2], $0x1400  }
0xb3: {  	_ =	swait.ge [sflag:s15], $0x1400  }
0xb4: {  	[sflag:s15] =	ssyncset.done $0x0  }
0xb5: {  	[sflag:s15] =	ssyncadd.s32 $0xFFFFEC00  }
0xb6: {  	_ =	sfence.sel $0x180000  }
0xb7: {  	[bflag:$0x0] =	sbarrier.arrive $0xFFFF  }
0xb8: {  	_ =	strace $0x90000053  }
0xb9: {  	s0 =	stileid.u32;
	[bflag:$0x2] =	sbarrier.arrive $0xFFFF  }
0xba: {  	p0 =	sne.s32 s0, $0x0;
	s0 =	rddreg [dreg:$0x3]  }
0xbb: {  	s0 =	sadd.s32 @!p0 $0x100000, s0  }
0xbc: {  	[sflag:s0] =	ssyncadd.tile.s32 @!p0 $0x1;
	_ =	shalt  }
.Lfunc_end2:
_tile_overlayer_lowered:
.L_overlay_start_2:
0xbd: {  	(tag) =	ssettag $0x2  }
0xbe: {  	s0 =	rddreg [dreg:$0x0];
	s2 =	stileid.u32  }
0xbf: {  	s1 =	rddreg [dreg:$0x1];
	p0 =	sne.s32 s2, $0x0  }
0xc0: {  	s3 =	rddreg [dreg:$0x2];
	[bflag:$0x3] =	sbarrier.arrive $0xFFFF;
	s2 =	simm.s32 @!p0 $0x1C06  }
0xc1: {  	[timem:s3], [sflag:s2] =	dma.local @!p0 [hbm:s0], s1  }
0xc2: {  	s0 =	simm.s32 @!p0 $0x6  }
0xc3: {  	_ =	swait.ge @!p0 [sflag:s0], s1  }
0xc4: {  	s1 =	ssub.s32 @!p0 $0x0, s1;
	[sflag:s0] =	ssyncset.done @!p0 $0x0  }
0xc5: {  	[sflag:s0] =	ssyncadd.s32 @!p0 s1  }
0xc6: {  	[bflag:$0x3] =	sbarrier.arrive $0xFFFF  }
0xc7: {  	_ =	shalt  }

// kernel: kernel.29.cloned.1.call-start
scs
__scs_entry_jumppad:
0x0: {  	(pc) =	sbr.rel $0x88, $3  }
0x1: {  	(tag) =	ssettag $0x0;
	lr =	simm.s32 $0x1  }
0x2: {  	[smem:$0x3F99] =	sst lr;
	_ =	strace $0xD0000000  }
0x3: {  	_ = 	snop  }
0x4: {  	_ = 	snop  }
0x5: {  	_ = 	snop  }
0x6: {  	_ = 	snop  }
0x7: {  	_ = 	snop  }
__scs_overlays_trampoline_lowered:
0x8: {  	[smem:$0x3FA8] =	sst s0  }
0x9: {  	[smem:$0x3FA9] =	sst s1  }
0xa: {  	[smem:$0x3FAA] =	sst s2  }
0xb: {  	[smem:$0x3FAB] =	sst s3  }
0xc: {  	[smem:$0x3FAC] =	sst s4  }
0xd: {  	[smem:$0x3FAD] =	sst s5  }
0xe: {  	[smem:$0x3FAE] =	sst s6  }
0xf: {  	[smem:$0x3FAF] =	sst s7  }
0x10: {  	[smem:$0x3FB0] =	sst s8  }
0x11: {  	[smem:$0x3FB1] =	sst s9;
	s0 =	simm.s32 @!p0 $0x0  }
0x12: {  	s1 =	sld [smem:$0x3F97];
	s0 =	simm.s32 @p0 $0x1  }
0x13: {  	[smem:$0x3FB2] =	sst s0;
	s0 =	simm.s32 @!p1 $0x0  }
0x14: {  	s2 =	sld [smem:$0x3F96];
	s0 =	simm.s32 @p1 $0x1  }
0x15: {  	[smem:$0x3FB3] =	sst s0;
	s0 =	simm.s32 @!p2 $0x0  }
0x16: {  	s3 =	sld [smem:$0x3FDB];
	s0 =	simm.s32 @p2 $0x1  }
0x17: {  	s4 =	simm.s32 $0x1BF5;
	[smem:$0x3FB5] =	sst s0  }
0x18: {  	s0 =	sld [smem:$0x3F98];
	_ =	swait.ge [sflag:s4], $0x0  }
0x19: {  	s7 =	sld [smem:$0x3F99]  }
0x1a: {  	s8 =	sadd.s32 $0xFFFFE003, lr  }
0x1b: {  	s9 =	sadd.s32 $0xFFFFFEF7, lr;
	s5 =	simm.s32 $0xFFFFFFFF;
	p2 =	slt.u32 s8, $0xFFFFF086  }
0x1c: {  	p1 =	slt.u32 s9, $0xF7A;
	s5 =	simm.s32 @!p2 $0x0  }
0x1d: {  	s5 =	simm.s32 @p1 $0x1;
	p0 =	seq.s32 s7, s2  }
0x1e: {  	s7 =	smul.u32 @!p0 $0xF7A, s2;
	p2 =	seq.s32 @!p0 s5, $0x0  }
0x1f: {  	s9 =	smul.u32 $0xF7A, s1;
	s8 =	simm.s32 @!p0 $0x1BF5;
	p2 =	por !p2, p0  }
0x20: {  	[sflag:s8] =	ssyncset.s32 @!p0 $0xFFFFF086;
	s6 =	sadd.s32 @!p0 s3, s7;
	s7 =	simm.s32 @!p0 $0x108  }
0x21: {  	s3 =	sadd.s32 s3, s9;
	s6 =	sadd.s32 @!p0 $0x88, s6;
	s7 =	simm.s32 @p2 $0x1082  }
0x22: {  	[simem:s7], [sflag:s8] =	dma.local @!p0 [hbm:s6], $0xF7A  }
0x23: {  	s9 =	sor.u32 $0xD0000000, s2;
	s6 =	simm.s32 $0x108;
	_ =	swait.ge @!p0 [sflag:s8], $0x0  }
0x24: {  	s3 =	sadd.s32 $0x88, s3;
	s6 =	simm.s32 @!p1 $0x1082;
	[sflag:s4] =	ssyncset.s32 $0xFFFFF086  }
0x25: {  	[simem:s6], [sflag:s4] =	dma.local [hbm:s3], $0xF7A  }
0x26: {  	[smem:$0x3F99] =	sst s1;
	(tag) =	ssettag s2;
	_ =	strace s9  }
0x27: {  	s1 =	sld [smem:$0x3FA9]  }
0x28: {  	s2 =	sld [smem:$0x3FAA]  }
0x29: {  	s4 =	sld [smem:$0x3FAC]  }
0x2a: {  	p0 =	seq.s32 s5, $0x0;
	s5 =	sld [smem:$0x3FAD]  }
0x2b: {  	s6 =	sld [smem:$0x3FAE]  }
0x2c: {  	s7 =	sld [smem:$0x3FAF]  }
0x2d: {  	s3 =	simm.s32 $0x108;
	s8 =	sld [smem:$0x3FB0]  }
0x2e: {  	s3 =	simm.s32 @!p0 $0x1082;
	s9 =	sld [smem:$0x3FB1]  }
0x2f: {  	lr =	sadd.s32 s0, s3;
	s0 =	sld [smem:$0x3FA8]  }
0x30: {  	s3 =	sld [smem:$0x3FAB]  }
0x31: {  	[smem:$0x3FB4] =	sst s10  }
0x32: {  	s10 =	sld [smem:$0x3FB2];
	_ =	sdelay $0x3  }
0x33: {  	p0 =	seq.s32 s10, $0x1;
	s10 =	sld [smem:$0x3FB4];
	_ =	sdelay $0x3  }
0x34: {  	[smem:$0x3FB4] =	sst s10  }
0x35: {  	s10 =	sld [smem:$0x3FB3];
	_ =	sdelay $0x3  }
0x36: {  	p1 =	seq.s32 s10, $0x1;
	s10 =	sld [smem:$0x3FB4];
	_ =	sdelay $0x3  }
0x37: {  	[smem:$0x3FB4] =	sst s10  }
0x38: {  	s10 =	sld [smem:$0x3FB5]  }
0x39: {  	_ = 	snop;
	(pc) =	sbr.ind lr, $3  }
0x3a: {  	_ = 	snop  }
0x3b: {  	_ = 	snop  }
0x3c: {  	p2 =	seq.s32 s10, $0x1;
	s10 =	sld [smem:$0x3FB4]  }
0x3d: {  	_ =	shalt  }
0x3e: {  	_ =	shalt  }
0x3f: {  	_ =	shalt  }
0x40: {  	_ =	shalt  }
0x41: {  	_ =	shalt  }
0x42: {  	_ =	shalt  }
0x43: {  	_ =	shalt  }
0x44: {  	_ =	shalt  }
0x45: {  	_ =	shalt  }
0x46: {  	_ =	shalt  }
0x47: {  	_ =	shalt  }
0x48: {  	_ =	shalt  }
0x49: {  	_ =	shalt  }
0x4a: {  	_ =	shalt  }
0x4b: {  	_ =	shalt  }
0x4c: {  	_ =	shalt  }
0x4d: {  	_ =	shalt  }
0x4e: {  	_ =	shalt  }
0x4f: {  	_ =	shalt  }
0x50: {  	_ =	shalt  }
0x51: {  	_ =	shalt  }
0x52: {  	_ =	shalt  }
0x53: {  	_ =	shalt  }
0x54: {  	_ =	shalt  }
0x55: {  	_ =	shalt  }
0x56: {  	_ =	shalt  }
0x57: {  	_ =	shalt  }
0x58: {  	_ =	shalt  }
0x59: {  	_ =	shalt  }
0x5a: {  	_ =	shalt  }
0x5b: {  	_ =	shalt  }
0x5c: {  	_ =	shalt  }
0x5d: {  	_ =	shalt  }
0x5e: {  	_ =	shalt  }
0x5f: {  	_ =	shalt  }
0x60: {  	_ =	shalt  }
0x61: {  	_ =	shalt  }
0x62: {  	_ =	shalt  }
0x63: {  	_ =	shalt  }
0x64: {  	_ =	shalt  }
0x65: {  	_ =	shalt  }
0x66: {  	_ =	shalt  }
0x67: {  	_ =	shalt  }
0x68: {  	_ =	shalt  }
0x69: {  	_ =	shalt  }
0x6a: {  	_ =	shalt  }
0x6b: {  	_ =	shalt  }
0x6c: {  	_ =	shalt  }
0x6d: {  	_ =	shalt  }
0x6e: {  	_ =	shalt  }
0x6f: {  	_ =	shalt  }
0x70: {  	_ =	shalt  }
0x71: {  	_ =	shalt  }
0x72: {  	_ =	shalt  }
0x73: {  	_ =	shalt  }
0x74: {  	_ =	shalt  }
0x75: {  	_ =	shalt  }
0x76: {  	_ =	shalt  }
0x77: {  	_ =	shalt  }
0x78: {  	_ =	shalt  }
0x79: {  	_ =	shalt  }
0x7a: {  	_ =	shalt  }
0x7b: {  	_ =	shalt  }
0x7c: {  	_ =	shalt  }
0x7d: {  	_ =	shalt  }
0x7e: {  	_ =	shalt  }
0x7f: {  	_ =	shalt  }
0x80: {  	_ =	shalt  }
0x81: {  	_ =	shalt  }
0x82: {  	_ =	shalt  }
0x83: {  	_ =	shalt  }
0x84: {  	_ =	shalt  }
0x85: {  	_ =	shalt  }
0x86: {  	_ =	shalt  }
0x87: {  	_ =	shalt  }
.Lfunc_end0:
.L_simem_size_0:
called_computation.5_lowered:
.L_overlay_start_0:
0x88: {  	s2 =	sld [smem:$0x3FD9]  }
0x89: {  	s3 =	sld [smem:$0x3FFE];
	_ =	sdelay $0x1  }
0x8a: {  	s1 =	srdreg.scid  }
0x8b: {  	s0 =	sand.u32 $0x1, s1  }
0x8c: {  	s17 =	sshll.u32 s0, $0xA;
	s2 =	sadd.s32 s3, s2  }
0x8d: {  	s2 =	sadd.s32 s2, s17  }
0x8e: {  	[smem:$0x3FC0] =	sst s2  }
0x8f: {  	_ = 	snop  }
0x90: {  	s2 =	sld [smem:$0x3FD0];
	(tm) =	ssettm $0x1  }
0x91: {  	s18 =	sld [smem:$0x3FFB];
	_ =	sdelay $0x3  }
0x92: {  	_ =	strace s18  }
0x93: {  	s3 =	sld [smem:$0x3FFC];
	_ =	sdelay $0x3  }
0x94: {  	_ =	strace s3  }
0x95: {  	s3 =	sld [smem:$0x3FFD];
	_ =	sdelay $0x3  }
0x96: {  	_ =	strace s3  }
0x97: {  	_ =	strace $0x8FFFFFFF  }
0x98: {  	s19 =	sld [smem:$0x3FDB];
	_ =	sdelay $0x1  }
0x99: {  	s4 =	simm.s32 $_scs_section_size  }
0x9a: {  	s5 =	simm.s32 $_size__tile_overlayer_lowered;
	s6 =	simm.s32 $_tile_overlayer_lowered  }
0x9b: {  	s22 =	simm.s32 $0x1BFF;
	s21 =	sshll.u32 s6, $0x1;
	s3 =	sadd.s32 s4, s19  }
0x9c: {  	s7 =	simm.s32 $0x0;
	s20 =	sshll.u32 s5, $0x1;
	s5 =	sadd.s32 s21, s3  }
0x9d: {  	[timem:s7], [sflag:s22] =	dma.local [hbm:s5], s20  }
0x9e: {  	_ =	swait.ge [sflag:s22], s20  }
0x9f: {  	s4 =	ssub.s32 $0x0, s20;
	[sflag:s22] =	ssyncset.done $0x0  }
0xa0: {  	[sflag:s22] =	ssyncadd.s32 s4;
	_ =	sdelay $0x1  }
0xa1: {  	s23 =	simm.s32 $0x1B8B  }
0xa2: {  	_ =	swait.ge [sflag:s23], $0x1  }
0xa3: {  	[sflag:s23] =	ssyncset.done $0x0  }
0xa4: {  	s25 =	simm.s32 $0x1B8E;
	s24 =	sld [smem:$0x3FFE];
	[sflag:s23] =	ssyncadd.s32 $0xFFFFFFFF  }
0xa5: {  	s26 =	simm.s32 $execute0_lowered;
	[smem:$0x3FD2] =	sst s25  }
0xa6: {  	s5 =	sshll.u32 s26, $0x1;
	_ =	strace $0x80000055;
	[dreg:$0x1] =	wrdreg $0xFFFFFFFF  }
0xa7: {  	s28 =	simm.s32 $_size_execute0_lowered;
	s3 =	sadd.s32 s3, s5;
	[dreg:$0x0] =	wrdreg $0x0  }
0xa8: {  	s5 =	sshll.u32 s28, $0x1;
	[dreg:$0x2] =	wrdreg s3  }
0xa9: {  	[dreg:$0x3] =	wrdreg s5  }
0xaa: {  	[dreg:$0x4] =	wrdreg $0xC0  }
0xab: {  	_ =	task [dreg:s7], $0x5FFFF  }
0xac: {  	[dreg:$0x1] =	wrdreg $0xFFFFFFFF  }
0xad: {  	[dreg:$0x0] =	wrdreg $0x60  }
0xae: {  	[dreg:$0x2] =	wrdreg s24  }
0xaf: {  	[dreg:$0x3] =	wrdreg s2  }
0xb0: {  	[dreg:$0x4] =	wrdreg $0x140000  }
0xb1: {  	[dreg:$0x5] =	wrdreg $0x9  }
0xb2: {  	_ =	task.clear_ibuf [dreg:s7], $0x6FFFF;
	_ =	strace $0x90000055  }
0xb3: {  	s29 =	simm.s32 $0x9;
	_ =	strace $0x80000057  }
0xb4: {  	_ =	swait.ge [sflag:s29], $0x1  }
0xb5: {  	[sflag:s29] =	ssyncadd.s32 $0xFFFFFFFF  }
0xb6: {  	_ =	strace $0x90000057  }
0xb7: {  	_ =	sfence  }
0xb8: {  	s30 =	sld [smem:$0x0];
	_ =	sdelay $0x2  }
0xb9: {  	s31 =	sshll.u32 s1, $0xD;
	s1 =	sshrl.u32 s1, $0x2  }
0xba: {  	s3 =	sand.u32 $0x4000, s31;
	s1 =	sadd.s32 s1, s30  }
0xbb: {  	s0 =	sor.u32 s3, s0;
	s1 =	sshll.u32 s1, $0x11  }
0xbc: {  	s0 =	sor.u32 s1, s0  }
0xbd: {  	s0 =	sadd.s32 $0x8F2B, s0  }
0xbe: {  	[sflag:s0] =	ssyncadd.remote.s32 $0x1  }
0xbf: {  	_ =	sfence.sel $0xFFFF  }
0xc0: {  	[dreg:$0x0] =	wrdreg $0xFFFFFFFF;
	(pc) =	sbr.abs _section_cstart, $3  }
0xc1: {  	[dreg:$0x1] =	wrdreg $0xFFFFFFFF  }
0xc2: {  	_ =	task.clear_ibuf [dreg:s7], $0x2FFFF;
	_ =	strace $0x9FFFFFFF  }
0xc3: {  	(tm) =	ssettm $0x7FFFFFFF  }
tec
execute0_lowered:
.L_overlay_start_1:
0x0: {  	(tag) =	ssettag $0x1  }
0x1: {  	s0 =	rddreg [dreg:$0x0];
	s8 =	stileid.u32  }
0x2: {  	s1 =	srdreg.scid;
	s3 =	rddreg [dreg:$0x2]  }
0x3: {  	s4 =	simm.s32 $0x0;
	s15 =	simm.s32 $0x6;
	s17 =	simm.s32 $0xA000  }
0x4: {  	s18 =	simm.s32 $0x80;
	s19 =	simm.s32 $0xC000;
	s21 =	simm.s32 $0xE000  }
0x5: {  	s23 =	simm.s32 $0x10000;
	s28 =	simm.s32 $0x2;
	s29 =	simm.s32 $0x3  }
0x6: {  	s30 =	simm.s32 $0x4;
	s31 =	simm.s32 $0x5;
	s2 =	smul.u32 $0xA00, s8  }
0x7: {  	s16 =	simm.s32 $0x9F00;
	s20 =	simm.s32 $0x9F80;
	s7 =	smul.u32 $0xA000, s8  }
0x8: {  	s22 =	simm.s32 $0x0;
	s1 =	sand.u32 $0x1, s1;
	s8 =	smul.u32 $0x28000, s8  }
0x9: {  	[smem:$0x7FF] =	sst s4;
	s5 =	smul.u32 $0xA0000, s1;
	s1 =	ssub.s32 $0x2, s1  }
0xa: {  	_ =	strace $0x80000056;
	s2 =	sadd.s32 s2, s0;
	s25 =	sshrl.u32 s1, $0x1  }
0xb: {  	s8 =	sshrl.u32 s8, $0x2;
	s6 =	sshrl.u32 s5, $0x3;
	s5 =	sadd.s32 s7, s5  }
0xc: {  	s1 =	ssub.s32 s1, s25;
	s26 =	sadd.s32 s8, s3;
	s7 =	sadd.s32 s7, s3  }
0xd: {  	s25 =	simm.s32 $0x12000;
	s12 =	sadd.s32 s6, s0;
	s5 =	sshrl.u32 s5, $0x3  }
0xe: {  	s6 =	sadd.s32 $0x54600, s2;
	s8 =	sadd.s32 $0x2000, s26;
	s9 =	sadd.s32 $0x4000, s26  }
0xf: {  	s10 =	sadd.s32 $0x6000, s26;
	s11 =	sadd.s32 $0x8000, s26;
	s14 =	smax.u32 s1, $0x1  }
0x10: {  	s26 =	simm.s32 $0x1;
	s0 =	sadd.s32 s5, s0;
	s5 =	sadd.s32 $0x5E600, s2  }
0x11: {  	s12 =	sadd.s32 $0x3600, s12;
	s13 =	sadd.s32 $0x2B600, s0;
	s0 =	simm.s32 $0x9E80  }
.LBB2_1:
0x12: {  	[tilespmem:s4], [sflag:$0x6] =	stream.linear.gather [hbm4b:s5+s4], $0x5000, $0x38;
	[tilespmem:$0x1E000] =	vst v63  }
0x13: {  	_ =	swait.ge [sflag:s15], $0x5000  }
0x14: {  	[sflag:s15] =	ssyncset.done $0x0  }
0x15: {  	s1 =	simm.s32 $0x5000;
	[sflag:s15] =	ssyncadd.s32 $0xFFFFB000  }
0x16: {  	[tilespmem:s1], [sflag:$0x6] =	stream.linear.gather [hbm4b:s6+s4], $0x5000, $0x38;
	[tilespmem:$0x1E000] =	vst v63  }
0x17: {  	_ =	swait.ge [sflag:s15], $0x5000  }
0x18: {  	[sflag:s15] =	ssyncset.done $0x0  }
0x19: {  	[sflag:s15] =	ssyncadd.s32 $0xFFFFB000  }
0x1a: {  	s24 =	rddreg [dreg:$0x1]  }
0x1b: {  	[tilespmem:s17], [sflag:$0x6] =	stream.linear.gather [hbm4b:s24+s4], $0x2000, $0x38;
	[tilespmem:$0x1E000] =	vst v63  }
0x1c: {  	_ =	swait.ge [sflag:s15], $0x2000  }
0x1d: {  	[sflag:s15] =	ssyncset.done $0x0  }
0x1e: {  	[sflag:s15] =	ssyncadd.s32 $0xFFFFE000  }
0x1f: {  	[spmem:s7] =	stream.linear.scatter [tilespmem:s17], [sflag:$0x6], $0x2000, $0x38;
	[tilespmem:$0x1E000] =	vst v63  }
0x20: {  	_ =	swait.ge [sflag:s15], $0x2000  }
0x21: {  	[sflag:s15] =	ssyncset.done $0x0  }
0x22: {  	[sflag:s15] =	ssyncadd.s32 $0xFFFFE000  }
0x23: {  	[spmem:s8] =	stream.linear.scatter [tilespmem:s17], [sflag:$0x6], $0x2000, $0x38;
	[tilespmem:$0x1E000] =	vst v63  }
0x24: {  	_ =	swait.ge [sflag:s15], $0x2000  }
0x25: {  	[sflag:s15] =	ssyncset.done $0x0  }
0x26: {  	[sflag:s15] =	ssyncadd.s32 $0xFFFFE000  }
0x27: {  	[spmem:s9] =	stream.linear.scatter [tilespmem:s17], [sflag:$0x6], $0x2000, $0x38;
	[tilespmem:$0x1E000] =	vst v63  }
0x28: {  	_ =	swait.ge [sflag:s15], $0x2000  }
0x29: {  	[sflag:s15] =	ssyncset.done $0x0  }
0x2a: {  	[sflag:s15] =	ssyncadd.s32 $0xFFFFE000  }
0x2b: {  	[spmem:s10] =	stream.linear.scatter [tilespmem:s17], [sflag:$0x6], $0x2000, $0x38;
	[tilespmem:$0x1E000] =	vst v63  }
0x2c: {  	_ =	swait.ge [sflag:s15], $0x2000  }
0x2d: {  	[sflag:s15] =	ssyncset.done $0x0  }
0x2e: {  	[sflag:s15] =	ssyncadd.s32 $0xFFFFE000  }
0x2f: {  	[spmem:s11] =	stream.linear.scatter [tilespmem:s17], [sflag:$0x6], $0x2000, $0x38;
	[tilespmem:$0x1E000] =	vst v63  }
0x30: {  	_ =	swait.ge [sflag:s15], $0x2000  }
0x31: {  	[sflag:s15] =	ssyncset.done $0x0  }
0x32: {  	[sflag:s15] =	ssyncadd.s32 $0xFFFFE000  }
0x33: {  	[bflag:$0x0] =	sbarrier.arrive $0xFFFF  }
0x34: {  	[tilespmem:s17], [sflag:$0x1] =	stream.indirect.gather [hbm4b:s12+s18], $0x40, s4, s18, $0xb8;
	[tilespmem:$0x1E000] =	vst v63  }
0x35: {  	_ = 	snop  }
0x36: {  	[tilespmem:s19], [sflag:$0x2] =	stream.indirect.gather [hbm4b:s12+s18], $0x40, s18, s18, $0xb8;
	[tilespmem:$0x1E000] =	vst v63  }
0x37: {  	s2 =	simm.s32 $0x100  }
0x38: {  	[tilespmem:s21], [sflag:$0x3] =	stream.indirect.gather [hbm4b:s12+s18], $0x40, s2, s18, $0xb8;
	[tilespmem:$0x1E000] =	vst v63  }
0x39: {  	s24 =	simm.s32 $0x180  }
0x3a: {  	[tilespmem:s23], [sflag:$0x4] =	stream.indirect.gather [hbm4b:s12+s18], $0x40, s24, s18, $0xb8;
	[tilespmem:$0x1E000] =	vst v63  }
0x3b: {  	s2 =	simm.s32 $0x200  }
0x3c: {  	[tilespmem:s25], [sflag:$0x5] =	stream.indirect.gather [hbm4b:s12+s18], $0x40, s2, s18, $0xb8;
	[tilespmem:$0x1E000] =	vst v63  }
0x3d: {  	_ =	swait.ge [sflag:s26], $0x2000  }
0x3e: {  	[sflag:s26] =	ssyncset.done $0x0  }
0x3f: {  	s24 =	simm.s32 $0x5000;
	[sflag:s26] =	ssyncadd.s32 $0xFFFFE000  }
0x40: {  	[spmem:s3] =	stream.indirect.scatter.add.f32 [tilespmem:s17], [sflag:$0x6], $0x40, s24, s18, $0xb8;
	[tilespmem:$0x1E000] =	vst v63  }
0x41: {  	_ =	swait.ge [sflag:s15], $0x2000  }
0x42: {  	[sflag:s15] =	ssyncset.done $0x0  }
0x43: {  	s2 =	simm.s32 $0x280;
	[sflag:s15] =	ssyncadd.s32 $0xFFFFE000  }
0x44: {  	[tilespmem:s17], [sflag:$0x1] =	stream.indirect.gather [hbm4b:s12+s18], $0x40, s2, s18, $0xb8;
	[tilespmem:$0x1E000] =	vst v63  }
0x45: {  	_ =	swait.ge [sflag:s28], $0x2000  }
0x46: {  	[sflag:s28] =	ssyncset.done $0x0  }
0x47: {  	s24 =	simm.s32 $0x5080;
	[sflag:s28] =	ssyncadd.s32 $0xFFFFE000  }
0x48: {  	[spmem:s3] =	stream.indirect.scatter.add.f32 [tilespmem:s19], [sflag:$0x6], $0x40, s24, s18, $0xb8;
	[tilespmem:$0x1E000] =	vst v63  }
0x49: {  	_ =	swait.ge [sflag:s15], $0x2000  }
0x4a: {  	[sflag:s15] =	ssyncset.done $0x0  }
0x4b: {  	s2 =	simm.s32 $0x300;
	[sflag:s15] =	ssyncadd.s32 $0xFFFFE000  }
0x4c: {  	[tilespmem:s19], [sflag:$0x2] =	stream.indirect.gather [hbm4b:s12+s18], $0x40, s2, s18, $0xb8;
	[tilespmem:$0x1E000] =	vst v63  }
0x4d: {  	_ =	swait.ge [sflag:s29], $0x2000  }
0x4e: {  	[sflag:s29] =	ssyncset.done $0x0  }
0x4f: {  	s24 =	simm.s32 $0x5100;
	[sflag:s29] =	ssyncadd.s32 $0xFFFFE000  }
0x50: {  	[spmem:s3] =	stream.indirect.scatter.add.f32 [tilespmem:s21], [sflag:$0x6], $0x40, s24, s18, $0xb8;
	[tilespmem:$0x1E000] =	vst v63  }
0x51: {  	_ =	swait.ge [sflag:s15], $0x2000  }
0x52: {  	[sflag:s15] =	ssyncset.done $0x0  }
0x53: {  	s2 =	simm.s32 $0x380;
	[sflag:s15] =	ssyncadd.s32 $0xFFFFE000  }
0x54: {  	[tilespmem:s21], [sflag:$0x3] =	stream.indirect.gather [hbm4b:s12+s18], $0x40, s2, s18, $0xb8;
	[tilespmem:$0x1E000] =	vst v63  }
0x55: {  	_ =	swait.ge [sflag:s30], $0x2000  }
0x56: {  	[sflag:s30] =	ssyncset.done $0x0  }
0x57: {  	s24 =	simm.s32 $0x5180;
	[sflag:s30] =	ssyncadd.s32 $0xFFFFE000  }
0x58: {  	[spmem:s3] =	stream.indirect.scatter.add.f32 [tilespmem:s23], [sflag:$0x6], $0x40, s24, s18, $0xb8;
	[tilespmem:$0x1E000] =	vst v63  }
0x59: {  	_ =	swait.ge [sflag:s15], $0x2000  }
0x5a: {  	[sflag:s15] =	ssyncset.done $0x0  }
0x5b: {  	s2 =	simm.s32 $0x400;
	[sflag:s15] =	ssyncadd.s32 $0xFFFFE000  }
0x5c: {  	[tilespmem:s23], [sflag:$0x4] =	stream.indirect.gather [hbm4b:s12+s18], $0x40, s2, s18, $0xb8;
	[tilespmem:$0x1E000] =	vst v63  }
0x5d: {  	_ =	swait.ge [sflag:s31], $0x2000  }
0x5e: {  	[sflag:s31] =	ssyncset.done $0x0  }
0x5f: {  	s24 =	simm.s32 $0x5200;
	[sflag:s31] =	ssyncadd.s32 $0xFFFFE000  }
0x60: {  	[spmem:s3] =	stream.indirect.scatter.add.f32 [tilespmem:s25], [sflag:$0x6], $0x40, s24, s18, $0xb8;
	[tilespmem:$0x1E000] =	vst v63  }
0x61: {  	_ =	swait.ge [sflag:s15], $0x2000  }
0x62: {  	[sflag:s15] =	ssyncset.done $0x0  }
0x63: {  	s1 =	simm.s32 $0x480;
	s24 =	simm.s32 $0xA00;
	[sflag:s15] =	ssyncadd.s32 $0xFFFFE000  }
.LBB2_2:
0x64: {  	[tilespmem:s25], [sflag:$0x5] =	stream.indirect.gather [hbm4b:s12+s18], $0x40, s1, s18, $0xb8;
	[tilespmem:$0x1E000] =	vst v63  }
0x65: {  	s1 =	smov.u32 s24  }
0x66: {  	p0 =	sne.s32 s24, $0x12C00;
	s24 =	sadd.s32 $0xA00, s24;
	_ =	swait.ge [sflag:s26], $0x2000  }
0x67: {  	s1 =	sshra.s32 s1, $0x2;
	[sflag:s26] =	ssyncset.done $0x0  }
0x68: {  	s2 =	sadd.s32 $0x5000, s1;
	[sflag:s26] =	ssyncadd.s32 $0xFFFFE000  }
0x69: {  	[spmem:s3] =	stream.indirect.scatter.add.f32 [tilespmem:s17], [sflag:$0x6], $0x40, s2, s18, $0xb8;
	[tilespmem:$0x1E000] =	vst v63  }
0x6a: {  	_ =	swait.ge [sflag:s15], $0x2000  }
0x6b: {  	[sflag:s15] =	ssyncset.done $0x0  }
0x6c: {  	s2 =	sadd.s32 $0x280, s1;
	[sflag:s15] =	ssyncadd.s32 $0xFFFFE000  }
0x6d: {  	[tilespmem:s17], [sflag:$0x1] =	stream.indirect.gather [hbm4b:s12+s18], $0x40, s2, s18, $0xb8;
	[tilespmem:$0x1E000] =	vst v63  }
0x6e: {  	_ =	swait.ge [sflag:s28], $0x2000  }
0x6f: {  	[sflag:s28] =	ssyncset.done $0x0  }
0x70: {  	s2 =	sadd.s32 $0x5080, s1;
	[sflag:s28] =	ssyncadd.s32 $0xFFFFE000  }
0x71: {  	[spmem:s3] =	stream.indirect.scatter.add.f32 [tilespmem:s19], [sflag:$0x6], $0x40, s2, s18, $0xb8;
	[tilespmem:$0x1E000] =	vst v63  }
0x72: {  	_ =	swait.ge [sflag:s15], $0x2000  }
0x73: {  	[sflag:s15] =	ssyncset.done $0x0  }
0x74: {  	s2 =	sadd.s32 $0x300, s1;
	[sflag:s15] =	ssyncadd.s32 $0xFFFFE000  }
0x75: {  	[tilespmem:s19], [sflag:$0x2] =	stream.indirect.gather [hbm4b:s12+s18], $0x40, s2, s18, $0xb8;
	[tilespmem:$0x1E000] =	vst v63  }
0x76: {  	_ =	swait.ge [sflag:s29], $0x2000  }
0x77: {  	[sflag:s29] =	ssyncset.done $0x0  }
0x78: {  	s2 =	sadd.s32 $0x5100, s1;
	[sflag:s29] =	ssyncadd.s32 $0xFFFFE000  }
0x79: {  	[spmem:s3] =	stream.indirect.scatter.add.f32 [tilespmem:s21], [sflag:$0x6], $0x40, s2, s18, $0xb8;
	[tilespmem:$0x1E000] =	vst v63  }
0x7a: {  	_ =	swait.ge [sflag:s15], $0x2000  }
0x7b: {  	[sflag:s15] =	ssyncset.done $0x0  }
0x7c: {  	s2 =	sadd.s32 $0x380, s1;
	[sflag:s15] =	ssyncadd.s32 $0xFFFFE000  }
0x7d: {  	[tilespmem:s21], [sflag:$0x3] =	stream.indirect.gather [hbm4b:s12+s18], $0x40, s2, s18, $0xb8;
	[tilespmem:$0x1E000] =	vst v63  }
0x7e: {  	_ =	swait.ge [sflag:s30], $0x2000  }
0x7f: {  	[sflag:s30] =	ssyncset.done $0x0  }
0x80: {  	s2 =	sadd.s32 $0x5180, s1;
	[sflag:s30] =	ssyncadd.s32 $0xFFFFE000  }
0x81: {  	[spmem:s3] =	stream.indirect.scatter.add.f32 [tilespmem:s23], [sflag:$0x6], $0x40, s2, s18, $0xb8;
	[tilespmem:$0x1E000] =	vst v63  }
0x82: {  	_ =	swait.ge [sflag:s15], $0x2000  }
0x83: {  	[sflag:s15] =	ssyncset.done $0x0  }
0x84: {  	s2 =	sadd.s32 $0x400, s1;
	[sflag:s15] =	ssyncadd.s32 $0xFFFFE000  }
0x85: {  	[tilespmem:s23], [sflag:$0x4] =	stream.indirect.gather [hbm4b:s12+s18], $0x40, s2, s18, $0xb8;
	[tilespmem:$0x1E000] =	vst v63  }
0x86: {  	_ =	swait.ge [sflag:s31], $0x2000  }
0x87: {  	[sflag:s31] =	ssyncset.done $0x0  }
.Ltmp0:
0x88: {  	s2 =	sadd.s32 $0x5200, s1;
	[sflag:s31] =	ssyncadd.s32 $0xFFFFE000;
	(pc) =	sbr.rel @p0 .LBB2_2-.Ltmp0, $4  }
0x89: {  	[spmem:s3] =	stream.indirect.scatter.add.f32 [tilespmem:s25], [sflag:$0x6], $0x40, s2, s18, $0xb8;
	[tilespmem:$0x1E000] =	vst v63  }
0x8a: {  	_ =	swait.ge [sflag:s15], $0x2000  }
0x8b: {  	[sflag:s15] =	ssyncset.done $0x0  }
0x8c: {  	s1 =	sadd.s32 $0x480, s1;
	[sflag:s15] =	ssyncadd.s32 $0xFFFFE000  }
0x8d: {  	[tilespmem:s25], [sflag:$0x5] =	stream.indirect.gather [hbm4b:s12+s18], $0x40, s1, s18, $0xb8;
	[tilespmem:$0x1E000] =	vst v63  }
0x8e: {  	_ =	swait.ge [sflag:s26], $0x2000  }
0x8f: {  	[sflag:s26] =	ssyncset.done $0x0  }
0x90: {  	s24 =	simm.s32 $0x9D80;
	[sflag:s26] =	ssyncadd.s32 $0xFFFFE000  }
0x91: {  	[spmem:s3] =	stream.indirect.scatter.add.f32 [tilespmem:s17], [sflag:$0x6], $0x40, s24, s18, $0xb8;
	[tilespmem:$0x1E000] =	vst v63  }
0x92: {  	_ =	swait.ge [sflag:s15], $0x2000  }
0x93: {  	[sflag:s15] =	ssyncset.done $0x0  }
0x94: {  	[sflag:s15] =	ssyncadd.s32 $0xFFFFE000  }
0x95: {  	_ =	swait.ge [sflag:s28], $0x2000  }
0x96: {  	[sflag:s28] =	ssyncset.done $0x0  }
0x97: {  	s2 =	simm.s32 $0x9E00;
	[sflag:s28] =	ssyncadd.s32 $0xFFFFE000  }
0x98: {  	[spmem:s3] =	stream.indirect.scatter.add.f32 [tilespmem:s19], [sflag:$0x6], $0x40, s2, s18, $0xb8;
	[tilespmem:$0x1E000] =	vst v63  }
0x99: {  	_ =	swait.ge [sflag:s15], $0x2000  }
0x9a: {  	[sflag:s15] =	ssyncset.done $0x0  }
0x9b: {  	[sflag:s15] =	ssyncadd.s32 $0xFFFFE000  }
0x9c: {  	_ =	swait.ge [sflag:s29], $0x2000  }
0x9d: {  	[sflag:s29] =	ssyncset.done $0x0  }
0x9e: {  	[sflag:s29] =	ssyncadd.s32 $0xFFFFE000  }
0x9f: {  	[spmem:s3] =	stream.indirect.scatter.add.f32 [tilespmem:s21], [sflag:$0x6], $0x40, s0, s18, $0xb8;
	[tilespmem:$0x1E000] =	vst v63  }
0xa0: {  	_ =	swait.ge [sflag:s15], $0x2000  }
0xa1: {  	[sflag:s15] =	ssyncset.done $0x0  }
0xa2: {  	[sflag:s15] =	ssyncadd.s32 $0xFFFFE000  }
0xa3: {  	_ =	swait.ge [sflag:s30], $0x2000  }
0xa4: {  	[sflag:s30] =	ssyncset.done $0x0  }
0xa5: {  	[sflag:s30] =	ssyncadd.s32 $0xFFFFE000  }
0xa6: {  	[spmem:s3] =	stream.indirect.scatter.add.f32 [tilespmem:s23], [sflag:$0x6], $0x40, s16, s18, $0xb8;
	[tilespmem:$0x1E000] =	vst v63  }
0xa7: {  	_ =	swait.ge [sflag:s15], $0x2000  }
0xa8: {  	[sflag:s15] =	ssyncset.done $0x0  }
0xa9: {  	[sflag:s15] =	ssyncadd.s32 $0xFFFFE000  }
0xaa: {  	_ =	swait.ge [sflag:s31], $0x2000  }
0xab: {  	[sflag:s31] =	ssyncset.done $0x0  }
0xac: {  	[sflag:s31] =	ssyncadd.s32 $0xFFFFE000  }
0xad: {  	[spmem:s3] =	stream.indirect.scatter.add.f32 [tilespmem:s25], [sflag:$0x6], $0x40, s20, s18, $0xb8;
	[tilespmem:$0x1E000] =	vst v63  }
0xae: {  	s24 =	stileid.u32;
	_ =	swait.ge [sflag:s15], $0x2000  }
0xaf: {  	s22 =	sadd.s32 $0x1, s22;
	s1 =	sshll.u32 s24, $0x6;
	[sflag:s15] =	ssyncset.done $0x0  }
0xb0: {  	p0 =	sne.s32 s22, s14;
	s1 =	sor.u32 $0x1C06, s1;
	[sflag:s15] =	ssyncadd.s32 $0xFFFFE000  }
.Ltmp1:
0xb1: {  	s2 =	sshrl.u32 s7, $0x3;
	[bflag:$0x0] =	sbarrier.arrive $0xFFFF;
	(pc) =	sbr.rel @p0 .LBB2_1-.Ltmp1, $4  }
0xb2: {  	[hbm:s13], [sflag:s1] =	dma.local [spmem:s2], $0x1400  }
0xb3: {  	_ =	swait.ge [sflag:s15], $0x1400  }
0xb4: {  	[sflag:s15] =	ssyncset.done $0x0  }
0xb5: {  	[sflag:s15] =	ssyncadd.s32 $0xFFFFEC00  }
0xb6: {  	_ =	sfence.sel $0x180000  }
0xb7: {  	[bflag:$0x0] =	sbarrier.arrive $0xFFFF  }
0xb8: {  	_ =	strace $0x90000056  }
0xb9: {  	s0 =	stileid.u32;
	[bflag:$0x2] =	sbarrier.arrive $0xFFFF  }
0xba: {  	p0 =	sne.s32 s0, $0x0;
	s0 =	rddreg [dreg:$0x3]  }
0xbb: {  	s0 =	sadd.s32 @!p0 $0x100000, s0  }
0xbc: {  	[sflag:s0] =	ssyncadd.tile.s32 @!p0 $0x1;
	_ =	shalt  }
.Lfunc_end2:
_tile_overlayer_lowered:
.L_overlay_start_2:
0xbd: {  	(tag) =	ssettag $0x2  }
0xbe: {  	s0 =	rddreg [dreg:$0x0];
	s2 =	stileid.u32  }
0xbf: {  	s1 =	rddreg [dreg:$0x1];
	p0 =	sne.s32 s2, $0x0  }
0xc0: {  	s3 =	rddreg [dreg:$0x2];
	[bflag:$0x3] =	sbarrier.arrive $0xFFFF;
	s2 =	simm.s32 @!p0 $0x1C06  }
0xc1: {  	[timem:s3], [sflag:s2] =	dma.local @!p0 [hbm:s0], s1  }
0xc2: {  	s0 =	simm.s32 @!p0 $0x6  }
0xc3: {  	_ =	swait.ge @!p0 [sflag:s0], s1  }
0xc4: {  	s1 =	ssub.s32 @!p0 $0x0, s1;
	[sflag:s0] =	ssyncset.done @!p0 $0x0  }
0xc5: {  	[sflag:s0] =	ssyncadd.s32 @!p0 s1  }
0xc6: {  	[bflag:$0x3] =	sbarrier.arrive $0xFFFF  }
0xc7: {  	_ =	shalt  }

</sc_bundles>
